<compile_context>
chip_gen: v7x
topology: tpu7x:2x2x1
jax: 0.10.2.dev20260603
libtpu: 0.0.44.dev20260713+nightly
codegen_flags: <defaults>
</compile_context>

<pallas_src>
import jax
import jax.numpy as jnp
from jax import lax
from jax.experimental import pallas as pl
from jax.experimental.pallas import tpu as pltpu
from jax.experimental.pallas import tpu_sc as plsc

N = 20000
G = 128
C = 80
NP = 20480
TB = 2048
NW = 32
RPW = 640
CHUNKS = RPW // 16


def _tc1_body(rx0_ref, ry0_ref, rx1_ref, ry1_ref,
              tg0_ref, tg1_ref, tg2_ref, tg3_ref, tg4_ref,
              cx_ref, cy_ref, gcx_ref, gcy_ref, glb_ref):
    cx_ref[pl.ds(0, N)] = (rx0_ref[...] + rx1_ref[...]) / 2.0
    cy_ref[pl.ds(0, N)] = (ry0_ref[...] + ry1_ref[...]) / 2.0
    gcx_ref[...] = (tg0_ref[...] + tg2_ref[...]) / 2.0
    gcy_ref[...] = (tg1_ref[...] + tg3_ref[...]) / 2.0
    glb_ref[...] = tg4_ref[...]


def _tc2_body(cls_ref, sidx_ref):
    clst = jnp.transpose(cls_ref[...])
    maxv = jnp.max(clst, axis=0)
    ciota = lax.broadcasted_iota(jnp.int32, clst.shape, 0)
    cidx = jnp.min(jnp.where(clst == maxv[None, :], ciota, C), axis=0)
    sidx_ref[...] = jnp.where(maxv > 0.0, cidx, -1)


def _tc3_body(bidx_ref, d2_ref, glb_ref, sidx_ref, asg_ref, dis_ref, lbl_ref):
    bi = bidx_ref[...]
    glab_i = glb_ref[...]
    pos = sidx_ref[...] == glab_i
    asg_ref[...] = jnp.where(pos, bi + 1, 0)
    dis_ref[...] = jnp.sqrt(d2_ref[...])
    lbl_ref[...] = jnp.where(pos, glab_i, -1)


def _sc_body(cx_hbm, cy_hbm, gcx_hbm, gcy_hbm, glb_hbm,
             bidx_hbm, d2_hbm, glbo_hbm,
             cx_v, cy_v, gcx_v, gcy_v, glb_v,
             bidx_v, d2_v, glbo_v, sem):
    wid = lax.axis_index("s") * 2 + lax.axis_index("c")
    base = jnp.minimum(wid * RPW, N - RPW)

    iota = jnp.arange(16, dtype=jnp.int32)

    cps = [
        pltpu.async_copy(cx_hbm.at[pl.ds(base, RPW)], cx_v, sem),
        pltpu.async_copy(cy_hbm.at[pl.ds(base, RPW)], cy_v, sem),
        pltpu.async_copy(gcx_hbm, gcx_v, sem),
        pltpu.async_copy(gcy_hbm, gcy_v, sem),
        pltpu.async_copy(glb_hbm, glb_v, sem),
    ]
    for cp in cps:
        cp.wait()

    gcx_ch = [gcx_v[pl.ds(16 * k, 16)] for k in range(G // 16)]
    gcy_ch = [gcy_v[pl.ds(16 * k, 16)] for k in range(G // 16)]

    NH = 2
    NS = 4
    GB = G // NS

    def chunk(j, carry):
        rows_h, cx_h, cy_h = [], [], []
        for h in range(NH):
            rows = iota + (j * (16 * NH) + 16 * h)
            rows_h.append(rows)
            cx_h.append(plsc.load_gather(cx_v, [rows]))
            cy_h.append(plsc.load_gather(cy_v, [rows]))

        inf16 = jnp.full((16,), jnp.inf, jnp.float32)
        zero16 = jnp.zeros((16,), jnp.int32)
        best = [[inf16 for _ in range(NS)] for _ in range(NH)]
        bidx = [[zero16 for _ in range(NS)] for _ in range(NH)]
        for s in range(NS):
            for gi in range(GB):
                g = s * GB + gi
                gx = gcx_ch[g // 16][g % 16]
                gy = gcy_ch[g // 16][g % 16]
                for h in range(NH):
                    dx = cx_h[h] - gx
                    dy = cy_h[h] - gy
                    d2 = dx * dx + dy * dy
                    m = d2 < best[h][s]
                    best[h][s] = jnp.where(m, d2, best[h][s])
                    bidx[h][s] = jnp.where(m, jnp.int32(g), bidx[h][s])

        for h in range(NH):
            b, bi = best[h][0], bidx[h][0]
            for s in range(1, NS):
                m = best[h][s] < b
                b = jnp.where(m, best[h][s], b)
                bi = jnp.where(m, bidx[h][s], bi)

            glab = plsc.load_gather(glb_v, [bi])

            plsc.store_scatter(bidx_v, [rows_h[h]], bi)
            plsc.store_scatter(d2_v, [rows_h[h]], b)
            plsc.store_scatter(glbo_v, [rows_h[h]], glab.astype(jnp.int32))
        return carry

    lax.fori_loop(0, CHUNKS // NH, chunk, 0)

    pltpu.sync_copy(bidx_v, bidx_hbm.at[pl.ds(base, RPW)])
    pltpu.sync_copy(d2_v, d2_hbm.at[pl.ds(base, RPW)])
    pltpu.sync_copy(glbo_v, glbo_hbm.at[pl.ds(base, RPW)])


@jax.jit
def _run(reg_pred, targets, cls_pred):
    nb = NP // TB
    rx0 = reg_pred[:, 0]
    ry0 = reg_pred[:, 1]
    rx1 = reg_pred[:, 2]
    ry1 = reg_pred[:, 3]
    tg0 = targets[:, 0]
    tg1 = targets[:, 1]
    tg2 = targets[:, 2]
    tg3 = targets[:, 3]
    tg4 = targets[:, 4]

    cx, cy, gcx, gcy, glb = pl.pallas_call(
        _tc1_body,
        out_shape=(
            jax.ShapeDtypeStruct((NP,), jnp.float32),
            jax.ShapeDtypeStruct((NP,), jnp.float32),
            jax.ShapeDtypeStruct((G,), jnp.float32),
            jax.ShapeDtypeStruct((G,), jnp.float32),
            jax.ShapeDtypeStruct((G,), jnp.float32),
        ),
    )(rx0, ry0, rx1, ry1, tg0, tg1, tg2, tg3, tg4)

    mesh = plsc.VectorSubcoreMesh(core_axis_name="c", subcore_axis_name="s")
    sc = pl.kernel(
        _sc_body,
        mesh=mesh,
        compiler_params=pltpu.CompilerParams(needs_layout_passes=False),
        out_type=(
            jax.ShapeDtypeStruct((N,), jnp.int32),
            jax.ShapeDtypeStruct((N,), jnp.float32),
            jax.ShapeDtypeStruct((N,), jnp.int32),
        ),
        scratch_types=[
            pltpu.VMEM((RPW,), jnp.float32),
            pltpu.VMEM((RPW,), jnp.float32),
            pltpu.VMEM((G,), jnp.float32),
            pltpu.VMEM((G,), jnp.float32),
            pltpu.VMEM((G,), jnp.float32),
            pltpu.VMEM((RPW,), jnp.int32),
            pltpu.VMEM((RPW,), jnp.float32),
            pltpu.VMEM((RPW,), jnp.int32),
            pltpu.SemaphoreType.DMA,
        ],
    )
    bidx, d2m, glbi = sc(cx, cy, gcx, gcy, glb)

    sidx = pl.pallas_call(
        _tc2_body,
        grid=(nb,),
        in_specs=[pl.BlockSpec((TB, C), lambda i: (i, 0))],
        out_specs=pl.BlockSpec((TB,), lambda i: (i,)),
        out_shape=jax.ShapeDtypeStruct((NP,), jnp.int32),
        compiler_params=pltpu.CompilerParams(vmem_limit_bytes=6 * 1024 * 1024),
    )(cls_pred)

    asg, dis, lbl = pl.pallas_call(
        _tc3_body,
        out_shape=(
            jax.ShapeDtypeStruct((N,), jnp.int32),
            jax.ShapeDtypeStruct((N,), jnp.float32),
            jax.ShapeDtypeStruct((N,), jnp.int32),
        ),
    )(bidx, d2m, glbi, sidx[:N])
    bbox = jnp.stack((rx0, ry0, rx1, ry1), axis=1)
    return asg, dis, lbl, bbox


def kernel(reg_pred, targets, num_level_bboxes, cls_pred):
    asg, dis, lbl, bbox = _run(reg_pred, targets, cls_pred)
    return (asg, dis, lbl, bbox, targets)

# --- scband reference (transcript-rebuilt; emitter-appended) ---
"""Pipeline reference for scband-change-assigner-9174050144498 (READ-ONLY COPY).

The authoritative reference and input builder live on the scoring server;
editing this copy changes nothing except your own understanding.
"""

import jax, jax.numpy as jnp
import numpy as np


def setup_inputs(seed: int = 0) -> dict:
    key = jax.random.key(seed)
    k1, k2, k3, k4 = jax.random.split(key, 4)
    N, G, C = 20000, 128, 80
    reg_pred = jax.random.uniform(k1, (N, 4), dtype=jnp.float32) * 512.0
    gt_boxes = jax.random.uniform(k2, (G, 4), dtype=jnp.float32) * 512.0
    gt_labels = jax.random.randint(k3, (G, 1), 0, C).astype(jnp.float32)
    targets = jnp.concatenate([gt_boxes, gt_labels], axis=1)
    num_level_bboxes = jnp.array([12000, 4000, 2000, 1200, 800], dtype=jnp.int64)
    cls_pred = jax.random.normal(k4, (N, C), dtype=jnp.float32)
    return {"reg_pred": reg_pred, "targets": targets, "num_level_bboxes": num_level_bboxes, "cls_pred": cls_pred}


def reference(reg_pred, targets, num_level_bboxes, cls_pred):
    # filter out invalid gt (label == -1); labels are drawn from [0, C) so the
    # valid mask is always all-true and the filtered set is the full target set
    target = targets
    gt_bboxes = target[:, :4]
    gt_labels = target[:, 4]
    bboxes = reg_pred[:, :4]
    num_gt = gt_bboxes.shape[0]
    num_bboxes = bboxes.shape[0]

    max_cls = jnp.max(cls_pred, axis=1)
    max_cls_ind = jnp.argmax(cls_pred, axis=1)
    pos_inds = max_cls > 0.0

    gt_cx = (gt_bboxes[:, 0] + gt_bboxes[:, 2]) / 2.0
    gt_cy = (gt_bboxes[:, 1] + gt_bboxes[:, 3]) / 2.0
    gt_points = jnp.stack((gt_cx, gt_cy), axis=1)

    bboxes_cx = (bboxes[:, 0] + bboxes[:, 2]) / 2.0
    bboxes_cy = (bboxes[:, 1] + bboxes[:, 3]) / 2.0
    bboxes_points = jnp.stack((bboxes_cx, bboxes_cy), axis=1)

    distances = jnp.sqrt(jnp.sum((bboxes_points[:, None, :] - gt_points[None, :, :]) ** 2, axis=-1))
    min_dis = jnp.min(distances, axis=1)
    min_dis_ind = jnp.argmin(distances, axis=1)

    gathered_labels = jnp.take(gt_labels, min_dis_ind, axis=0)
    pos_label = max_cls_ind == gathered_labels.astype(max_cls_ind.dtype)
    pos_inds = pos_inds & pos_label

    assigned_gt_inds = jnp.where(pos_inds, min_dis_ind + 1, 0)
    max_overlaps = min_dis
    assigned_labels = jnp.where(pos_inds, gathered_labels.astype(jnp.int64), -1)

    return (assigned_gt_inds, max_overlaps, assigned_labels, bboxes, target)

if __name__ == "__main__":
    import jax
    _d = setup_inputs()
    print(jax.jit(kernel)(*tuple(_d.values())))

</pallas_src>

<mosaic_0001>
#map = affine_map<(d0, d1) -> (0)>
module attributes {stable_mosaic.version = 14 : i64} {
  func.func @_sc_body(%arg0: i32, %arg1: i32, %arg2: memref<20480xf32, #tpu.memory_space<hbm>>, %arg3: memref<20480xf32, #tpu.memory_space<hbm>>, %arg4: memref<128xf32, #tpu.memory_space<hbm>>, %arg5: memref<128xf32, #tpu.memory_space<hbm>>, %arg6: memref<128xf32, #tpu.memory_space<hbm>>, %arg7: memref<20000xi32, #tpu.memory_space<hbm>>, %arg8: memref<20000xf32, #tpu.memory_space<hbm>>, %arg9: memref<20000xi32, #tpu.memory_space<hbm>>, %arg10: memref<640xf32, #tpu.memory_space<vmem>>, %arg11: memref<640xf32, #tpu.memory_space<vmem>>, %arg12: memref<128xf32, #tpu.memory_space<vmem>>, %arg13: memref<128xf32, #tpu.memory_space<vmem>>, %arg14: memref<128xf32, #tpu.memory_space<vmem>>, %arg15: memref<640xi32, #tpu.memory_space<vmem>>, %arg16: memref<640xf32, #tpu.memory_space<vmem>>, %arg17: memref<640xi32, #tpu.memory_space<vmem>>, %arg18: memref<!tpu.dma_semaphore, #tpu.memory_space<semaphore_mem>>) attributes {dimension_semantics = [#tpu.dimension_semantics<core_parallel>, #tpu.dimension_semantics<subcore_parallel>], iteration_bounds = array<i64: 2, 16>, scalar_prefetch = 0 : i64, scratch_operands = 9 : i64, tpu.core_type = #tpu.core_type<sc_vector_subcore>, window_params = [{transform_indices = #map}, {transform_indices = #map}, {transform_indices = #map}, {transform_indices = #map}, {transform_indices = #map}, {transform_indices = #map}, {transform_indices = #map}, {transform_indices = #map}]} {
    %mul3A = arith.constant 2 : i32
    %mul3A_0 = arith.muli %arg1, %mul3A : i32
    %add3A = arith.addi %mul3A_0, %arg0 : i32
    %mul3A_1 = arith.constant 640 : i32
    %mul3A_2 = arith.muli %add3A, %mul3A_1 : i32
    %min3A = arith.constant 19360 : i32
    %min3A_3 = arith.minsi %mul3A_2, %min3A : i32
    %iota3A = tpu.iota {dimensions = array<i32: 0>} : vector<16xi32>
    %dma_start3A = tpu.memref_slice %arg2[%min3A_3] : memref<20480xf32, #tpu.memory_space<hbm>> -> memref<640xf32, #tpu.memory_space<hbm>>
    %dma_start3A_4 = tpu.memref_slice %arg2[%min3A_3] : memref<20480xf32, #tpu.memory_space<hbm>> -> memref<640xf32, #tpu.memory_space<hbm>>
    tpu.enqueue_dma source(%dma_start3A_4 : memref<640xf32, #tpu.memory_space<hbm>>) target(%arg10 : memref<640xf32, #tpu.memory_space<vmem>>) target_semaphore(%arg18 : memref<!tpu.dma_semaphore, #tpu.memory_space<semaphore_mem>>)
    %dma_start3A_5 = tpu.memref_slice %arg3[%min3A_3] : memref<20480xf32, #tpu.memory_space<hbm>> -> memref<640xf32, #tpu.memory_space<hbm>>
    %dma_start3A_6 = tpu.memref_slice %arg3[%min3A_3] : memref<20480xf32, #tpu.memory_space<hbm>> -> memref<640xf32, #tpu.memory_space<hbm>>
    tpu.enqueue_dma source(%dma_start3A_6 : memref<640xf32, #tpu.memory_space<hbm>>) target(%arg11 : memref<640xf32, #tpu.memory_space<vmem>>) target_semaphore(%arg18 : memref<!tpu.dma_semaphore, #tpu.memory_space<semaphore_mem>>)
    tpu.enqueue_dma source(%arg4 : memref<128xf32, #tpu.memory_space<hbm>>) target(%arg12 : memref<128xf32, #tpu.memory_space<vmem>>) target_semaphore(%arg18 : memref<!tpu.dma_semaphore, #tpu.memory_space<semaphore_mem>>)
    tpu.enqueue_dma source(%arg5 : memref<128xf32, #tpu.memory_space<hbm>>) target(%arg13 : memref<128xf32, #tpu.memory_space<vmem>>) target_semaphore(%arg18 : memref<!tpu.dma_semaphore, #tpu.memory_space<semaphore_mem>>)
    tpu.enqueue_dma source(%arg6 : memref<128xf32, #tpu.memory_space<hbm>>) target(%arg14 : memref<128xf32, #tpu.memory_space<vmem>>) target_semaphore(%arg18 : memref<!tpu.dma_semaphore, #tpu.memory_space<semaphore_mem>>)
    %dma_wait3A = tpu.memref_slice %arg2[%min3A_3] : memref<20480xf32, #tpu.memory_space<hbm>> -> memref<640xf32, #tpu.memory_space<hbm>>
    %dma_wait3A_7 = tpu.memref_slice %arg2[%min3A_3] : memref<20480xf32, #tpu.memory_space<hbm>> -> memref<640xf32, #tpu.memory_space<hbm>>
    tpu.wait_dma2 semaphore(%arg18 : memref<!tpu.dma_semaphore, #tpu.memory_space<semaphore_mem>>) src(%dma_wait3A_7 : memref<640xf32, #tpu.memory_space<hbm>>) dst(%arg10 : memref<640xf32, #tpu.memory_space<vmem>>)
    %dma_wait3A_8 = tpu.memref_slice %arg3[%min3A_3] : memref<20480xf32, #tpu.memory_space<hbm>> -> memref<640xf32, #tpu.memory_space<hbm>>
    %dma_wait3A_9 = tpu.memref_slice %arg3[%min3A_3] : memref<20480xf32, #tpu.memory_space<hbm>> -> memref<640xf32, #tpu.memory_space<hbm>>
    tpu.wait_dma2 semaphore(%arg18 : memref<!tpu.dma_semaphore, #tpu.memory_space<semaphore_mem>>) src(%dma_wait3A_9 : memref<640xf32, #tpu.memory_space<hbm>>) dst(%arg11 : memref<640xf32, #tpu.memory_space<vmem>>)
    tpu.wait_dma2 semaphore(%arg18 : memref<!tpu.dma_semaphore, #tpu.memory_space<semaphore_mem>>) src(%arg4 : memref<128xf32, #tpu.memory_space<hbm>>) dst(%arg12 : memref<128xf32, #tpu.memory_space<vmem>>)
    tpu.wait_dma2 semaphore(%arg18 : memref<!tpu.dma_semaphore, #tpu.memory_space<semaphore_mem>>) src(%arg5 : memref<128xf32, #tpu.memory_space<hbm>>) dst(%arg13 : memref<128xf32, #tpu.memory_space<vmem>>)
    tpu.wait_dma2 semaphore(%arg18 : memref<!tpu.dma_semaphore, #tpu.memory_space<semaphore_mem>>) src(%arg6 : memref<128xf32, #tpu.memory_space<hbm>>) dst(%arg14 : memref<128xf32, #tpu.memory_space<vmem>>)
    %get3A = arith.constant 0 : index
    %get3A_10 = tpu.vector_load %arg12[%get3A] {strides = array<i32>} : memref<128xf32, #tpu.memory_space<vmem>>, vector<16xf32>,
    %get3A_11 = arith.constant 16 : index
    %get3A_12 = tpu.vector_load %arg12[%get3A_11] {strides = array<i32>} : memref<128xf32, #tpu.memory_space<vmem>>, vector<16xf32>,
    %get3A_13 = arith.constant 32 : index
    %get3A_14 = tpu.vector_load %arg12[%get3A_13] {strides = array<i32>} : memref<128xf32, #tpu.memory_space<vmem>>, vector<16xf32>,
    %get3A_15 = arith.constant 48 : index
    %get3A_16 = tpu.vector_load %arg12[%get3A_15] {strides = array<i32>} : memref<128xf32, #tpu.memory_space<vmem>>, vector<16xf32>,
    %get3A_17 = arith.constant 64 : index
    %get3A_18 = tpu.vector_load %arg12[%get3A_17] {strides = array<i32>} : memref<128xf32, #tpu.memory_space<vmem>>, vector<16xf32>,
    %get3A_19 = arith.constant 80 : index
    %get3A_20 = tpu.vector_load %arg12[%get3A_19] {strides = array<i32>} : memref<128xf32, #tpu.memory_space<vmem>>, vector<16xf32>,
    %get3A_21 = arith.constant 96 : index
    %get3A_22 = tpu.vector_load %arg12[%get3A_21] {strides = array<i32>} : memref<128xf32, #tpu.memory_space<vmem>>, vector<16xf32>,
    %get3A_23 = arith.constant 112 : index
    %get3A_24 = tpu.vector_load %arg12[%get3A_23] {strides = array<i32>} : memref<128xf32, #tpu.memory_space<vmem>>, vector<16xf32>,
    %get3A_25 = arith.constant 0 : index
    %get3A_26 = tpu.vector_load %arg13[%get3A_25] {strides = array<i32>} : memref<128xf32, #tpu.memory_space<vmem>>, vector<16xf32>,
    %get3A_27 = arith.constant 16 : index
    %get3A_28 = tpu.vector_load %arg13[%get3A_27] {strides = array<i32>} : memref<128xf32, #tpu.memory_space<vmem>>, vector<16xf32>,
    %get3A_29 = arith.constant 32 : index
    %get3A_30 = tpu.vector_load %arg13[%get3A_29] {strides = array<i32>} : memref<128xf32, #tpu.memory_space<vmem>>, vector<16xf32>,
    %get3A_31 = arith.constant 48 : index
    %get3A_32 = tpu.vector_load %arg13[%get3A_31] {strides = array<i32>} : memref<128xf32, #tpu.memory_space<vmem>>, vector<16xf32>,
    %get3A_33 = arith.constant 64 : index
    %get3A_34 = tpu.vector_load %arg13[%get3A_33] {strides = array<i32>} : memref<128xf32, #tpu.memory_space<vmem>>, vector<16xf32>,
    %get3A_35 = arith.constant 80 : index
    %get3A_36 = tpu.vector_load %arg13[%get3A_35] {strides = array<i32>} : memref<128xf32, #tpu.memory_space<vmem>>, vector<16xf32>,
    %get3A_37 = arith.constant 96 : index
    %get3A_38 = tpu.vector_load %arg13[%get3A_37] {strides = array<i32>} : memref<128xf32, #tpu.memory_space<vmem>>, vector<16xf32>,
    %get3A_39 = arith.constant 112 : index
    %get3A_40 = tpu.vector_load %arg13[%get3A_39] {strides = array<i32>} : memref<128xf32, #tpu.memory_space<vmem>>, vector<16xf32>,
    %scan3A = arith.constant 0 : i32
    %scan3A_41 = arith.constant 0 : i32
    %scan3A_42 = arith.constant 20 : i32
    %scan3A_43 = arith.addi %scan3A_41, %scan3A_42 : i32
    %scan3A_44 = arith.constant 1 : i32
    scf.for %scan3A_46 = %scan3A_41 to %scan3A_43 step %scan3A_44  : i32 {
      %mul3A_47 = arith.constant 32 : i32
      %mul3A_48 = arith.muli %scan3A_46, %mul3A_47 : i32
      %add3A_49 = arith.constant 0 : i32
      %add3A_50 = arith.addi %mul3A_48, %add3A_49 : i32
      %add3A_51 = vector.broadcast %add3A_50 : i32 to vector<16xi32>
      %add3A_52 = arith.addi %iota3A, %add3A_51 : vector<16xi32>
      %gather3A = tpu.vector_load_idx %arg10[%add3A_52] : memref<640xf32, #tpu.memory_space<vmem>>[vector<16xi32>], vector<16xf32>,
      %gather3A_53 = tpu.vector_load_idx %arg11[%add3A_52] : memref<640xf32, #tpu.memory_space<vmem>>[vector<16xi32>], vector<16xf32>,
      %mul3A_54 = arith.constant 32 : i32
      %mul3A_55 = arith.muli %scan3A_46, %mul3A_54 : i32
      %add3A_56 = arith.constant 16 : i32
      %add3A_57 = arith.addi %mul3A_55, %add3A_56 : i32
      %add3A_58 = vector.broadcast %add3A_57 : i32 to vector<16xi32>
      %add3A_59 = arith.addi %iota3A, %add3A_58 : vector<16xi32>
      %gather3A_60 = tpu.vector_load_idx %arg10[%add3A_59] : memref<640xf32, #tpu.memory_space<vmem>>[vector<16xi32>], vector<16xf32>,
      %gather3A_61 = tpu.vector_load_idx %arg11[%add3A_59] : memref<640xf32, #tpu.memory_space<vmem>>[vector<16xi32>], vector<16xf32>,
      %broadcast_in_dim3A = arith.constant 0x7F800000 : f32
      %broadcast_in_dim3A_62 = vector.broadcast %broadcast_in_dim3A : f32 to vector<16xf32>
      %broadcast_in_dim3A_63 = arith.constant 0 : i32
      %broadcast_in_dim3A_64 = vector.broadcast %broadcast_in_dim3A_63 : i32 to vector<16xi32>
      %slice3A = vector.extract_strided_slice %get3A_10 {offsets = [0], sizes = [1], strides = [1]} : vector<16xf32> to vector<1xf32>
      %squeeze3A = vector.extract %slice3A[0] : f32 from vector<1xf32>
      %slice3A_65 = vector.extract_strided_slice %get3A_26 {offsets = [0], sizes = [1], strides = [1]} : vector<16xf32> to vector<1xf32>
      %squeeze3A_66 = vector.extract %slice3A_65[0] : f32 from vector<1xf32>
      %sub3A = vector.broadcast %squeeze3A : f32 to vector<16xf32>
      %sub3A_67 = arith.subf %gather3A, %sub3A : vector<16xf32>
      %sub3A_68 = vector.broadcast %squeeze3A_66 : f32 to vector<16xf32>
      %sub3A_69 = arith.subf %gather3A_53, %sub3A_68 : vector<16xf32>
      %mul3A_70 = arith.mulf %sub3A_67, %sub3A_67 : vector<16xf32>
      %mul3A_71 = arith.mulf %sub3A_69, %sub3A_69 : vector<16xf32>
      %add3A_72 = arith.addf %mul3A_70, %mul3A_71 : vector<16xf32>
      %lt3A = arith.cmpf olt, %add3A_72, %broadcast_in_dim3A_62 : vector<16xf32>
      %select_n3A = arith.select %lt3A, %add3A_72, %broadcast_in_dim3A_62 : vector<16xi1>, vector<16xf32>
      %jit3A = arith.constant 0 : i32
      %broadcast_in_dim3A_73 = vector.broadcast %jit3A : i32 to vector<16xi32>
      %select_n3A_74 = arith.select %lt3A, %broadcast_in_dim3A_73, %broadcast_in_dim3A_64 : vector<16xi1>, vector<16xi32>
      %sub3A_75 = vector.broadcast %squeeze3A : f32 to vector<16xf32>
      %sub3A_76 = arith.subf %gather3A_60, %sub3A_75 : vector<16xf32>
      %sub3A_77 = vector.broadcast %squeeze3A_66 : f32 to vector<16xf32>
      %sub3A_78 = arith.subf %gather3A_61, %sub3A_77 : vector<16xf32>
      %mul3A_79 = arith.mulf %sub3A_76, %sub3A_76 : vector<16xf32>
      %mul3A_80 = arith.mulf %sub3A_78, %sub3A_78 : vector<16xf32>
      %add3A_81 = arith.addf %mul3A_79, %mul3A_80 : vector<16xf32>
      %lt3A_82 = arith.cmpf olt, %add3A_81, %broadcast_in_dim3A_62 : vector<16xf32>
      %select_n3A_83 = arith.select %lt3A_82, %add3A_81, %broadcast_in_dim3A_62 : vector<16xi1>, vector<16xf32>
      %jit3A_84 = arith.constant 0 : i32
      %broadcast_in_dim3A_85 = vector.broadcast %jit3A_84 : i32 to vector<16xi32>
      %select_n3A_86 = arith.select %lt3A_82, %broadcast_in_dim3A_85, %broadcast_in_dim3A_64 : vector<16xi1>, vector<16xi32>
      %slice3A_87 = vector.extract_strided_slice %get3A_10 {offsets = [1], sizes = [1], strides = [1]} : vector<16xf32> to vector<1xf32>
      %squeeze3A_88 = vector.extract %slice3A_87[0] : f32 from vector<1xf32>
      %slice3A_89 = vector.extract_strided_slice %get3A_26 {offsets = [1], sizes = [1], strides = [1]} : vector<16xf32> to vector<1xf32>
      %squeeze3A_90 = vector.extract %slice3A_89[0] : f32 from vector<1xf32>
      %sub3A_91 = vector.broadcast %squeeze3A_88 : f32 to vector<16xf32>
      %sub3A_92 = arith.subf %gather3A, %sub3A_91 : vector<16xf32>
      %sub3A_93 = vector.broadcast %squeeze3A_90 : f32 to vector<16xf32>
      %sub3A_94 = arith.subf %gather3A_53, %sub3A_93 : vector<16xf32>
      %mul3A_95 = arith.mulf %sub3A_92, %sub3A_92 : vector<16xf32>
      %mul3A_96 = arith.mulf %sub3A_94, %sub3A_94 : vector<16xf32>
      %add3A_97 = arith.addf %mul3A_95, %mul3A_96 : vector<16xf32>
      %lt3A_98 = arith.cmpf olt, %add3A_97, %select_n3A : vector<16xf32>
      %select_n3A_99 = arith.select %lt3A_98, %add3A_97, %select_n3A : vector<16xi1>, vector<16xf32>
      %jit3A_100 = arith.constant 1 : i32
      %broadcast_in_dim3A_101 = vector.broadcast %jit3A_100 : i32 to vector<16xi32>
      %select_n3A_102 = arith.select %lt3A_98, %broadcast_in_dim3A_101, %select_n3A_74 : vector<16xi1>, vector<16xi32>
      %sub3A_103 = vector.broadcast %squeeze3A_88 : f32 to vector<16xf32>
      %sub3A_104 = arith.subf %gather3A_60, %sub3A_103 : vector<16xf32>
      %sub3A_105 = vector.broadcast %squeeze3A_90 : f32 to vector<16xf32>
      %sub3A_106 = arith.subf %gather3A_61, %sub3A_105 : vector<16xf32>
      %mul3A_107 = arith.mulf %sub3A_104, %sub3A_104 : vector<16xf32>
      %mul3A_108 = arith.mulf %sub3A_106, %sub3A_106 : vector<16xf32>
      %add3A_109 = arith.addf %mul3A_107, %mul3A_108 : vector<16xf32>
      %lt3A_110 = arith.cmpf olt, %add3A_109, %select_n3A_83 : vector<16xf32>
      %select_n3A_111 = arith.select %lt3A_110, %add3A_109, %select_n3A_83 : vector<16xi1>, vector<16xf32>
      %jit3A_112 = arith.constant 1 : i32
      %broadcast_in_dim3A_113 = vector.broadcast %jit3A_112 : i32 to vector<16xi32>
      %select_n3A_114 = arith.select %lt3A_110, %broadcast_in_dim3A_113, %select_n3A_86 : vector<16xi1>, vector<16xi32>
      %slice3A_115 = vector.extract_strided_slice %get3A_10 {offsets = [2], sizes = [1], strides = [1]} : vector<16xf32> to vector<1xf32>
      %squeeze3A_116 = vector.extract %slice3A_115[0] : f32 from vector<1xf32>
      %slice3A_117 = vector.extract_strided_slice %get3A_26 {offsets = [2], sizes = [1], strides = [1]} : vector<16xf32> to vector<1xf32>
      %squeeze3A_118 = vector.extract %slice3A_117[0] : f32 from vector<1xf32>
      %sub3A_119 = vector.broadcast %squeeze3A_116 : f32 to vector<16xf32>
      %sub3A_120 = arith.subf %gather3A, %sub3A_119 : vector<16xf32>
      %sub3A_121 = vector.broadcast %squeeze3A_118 : f32 to vector<16xf32>
      %sub3A_122 = arith.subf %gather3A_53, %sub3A_121 : vector<16xf32>
      %mul3A_123 = arith.mulf %sub3A_120, %sub3A_120 : vector<16xf32>
      %mul3A_124 = arith.mulf %sub3A_122, %sub3A_122 : vector<16xf32>
      %add3A_125 = arith.addf %mul3A_123, %mul3A_124 : vector<16xf32>
      %lt3A_126 = arith.cmpf olt, %add3A_125, %select_n3A_99 : vector<16xf32>
      %select_n3A_127 = arith.select %lt3A_126, %add3A_125, %select_n3A_99 : vector<16xi1>, vector<16xf32>
      %jit3A_128 = arith.constant 2 : i32
      %broadcast_in_dim3A_129 = vector.broadcast %jit3A_128 : i32 to vector<16xi32>
      %select_n3A_130 = arith.select %lt3A_126, %broadcast_in_dim3A_129, %select_n3A_102 : vector<16xi1>, vector<16xi32>
      %sub3A_131 = vector.broadcast %squeeze3A_116 : f32 to vector<16xf32>
      %sub3A_132 = arith.subf %gather3A_60, %sub3A_131 : vector<16xf32>
      %sub3A_133 = vector.broadcast %squeeze3A_118 : f32 to vector<16xf32>
      %sub3A_134 = arith.subf %gather3A_61, %sub3A_133 : vector<16xf32>
      %mul3A_135 = arith.mulf %sub3A_132, %sub3A_132 : vector<16xf32>
      %mul3A_136 = arith.mulf %sub3A_134, %sub3A_134 : vector<16xf32>
      %add3A_137 = arith.addf %mul3A_135, %mul3A_136 : vector<16xf32>
      %lt3A_138 = arith.cmpf olt, %add3A_137, %select_n3A_111 : vector<16xf32>
      %select_n3A_139 = arith.select %lt3A_138, %add3A_137, %select_n3A_111 : vector<16xi1>, vector<16xf32>
      %jit3A_140 = arith.constant 2 : i32
      %broadcast_in_dim3A_141 = vector.broadcast %jit3A_140 : i32 to vector<16xi32>
      %select_n3A_142 = arith.select %lt3A_138, %broadcast_in_dim3A_141, %select_n3A_114 : vector<16xi1>, vector<16xi32>
      %slice3A_143 = vector.extract_strided_slice %get3A_10 {offsets = [3], sizes = [1], strides = [1]} : vector<16xf32> to vector<1xf32>
      %squeeze3A_144 = vector.extract %slice3A_143[0] : f32 from vector<1xf32>
      %slice3A_145 = vector.extract_strided_slice %get3A_26 {offsets = [3], sizes = [1], strides = [1]} : vector<16xf32> to vector<1xf32>
      %squeeze3A_146 = vector.extract %slice3A_145[0] : f32 from vector<1xf32>
      %sub3A_147 = vector.broadcast %squeeze3A_144 : f32 to vector<16xf32>
      %sub3A_148 = arith.subf %gather3A, %sub3A_147 : vector<16xf32>
      %sub3A_149 = vector.broadcast %squeeze3A_146 : f32 to vector<16xf32>
      %sub3A_150 = arith.subf %gather3A_53, %sub3A_149 : vector<16xf32>
      %mul3A_151 = arith.mulf %sub3A_148, %sub3A_148 : vector<16xf32>
      %mul3A_152 = arith.mulf %sub3A_150, %sub3A_150 : vector<16xf32>
      %add3A_153 = arith.addf %mul3A_151, %mul3A_152 : vector<16xf32>
      %lt3A_154 = arith.cmpf olt, %add3A_153, %select_n3A_127 : vector<16xf32>
      %select_n3A_155 = arith.select %lt3A_154, %add3A_153, %select_n3A_127 : vector<16xi1>, vector<16xf32>
      %jit3A_156 = arith.constant 3 : i32
      %broadcast_in_dim3A_157 = vector.broadcast %jit3A_156 : i32 to vector<16xi32>
      %select_n3A_158 = arith.select %lt3A_154, %broadcast_in_dim3A_157, %select_n3A_130 : vector<16xi1>, vector<16xi32>
      %sub3A_159 = vector.broadcast %squeeze3A_144 : f32 to vector<16xf32>
      %sub3A_160 = arith.subf %gather3A_60, %sub3A_159 : vector<16xf32>
      %sub3A_161 = vector.broadcast %squeeze3A_146 : f32 to vector<16xf32>
      %sub3A_162 = arith.subf %gather3A_61, %sub3A_161 : vector<16xf32>
      %mul3A_163 = arith.mulf %sub3A_160, %sub3A_160 : vector<16xf32>
      %mul3A_164 = arith.mulf %sub3A_162, %sub3A_162 : vector<16xf32>
      %add3A_165 = arith.addf %mul3A_163, %mul3A_164 : vector<16xf32>
      %lt3A_166 = arith.cmpf olt, %add3A_165, %select_n3A_139 : vector<16xf32>
      %select_n3A_167 = arith.select %lt3A_166, %add3A_165, %select_n3A_139 : vector<16xi1>, vector<16xf32>
      %jit3A_168 = arith.constant 3 : i32
      %broadcast_in_dim3A_169 = vector.broadcast %jit3A_168 : i32 to vector<16xi32>
      %select_n3A_170 = arith.select %lt3A_166, %broadcast_in_dim3A_169, %select_n3A_142 : vector<16xi1>, vector<16xi32>
      %slice3A_171 = vector.extract_strided_slice %get3A_10 {offsets = [4], sizes = [1], strides = [1]} : vector<16xf32> to vector<1xf32>
      %squeeze3A_172 = vector.extract %slice3A_171[0] : f32 from vector<1xf32>
      %slice3A_173 = vector.extract_strided_slice %get3A_26 {offsets = [4], sizes = [1], strides = [1]} : vector<16xf32> to vector<1xf32>
      %squeeze3A_174 = vector.extract %slice3A_173[0] : f32 from vector<1xf32>
      %sub3A_175 = vector.broadcast %squeeze3A_172 : f32 to vector<16xf32>
      %sub3A_176 = arith.subf %gather3A, %sub3A_175 : vector<16xf32>
      %sub3A_177 = vector.broadcast %squeeze3A_174 : f32 to vector<16xf32>
      %sub3A_178 = arith.subf %gather3A_53, %sub3A_177 : vector<16xf32>
      %mul3A_179 = arith.mulf %sub3A_176, %sub3A_176 : vector<16xf32>
      %mul3A_180 = arith.mulf %sub3A_178, %sub3A_178 : vector<16xf32>
      %add3A_181 = arith.addf %mul3A_179, %mul3A_180 : vector<16xf32>
      %lt3A_182 = arith.cmpf olt, %add3A_181, %select_n3A_155 : vector<16xf32>
      %select_n3A_183 = arith.select %lt3A_182, %add3A_181, %select_n3A_155 : vector<16xi1>, vector<16xf32>
      %jit3A_184 = arith.constant 4 : i32
      %broadcast_in_dim3A_185 = vector.broadcast %jit3A_184 : i32 to vector<16xi32>
      %select_n3A_186 = arith.select %lt3A_182, %broadcast_in_dim3A_185, %select_n3A_158 : vector<16xi1>, vector<16xi32>
      %sub3A_187 = vector.broadcast %squeeze3A_172 : f32 to vector<16xf32>
      %sub3A_188 = arith.subf %gather3A_60, %sub3A_187 : vector<16xf32>
      %sub3A_189 = vector.broadcast %squeeze3A_174 : f32 to vector<16xf32>
      %sub3A_190 = arith.subf %gather3A_61, %sub3A_189 : vector<16xf32>
      %mul3A_191 = arith.mulf %sub3A_188, %sub3A_188 : vector<16xf32>
      %mul3A_192 = arith.mulf %sub3A_190, %sub3A_190 : vector<16xf32>
      %add3A_193 = arith.addf %mul3A_191, %mul3A_192 : vector<16xf32>
      %lt3A_194 = arith.cmpf olt, %add3A_193, %select_n3A_167 : vector<16xf32>
      %select_n3A_195 = arith.select %lt3A_194, %add3A_193, %select_n3A_167 : vector<16xi1>, vector<16xf32>
      %jit3A_196 = arith.constant 4 : i32
      %broadcast_in_dim3A_197 = vector.broadcast %jit3A_196 : i32 to vector<16xi32>
      %select_n3A_198 = arith.select %lt3A_194, %broadcast_in_dim3A_197, %select_n3A_170 : vector<16xi1>, vector<16xi32>
      %slice3A_199 = vector.extract_strided_slice %get3A_10 {offsets = [5], sizes = [1], strides = [1]} : vector<16xf32> to vector<1xf32>
      %squeeze3A_200 = vector.extract %slice3A_199[0] : f32 from vector<1xf32>
      %slice3A_201 = vector.extract_strided_slice %get3A_26 {offsets = [5], sizes = [1], strides = [1]} : vector<16xf32> to vector<1xf32>
      %squeeze3A_202 = vector.extract %slice3A_201[0] : f32 from vector<1xf32>
      %sub3A_203 = vector.broadcast %squeeze3A_200 : f32 to vector<16xf32>
      %sub3A_204 = arith.subf %gather3A, %sub3A_203 : vector<16xf32>
      %sub3A_205 = vector.broadcast %squeeze3A_202 : f32 to vector<16xf32>
      %sub3A_206 = arith.subf %gather3A_53, %sub3A_205 : vector<16xf32>
      %mul3A_207 = arith.mulf %sub3A_204, %sub3A_204 : vector<16xf32>
      %mul3A_208 = arith.mulf %sub3A_206, %sub3A_206 : vector<16xf32>
      %add3A_209 = arith.addf %mul3A_207, %mul3A_208 : vector<16xf32>
      %lt3A_210 = arith.cmpf olt, %add3A_209, %select_n3A_183 : vector<16xf32>
      %select_n3A_211 = arith.select %lt3A_210, %add3A_209, %select_n3A_183 : vector<16xi1>, vector<16xf32>
      %jit3A_212 = arith.constant 5 : i32
      %broadcast_in_dim3A_213 = vector.broadcast %jit3A_212 : i32 to vector<16xi32>
      %select_n3A_214 = arith.select %lt3A_210, %broadcast_in_dim3A_213, %select_n3A_186 : vector<16xi1>, vector<16xi32>
      %sub3A_215 = vector.broadcast %squeeze3A_200 : f32 to vector<16xf32>
      %sub3A_216 = arith.subf %gather3A_60, %sub3A_215 : vector<16xf32>
      %sub3A_217 = vector.broadcast %squeeze3A_202 : f32 to vector<16xf32>
      %sub3A_218 = arith.subf %gather3A_61, %sub3A_217 : vector<16xf32>
      %mul3A_219 = arith.mulf %sub3A_216, %sub3A_216 : vector<16xf32>
      %mul3A_220 = arith.mulf %sub3A_218, %sub3A_218 : vector<16xf32>
      %add3A_221 = arith.addf %mul3A_219, %mul3A_220 : vector<16xf32>
      %lt3A_222 = arith.cmpf olt, %add3A_221, %select_n3A_195 : vector<16xf32>
      %select_n3A_223 = arith.select %lt3A_222, %add3A_221, %select_n3A_195 : vector<16xi1>, vector<16xf32>
      %jit3A_224 = arith.constant 5 : i32
      %broadcast_in_dim3A_225 = vector.broadcast %jit3A_224 : i32 to vector<16xi32>
      %select_n3A_226 = arith.select %lt3A_222, %broadcast_in_dim3A_225, %select_n3A_198 : vector<16xi1>, vector<16xi32>
      %slice3A_227 = vector.extract_strided_slice %get3A_10 {offsets = [6], sizes = [1], strides = [1]} : vector<16xf32> to vector<1xf32>
      %squeeze3A_228 = vector.extract %slice3A_227[0] : f32 from vector<1xf32>
      %slice3A_229 = vector.extract_strided_slice %get3A_26 {offsets = [6], sizes = [1], strides = [1]} : vector<16xf32> to vector<1xf32>
      %squeeze3A_230 = vector.extract %slice3A_229[0] : f32 from vector<1xf32>
      %sub3A_231 = vector.broadcast %squeeze3A_228 : f32 to vector<16xf32>
      %sub3A_232 = arith.subf %gather3A, %sub3A_231 : vector<16xf32>
      %sub3A_233 = vector.broadcast %squeeze3A_230 : f32 to vector<16xf32>
      %sub3A_234 = arith.subf %gather3A_53, %sub3A_233 : vector<16xf32>
      %mul3A_235 = arith.mulf %sub3A_232, %sub3A_232 : vector<16xf32>
      %mul3A_236 = arith.mulf %sub3A_234, %sub3A_234 : vector<16xf32>
      %add3A_237 = arith.addf %mul3A_235, %mul3A_236 : vector<16xf32>
      %lt3A_238 = arith.cmpf olt, %add3A_237, %select_n3A_211 : vector<16xf32>
      %select_n3A_239 = arith.select %lt3A_238, %add3A_237, %select_n3A_211 : vector<16xi1>, vector<16xf32>
      %jit3A_240 = arith.constant 6 : i32
      %broadcast_in_dim3A_241 = vector.broadcast %jit3A_240 : i32 to vector<16xi32>
      %select_n3A_242 = arith.select %lt3A_238, %broadcast_in_dim3A_241, %select_n3A_214 : vector<16xi1>, vector<16xi32>
      %sub3A_243 = vector.broadcast %squeeze3A_228 : f32 to vector<16xf32>
      %sub3A_244 = arith.subf %gather3A_60, %sub3A_243 : vector<16xf32>
      %sub3A_245 = vector.broadcast %squeeze3A_230 : f32 to vector<16xf32>
      %sub3A_246 = arith.subf %gather3A_61, %sub3A_245 : vector<16xf32>
      %mul3A_247 = arith.mulf %sub3A_244, %sub3A_244 : vector<16xf32>
      %mul3A_248 = arith.mulf %sub3A_246, %sub3A_246 : vector<16xf32>
      %add3A_249 = arith.addf %mul3A_247, %mul3A_248 : vector<16xf32>
      %lt3A_250 = arith.cmpf olt, %add3A_249, %select_n3A_223 : vector<16xf32>
      %select_n3A_251 = arith.select %lt3A_250, %add3A_249, %select_n3A_223 : vector<16xi1>, vector<16xf32>
      %jit3A_252 = arith.constant 6 : i32
      %broadcast_in_dim3A_253 = vector.broadcast %jit3A_252 : i32 to vector<16xi32>
      %select_n3A_254 = arith.select %lt3A_250, %broadcast_in_dim3A_253, %select_n3A_226 : vector<16xi1>, vector<16xi32>
      %slice3A_255 = vector.extract_strided_slice %get3A_10 {offsets = [7], sizes = [1], strides = [1]} : vector<16xf32> to vector<1xf32>
      %squeeze3A_256 = vector.extract %slice3A_255[0] : f32 from vector<1xf32>
      %slice3A_257 = vector.extract_strided_slice %get3A_26 {offsets = [7], sizes = [1], strides = [1]} : vector<16xf32> to vector<1xf32>
      %squeeze3A_258 = vector.extract %slice3A_257[0] : f32 from vector<1xf32>
      %sub3A_259 = vector.broadcast %squeeze3A_256 : f32 to vector<16xf32>
      %sub3A_260 = arith.subf %gather3A, %sub3A_259 : vector<16xf32>
      %sub3A_261 = vector.broadcast %squeeze3A_258 : f32 to vector<16xf32>
      %sub3A_262 = arith.subf %gather3A_53, %sub3A_261 : vector<16xf32>
      %mul3A_263 = arith.mulf %sub3A_260, %sub3A_260 : vector<16xf32>
      %mul3A_264 = arith.mulf %sub3A_262, %sub3A_262 : vector<16xf32>
      %add3A_265 = arith.addf %mul3A_263, %mul3A_264 : vector<16xf32>
      %lt3A_266 = arith.cmpf olt, %add3A_265, %select_n3A_239 : vector<16xf32>
      %select_n3A_267 = arith.select %lt3A_266, %add3A_265, %select_n3A_239 : vector<16xi1>, vector<16xf32>
      %jit3A_268 = arith.constant 7 : i32
      %broadcast_in_dim3A_269 = vector.broadcast %jit3A_268 : i32 to vector<16xi32>
      %select_n3A_270 = arith.select %lt3A_266, %broadcast_in_dim3A_269, %select_n3A_242 : vector<16xi1>, vector<16xi32>
      %sub3A_271 = vector.broadcast %squeeze3A_256 : f32 to vector<16xf32>
      %sub3A_272 = arith.subf %gather3A_60, %sub3A_271 : vector<16xf32>
      %sub3A_273 = vector.broadcast %squeeze3A_258 : f32 to vector<16xf32>
      %sub3A_274 = arith.subf %gather3A_61, %sub3A_273 : vector<16xf32>
      %mul3A_275 = arith.mulf %sub3A_272, %sub3A_272 : vector<16xf32>
      %mul3A_276 = arith.mulf %sub3A_274, %sub3A_274 : vector<16xf32>
      %add3A_277 = arith.addf %mul3A_275, %mul3A_276 : vector<16xf32>
      %lt3A_278 = arith.cmpf olt, %add3A_277, %select_n3A_251 : vector<16xf32>
      %select_n3A_279 = arith.select %lt3A_278, %add3A_277, %select_n3A_251 : vector<16xi1>, vector<16xf32>
      %jit3A_280 = arith.constant 7 : i32
      %broadcast_in_dim3A_281 = vector.broadcast %jit3A_280 : i32 to vector<16xi32>
      %select_n3A_282 = arith.select %lt3A_278, %broadcast_in_dim3A_281, %select_n3A_254 : vector<16xi1>, vector<16xi32>
      %slice3A_283 = vector.extract_strided_slice %get3A_10 {offsets = [8], sizes = [1], strides = [1]} : vector<16xf32> to vector<1xf32>
      %squeeze3A_284 = vector.extract %slice3A_283[0] : f32 from vector<1xf32>
      %slice3A_285 = vector.extract_strided_slice %get3A_26 {offsets = [8], sizes = [1], strides = [1]} : vector<16xf32> to vector<1xf32>
      %squeeze3A_286 = vector.extract %slice3A_285[0] : f32 from vector<1xf32>
      %sub3A_287 = vector.broadcast %squeeze3A_284 : f32 to vector<16xf32>
      %sub3A_288 = arith.subf %gather3A, %sub3A_287 : vector<16xf32>
      %sub3A_289 = vector.broadcast %squeeze3A_286 : f32 to vector<16xf32>
      %sub3A_290 = arith.subf %gather3A_53, %sub3A_289 : vector<16xf32>
      %mul3A_291 = arith.mulf %sub3A_288, %sub3A_288 : vector<16xf32>
      %mul3A_292 = arith.mulf %sub3A_290, %sub3A_290 : vector<16xf32>
      %add3A_293 = arith.addf %mul3A_291, %mul3A_292 : vector<16xf32>
      %lt3A_294 = arith.cmpf olt, %add3A_293, %select_n3A_267 : vector<16xf32>
      %select_n3A_295 = arith.select %lt3A_294, %add3A_293, %select_n3A_267 : vector<16xi1>, vector<16xf32>
      %jit3A_296 = arith.constant 8 : i32
      %broadcast_in_dim3A_297 = vector.broadcast %jit3A_296 : i32 to vector<16xi32>
      %select_n3A_298 = arith.select %lt3A_294, %broadcast_in_dim3A_297, %select_n3A_270 : vector<16xi1>, vector<16xi32>
      %sub3A_299 = vector.broadcast %squeeze3A_284 : f32 to vector<16xf32>
      %sub3A_300 = arith.subf %gather3A_60, %sub3A_299 : vector<16xf32>
      %sub3A_301 = vector.broadcast %squeeze3A_286 : f32 to vector<16xf32>
      %sub3A_302 = arith.subf %gather3A_61, %sub3A_301 : vector<16xf32>
      %mul3A_303 = arith.mulf %sub3A_300, %sub3A_300 : vector<16xf32>
      %mul3A_304 = arith.mulf %sub3A_302, %sub3A_302 : vector<16xf32>
      %add3A_305 = arith.addf %mul3A_303, %mul3A_304 : vector<16xf32>
      %lt3A_306 = arith.cmpf olt, %add3A_305, %select_n3A_279 : vector<16xf32>
      %select_n3A_307 = arith.select %lt3A_306, %add3A_305, %select_n3A_279 : vector<16xi1>, vector<16xf32>
      %jit3A_308 = arith.constant 8 : i32
      %broadcast_in_dim3A_309 = vector.broadcast %jit3A_308 : i32 to vector<16xi32>
      %select_n3A_310 = arith.select %lt3A_306, %broadcast_in_dim3A_309, %select_n3A_282 : vector<16xi1>, vector<16xi32>
      %slice3A_311 = vector.extract_strided_slice %get3A_10 {offsets = [9], sizes = [1], strides = [1]} : vector<16xf32> to vector<1xf32>
      %squeeze3A_312 = vector.extract %slice3A_311[0] : f32 from vector<1xf32>
      %slice3A_313 = vector.extract_strided_slice %get3A_26 {offsets = [9], sizes = [1], strides = [1]} : vector<16xf32> to vector<1xf32>
      %squeeze3A_314 = vector.extract %slice3A_313[0] : f32 from vector<1xf32>
      %sub3A_315 = vector.broadcast %squeeze3A_312 : f32 to vector<16xf32>
      %sub3A_316 = arith.subf %gather3A, %sub3A_315 : vector<16xf32>
      %sub3A_317 = vector.broadcast %squeeze3A_314 : f32 to vector<16xf32>
      %sub3A_318 = arith.subf %gather3A_53, %sub3A_317 : vector<16xf32>
      %mul3A_319 = arith.mulf %sub3A_316, %sub3A_316 : vector<16xf32>
      %mul3A_320 = arith.mulf %sub3A_318, %sub3A_318 : vector<16xf32>
      %add3A_321 = arith.addf %mul3A_319, %mul3A_320 : vector<16xf32>
      %lt3A_322 = arith.cmpf olt, %add3A_321, %select_n3A_295 : vector<16xf32>
      %select_n3A_323 = arith.select %lt3A_322, %add3A_321, %select_n3A_295 : vector<16xi1>, vector<16xf32>
      %jit3A_324 = arith.constant 9 : i32
      %broadcast_in_dim3A_325 = vector.broadcast %jit3A_324 : i32 to vector<16xi32>
      %select_n3A_326 = arith.select %lt3A_322, %broadcast_in_dim3A_325, %select_n3A_298 : vector<16xi1>, vector<16xi32>
      %sub3A_327 = vector.broadcast %squeeze3A_312 : f32 to vector<16xf32>
      %sub3A_328 = arith.subf %gather3A_60, %sub3A_327 : vector<16xf32>
      %sub3A_329 = vector.broadcast %squeeze3A_314 : f32 to vector<16xf32>
      %sub3A_330 = arith.subf %gather3A_61, %sub3A_329 : vector<16xf32>
      %mul3A_331 = arith.mulf %sub3A_328, %sub3A_328 : vector<16xf32>
      %mul3A_332 = arith.mulf %sub3A_330, %sub3A_330 : vector<16xf32>
      %add3A_333 = arith.addf %mul3A_331, %mul3A_332 : vector<16xf32>
      %lt3A_334 = arith.cmpf olt, %add3A_333, %select_n3A_307 : vector<16xf32>
      %select_n3A_335 = arith.select %lt3A_334, %add3A_333, %select_n3A_307 : vector<16xi1>, vector<16xf32>
      %jit3A_336 = arith.constant 9 : i32
      %broadcast_in_dim3A_337 = vector.broadcast %jit3A_336 : i32 to vector<16xi32>
      %select_n3A_338 = arith.select %lt3A_334, %broadcast_in_dim3A_337, %select_n3A_310 : vector<16xi1>, vector<16xi32>
      %slice3A_339 = vector.extract_strided_slice %get3A_10 {offsets = [10], sizes = [1], strides = [1]} : vector<16xf32> to vector<1xf32>
      %squeeze3A_340 = vector.extract %slice3A_339[0] : f32 from vector<1xf32>
      %slice3A_341 = vector.extract_strided_slice %get3A_26 {offsets = [10], sizes = [1], strides = [1]} : vector<16xf32> to vector<1xf32>
      %squeeze3A_342 = vector.extract %slice3A_341[0] : f32 from vector<1xf32>
      %sub3A_343 = vector.broadcast %squeeze3A_340 : f32 to vector<16xf32>
      %sub3A_344 = arith.subf %gather3A, %sub3A_343 : vector<16xf32>
      %sub3A_345 = vector.broadcast %squeeze3A_342 : f32 to vector<16xf32>
      %sub3A_346 = arith.subf %gather3A_53, %sub3A_345 : vector<16xf32>
      %mul3A_347 = arith.mulf %sub3A_344, %sub3A_344 : vector<16xf32>
      %mul3A_348 = arith.mulf %sub3A_346, %sub3A_346 : vector<16xf32>
      %add3A_349 = arith.addf %mul3A_347, %mul3A_348 : vector<16xf32>
      %lt3A_350 = arith.cmpf olt, %add3A_349, %select_n3A_323 : vector<16xf32>
      %select_n3A_351 = arith.select %lt3A_350, %add3A_349, %select_n3A_323 : vector<16xi1>, vector<16xf32>
      %jit3A_352 = arith.constant 10 : i32
      %broadcast_in_dim3A_353 = vector.broadcast %jit3A_352 : i32 to vector<16xi32>
      %select_n3A_354 = arith.select %lt3A_350, %broadcast_in_dim3A_353, %select_n3A_326 : vector<16xi1>, vector<16xi32>
      %sub3A_355 = vector.broadcast %squeeze3A_340 : f32 to vector<16xf32>
      %sub3A_356 = arith.subf %gather3A_60, %sub3A_355 : vector<16xf32>
      %sub3A_357 = vector.broadcast %squeeze3A_342 : f32 to vector<16xf32>
      %sub3A_358 = arith.subf %gather3A_61, %sub3A_357 : vector<16xf32>
      %mul3A_359 = arith.mulf %sub3A_356, %sub3A_356 : vector<16xf32>
      %mul3A_360 = arith.mulf %sub3A_358, %sub3A_358 : vector<16xf32>
      %add3A_361 = arith.addf %mul3A_359, %mul3A_360 : vector<16xf32>
      %lt3A_362 = arith.cmpf olt, %add3A_361, %select_n3A_335 : vector<16xf32>
      %select_n3A_363 = arith.select %lt3A_362, %add3A_361, %select_n3A_335 : vector<16xi1>, vector<16xf32>
      %jit3A_364 = arith.constant 10 : i32
      %broadcast_in_dim3A_365 = vector.broadcast %jit3A_364 : i32 to vector<16xi32>
      %select_n3A_366 = arith.select %lt3A_362, %broadcast_in_dim3A_365, %select_n3A_338 : vector<16xi1>, vector<16xi32>
      %slice3A_367 = vector.extract_strided_slice %get3A_10 {offsets = [11], sizes = [1], strides = [1]} : vector<16xf32> to vector<1xf32>
      %squeeze3A_368 = vector.extract %slice3A_367[0] : f32 from vector<1xf32>
      %slice3A_369 = vector.extract_strided_slice %get3A_26 {offsets = [11], sizes = [1], strides = [1]} : vector<16xf32> to vector<1xf32>
      %squeeze3A_370 = vector.extract %slice3A_369[0] : f32 from vector<1xf32>
      %sub3A_371 = vector.broadcast %squeeze3A_368 : f32 to vector<16xf32>
      %sub3A_372 = arith.subf %gather3A, %sub3A_371 : vector<16xf32>
      %sub3A_373 = vector.broadcast %squeeze3A_370 : f32 to vector<16xf32>
      %sub3A_374 = arith.subf %gather3A_53, %sub3A_373 : vector<16xf32>
      %mul3A_375 = arith.mulf %sub3A_372, %sub3A_372 : vector<16xf32>
      %mul3A_376 = arith.mulf %sub3A_374, %sub3A_374 : vector<16xf32>
      %add3A_377 = arith.addf %mul3A_375, %mul3A_376 : vector<16xf32>
      %lt3A_378 = arith.cmpf olt, %add3A_377, %select_n3A_351 : vector<16xf32>
      %select_n3A_379 = arith.select %lt3A_378, %add3A_377, %select_n3A_351 : vector<16xi1>, vector<16xf32>
      %jit3A_380 = arith.constant 11 : i32
      %broadcast_in_dim3A_381 = vector.broadcast %jit3A_380 : i32 to vector<16xi32>
      %select_n3A_382 = arith.select %lt3A_378, %broadcast_in_dim3A_381, %select_n3A_354 : vector<16xi1>, vector<16xi32>
      %sub3A_383 = vector.broadcast %squeeze3A_368 : f32 to vector<16xf32>
      %sub3A_384 = arith.subf %gather3A_60, %sub3A_383 : vector<16xf32>
      %sub3A_385 = vector.broadcast %squeeze3A_370 : f32 to vector<16xf32>
      %sub3A_386 = arith.subf %gather3A_61, %sub3A_385 : vector<16xf32>
      %mul3A_387 = arith.mulf %sub3A_384, %sub3A_384 : vector<16xf32>
      %mul3A_388 = arith.mulf %sub3A_386, %sub3A_386 : vector<16xf32>
      %add3A_389 = arith.addf %mul3A_387, %mul3A_388 : vector<16xf32>
      %lt3A_390 = arith.cmpf olt, %add3A_389, %select_n3A_363 : vector<16xf32>
      %select_n3A_391 = arith.select %lt3A_390, %add3A_389, %select_n3A_363 : vector<16xi1>, vector<16xf32>
      %jit3A_392 = arith.constant 11 : i32
      %broadcast_in_dim3A_393 = vector.broadcast %jit3A_392 : i32 to vector<16xi32>
      %select_n3A_394 = arith.select %lt3A_390, %broadcast_in_dim3A_393, %select_n3A_366 : vector<16xi1>, vector<16xi32>
      %slice3A_395 = vector.extract_strided_slice %get3A_10 {offsets = [12], sizes = [1], strides = [1]} : vector<16xf32> to vector<1xf32>
      %squeeze3A_396 = vector.extract %slice3A_395[0] : f32 from vector<1xf32>
      %slice3A_397 = vector.extract_strided_slice %get3A_26 {offsets = [12], sizes = [1], strides = [1]} : vector<16xf32> to vector<1xf32>
      %squeeze3A_398 = vector.extract %slice3A_397[0] : f32 from vector<1xf32>
      %sub3A_399 = vector.broadcast %squeeze3A_396 : f32 to vector<16xf32>
      %sub3A_400 = arith.subf %gather3A, %sub3A_399 : vector<16xf32>
      %sub3A_401 = vector.broadcast %squeeze3A_398 : f32 to vector<16xf32>
      %sub3A_402 = arith.subf %gather3A_53, %sub3A_401 : vector<16xf32>
      %mul3A_403 = arith.mulf %sub3A_400, %sub3A_400 : vector<16xf32>
      %mul3A_404 = arith.mulf %sub3A_402, %sub3A_402 : vector<16xf32>
      %add3A_405 = arith.addf %mul3A_403, %mul3A_404 : vector<16xf32>
      %lt3A_406 = arith.cmpf olt, %add3A_405, %select_n3A_379 : vector<16xf32>
      %select_n3A_407 = arith.select %lt3A_406, %add3A_405, %select_n3A_379 : vector<16xi1>, vector<16xf32>
      %jit3A_408 = arith.constant 12 : i32
      %broadcast_in_dim3A_409 = vector.broadcast %jit3A_408 : i32 to vector<16xi32>
      %select_n3A_410 = arith.select %lt3A_406, %broadcast_in_dim3A_409, %select_n3A_382 : vector<16xi1>, vector<16xi32>
      %sub3A_411 = vector.broadcast %squeeze3A_396 : f32 to vector<16xf32>
      %sub3A_412 = arith.subf %gather3A_60, %sub3A_411 : vector<16xf32>
      %sub3A_413 = vector.broadcast %squeeze3A_398 : f32 to vector<16xf32>
      %sub3A_414 = arith.subf %gather3A_61, %sub3A_413 : vector<16xf32>
      %mul3A_415 = arith.mulf %sub3A_412, %sub3A_412 : vector<16xf32>
      %mul3A_416 = arith.mulf %sub3A_414, %sub3A_414 : vector<16xf32>
      %add3A_417 = arith.addf %mul3A_415, %mul3A_416 : vector<16xf32>
      %lt3A_418 = arith.cmpf olt, %add3A_417, %select_n3A_391 : vector<16xf32>
      %select_n3A_419 = arith.select %lt3A_418, %add3A_417, %select_n3A_391 : vector<16xi1>, vector<16xf32>
      %jit3A_420 = arith.constant 12 : i32
      %broadcast_in_dim3A_421 = vector.broadcast %jit3A_420 : i32 to vector<16xi32>
      %select_n3A_422 = arith.select %lt3A_418, %broadcast_in_dim3A_421, %select_n3A_394 : vector<16xi1>, vector<16xi32>
      %slice3A_423 = vector.extract_strided_slice %get3A_10 {offsets = [13], sizes = [1], strides = [1]} : vector<16xf32> to vector<1xf32>
      %squeeze3A_424 = vector.extract %slice3A_423[0] : f32 from vector<1xf32>
      %slice3A_425 = vector.extract_strided_slice %get3A_26 {offsets = [13], sizes = [1], strides = [1]} : vector<16xf32> to vector<1xf32>
      %squeeze3A_426 = vector.extract %slice3A_425[0] : f32 from vector<1xf32>
      %sub3A_427 = vector.broadcast %squeeze3A_424 : f32 to vector<16xf32>
      %sub3A_428 = arith.subf %gather3A, %sub3A_427 : vector<16xf32>
      %sub3A_429 = vector.broadcast %squeeze3A_426 : f32 to vector<16xf32>
      %sub3A_430 = arith.subf %gather3A_53, %sub3A_429 : vector<16xf32>
      %mul3A_431 = arith.mulf %sub3A_428, %sub3A_428 : vector<16xf32>
      %mul3A_432 = arith.mulf %sub3A_430, %sub3A_430 : vector<16xf32>
      %add3A_433 = arith.addf %mul3A_431, %mul3A_432 : vector<16xf32>
      %lt3A_434 = arith.cmpf olt, %add3A_433, %select_n3A_407 : vector<16xf32>
      %select_n3A_435 = arith.select %lt3A_434, %add3A_433, %select_n3A_407 : vector<16xi1>, vector<16xf32>
      %jit3A_436 = arith.constant 13 : i32
      %broadcast_in_dim3A_437 = vector.broadcast %jit3A_436 : i32 to vector<16xi32>
      %select_n3A_438 = arith.select %lt3A_434, %broadcast_in_dim3A_437, %select_n3A_410 : vector<16xi1>, vector<16xi32>
      %sub3A_439 = vector.broadcast %squeeze3A_424 : f32 to vector<16xf32>
      %sub3A_440 = arith.subf %gather3A_60, %sub3A_439 : vector<16xf32>
      %sub3A_441 = vector.broadcast %squeeze3A_426 : f32 to vector<16xf32>
      %sub3A_442 = arith.subf %gather3A_61, %sub3A_441 : vector<16xf32>
      %mul3A_443 = arith.mulf %sub3A_440, %sub3A_440 : vector<16xf32>
      %mul3A_444 = arith.mulf %sub3A_442, %sub3A_442 : vector<16xf32>
      %add3A_445 = arith.addf %mul3A_443, %mul3A_444 : vector<16xf32>
      %lt3A_446 = arith.cmpf olt, %add3A_445, %select_n3A_419 : vector<16xf32>
      %select_n3A_447 = arith.select %lt3A_446, %add3A_445, %select_n3A_419 : vector<16xi1>, vector<16xf32>
      %jit3A_448 = arith.constant 13 : i32
      %broadcast_in_dim3A_449 = vector.broadcast %jit3A_448 : i32 to vector<16xi32>
      %select_n3A_450 = arith.select %lt3A_446, %broadcast_in_dim3A_449, %select_n3A_422 : vector<16xi1>, vector<16xi32>
      %slice3A_451 = vector.extract_strided_slice %get3A_10 {offsets = [14], sizes = [1], strides = [1]} : vector<16xf32> to vector<1xf32>
      %squeeze3A_452 = vector.extract %slice3A_451[0] : f32 from vector<1xf32>
      %slice3A_453 = vector.extract_strided_slice %get3A_26 {offsets = [14], sizes = [1], strides = [1]} : vector<16xf32> to vector<1xf32>
      %squeeze3A_454 = vector.extract %slice3A_453[0] : f32 from vector<1xf32>
      %sub3A_455 = vector.broadcast %squeeze3A_452 : f32 to vector<16xf32>
      %sub3A_456 = arith.subf %gather3A, %sub3A_455 : vector<16xf32>
      %sub3A_457 = vector.broadcast %squeeze3A_454 : f32 to vector<16xf32>
      %sub3A_458 = arith.subf %gather3A_53, %sub3A_457 : vector<16xf32>
      %mul3A_459 = arith.mulf %sub3A_456, %sub3A_456 : vector<16xf32>
      %mul3A_460 = arith.mulf %sub3A_458, %sub3A_458 : vector<16xf32>
      %add3A_461 = arith.addf %mul3A_459, %mul3A_460 : vector<16xf32>
      %lt3A_462 = arith.cmpf olt, %add3A_461, %select_n3A_435 : vector<16xf32>
      %select_n3A_463 = arith.select %lt3A_462, %add3A_461, %select_n3A_435 : vector<16xi1>, vector<16xf32>
      %jit3A_464 = arith.constant 14 : i32
      %broadcast_in_dim3A_465 = vector.broadcast %jit3A_464 : i32 to vector<16xi32>
      %select_n3A_466 = arith.select %lt3A_462, %broadcast_in_dim3A_465, %select_n3A_438 : vector<16xi1>, vector<16xi32>
      %sub3A_467 = vector.broadcast %squeeze3A_452 : f32 to vector<16xf32>
      %sub3A_468 = arith.subf %gather3A_60, %sub3A_467 : vector<16xf32>
      %sub3A_469 = vector.broadcast %squeeze3A_454 : f32 to vector<16xf32>
      %sub3A_470 = arith.subf %gather3A_61, %sub3A_469 : vector<16xf32>
      %mul3A_471 = arith.mulf %sub3A_468, %sub3A_468 : vector<16xf32>
      %mul3A_472 = arith.mulf %sub3A_470, %sub3A_470 : vector<16xf32>
      %add3A_473 = arith.addf %mul3A_471, %mul3A_472 : vector<16xf32>
      %lt3A_474 = arith.cmpf olt, %add3A_473, %select_n3A_447 : vector<16xf32>
      %select_n3A_475 = arith.select %lt3A_474, %add3A_473, %select_n3A_447 : vector<16xi1>, vector<16xf32>
      %jit3A_476 = arith.constant 14 : i32
      %broadcast_in_dim3A_477 = vector.broadcast %jit3A_476 : i32 to vector<16xi32>
      %select_n3A_478 = arith.select %lt3A_474, %broadcast_in_dim3A_477, %select_n3A_450 : vector<16xi1>, vector<16xi32>
      %slice3A_479 = vector.extract_strided_slice %get3A_10 {offsets = [15], sizes = [1], strides = [1]} : vector<16xf32> to vector<1xf32>
      %squeeze3A_480 = vector.extract %slice3A_479[0] : f32 from vector<1xf32>
      %slice3A_481 = vector.extract_strided_slice %get3A_26 {offsets = [15], sizes = [1], strides = [1]} : vector<16xf32> to vector<1xf32>
      %squeeze3A_482 = vector.extract %slice3A_481[0] : f32 from vector<1xf32>
      %sub3A_483 = vector.broadcast %squeeze3A_480 : f32 to vector<16xf32>
      %sub3A_484 = arith.subf %gather3A, %sub3A_483 : vector<16xf32>
      %sub3A_485 = vector.broadcast %squeeze3A_482 : f32 to vector<16xf32>
      %sub3A_486 = arith.subf %gather3A_53, %sub3A_485 : vector<16xf32>
      %mul3A_487 = arith.mulf %sub3A_484, %sub3A_484 : vector<16xf32>
      %mul3A_488 = arith.mulf %sub3A_486, %sub3A_486 : vector<16xf32>
      %add3A_489 = arith.addf %mul3A_487, %mul3A_488 : vector<16xf32>
      %lt3A_490 = arith.cmpf olt, %add3A_489, %select_n3A_463 : vector<16xf32>
      %select_n3A_491 = arith.select %lt3A_490, %add3A_489, %select_n3A_463 : vector<16xi1>, vector<16xf32>
      %jit3A_492 = arith.constant 15 : i32
      %broadcast_in_dim3A_493 = vector.broadcast %jit3A_492 : i32 to vector<16xi32>
      %select_n3A_494 = arith.select %lt3A_490, %broadcast_in_dim3A_493, %select_n3A_466 : vector<16xi1>, vector<16xi32>
      %sub3A_495 = vector.broadcast %squeeze3A_480 : f32 to vector<16xf32>
      %sub3A_496 = arith.subf %gather3A_60, %sub3A_495 : vector<16xf32>
      %sub3A_497 = vector.broadcast %squeeze3A_482 : f32 to vector<16xf32>
      %sub3A_498 = arith.subf %gather3A_61, %sub3A_497 : vector<16xf32>
      %mul3A_499 = arith.mulf %sub3A_496, %sub3A_496 : vector<16xf32>
      %mul3A_500 = arith.mulf %sub3A_498, %sub3A_498 : vector<16xf32>
      %add3A_501 = arith.addf %mul3A_499, %mul3A_500 : vector<16xf32>
      %lt3A_502 = arith.cmpf olt, %add3A_501, %select_n3A_475 : vector<16xf32>
      %select_n3A_503 = arith.select %lt3A_502, %add3A_501, %select_n3A_475 : vector<16xi1>, vector<16xf32>
      %jit3A_504 = arith.constant 15 : i32
      %broadcast_in_dim3A_505 = vector.broadcast %jit3A_504 : i32 to vector<16xi32>
      %select_n3A_506 = arith.select %lt3A_502, %broadcast_in_dim3A_505, %select_n3A_478 : vector<16xi1>, vector<16xi32>
      %slice3A_507 = vector.extract_strided_slice %get3A_12 {offsets = [0], sizes = [1], strides = [1]} : vector<16xf32> to vector<1xf32>
      %squeeze3A_508 = vector.extract %slice3A_507[0] : f32 from vector<1xf32>
      %slice3A_509 = vector.extract_strided_slice %get3A_28 {offsets = [0], sizes = [1], strides = [1]} : vector<16xf32> to vector<1xf32>
      %squeeze3A_510 = vector.extract %slice3A_509[0] : f32 from vector<1xf32>
      %sub3A_511 = vector.broadcast %squeeze3A_508 : f32 to vector<16xf32>
      %sub3A_512 = arith.subf %gather3A, %sub3A_511 : vector<16xf32>
      %sub3A_513 = vector.broadcast %squeeze3A_510 : f32 to vector<16xf32>
      %sub3A_514 = arith.subf %gather3A_53, %sub3A_513 : vector<16xf32>
      %mul3A_515 = arith.mulf %sub3A_512, %sub3A_512 : vector<16xf32>
      %mul3A_516 = arith.mulf %sub3A_514, %sub3A_514 : vector<16xf32>
      %add3A_517 = arith.addf %mul3A_515, %mul3A_516 : vector<16xf32>
      %lt3A_518 = arith.cmpf olt, %add3A_517, %select_n3A_491 : vector<16xf32>
      %select_n3A_519 = arith.select %lt3A_518, %add3A_517, %select_n3A_491 : vector<16xi1>, vector<16xf32>
      %jit3A_520 = arith.constant 16 : i32
      %broadcast_in_dim3A_521 = vector.broadcast %jit3A_520 : i32 to vector<16xi32>
      %select_n3A_522 = arith.select %lt3A_518, %broadcast_in_dim3A_521, %select_n3A_494 : vector<16xi1>, vector<16xi32>
      %sub3A_523 = vector.broadcast %squeeze3A_508 : f32 to vector<16xf32>
      %sub3A_524 = arith.subf %gather3A_60, %sub3A_523 : vector<16xf32>
      %sub3A_525 = vector.broadcast %squeeze3A_510 : f32 to vector<16xf32>
      %sub3A_526 = arith.subf %gather3A_61, %sub3A_525 : vector<16xf32>
      %mul3A_527 = arith.mulf %sub3A_524, %sub3A_524 : vector<16xf32>
      %mul3A_528 = arith.mulf %sub3A_526, %sub3A_526 : vector<16xf32>
      %add3A_529 = arith.addf %mul3A_527, %mul3A_528 : vector<16xf32>
      %lt3A_530 = arith.cmpf olt, %add3A_529, %select_n3A_503 : vector<16xf32>
      %select_n3A_531 = arith.select %lt3A_530, %add3A_529, %select_n3A_503 : vector<16xi1>, vector<16xf32>
      %jit3A_532 = arith.constant 16 : i32
      %broadcast_in_dim3A_533 = vector.broadcast %jit3A_532 : i32 to vector<16xi32>
      %select_n3A_534 = arith.select %lt3A_530, %broadcast_in_dim3A_533, %select_n3A_506 : vector<16xi1>, vector<16xi32>
      %slice3A_535 = vector.extract_strided_slice %get3A_12 {offsets = [1], sizes = [1], strides = [1]} : vector<16xf32> to vector<1xf32>
      %squeeze3A_536 = vector.extract %slice3A_535[0] : f32 from vector<1xf32>
      %slice3A_537 = vector.extract_strided_slice %get3A_28 {offsets = [1], sizes = [1], strides = [1]} : vector<16xf32> to vector<1xf32>
      %squeeze3A_538 = vector.extract %slice3A_537[0] : f32 from vector<1xf32>
      %sub3A_539 = vector.broadcast %squeeze3A_536 : f32 to vector<16xf32>
      %sub3A_540 = arith.subf %gather3A, %sub3A_539 : vector<16xf32>
      %sub3A_541 = vector.broadcast %squeeze3A_538 : f32 to vector<16xf32>
      %sub3A_542 = arith.subf %gather3A_53, %sub3A_541 : vector<16xf32>
      %mul3A_543 = arith.mulf %sub3A_540, %sub3A_540 : vector<16xf32>
      %mul3A_544 = arith.mulf %sub3A_542, %sub3A_542 : vector<16xf32>
      %add3A_545 = arith.addf %mul3A_543, %mul3A_544 : vector<16xf32>
      %lt3A_546 = arith.cmpf olt, %add3A_545, %select_n3A_519 : vector<16xf32>
      %select_n3A_547 = arith.select %lt3A_546, %add3A_545, %select_n3A_519 : vector<16xi1>, vector<16xf32>
      %jit3A_548 = arith.constant 17 : i32
      %broadcast_in_dim3A_549 = vector.broadcast %jit3A_548 : i32 to vector<16xi32>
      %select_n3A_550 = arith.select %lt3A_546, %broadcast_in_dim3A_549, %select_n3A_522 : vector<16xi1>, vector<16xi32>
      %sub3A_551 = vector.broadcast %squeeze3A_536 : f32 to vector<16xf32>
      %sub3A_552 = arith.subf %gather3A_60, %sub3A_551 : vector<16xf32>
      %sub3A_553 = vector.broadcast %squeeze3A_538 : f32 to vector<16xf32>
      %sub3A_554 = arith.subf %gather3A_61, %sub3A_553 : vector<16xf32>
      %mul3A_555 = arith.mulf %sub3A_552, %sub3A_552 : vector<16xf32>
      %mul3A_556 = arith.mulf %sub3A_554, %sub3A_554 : vector<16xf32>
      %add3A_557 = arith.addf %mul3A_555, %mul3A_556 : vector<16xf32>
      %lt3A_558 = arith.cmpf olt, %add3A_557, %select_n3A_531 : vector<16xf32>
      %select_n3A_559 = arith.select %lt3A_558, %add3A_557, %select_n3A_531 : vector<16xi1>, vector<16xf32>
      %jit3A_560 = arith.constant 17 : i32
      %broadcast_in_dim3A_561 = vector.broadcast %jit3A_560 : i32 to vector<16xi32>
      %select_n3A_562 = arith.select %lt3A_558, %broadcast_in_dim3A_561, %select_n3A_534 : vector<16xi1>, vector<16xi32>
      %slice3A_563 = vector.extract_strided_slice %get3A_12 {offsets = [2], sizes = [1], strides = [1]} : vector<16xf32> to vector<1xf32>
      %squeeze3A_564 = vector.extract %slice3A_563[0] : f32 from vector<1xf32>
      %slice3A_565 = vector.extract_strided_slice %get3A_28 {offsets = [2], sizes = [1], strides = [1]} : vector<16xf32> to vector<1xf32>
      %squeeze3A_566 = vector.extract %slice3A_565[0] : f32 from vector<1xf32>
      %sub3A_567 = vector.broadcast %squeeze3A_564 : f32 to vector<16xf32>
      %sub3A_568 = arith.subf %gather3A, %sub3A_567 : vector<16xf32>
      %sub3A_569 = vector.broadcast %squeeze3A_566 : f32 to vector<16xf32>
      %sub3A_570 = arith.subf %gather3A_53, %sub3A_569 : vector<16xf32>
      %mul3A_571 = arith.mulf %sub3A_568, %sub3A_568 : vector<16xf32>
      %mul3A_572 = arith.mulf %sub3A_570, %sub3A_570 : vector<16xf32>
      %add3A_573 = arith.addf %mul3A_571, %mul3A_572 : vector<16xf32>
      %lt3A_574 = arith.cmpf olt, %add3A_573, %select_n3A_547 : vector<16xf32>
      %select_n3A_575 = arith.select %lt3A_574, %add3A_573, %select_n3A_547 : vector<16xi1>, vector<16xf32>
      %jit3A_576 = arith.constant 18 : i32
      %broadcast_in_dim3A_577 = vector.broadcast %jit3A_576 : i32 to vector<16xi32>
      %select_n3A_578 = arith.select %lt3A_574, %broadcast_in_dim3A_577, %select_n3A_550 : vector<16xi1>, vector<16xi32>
      %sub3A_579 = vector.broadcast %squeeze3A_564 : f32 to vector<16xf32>
      %sub3A_580 = arith.subf %gather3A_60, %sub3A_579 : vector<16xf32>
      %sub3A_581 = vector.broadcast %squeeze3A_566 : f32 to vector<16xf32>
      %sub3A_582 = arith.subf %gather3A_61, %sub3A_581 : vector<16xf32>
      %mul3A_583 = arith.mulf %sub3A_580, %sub3A_580 : vector<16xf32>
      %mul3A_584 = arith.mulf %sub3A_582, %sub3A_582 : vector<16xf32>
      %add3A_585 = arith.addf %mul3A_583, %mul3A_584 : vector<16xf32>
      %lt3A_586 = arith.cmpf olt, %add3A_585, %select_n3A_559 : vector<16xf32>
      %select_n3A_587 = arith.select %lt3A_586, %add3A_585, %select_n3A_559 : vector<16xi1>, vector<16xf32>
      %jit3A_588 = arith.constant 18 : i32
      %broadcast_in_dim3A_589 = vector.broadcast %jit3A_588 : i32 to vector<16xi32>
      %select_n3A_590 = arith.select %lt3A_586, %broadcast_in_dim3A_589, %select_n3A_562 : vector<16xi1>, vector<16xi32>
      %slice3A_591 = vector.extract_strided_slice %get3A_12 {offsets = [3], sizes = [1], strides = [1]} : vector<16xf32> to vector<1xf32>
      %squeeze3A_592 = vector.extract %slice3A_591[0] : f32 from vector<1xf32>
      %slice3A_593 = vector.extract_strided_slice %get3A_28 {offsets = [3], sizes = [1], strides = [1]} : vector<16xf32> to vector<1xf32>
      %squeeze3A_594 = vector.extract %slice3A_593[0] : f32 from vector<1xf32>
      %sub3A_595 = vector.broadcast %squeeze3A_592 : f32 to vector<16xf32>
      %sub3A_596 = arith.subf %gather3A, %sub3A_595 : vector<16xf32>
      %sub3A_597 = vector.broadcast %squeeze3A_594 : f32 to vector<16xf32>
      %sub3A_598 = arith.subf %gather3A_53, %sub3A_597 : vector<16xf32>
      %mul3A_599 = arith.mulf %sub3A_596, %sub3A_596 : vector<16xf32>
      %mul3A_600 = arith.mulf %sub3A_598, %sub3A_598 : vector<16xf32>
      %add3A_601 = arith.addf %mul3A_599, %mul3A_600 : vector<16xf32>
      %lt3A_602 = arith.cmpf olt, %add3A_601, %select_n3A_575 : vector<16xf32>
      %select_n3A_603 = arith.select %lt3A_602, %add3A_601, %select_n3A_575 : vector<16xi1>, vector<16xf32>
      %jit3A_604 = arith.constant 19 : i32
      %broadcast_in_dim3A_605 = vector.broadcast %jit3A_604 : i32 to vector<16xi32>
      %select_n3A_606 = arith.select %lt3A_602, %broadcast_in_dim3A_605, %select_n3A_578 : vector<16xi1>, vector<16xi32>
      %sub3A_607 = vector.broadcast %squeeze3A_592 : f32 to vector<16xf32>
      %sub3A_608 = arith.subf %gather3A_60, %sub3A_607 : vector<16xf32>
      %sub3A_609 = vector.broadcast %squeeze3A_594 : f32 to vector<16xf32>
      %sub3A_610 = arith.subf %gather3A_61, %sub3A_609 : vector<16xf32>
      %mul3A_611 = arith.mulf %sub3A_608, %sub3A_608 : vector<16xf32>
      %mul3A_612 = arith.mulf %sub3A_610, %sub3A_610 : vector<16xf32>
      %add3A_613 = arith.addf %mul3A_611, %mul3A_612 : vector<16xf32>
      %lt3A_614 = arith.cmpf olt, %add3A_613, %select_n3A_587 : vector<16xf32>
      %select_n3A_615 = arith.select %lt3A_614, %add3A_613, %select_n3A_587 : vector<16xi1>, vector<16xf32>
      %jit3A_616 = arith.constant 19 : i32
      %broadcast_in_dim3A_617 = vector.broadcast %jit3A_616 : i32 to vector<16xi32>
      %select_n3A_618 = arith.select %lt3A_614, %broadcast_in_dim3A_617, %select_n3A_590 : vector<16xi1>, vector<16xi32>
      %slice3A_619 = vector.extract_strided_slice %get3A_12 {offsets = [4], sizes = [1], strides = [1]} : vector<16xf32> to vector<1xf32>
      %squeeze3A_620 = vector.extract %slice3A_619[0] : f32 from vector<1xf32>
      %slice3A_621 = vector.extract_strided_slice %get3A_28 {offsets = [4], sizes = [1], strides = [1]} : vector<16xf32> to vector<1xf32>
      %squeeze3A_622 = vector.extract %slice3A_621[0] : f32 from vector<1xf32>
      %sub3A_623 = vector.broadcast %squeeze3A_620 : f32 to vector<16xf32>
      %sub3A_624 = arith.subf %gather3A, %sub3A_623 : vector<16xf32>
      %sub3A_625 = vector.broadcast %squeeze3A_622 : f32 to vector<16xf32>
      %sub3A_626 = arith.subf %gather3A_53, %sub3A_625 : vector<16xf32>
      %mul3A_627 = arith.mulf %sub3A_624, %sub3A_624 : vector<16xf32>
      %mul3A_628 = arith.mulf %sub3A_626, %sub3A_626 : vector<16xf32>
      %add3A_629 = arith.addf %mul3A_627, %mul3A_628 : vector<16xf32>
      %lt3A_630 = arith.cmpf olt, %add3A_629, %select_n3A_603 : vector<16xf32>
      %select_n3A_631 = arith.select %lt3A_630, %add3A_629, %select_n3A_603 : vector<16xi1>, vector<16xf32>
      %jit3A_632 = arith.constant 20 : i32
      %broadcast_in_dim3A_633 = vector.broadcast %jit3A_632 : i32 to vector<16xi32>
      %select_n3A_634 = arith.select %lt3A_630, %broadcast_in_dim3A_633, %select_n3A_606 : vector<16xi1>, vector<16xi32>
      %sub3A_635 = vector.broadcast %squeeze3A_620 : f32 to vector<16xf32>
      %sub3A_636 = arith.subf %gather3A_60, %sub3A_635 : vector<16xf32>
      %sub3A_637 = vector.broadcast %squeeze3A_622 : f32 to vector<16xf32>
      %sub3A_638 = arith.subf %gather3A_61, %sub3A_637 : vector<16xf32>
      %mul3A_639 = arith.mulf %sub3A_636, %sub3A_636 : vector<16xf32>
      %mul3A_640 = arith.mulf %sub3A_638, %sub3A_638 : vector<16xf32>
      %add3A_641 = arith.addf %mul3A_639, %mul3A_640 : vector<16xf32>
      %lt3A_642 = arith.cmpf olt, %add3A_641, %select_n3A_615 : vector<16xf32>
      %select_n3A_643 = arith.select %lt3A_642, %add3A_641, %select_n3A_615 : vector<16xi1>, vector<16xf32>
      %jit3A_644 = arith.constant 20 : i32
      %broadcast_in_dim3A_645 = vector.broadcast %jit3A_644 : i32 to vector<16xi32>
      %select_n3A_646 = arith.select %lt3A_642, %broadcast_in_dim3A_645, %select_n3A_618 : vector<16xi1>, vector<16xi32>
      %slice3A_647 = vector.extract_strided_slice %get3A_12 {offsets = [5], sizes = [1], strides = [1]} : vector<16xf32> to vector<1xf32>
      %squeeze3A_648 = vector.extract %slice3A_647[0] : f32 from vector<1xf32>
      %slice3A_649 = vector.extract_strided_slice %get3A_28 {offsets = [5], sizes = [1], strides = [1]} : vector<16xf32> to vector<1xf32>
      %squeeze3A_650 = vector.extract %slice3A_649[0] : f32 from vector<1xf32>
      %sub3A_651 = vector.broadcast %squeeze3A_648 : f32 to vector<16xf32>
      %sub3A_652 = arith.subf %gather3A, %sub3A_651 : vector<16xf32>
      %sub3A_653 = vector.broadcast %squeeze3A_650 : f32 to vector<16xf32>
      %sub3A_654 = arith.subf %gather3A_53, %sub3A_653 : vector<16xf32>
      %mul3A_655 = arith.mulf %sub3A_652, %sub3A_652 : vector<16xf32>
      %mul3A_656 = arith.mulf %sub3A_654, %sub3A_654 : vector<16xf32>
      %add3A_657 = arith.addf %mul3A_655, %mul3A_656 : vector<16xf32>
      %lt3A_658 = arith.cmpf olt, %add3A_657, %select_n3A_631 : vector<16xf32>
      %select_n3A_659 = arith.select %lt3A_658, %add3A_657, %select_n3A_631 : vector<16xi1>, vector<16xf32>
      %jit3A_660 = arith.constant 21 : i32
      %broadcast_in_dim3A_661 = vector.broadcast %jit3A_660 : i32 to vector<16xi32>
      %select_n3A_662 = arith.select %lt3A_658, %broadcast_in_dim3A_661, %select_n3A_634 : vector<16xi1>, vector<16xi32>
      %sub3A_663 = vector.broadcast %squeeze3A_648 : f32 to vector<16xf32>
      %sub3A_664 = arith.subf %gather3A_60, %sub3A_663 : vector<16xf32>
      %sub3A_665 = vector.broadcast %squeeze3A_650 : f32 to vector<16xf32>
      %sub3A_666 = arith.subf %gather3A_61, %sub3A_665 : vector<16xf32>
      %mul3A_667 = arith.mulf %sub3A_664, %sub3A_664 : vector<16xf32>
      %mul3A_668 = arith.mulf %sub3A_666, %sub3A_666 : vector<16xf32>
      %add3A_669 = arith.addf %mul3A_667, %mul3A_668 : vector<16xf32>
      %lt3A_670 = arith.cmpf olt, %add3A_669, %select_n3A_643 : vector<16xf32>
      %select_n3A_671 = arith.select %lt3A_670, %add3A_669, %select_n3A_643 : vector<16xi1>, vector<16xf32>
      %jit3A_672 = arith.constant 21 : i32
      %broadcast_in_dim3A_673 = vector.broadcast %jit3A_672 : i32 to vector<16xi32>
      %select_n3A_674 = arith.select %lt3A_670, %broadcast_in_dim3A_673, %select_n3A_646 : vector<16xi1>, vector<16xi32>
      %slice3A_675 = vector.extract_strided_slice %get3A_12 {offsets = [6], sizes = [1], strides = [1]} : vector<16xf32> to vector<1xf32>
      %squeeze3A_676 = vector.extract %slice3A_675[0] : f32 from vector<1xf32>
      %slice3A_677 = vector.extract_strided_slice %get3A_28 {offsets = [6], sizes = [1], strides = [1]} : vector<16xf32> to vector<1xf32>
      %squeeze3A_678 = vector.extract %slice3A_677[0] : f32 from vector<1xf32>
      %sub3A_679 = vector.broadcast %squeeze3A_676 : f32 to vector<16xf32>
      %sub3A_680 = arith.subf %gather3A, %sub3A_679 : vector<16xf32>
      %sub3A_681 = vector.broadcast %squeeze3A_678 : f32 to vector<16xf32>
      %sub3A_682 = arith.subf %gather3A_53, %sub3A_681 : vector<16xf32>
      %mul3A_683 = arith.mulf %sub3A_680, %sub3A_680 : vector<16xf32>
      %mul3A_684 = arith.mulf %sub3A_682, %sub3A_682 : vector<16xf32>
      %add3A_685 = arith.addf %mul3A_683, %mul3A_684 : vector<16xf32>
      %lt3A_686 = arith.cmpf olt, %add3A_685, %select_n3A_659 : vector<16xf32>
      %select_n3A_687 = arith.select %lt3A_686, %add3A_685, %select_n3A_659 : vector<16xi1>, vector<16xf32>
      %jit3A_688 = arith.constant 22 : i32
      %broadcast_in_dim3A_689 = vector.broadcast %jit3A_688 : i32 to vector<16xi32>
      %select_n3A_690 = arith.select %lt3A_686, %broadcast_in_dim3A_689, %select_n3A_662 : vector<16xi1>, vector<16xi32>
      %sub3A_691 = vector.broadcast %squeeze3A_676 : f32 to vector<16xf32>
      %sub3A_692 = arith.subf %gather3A_60, %sub3A_691 : vector<16xf32>
      %sub3A_693 = vector.broadcast %squeeze3A_678 : f32 to vector<16xf32>
      %sub3A_694 = arith.subf %gather3A_61, %sub3A_693 : vector<16xf32>
      %mul3A_695 = arith.mulf %sub3A_692, %sub3A_692 : vector<16xf32>
      %mul3A_696 = arith.mulf %sub3A_694, %sub3A_694 : vector<16xf32>
      %add3A_697 = arith.addf %mul3A_695, %mul3A_696 : vector<16xf32>
      %lt3A_698 = arith.cmpf olt, %add3A_697, %select_n3A_671 : vector<16xf32>
      %select_n3A_699 = arith.select %lt3A_698, %add3A_697, %select_n3A_671 : vector<16xi1>, vector<16xf32>
      %jit3A_700 = arith.constant 22 : i32
      %broadcast_in_dim3A_701 = vector.broadcast %jit3A_700 : i32 to vector<16xi32>
      %select_n3A_702 = arith.select %lt3A_698, %broadcast_in_dim3A_701, %select_n3A_674 : vector<16xi1>, vector<16xi32>
      %slice3A_703 = vector.extract_strided_slice %get3A_12 {offsets = [7], sizes = [1], strides = [1]} : vector<16xf32> to vector<1xf32>
      %squeeze3A_704 = vector.extract %slice3A_703[0] : f32 from vector<1xf32>
      %slice3A_705 = vector.extract_strided_slice %get3A_28 {offsets = [7], sizes = [1], strides = [1]} : vector<16xf32> to vector<1xf32>
      %squeeze3A_706 = vector.extract %slice3A_705[0] : f32 from vector<1xf32>
      %sub3A_707 = vector.broadcast %squeeze3A_704 : f32 to vector<16xf32>
      %sub3A_708 = arith.subf %gather3A, %sub3A_707 : vector<16xf32>
      %sub3A_709 = vector.broadcast %squeeze3A_706 : f32 to vector<16xf32>
      %sub3A_710 = arith.subf %gather3A_53, %sub3A_709 : vector<16xf32>
      %mul3A_711 = arith.mulf %sub3A_708, %sub3A_708 : vector<16xf32>
      %mul3A_712 = arith.mulf %sub3A_710, %sub3A_710 : vector<16xf32>
      %add3A_713 = arith.addf %mul3A_711, %mul3A_712 : vector<16xf32>
      %lt3A_714 = arith.cmpf olt, %add3A_713, %select_n3A_687 : vector<16xf32>
      %select_n3A_715 = arith.select %lt3A_714, %add3A_713, %select_n3A_687 : vector<16xi1>, vector<16xf32>
      %jit3A_716 = arith.constant 23 : i32
      %broadcast_in_dim3A_717 = vector.broadcast %jit3A_716 : i32 to vector<16xi32>
      %select_n3A_718 = arith.select %lt3A_714, %broadcast_in_dim3A_717, %select_n3A_690 : vector<16xi1>, vector<16xi32>
      %sub3A_719 = vector.broadcast %squeeze3A_704 : f32 to vector<16xf32>
      %sub3A_720 = arith.subf %gather3A_60, %sub3A_719 : vector<16xf32>
      %sub3A_721 = vector.broadcast %squeeze3A_706 : f32 to vector<16xf32>
      %sub3A_722 = arith.subf %gather3A_61, %sub3A_721 : vector<16xf32>
      %mul3A_723 = arith.mulf %sub3A_720, %sub3A_720 : vector<16xf32>
      %mul3A_724 = arith.mulf %sub3A_722, %sub3A_722 : vector<16xf32>
      %add3A_725 = arith.addf %mul3A_723, %mul3A_724 : vector<16xf32>
      %lt3A_726 = arith.cmpf olt, %add3A_725, %select_n3A_699 : vector<16xf32>
      %select_n3A_727 = arith.select %lt3A_726, %add3A_725, %select_n3A_699 : vector<16xi1>, vector<16xf32>
      %jit3A_728 = arith.constant 23 : i32
      %broadcast_in_dim3A_729 = vector.broadcast %jit3A_728 : i32 to vector<16xi32>
      %select_n3A_730 = arith.select %lt3A_726, %broadcast_in_dim3A_729, %select_n3A_702 : vector<16xi1>, vector<16xi32>
      %slice3A_731 = vector.extract_strided_slice %get3A_12 {offsets = [8], sizes = [1], strides = [1]} : vector<16xf32> to vector<1xf32>
      %squeeze3A_732 = vector.extract %slice3A_731[0] : f32 from vector<1xf32>
      %slice3A_733 = vector.extract_strided_slice %get3A_28 {offsets = [8], sizes = [1], strides = [1]} : vector<16xf32> to vector<1xf32>
      %squeeze3A_734 = vector.extract %slice3A_733[0] : f32 from vector<1xf32>
      %sub3A_735 = vector.broadcast %squeeze3A_732 : f32 to vector<16xf32>
      %sub3A_736 = arith.subf %gather3A, %sub3A_735 : vector<16xf32>
      %sub3A_737 = vector.broadcast %squeeze3A_734 : f32 to vector<16xf32>
      %sub3A_738 = arith.subf %gather3A_53, %sub3A_737 : vector<16xf32>
      %mul3A_739 = arith.mulf %sub3A_736, %sub3A_736 : vector<16xf32>
      %mul3A_740 = arith.mulf %sub3A_738, %sub3A_738 : vector<16xf32>
      %add3A_741 = arith.addf %mul3A_739, %mul3A_740 : vector<16xf32>
      %lt3A_742 = arith.cmpf olt, %add3A_741, %select_n3A_715 : vector<16xf32>
      %select_n3A_743 = arith.select %lt3A_742, %add3A_741, %select_n3A_715 : vector<16xi1>, vector<16xf32>
      %jit3A_744 = arith.constant 24 : i32
      %broadcast_in_dim3A_745 = vector.broadcast %jit3A_744 : i32 to vector<16xi32>
      %select_n3A_746 = arith.select %lt3A_742, %broadcast_in_dim3A_745, %select_n3A_718 : vector<16xi1>, vector<16xi32>
      %sub3A_747 = vector.broadcast %squeeze3A_732 : f32 to vector<16xf32>
      %sub3A_748 = arith.subf %gather3A_60, %sub3A_747 : vector<16xf32>
      %sub3A_749 = vector.broadcast %squeeze3A_734 : f32 to vector<16xf32>
      %sub3A_750 = arith.subf %gather3A_61, %sub3A_749 : vector<16xf32>
      %mul3A_751 = arith.mulf %sub3A_748, %sub3A_748 : vector<16xf32>
      %mul3A_752 = arith.mulf %sub3A_750, %sub3A_750 : vector<16xf32>
      %add3A_753 = arith.addf %mul3A_751, %mul3A_752 : vector<16xf32>
      %lt3A_754 = arith.cmpf olt, %add3A_753, %select_n3A_727 : vector<16xf32>
      %select_n3A_755 = arith.select %lt3A_754, %add3A_753, %select_n3A_727 : vector<16xi1>, vector<16xf32>
      %jit3A_756 = arith.constant 24 : i32
      %broadcast_in_dim3A_757 = vector.broadcast %jit3A_756 : i32 to vector<16xi32>
      %select_n3A_758 = arith.select %lt3A_754, %broadcast_in_dim3A_757, %select_n3A_730 : vector<16xi1>, vector<16xi32>
      %slice3A_759 = vector.extract_strided_slice %get3A_12 {offsets = [9], sizes = [1], strides = [1]} : vector<16xf32> to vector<1xf32>
      %squeeze3A_760 = vector.extract %slice3A_759[0] : f32 from vector<1xf32>
      %slice3A_761 = vector.extract_strided_slice %get3A_28 {offsets = [9], sizes = [1], strides = [1]} : vector<16xf32> to vector<1xf32>
      %squeeze3A_762 = vector.extract %slice3A_761[0] : f32 from vector<1xf32>
      %sub3A_763 = vector.broadcast %squeeze3A_760 : f32 to vector<16xf32>
      %sub3A_764 = arith.subf %gather3A, %sub3A_763 : vector<16xf32>
      %sub3A_765 = vector.broadcast %squeeze3A_762 : f32 to vector<16xf32>
      %sub3A_766 = arith.subf %gather3A_53, %sub3A_765 : vector<16xf32>
      %mul3A_767 = arith.mulf %sub3A_764, %sub3A_764 : vector<16xf32>
      %mul3A_768 = arith.mulf %sub3A_766, %sub3A_766 : vector<16xf32>
      %add3A_769 = arith.addf %mul3A_767, %mul3A_768 : vector<16xf32>
      %lt3A_770 = arith.cmpf olt, %add3A_769, %select_n3A_743 : vector<16xf32>
      %select_n3A_771 = arith.select %lt3A_770, %add3A_769, %select_n3A_743 : vector<16xi1>, vector<16xf32>
      %jit3A_772 = arith.constant 25 : i32
      %broadcast_in_dim3A_773 = vector.broadcast %jit3A_772 : i32 to vector<16xi32>
      %select_n3A_774 = arith.select %lt3A_770, %broadcast_in_dim3A_773, %select_n3A_746 : vector<16xi1>, vector<16xi32>
      %sub3A_775 = vector.broadcast %squeeze3A_760 : f32 to vector<16xf32>
      %sub3A_776 = arith.subf %gather3A_60, %sub3A_775 : vector<16xf32>
      %sub3A_777 = vector.broadcast %squeeze3A_762 : f32 to vector<16xf32>
      %sub3A_778 = arith.subf %gather3A_61, %sub3A_777 : vector<16xf32>
      %mul3A_779 = arith.mulf %sub3A_776, %sub3A_776 : vector<16xf32>
      %mul3A_780 = arith.mulf %sub3A_778, %sub3A_778 : vector<16xf32>
      %add3A_781 = arith.addf %mul3A_779, %mul3A_780 : vector<16xf32>
      %lt3A_782 = arith.cmpf olt, %add3A_781, %select_n3A_755 : vector<16xf32>
      %select_n3A_783 = arith.select %lt3A_782, %add3A_781, %select_n3A_755 : vector<16xi1>, vector<16xf32>
      %jit3A_784 = arith.constant 25 : i32
      %broadcast_in_dim3A_785 = vector.broadcast %jit3A_784 : i32 to vector<16xi32>
      %select_n3A_786 = arith.select %lt3A_782, %broadcast_in_dim3A_785, %select_n3A_758 : vector<16xi1>, vector<16xi32>
      %slice3A_787 = vector.extract_strided_slice %get3A_12 {offsets = [10], sizes = [1], strides = [1]} : vector<16xf32> to vector<1xf32>
      %squeeze3A_788 = vector.extract %slice3A_787[0] : f32 from vector<1xf32>
      %slice3A_789 = vector.extract_strided_slice %get3A_28 {offsets = [10], sizes = [1], strides = [1]} : vector<16xf32> to vector<1xf32>
      %squeeze3A_790 = vector.extract %slice3A_789[0] : f32 from vector<1xf32>
      %sub3A_791 = vector.broadcast %squeeze3A_788 : f32 to vector<16xf32>
      %sub3A_792 = arith.subf %gather3A, %sub3A_791 : vector<16xf32>
      %sub3A_793 = vector.broadcast %squeeze3A_790 : f32 to vector<16xf32>
      %sub3A_794 = arith.subf %gather3A_53, %sub3A_793 : vector<16xf32>
      %mul3A_795 = arith.mulf %sub3A_792, %sub3A_792 : vector<16xf32>
      %mul3A_796 = arith.mulf %sub3A_794, %sub3A_794 : vector<16xf32>
      %add3A_797 = arith.addf %mul3A_795, %mul3A_796 : vector<16xf32>
      %lt3A_798 = arith.cmpf olt, %add3A_797, %select_n3A_771 : vector<16xf32>
      %select_n3A_799 = arith.select %lt3A_798, %add3A_797, %select_n3A_771 : vector<16xi1>, vector<16xf32>
      %jit3A_800 = arith.constant 26 : i32
      %broadcast_in_dim3A_801 = vector.broadcast %jit3A_800 : i32 to vector<16xi32>
      %select_n3A_802 = arith.select %lt3A_798, %broadcast_in_dim3A_801, %select_n3A_774 : vector<16xi1>, vector<16xi32>
      %sub3A_803 = vector.broadcast %squeeze3A_788 : f32 to vector<16xf32>
      %sub3A_804 = arith.subf %gather3A_60, %sub3A_803 : vector<16xf32>
      %sub3A_805 = vector.broadcast %squeeze3A_790 : f32 to vector<16xf32>
      %sub3A_806 = arith.subf %gather3A_61, %sub3A_805 : vector<16xf32>
      %mul3A_807 = arith.mulf %sub3A_804, %sub3A_804 : vector<16xf32>
      %mul3A_808 = arith.mulf %sub3A_806, %sub3A_806 : vector<16xf32>
      %add3A_809 = arith.addf %mul3A_807, %mul3A_808 : vector<16xf32>
      %lt3A_810 = arith.cmpf olt, %add3A_809, %select_n3A_783 : vector<16xf32>
      %select_n3A_811 = arith.select %lt3A_810, %add3A_809, %select_n3A_783 : vector<16xi1>, vector<16xf32>
      %jit3A_812 = arith.constant 26 : i32
      %broadcast_in_dim3A_813 = vector.broadcast %jit3A_812 : i32 to vector<16xi32>
      %select_n3A_814 = arith.select %lt3A_810, %broadcast_in_dim3A_813, %select_n3A_786 : vector<16xi1>, vector<16xi32>
      %slice3A_815 = vector.extract_strided_slice %get3A_12 {offsets = [11], sizes = [1], strides = [1]} : vector<16xf32> to vector<1xf32>
      %squeeze3A_816 = vector.extract %slice3A_815[0] : f32 from vector<1xf32>
      %slice3A_817 = vector.extract_strided_slice %get3A_28 {offsets = [11], sizes = [1], strides = [1]} : vector<16xf32> to vector<1xf32>
      %squeeze3A_818 = vector.extract %slice3A_817[0] : f32 from vector<1xf32>
      %sub3A_819 = vector.broadcast %squeeze3A_816 : f32 to vector<16xf32>
      %sub3A_820 = arith.subf %gather3A, %sub3A_819 : vector<16xf32>
      %sub3A_821 = vector.broadcast %squeeze3A_818 : f32 to vector<16xf32>
      %sub3A_822 = arith.subf %gather3A_53, %sub3A_821 : vector<16xf32>
      %mul3A_823 = arith.mulf %sub3A_820, %sub3A_820 : vector<16xf32>
      %mul3A_824 = arith.mulf %sub3A_822, %sub3A_822 : vector<16xf32>
      %add3A_825 = arith.addf %mul3A_823, %mul3A_824 : vector<16xf32>
      %lt3A_826 = arith.cmpf olt, %add3A_825, %select_n3A_799 : vector<16xf32>
      %select_n3A_827 = arith.select %lt3A_826, %add3A_825, %select_n3A_799 : vector<16xi1>, vector<16xf32>
      %jit3A_828 = arith.constant 27 : i32
      %broadcast_in_dim3A_829 = vector.broadcast %jit3A_828 : i32 to vector<16xi32>
      %select_n3A_830 = arith.select %lt3A_826, %broadcast_in_dim3A_829, %select_n3A_802 : vector<16xi1>, vector<16xi32>
      %sub3A_831 = vector.broadcast %squeeze3A_816 : f32 to vector<16xf32>
      %sub3A_832 = arith.subf %gather3A_60, %sub3A_831 : vector<16xf32>
      %sub3A_833 = vector.broadcast %squeeze3A_818 : f32 to vector<16xf32>
      %sub3A_834 = arith.subf %gather3A_61, %sub3A_833 : vector<16xf32>
      %mul3A_835 = arith.mulf %sub3A_832, %sub3A_832 : vector<16xf32>
      %mul3A_836 = arith.mulf %sub3A_834, %sub3A_834 : vector<16xf32>
      %add3A_837 = arith.addf %mul3A_835, %mul3A_836 : vector<16xf32>
      %lt3A_838 = arith.cmpf olt, %add3A_837, %select_n3A_811 : vector<16xf32>
      %select_n3A_839 = arith.select %lt3A_838, %add3A_837, %select_n3A_811 : vector<16xi1>, vector<16xf32>
      %jit3A_840 = arith.constant 27 : i32
      %broadcast_in_dim3A_841 = vector.broadcast %jit3A_840 : i32 to vector<16xi32>
      %select_n3A_842 = arith.select %lt3A_838, %broadcast_in_dim3A_841, %select_n3A_814 : vector<16xi1>, vector<16xi32>
      %slice3A_843 = vector.extract_strided_slice %get3A_12 {offsets = [12], sizes = [1], strides = [1]} : vector<16xf32> to vector<1xf32>
      %squeeze3A_844 = vector.extract %slice3A_843[0] : f32 from vector<1xf32>
      %slice3A_845 = vector.extract_strided_slice %get3A_28 {offsets = [12], sizes = [1], strides = [1]} : vector<16xf32> to vector<1xf32>
      %squeeze3A_846 = vector.extract %slice3A_845[0] : f32 from vector<1xf32>
      %sub3A_847 = vector.broadcast %squeeze3A_844 : f32 to vector<16xf32>
      %sub3A_848 = arith.subf %gather3A, %sub3A_847 : vector<16xf32>
      %sub3A_849 = vector.broadcast %squeeze3A_846 : f32 to vector<16xf32>
      %sub3A_850 = arith.subf %gather3A_53, %sub3A_849 : vector<16xf32>
      %mul3A_851 = arith.mulf %sub3A_848, %sub3A_848 : vector<16xf32>
      %mul3A_852 = arith.mulf %sub3A_850, %sub3A_850 : vector<16xf32>
      %add3A_853 = arith.addf %mul3A_851, %mul3A_852 : vector<16xf32>
      %lt3A_854 = arith.cmpf olt, %add3A_853, %select_n3A_827 : vector<16xf32>
      %select_n3A_855 = arith.select %lt3A_854, %add3A_853, %select_n3A_827 : vector<16xi1>, vector<16xf32>
      %jit3A_856 = arith.constant 28 : i32
      %broadcast_in_dim3A_857 = vector.broadcast %jit3A_856 : i32 to vector<16xi32>
      %select_n3A_858 = arith.select %lt3A_854, %broadcast_in_dim3A_857, %select_n3A_830 : vector<16xi1>, vector<16xi32>
      %sub3A_859 = vector.broadcast %squeeze3A_844 : f32 to vector<16xf32>
      %sub3A_860 = arith.subf %gather3A_60, %sub3A_859 : vector<16xf32>
      %sub3A_861 = vector.broadcast %squeeze3A_846 : f32 to vector<16xf32>
      %sub3A_862 = arith.subf %gather3A_61, %sub3A_861 : vector<16xf32>
      %mul3A_863 = arith.mulf %sub3A_860, %sub3A_860 : vector<16xf32>
      %mul3A_864 = arith.mulf %sub3A_862, %sub3A_862 : vector<16xf32>
      %add3A_865 = arith.addf %mul3A_863, %mul3A_864 : vector<16xf32>
      %lt3A_866 = arith.cmpf olt, %add3A_865, %select_n3A_839 : vector<16xf32>
      %select_n3A_867 = arith.select %lt3A_866, %add3A_865, %select_n3A_839 : vector<16xi1>, vector<16xf32>
      %jit3A_868 = arith.constant 28 : i32
      %broadcast_in_dim3A_869 = vector.broadcast %jit3A_868 : i32 to vector<16xi32>
      %select_n3A_870 = arith.select %lt3A_866, %broadcast_in_dim3A_869, %select_n3A_842 : vector<16xi1>, vector<16xi32>
      %slice3A_871 = vector.extract_strided_slice %get3A_12 {offsets = [13], sizes = [1], strides = [1]} : vector<16xf32> to vector<1xf32>
      %squeeze3A_872 = vector.extract %slice3A_871[0] : f32 from vector<1xf32>
      %slice3A_873 = vector.extract_strided_slice %get3A_28 {offsets = [13], sizes = [1], strides = [1]} : vector<16xf32> to vector<1xf32>
      %squeeze3A_874 = vector.extract %slice3A_873[0] : f32 from vector<1xf32>
      %sub3A_875 = vector.broadcast %squeeze3A_872 : f32 to vector<16xf32>
      %sub3A_876 = arith.subf %gather3A, %sub3A_875 : vector<16xf32>
      %sub3A_877 = vector.broadcast %squeeze3A_874 : f32 to vector<16xf32>
      %sub3A_878 = arith.subf %gather3A_53, %sub3A_877 : vector<16xf32>
      %mul3A_879 = arith.mulf %sub3A_876, %sub3A_876 : vector<16xf32>
      %mul3A_880 = arith.mulf %sub3A_878, %sub3A_878 : vector<16xf32>
      %add3A_881 = arith.addf %mul3A_879, %mul3A_880 : vector<16xf32>
      %lt3A_882 = arith.cmpf olt, %add3A_881, %select_n3A_855 : vector<16xf32>
      %select_n3A_883 = arith.select %lt3A_882, %add3A_881, %select_n3A_855 : vector<16xi1>, vector<16xf32>
      %jit3A_884 = arith.constant 29 : i32
      %broadcast_in_dim3A_885 = vector.broadcast %jit3A_884 : i32 to vector<16xi32>
      %select_n3A_886 = arith.select %lt3A_882, %broadcast_in_dim3A_885, %select_n3A_858 : vector<16xi1>, vector<16xi32>
      %sub3A_887 = vector.broadcast %squeeze3A_872 : f32 to vector<16xf32>
      %sub3A_888 = arith.subf %gather3A_60, %sub3A_887 : vector<16xf32>
      %sub3A_889 = vector.broadcast %squeeze3A_874 : f32 to vector<16xf32>
      %sub3A_890 = arith.subf %gather3A_61, %sub3A_889 : vector<16xf32>
      %mul3A_891 = arith.mulf %sub3A_888, %sub3A_888 : vector<16xf32>
      %mul3A_892 = arith.mulf %sub3A_890, %sub3A_890 : vector<16xf32>
      %add3A_893 = arith.addf %mul3A_891, %mul3A_892 : vector<16xf32>
      %lt3A_894 = arith.cmpf olt, %add3A_893, %select_n3A_867 : vector<16xf32>
      %select_n3A_895 = arith.select %lt3A_894, %add3A_893, %select_n3A_867 : vector<16xi1>, vector<16xf32>
      %jit3A_896 = arith.constant 29 : i32
      %broadcast_in_dim3A_897 = vector.broadcast %jit3A_896 : i32 to vector<16xi32>
      %select_n3A_898 = arith.select %lt3A_894, %broadcast_in_dim3A_897, %select_n3A_870 : vector<16xi1>, vector<16xi32>
      %slice3A_899 = vector.extract_strided_slice %get3A_12 {offsets = [14], sizes = [1], strides = [1]} : vector<16xf32> to vector<1xf32>
      %squeeze3A_900 = vector.extract %slice3A_899[0] : f32 from vector<1xf32>
      %slice3A_901 = vector.extract_strided_slice %get3A_28 {offsets = [14], sizes = [1], strides = [1]} : vector<16xf32> to vector<1xf32>
      %squeeze3A_902 = vector.extract %slice3A_901[0] : f32 from vector<1xf32>
      %sub3A_903 = vector.broadcast %squeeze3A_900 : f32 to vector<16xf32>
      %sub3A_904 = arith.subf %gather3A, %sub3A_903 : vector<16xf32>
      %sub3A_905 = vector.broadcast %squeeze3A_902 : f32 to vector<16xf32>
      %sub3A_906 = arith.subf %gather3A_53, %sub3A_905 : vector<16xf32>
      %mul3A_907 = arith.mulf %sub3A_904, %sub3A_904 : vector<16xf32>
      %mul3A_908 = arith.mulf %sub3A_906, %sub3A_906 : vector<16xf32>
      %add3A_909 = arith.addf %mul3A_907, %mul3A_908 : vector<16xf32>
      %lt3A_910 = arith.cmpf olt, %add3A_909, %select_n3A_883 : vector<16xf32>
      %select_n3A_911 = arith.select %lt3A_910, %add3A_909, %select_n3A_883 : vector<16xi1>, vector<16xf32>
      %jit3A_912 = arith.constant 30 : i32
      %broadcast_in_dim3A_913 = vector.broadcast %jit3A_912 : i32 to vector<16xi32>
      %select_n3A_914 = arith.select %lt3A_910, %broadcast_in_dim3A_913, %select_n3A_886 : vector<16xi1>, vector<16xi32>
      %sub3A_915 = vector.broadcast %squeeze3A_900 : f32 to vector<16xf32>
      %sub3A_916 = arith.subf %gather3A_60, %sub3A_915 : vector<16xf32>
      %sub3A_917 = vector.broadcast %squeeze3A_902 : f32 to vector<16xf32>
      %sub3A_918 = arith.subf %gather3A_61, %sub3A_917 : vector<16xf32>
      %mul3A_919 = arith.mulf %sub3A_916, %sub3A_916 : vector<16xf32>
      %mul3A_920 = arith.mulf %sub3A_918, %sub3A_918 : vector<16xf32>
      %add3A_921 = arith.addf %mul3A_919, %mul3A_920 : vector<16xf32>
      %lt3A_922 = arith.cmpf olt, %add3A_921, %select_n3A_895 : vector<16xf32>
      %select_n3A_923 = arith.select %lt3A_922, %add3A_921, %select_n3A_895 : vector<16xi1>, vector<16xf32>
      %jit3A_924 = arith.constant 30 : i32
      %broadcast_in_dim3A_925 = vector.broadcast %jit3A_924 : i32 to vector<16xi32>
      %select_n3A_926 = arith.select %lt3A_922, %broadcast_in_dim3A_925, %select_n3A_898 : vector<16xi1>, vector<16xi32>
      %slice3A_927 = vector.extract_strided_slice %get3A_12 {offsets = [15], sizes = [1], strides = [1]} : vector<16xf32> to vector<1xf32>
      %squeeze3A_928 = vector.extract %slice3A_927[0] : f32 from vector<1xf32>
      %slice3A_929 = vector.extract_strided_slice %get3A_28 {offsets = [15], sizes = [1], strides = [1]} : vector<16xf32> to vector<1xf32>
      %squeeze3A_930 = vector.extract %slice3A_929[0] : f32 from vector<1xf32>
      %sub3A_931 = vector.broadcast %squeeze3A_928 : f32 to vector<16xf32>
      %sub3A_932 = arith.subf %gather3A, %sub3A_931 : vector<16xf32>
      %sub3A_933 = vector.broadcast %squeeze3A_930 : f32 to vector<16xf32>
      %sub3A_934 = arith.subf %gather3A_53, %sub3A_933 : vector<16xf32>
      %mul3A_935 = arith.mulf %sub3A_932, %sub3A_932 : vector<16xf32>
      %mul3A_936 = arith.mulf %sub3A_934, %sub3A_934 : vector<16xf32>
      %add3A_937 = arith.addf %mul3A_935, %mul3A_936 : vector<16xf32>
      %lt3A_938 = arith.cmpf olt, %add3A_937, %select_n3A_911 : vector<16xf32>
      %select_n3A_939 = arith.select %lt3A_938, %add3A_937, %select_n3A_911 : vector<16xi1>, vector<16xf32>
      %jit3A_940 = arith.constant 31 : i32
      %broadcast_in_dim3A_941 = vector.broadcast %jit3A_940 : i32 to vector<16xi32>
      %select_n3A_942 = arith.select %lt3A_938, %broadcast_in_dim3A_941, %select_n3A_914 : vector<16xi1>, vector<16xi32>
      %sub3A_943 = vector.broadcast %squeeze3A_928 : f32 to vector<16xf32>
      %sub3A_944 = arith.subf %gather3A_60, %sub3A_943 : vector<16xf32>
      %sub3A_945 = vector.broadcast %squeeze3A_930 : f32 to vector<16xf32>
      %sub3A_946 = arith.subf %gather3A_61, %sub3A_945 : vector<16xf32>
      %mul3A_947 = arith.mulf %sub3A_944, %sub3A_944 : vector<16xf32>
      %mul3A_948 = arith.mulf %sub3A_946, %sub3A_946 : vector<16xf32>
      %add3A_949 = arith.addf %mul3A_947, %mul3A_948 : vector<16xf32>
      %lt3A_950 = arith.cmpf olt, %add3A_949, %select_n3A_923 : vector<16xf32>
      %select_n3A_951 = arith.select %lt3A_950, %add3A_949, %select_n3A_923 : vector<16xi1>, vector<16xf32>
      %jit3A_952 = arith.constant 31 : i32
      %broadcast_in_dim3A_953 = vector.broadcast %jit3A_952 : i32 to vector<16xi32>
      %select_n3A_954 = arith.select %lt3A_950, %broadcast_in_dim3A_953, %select_n3A_926 : vector<16xi1>, vector<16xi32>
      %slice3A_955 = vector.extract_strided_slice %get3A_14 {offsets = [0], sizes = [1], strides = [1]} : vector<16xf32> to vector<1xf32>
      %squeeze3A_956 = vector.extract %slice3A_955[0] : f32 from vector<1xf32>
      %slice3A_957 = vector.extract_strided_slice %get3A_30 {offsets = [0], sizes = [1], strides = [1]} : vector<16xf32> to vector<1xf32>
      %squeeze3A_958 = vector.extract %slice3A_957[0] : f32 from vector<1xf32>
      %sub3A_959 = vector.broadcast %squeeze3A_956 : f32 to vector<16xf32>
      %sub3A_960 = arith.subf %gather3A, %sub3A_959 : vector<16xf32>
      %sub3A_961 = vector.broadcast %squeeze3A_958 : f32 to vector<16xf32>
      %sub3A_962 = arith.subf %gather3A_53, %sub3A_961 : vector<16xf32>
      %mul3A_963 = arith.mulf %sub3A_960, %sub3A_960 : vector<16xf32>
      %mul3A_964 = arith.mulf %sub3A_962, %sub3A_962 : vector<16xf32>
      %add3A_965 = arith.addf %mul3A_963, %mul3A_964 : vector<16xf32>
      %lt3A_966 = arith.cmpf olt, %add3A_965, %broadcast_in_dim3A_62 : vector<16xf32>
      %select_n3A_967 = arith.select %lt3A_966, %add3A_965, %broadcast_in_dim3A_62 : vector<16xi1>, vector<16xf32>
      %jit3A_968 = arith.constant 32 : i32
      %broadcast_in_dim3A_969 = vector.broadcast %jit3A_968 : i32 to vector<16xi32>
      %select_n3A_970 = arith.select %lt3A_966, %broadcast_in_dim3A_969, %broadcast_in_dim3A_64 : vector<16xi1>, vector<16xi32>
      %sub3A_971 = vector.broadcast %squeeze3A_956 : f32 to vector<16xf32>
      %sub3A_972 = arith.subf %gather3A_60, %sub3A_971 : vector<16xf32>
      %sub3A_973 = vector.broadcast %squeeze3A_958 : f32 to vector<16xf32>
      %sub3A_974 = arith.subf %gather3A_61, %sub3A_973 : vector<16xf32>
      %mul3A_975 = arith.mulf %sub3A_972, %sub3A_972 : vector<16xf32>
      %mul3A_976 = arith.mulf %sub3A_974, %sub3A_974 : vector<16xf32>
      %add3A_977 = arith.addf %mul3A_975, %mul3A_976 : vector<16xf32>
      %lt3A_978 = arith.cmpf olt, %add3A_977, %broadcast_in_dim3A_62 : vector<16xf32>
      %select_n3A_979 = arith.select %lt3A_978, %add3A_977, %broadcast_in_dim3A_62 : vector<16xi1>, vector<16xf32>
      %jit3A_980 = arith.constant 32 : i32
      %broadcast_in_dim3A_981 = vector.broadcast %jit3A_980 : i32 to vector<16xi32>
      %select_n3A_982 = arith.select %lt3A_978, %broadcast_in_dim3A_981, %broadcast_in_dim3A_64 : vector<16xi1>, vector<16xi32>
      %slice3A_983 = vector.extract_strided_slice %get3A_14 {offsets = [1], sizes = [1], strides = [1]} : vector<16xf32> to vector<1xf32>
      %squeeze3A_984 = vector.extract %slice3A_983[0] : f32 from vector<1xf32>
      %slice3A_985 = vector.extract_strided_slice %get3A_30 {offsets = [1], sizes = [1], strides = [1]} : vector<16xf32> to vector<1xf32>
      %squeeze3A_986 = vector.extract %slice3A_985[0] : f32 from vector<1xf32>
      %sub3A_987 = vector.broadcast %squeeze3A_984 : f32 to vector<16xf32>
      %sub3A_988 = arith.subf %gather3A, %sub3A_987 : vector<16xf32>
      %sub3A_989 = vector.broadcast %squeeze3A_986 : f32 to vector<16xf32>
      %sub3A_990 = arith.subf %gather3A_53, %sub3A_989 : vector<16xf32>
      %mul3A_991 = arith.mulf %sub3A_988, %sub3A_988 : vector<16xf32>
      %mul3A_992 = arith.mulf %sub3A_990, %sub3A_990 : vector<16xf32>
      %add3A_993 = arith.addf %mul3A_991, %mul3A_992 : vector<16xf32>
      %lt3A_994 = arith.cmpf olt, %add3A_993, %select_n3A_967 : vector<16xf32>
      %select_n3A_995 = arith.select %lt3A_994, %add3A_993, %select_n3A_967 : vector<16xi1>, vector<16xf32>
      %jit3A_996 = arith.constant 33 : i32
      %broadcast_in_dim3A_997 = vector.broadcast %jit3A_996 : i32 to vector<16xi32>
      %select_n3A_998 = arith.select %lt3A_994, %broadcast_in_dim3A_997, %select_n3A_970 : vector<16xi1>, vector<16xi32>
      %sub3A_999 = vector.broadcast %squeeze3A_984 : f32 to vector<16xf32>
      %sub3A_1000 = arith.subf %gather3A_60, %sub3A_999 : vector<16xf32>
      %sub3A_1001 = vector.broadcast %squeeze3A_986 : f32 to vector<16xf32>
      %sub3A_1002 = arith.subf %gather3A_61, %sub3A_1001 : vector<16xf32>
      %mul3A_1003 = arith.mulf %sub3A_1000, %sub3A_1000 : vector<16xf32>
      %mul3A_1004 = arith.mulf %sub3A_1002, %sub3A_1002 : vector<16xf32>
      %add3A_1005 = arith.addf %mul3A_1003, %mul3A_1004 : vector<16xf32>
      %lt3A_1006 = arith.cmpf olt, %add3A_1005, %select_n3A_979 : vector<16xf32>
      %select_n3A_1007 = arith.select %lt3A_1006, %add3A_1005, %select_n3A_979 : vector<16xi1>, vector<16xf32>
      %jit3A_1008 = arith.constant 33 : i32
      %broadcast_in_dim3A_1009 = vector.broadcast %jit3A_1008 : i32 to vector<16xi32>
      %select_n3A_1010 = arith.select %lt3A_1006, %broadcast_in_dim3A_1009, %select_n3A_982 : vector<16xi1>, vector<16xi32>
      %slice3A_1011 = vector.extract_strided_slice %get3A_14 {offsets = [2], sizes = [1], strides = [1]} : vector<16xf32> to vector<1xf32>
      %squeeze3A_1012 = vector.extract %slice3A_1011[0] : f32 from vector<1xf32>
      %slice3A_1013 = vector.extract_strided_slice %get3A_30 {offsets = [2], sizes = [1], strides = [1]} : vector<16xf32> to vector<1xf32>
      %squeeze3A_1014 = vector.extract %slice3A_1013[0] : f32 from vector<1xf32>
      %sub3A_1015 = vector.broadcast %squeeze3A_1012 : f32 to vector<16xf32>
      %sub3A_1016 = arith.subf %gather3A, %sub3A_1015 : vector<16xf32>
      %sub3A_1017 = vector.broadcast %squeeze3A_1014 : f32 to vector<16xf32>
      %sub3A_1018 = arith.subf %gather3A_53, %sub3A_1017 : vector<16xf32>
      %mul3A_1019 = arith.mulf %sub3A_1016, %sub3A_1016 : vector<16xf32>
      %mul3A_1020 = arith.mulf %sub3A_1018, %sub3A_1018 : vector<16xf32>
      %add3A_1021 = arith.addf %mul3A_1019, %mul3A_1020 : vector<16xf32>
      %lt3A_1022 = arith.cmpf olt, %add3A_1021, %select_n3A_995 : vector<16xf32>
      %select_n3A_1023 = arith.select %lt3A_1022, %add3A_1021, %select_n3A_995 : vector<16xi1>, vector<16xf32>
      %jit3A_1024 = arith.constant 34 : i32
      %broadcast_in_dim3A_1025 = vector.broadcast %jit3A_1024 : i32 to vector<16xi32>
      %select_n3A_1026 = arith.select %lt3A_1022, %broadcast_in_dim3A_1025, %select_n3A_998 : vector<16xi1>, vector<16xi32>
      %sub3A_1027 = vector.broadcast %squeeze3A_1012 : f32 to vector<16xf32>
      %sub3A_1028 = arith.subf %gather3A_60, %sub3A_1027 : vector<16xf32>
      %sub3A_1029 = vector.broadcast %squeeze3A_1014 : f32 to vector<16xf32>
      %sub3A_1030 = arith.subf %gather3A_61, %sub3A_1029 : vector<16xf32>
      %mul3A_1031 = arith.mulf %sub3A_1028, %sub3A_1028 : vector<16xf32>
      %mul3A_1032 = arith.mulf %sub3A_1030, %sub3A_1030 : vector<16xf32>
      %add3A_1033 = arith.addf %mul3A_1031, %mul3A_1032 : vector<16xf32>
      %lt3A_1034 = arith.cmpf olt, %add3A_1033, %select_n3A_1007 : vector<16xf32>
      %select_n3A_1035 = arith.select %lt3A_1034, %add3A_1033, %select_n3A_1007 : vector<16xi1>, vector<16xf32>
      %jit3A_1036 = arith.constant 34 : i32
      %broadcast_in_dim3A_1037 = vector.broadcast %jit3A_1036 : i32 to vector<16xi32>
      %select_n3A_1038 = arith.select %lt3A_1034, %broadcast_in_dim3A_1037, %select_n3A_1010 : vector<16xi1>, vector<16xi32>
      %slice3A_1039 = vector.extract_strided_slice %get3A_14 {offsets = [3], sizes = [1], strides = [1]} : vector<16xf32> to vector<1xf32>
      %squeeze3A_1040 = vector.extract %slice3A_1039[0] : f32 from vector<1xf32>
      %slice3A_1041 = vector.extract_strided_slice %get3A_30 {offsets = [3], sizes = [1], strides = [1]} : vector<16xf32> to vector<1xf32>
      %squeeze3A_1042 = vector.extract %slice3A_1041[0] : f32 from vector<1xf32>
      %sub3A_1043 = vector.broadcast %squeeze3A_1040 : f32 to vector<16xf32>
      %sub3A_1044 = arith.subf %gather3A, %sub3A_1043 : vector<16xf32>
      %sub3A_1045 = vector.broadcast %squeeze3A_1042 : f32 to vector<16xf32>
      %sub3A_1046 = arith.subf %gather3A_53, %sub3A_1045 : vector<16xf32>
      %mul3A_1047 = arith.mulf %sub3A_1044, %sub3A_1044 : vector<16xf32>
      %mul3A_1048 = arith.mulf %sub3A_1046, %sub3A_1046 : vector<16xf32>
      %add3A_1049 = arith.addf %mul3A_1047, %mul3A_1048 : vector<16xf32>
      %lt3A_1050 = arith.cmpf olt, %add3A_1049, %select_n3A_1023 : vector<16xf32>
      %select_n3A_1051 = arith.select %lt3A_1050, %add3A_1049, %select_n3A_1023 : vector<16xi1>, vector<16xf32>
      %jit3A_1052 = arith.constant 35 : i32
      %broadcast_in_dim3A_1053 = vector.broadcast %jit3A_1052 : i32 to vector<16xi32>
      %select_n3A_1054 = arith.select %lt3A_1050, %broadcast_in_dim3A_1053, %select_n3A_1026 : vector<16xi1>, vector<16xi32>
      %sub3A_1055 = vector.broadcast %squeeze3A_1040 : f32 to vector<16xf32>
      %sub3A_1056 = arith.subf %gather3A_60, %sub3A_1055 : vector<16xf32>
      %sub3A_1057 = vector.broadcast %squeeze3A_1042 : f32 to vector<16xf32>
      %sub3A_1058 = arith.subf %gather3A_61, %sub3A_1057 : vector<16xf32>
      %mul3A_1059 = arith.mulf %sub3A_1056, %sub3A_1056 : vector<16xf32>
      %mul3A_1060 = arith.mulf %sub3A_1058, %sub3A_1058 : vector<16xf32>
      %add3A_1061 = arith.addf %mul3A_1059, %mul3A_1060 : vector<16xf32>
      %lt3A_1062 = arith.cmpf olt, %add3A_1061, %select_n3A_1035 : vector<16xf32>
      %select_n3A_1063 = arith.select %lt3A_1062, %add3A_1061, %select_n3A_1035 : vector<16xi1>, vector<16xf32>
      %jit3A_1064 = arith.constant 35 : i32
      %broadcast_in_dim3A_1065 = vector.broadcast %jit3A_1064 : i32 to vector<16xi32>
      %select_n3A_1066 = arith.select %lt3A_1062, %broadcast_in_dim3A_1065, %select_n3A_1038 : vector<16xi1>, vector<16xi32>
      %slice3A_1067 = vector.extract_strided_slice %get3A_14 {offsets = [4], sizes = [1], strides = [1]} : vector<16xf32> to vector<1xf32>
      %squeeze3A_1068 = vector.extract %slice3A_1067[0] : f32 from vector<1xf32>
      %slice3A_1069 = vector.extract_strided_slice %get3A_30 {offsets = [4], sizes = [1], strides = [1]} : vector<16xf32> to vector<1xf32>
      %squeeze3A_1070 = vector.extract %slice3A_1069[0] : f32 from vector<1xf32>
      %sub3A_1071 = vector.broadcast %squeeze3A_1068 : f32 to vector<16xf32>
      %sub3A_1072 = arith.subf %gather3A, %sub3A_1071 : vector<16xf32>
      %sub3A_1073 = vector.broadcast %squeeze3A_1070 : f32 to vector<16xf32>
      %sub3A_1074 = arith.subf %gather3A_53, %sub3A_1073 : vector<16xf32>
      %mul3A_1075 = arith.mulf %sub3A_1072, %sub3A_1072 : vector<16xf32>
      %mul3A_1076 = arith.mulf %sub3A_1074, %sub3A_1074 : vector<16xf32>
      %add3A_1077 = arith.addf %mul3A_1075, %mul3A_1076 : vector<16xf32>
      %lt3A_1078 = arith.cmpf olt, %add3A_1077, %select_n3A_1051 : vector<16xf32>
      %select_n3A_1079 = arith.select %lt3A_1078, %add3A_1077, %select_n3A_1051 : vector<16xi1>, vector<16xf32>
      %jit3A_1080 = arith.constant 36 : i32
      %broadcast_in_dim3A_1081 = vector.broadcast %jit3A_1080 : i32 to vector<16xi32>
      %select_n3A_1082 = arith.select %lt3A_1078, %broadcast_in_dim3A_1081, %select_n3A_1054 : vector<16xi1>, vector<16xi32>
      %sub3A_1083 = vector.broadcast %squeeze3A_1068 : f32 to vector<16xf32>
      %sub3A_1084 = arith.subf %gather3A_60, %sub3A_1083 : vector<16xf32>
      %sub3A_1085 = vector.broadcast %squeeze3A_1070 : f32 to vector<16xf32>
      %sub3A_1086 = arith.subf %gather3A_61, %sub3A_1085 : vector<16xf32>
      %mul3A_1087 = arith.mulf %sub3A_1084, %sub3A_1084 : vector<16xf32>
      %mul3A_1088 = arith.mulf %sub3A_1086, %sub3A_1086 : vector<16xf32>
      %add3A_1089 = arith.addf %mul3A_1087, %mul3A_1088 : vector<16xf32>
      %lt3A_1090 = arith.cmpf olt, %add3A_1089, %select_n3A_1063 : vector<16xf32>
      %select_n3A_1091 = arith.select %lt3A_1090, %add3A_1089, %select_n3A_1063 : vector<16xi1>, vector<16xf32>
      %jit3A_1092 = arith.constant 36 : i32
      %broadcast_in_dim3A_1093 = vector.broadcast %jit3A_1092 : i32 to vector<16xi32>
      %select_n3A_1094 = arith.select %lt3A_1090, %broadcast_in_dim3A_1093, %select_n3A_1066 : vector<16xi1>, vector<16xi32>
      %slice3A_1095 = vector.extract_strided_slice %get3A_14 {offsets = [5], sizes = [1], strides = [1]} : vector<16xf32> to vector<1xf32>
      %squeeze3A_1096 = vector.extract %slice3A_1095[0] : f32 from vector<1xf32>
      %slice3A_1097 = vector.extract_strided_slice %get3A_30 {offsets = [5], sizes = [1], strides = [1]} : vector<16xf32> to vector<1xf32>
      %squeeze3A_1098 = vector.extract %slice3A_1097[0] : f32 from vector<1xf32>
      %sub3A_1099 = vector.broadcast %squeeze3A_1096 : f32 to vector<16xf32>
      %sub3A_1100 = arith.subf %gather3A, %sub3A_1099 : vector<16xf32>
      %sub3A_1101 = vector.broadcast %squeeze3A_1098 : f32 to vector<16xf32>
      %sub3A_1102 = arith.subf %gather3A_53, %sub3A_1101 : vector<16xf32>
      %mul3A_1103 = arith.mulf %sub3A_1100, %sub3A_1100 : vector<16xf32>
      %mul3A_1104 = arith.mulf %sub3A_1102, %sub3A_1102 : vector<16xf32>
      %add3A_1105 = arith.addf %mul3A_1103, %mul3A_1104 : vector<16xf32>
      %lt3A_1106 = arith.cmpf olt, %add3A_1105, %select_n3A_1079 : vector<16xf32>
      %select_n3A_1107 = arith.select %lt3A_1106, %add3A_1105, %select_n3A_1079 : vector<16xi1>, vector<16xf32>
      %jit3A_1108 = arith.constant 37 : i32
      %broadcast_in_dim3A_1109 = vector.broadcast %jit3A_1108 : i32 to vector<16xi32>
      %select_n3A_1110 = arith.select %lt3A_1106, %broadcast_in_dim3A_1109, %select_n3A_1082 : vector<16xi1>, vector<16xi32>
      %sub3A_1111 = vector.broadcast %squeeze3A_1096 : f32 to vector<16xf32>
      %sub3A_1112 = arith.subf %gather3A_60, %sub3A_1111 : vector<16xf32>
      %sub3A_1113 = vector.broadcast %squeeze3A_1098 : f32 to vector<16xf32>
      %sub3A_1114 = arith.subf %gather3A_61, %sub3A_1113 : vector<16xf32>
      %mul3A_1115 = arith.mulf %sub3A_1112, %sub3A_1112 : vector<16xf32>
      %mul3A_1116 = arith.mulf %sub3A_1114, %sub3A_1114 : vector<16xf32>
      %add3A_1117 = arith.addf %mul3A_1115, %mul3A_1116 : vector<16xf32>
      %lt3A_1118 = arith.cmpf olt, %add3A_1117, %select_n3A_1091 : vector<16xf32>
      %select_n3A_1119 = arith.select %lt3A_1118, %add3A_1117, %select_n3A_1091 : vector<16xi1>, vector<16xf32>
      %jit3A_1120 = arith.constant 37 : i32
      %broadcast_in_dim3A_1121 = vector.broadcast %jit3A_1120 : i32 to vector<16xi32>
      %select_n3A_1122 = arith.select %lt3A_1118, %broadcast_in_dim3A_1121, %select_n3A_1094 : vector<16xi1>, vector<16xi32>
      %slice3A_1123 = vector.extract_strided_slice %get3A_14 {offsets = [6], sizes = [1], strides = [1]} : vector<16xf32> to vector<1xf32>
      %squeeze3A_1124 = vector.extract %slice3A_1123[0] : f32 from vector<1xf32>
      %slice3A_1125 = vector.extract_strided_slice %get3A_30 {offsets = [6], sizes = [1], strides = [1]} : vector<16xf32> to vector<1xf32>
      %squeeze3A_1126 = vector.extract %slice3A_1125[0] : f32 from vector<1xf32>
      %sub3A_1127 = vector.broadcast %squeeze3A_1124 : f32 to vector<16xf32>
      %sub3A_1128 = arith.subf %gather3A, %sub3A_1127 : vector<16xf32>
      %sub3A_1129 = vector.broadcast %squeeze3A_1126 : f32 to vector<16xf32>
      %sub3A_1130 = arith.subf %gather3A_53, %sub3A_1129 : vector<16xf32>
      %mul3A_1131 = arith.mulf %sub3A_1128, %sub3A_1128 : vector<16xf32>
      %mul3A_1132 = arith.mulf %sub3A_1130, %sub3A_1130 : vector<16xf32>
      %add3A_1133 = arith.addf %mul3A_1131, %mul3A_1132 : vector<16xf32>
      %lt3A_1134 = arith.cmpf olt, %add3A_1133, %select_n3A_1107 : vector<16xf32>
      %select_n3A_1135 = arith.select %lt3A_1134, %add3A_1133, %select_n3A_1107 : vector<16xi1>, vector<16xf32>
      %jit3A_1136 = arith.constant 38 : i32
      %broadcast_in_dim3A_1137 = vector.broadcast %jit3A_1136 : i32 to vector<16xi32>
      %select_n3A_1138 = arith.select %lt3A_1134, %broadcast_in_dim3A_1137, %select_n3A_1110 : vector<16xi1>, vector<16xi32>
      %sub3A_1139 = vector.broadcast %squeeze3A_1124 : f32 to vector<16xf32>
      %sub3A_1140 = arith.subf %gather3A_60, %sub3A_1139 : vector<16xf32>
      %sub3A_1141 = vector.broadcast %squeeze3A_1126 : f32 to vector<16xf32>
      %sub3A_1142 = arith.subf %gather3A_61, %sub3A_1141 : vector<16xf32>
      %mul3A_1143 = arith.mulf %sub3A_1140, %sub3A_1140 : vector<16xf32>
      %mul3A_1144 = arith.mulf %sub3A_1142, %sub3A_1142 : vector<16xf32>
      %add3A_1145 = arith.addf %mul3A_1143, %mul3A_1144 : vector<16xf32>
      %lt3A_1146 = arith.cmpf olt, %add3A_1145, %select_n3A_1119 : vector<16xf32>
      %select_n3A_1147 = arith.select %lt3A_1146, %add3A_1145, %select_n3A_1119 : vector<16xi1>, vector<16xf32>
      %jit3A_1148 = arith.constant 38 : i32
      %broadcast_in_dim3A_1149 = vector.broadcast %jit3A_1148 : i32 to vector<16xi32>
      %select_n3A_1150 = arith.select %lt3A_1146, %broadcast_in_dim3A_1149, %select_n3A_1122 : vector<16xi1>, vector<16xi32>
      %slice3A_1151 = vector.extract_strided_slice %get3A_14 {offsets = [7], sizes = [1], strides = [1]} : vector<16xf32> to vector<1xf32>
      %squeeze3A_1152 = vector.extract %slice3A_1151[0] : f32 from vector<1xf32>
      %slice3A_1153 = vector.extract_strided_slice %get3A_30 {offsets = [7], sizes = [1], strides = [1]} : vector<16xf32> to vector<1xf32>
      %squeeze3A_1154 = vector.extract %slice3A_1153[0] : f32 from vector<1xf32>
      %sub3A_1155 = vector.broadcast %squeeze3A_1152 : f32 to vector<16xf32>
      %sub3A_1156 = arith.subf %gather3A, %sub3A_1155 : vector<16xf32>
      %sub3A_1157 = vector.broadcast %squeeze3A_1154 : f32 to vector<16xf32>
      %sub3A_1158 = arith.subf %gather3A_53, %sub3A_1157 : vector<16xf32>
      %mul3A_1159 = arith.mulf %sub3A_1156, %sub3A_1156 : vector<16xf32>
      %mul3A_1160 = arith.mulf %sub3A_1158, %sub3A_1158 : vector<16xf32>
      %add3A_1161 = arith.addf %mul3A_1159, %mul3A_1160 : vector<16xf32>
      %lt3A_1162 = arith.cmpf olt, %add3A_1161, %select_n3A_1135 : vector<16xf32>
      %select_n3A_1163 = arith.select %lt3A_1162, %add3A_1161, %select_n3A_1135 : vector<16xi1>, vector<16xf32>
      %jit3A_1164 = arith.constant 39 : i32
      %broadcast_in_dim3A_1165 = vector.broadcast %jit3A_1164 : i32 to vector<16xi32>
      %select_n3A_1166 = arith.select %lt3A_1162, %broadcast_in_dim3A_1165, %select_n3A_1138 : vector<16xi1>, vector<16xi32>
      %sub3A_1167 = vector.broadcast %squeeze3A_1152 : f32 to vector<16xf32>
      %sub3A_1168 = arith.subf %gather3A_60, %sub3A_1167 : vector<16xf32>
      %sub3A_1169 = vector.broadcast %squeeze3A_1154 : f32 to vector<16xf32>
      %sub3A_1170 = arith.subf %gather3A_61, %sub3A_1169 : vector<16xf32>
      %mul3A_1171 = arith.mulf %sub3A_1168, %sub3A_1168 : vector<16xf32>
      %mul3A_1172 = arith.mulf %sub3A_1170, %sub3A_1170 : vector<16xf32>
      %add3A_1173 = arith.addf %mul3A_1171, %mul3A_1172 : vector<16xf32>
      %lt3A_1174 = arith.cmpf olt, %add3A_1173, %select_n3A_1147 : vector<16xf32>
      %select_n3A_1175 = arith.select %lt3A_1174, %add3A_1173, %select_n3A_1147 : vector<16xi1>, vector<16xf32>
      %jit3A_1176 = arith.constant 39 : i32
      %broadcast_in_dim3A_1177 = vector.broadcast %jit3A_1176 : i32 to vector<16xi32>
      %select_n3A_1178 = arith.select %lt3A_1174, %broadcast_in_dim3A_1177, %select_n3A_1150 : vector<16xi1>, vector<16xi32>
      %slice3A_1179 = vector.extract_strided_slice %get3A_14 {offsets = [8], sizes = [1], strides = [1]} : vector<16xf32> to vector<1xf32>
      %squeeze3A_1180 = vector.extract %slice3A_1179[0] : f32 from vector<1xf32>
      %slice3A_1181 = vector.extract_strided_slice %get3A_30 {offsets = [8], sizes = [1], strides = [1]} : vector<16xf32> to vector<1xf32>
      %squeeze3A_1182 = vector.extract %slice3A_1181[0] : f32 from vector<1xf32>
      %sub3A_1183 = vector.broadcast %squeeze3A_1180 : f32 to vector<16xf32>
      %sub3A_1184 = arith.subf %gather3A, %sub3A_1183 : vector<16xf32>
      %sub3A_1185 = vector.broadcast %squeeze3A_1182 : f32 to vector<16xf32>
      %sub3A_1186 = arith.subf %gather3A_53, %sub3A_1185 : vector<16xf32>
      %mul3A_1187 = arith.mulf %sub3A_1184, %sub3A_1184 : vector<16xf32>
      %mul3A_1188 = arith.mulf %sub3A_1186, %sub3A_1186 : vector<16xf32>
      %add3A_1189 = arith.addf %mul3A_1187, %mul3A_1188 : vector<16xf32>
      %lt3A_1190 = arith.cmpf olt, %add3A_1189, %select_n3A_1163 : vector<16xf32>
      %select_n3A_1191 = arith.select %lt3A_1190, %add3A_1189, %select_n3A_1163 : vector<16xi1>, vector<16xf32>
      %jit3A_1192 = arith.constant 40 : i32
      %broadcast_in_dim3A_1193 = vector.broadcast %jit3A_1192 : i32 to vector<16xi32>
      %select_n3A_1194 = arith.select %lt3A_1190, %broadcast_in_dim3A_1193, %select_n3A_1166 : vector<16xi1>, vector<16xi32>
      %sub3A_1195 = vector.broadcast %squeeze3A_1180 : f32 to vector<16xf32>
      %sub3A_1196 = arith.subf %gather3A_60, %sub3A_1195 : vector<16xf32>
      %sub3A_1197 = vector.broadcast %squeeze3A_1182 : f32 to vector<16xf32>
      %sub3A_1198 = arith.subf %gather3A_61, %sub3A_1197 : vector<16xf32>
      %mul3A_1199 = arith.mulf %sub3A_1196, %sub3A_1196 : vector<16xf32>
      %mul3A_1200 = arith.mulf %sub3A_1198, %sub3A_1198 : vector<16xf32>
      %add3A_1201 = arith.addf %mul3A_1199, %mul3A_1200 : vector<16xf32>
      %lt3A_1202 = arith.cmpf olt, %add3A_1201, %select_n3A_1175 : vector<16xf32>
      %select_n3A_1203 = arith.select %lt3A_1202, %add3A_1201, %select_n3A_1175 : vector<16xi1>, vector<16xf32>
      %jit3A_1204 = arith.constant 40 : i32
      %broadcast_in_dim3A_1205 = vector.broadcast %jit3A_1204 : i32 to vector<16xi32>
      %select_n3A_1206 = arith.select %lt3A_1202, %broadcast_in_dim3A_1205, %select_n3A_1178 : vector<16xi1>, vector<16xi32>
      %slice3A_1207 = vector.extract_strided_slice %get3A_14 {offsets = [9], sizes = [1], strides = [1]} : vector<16xf32> to vector<1xf32>
      %squeeze3A_1208 = vector.extract %slice3A_1207[0] : f32 from vector<1xf32>
      %slice3A_1209 = vector.extract_strided_slice %get3A_30 {offsets = [9], sizes = [1], strides = [1]} : vector<16xf32> to vector<1xf32>
      %squeeze3A_1210 = vector.extract %slice3A_1209[0] : f32 from vector<1xf32>
      %sub3A_1211 = vector.broadcast %squeeze3A_1208 : f32 to vector<16xf32>
      %sub3A_1212 = arith.subf %gather3A, %sub3A_1211 : vector<16xf32>
      %sub3A_1213 = vector.broadcast %squeeze3A_1210 : f32 to vector<16xf32>
      %sub3A_1214 = arith.subf %gather3A_53, %sub3A_1213 : vector<16xf32>
      %mul3A_1215 = arith.mulf %sub3A_1212, %sub3A_1212 : vector<16xf32>
      %mul3A_1216 = arith.mulf %sub3A_1214, %sub3A_1214 : vector<16xf32>
      %add3A_1217 = arith.addf %mul3A_1215, %mul3A_1216 : vector<16xf32>
      %lt3A_1218 = arith.cmpf olt, %add3A_1217, %select_n3A_1191 : vector<16xf32>
      %select_n3A_1219 = arith.select %lt3A_1218, %add3A_1217, %select_n3A_1191 : vector<16xi1>, vector<16xf32>
      %jit3A_1220 = arith.constant 41 : i32
      %broadcast_in_dim3A_1221 = vector.broadcast %jit3A_1220 : i32 to vector<16xi32>
      %select_n3A_1222 = arith.select %lt3A_1218, %broadcast_in_dim3A_1221, %select_n3A_1194 : vector<16xi1>, vector<16xi32>
      %sub3A_1223 = vector.broadcast %squeeze3A_1208 : f32 to vector<16xf32>
      %sub3A_1224 = arith.subf %gather3A_60, %sub3A_1223 : vector<16xf32>
      %sub3A_1225 = vector.broadcast %squeeze3A_1210 : f32 to vector<16xf32>
      %sub3A_1226 = arith.subf %gather3A_61, %sub3A_1225 : vector<16xf32>
      %mul3A_1227 = arith.mulf %sub3A_1224, %sub3A_1224 : vector<16xf32>
      %mul3A_1228 = arith.mulf %sub3A_1226, %sub3A_1226 : vector<16xf32>
      %add3A_1229 = arith.addf %mul3A_1227, %mul3A_1228 : vector<16xf32>
      %lt3A_1230 = arith.cmpf olt, %add3A_1229, %select_n3A_1203 : vector<16xf32>
      %select_n3A_1231 = arith.select %lt3A_1230, %add3A_1229, %select_n3A_1203 : vector<16xi1>, vector<16xf32>
      %jit3A_1232 = arith.constant 41 : i32
      %broadcast_in_dim3A_1233 = vector.broadcast %jit3A_1232 : i32 to vector<16xi32>
      %select_n3A_1234 = arith.select %lt3A_1230, %broadcast_in_dim3A_1233, %select_n3A_1206 : vector<16xi1>, vector<16xi32>
      %slice3A_1235 = vector.extract_strided_slice %get3A_14 {offsets = [10], sizes = [1], strides = [1]} : vector<16xf32> to vector<1xf32>
      %squeeze3A_1236 = vector.extract %slice3A_1235[0] : f32 from vector<1xf32>
      %slice3A_1237 = vector.extract_strided_slice %get3A_30 {offsets = [10], sizes = [1], strides = [1]} : vector<16xf32> to vector<1xf32>
      %squeeze3A_1238 = vector.extract %slice3A_1237[0] : f32 from vector<1xf32>
      %sub3A_1239 = vector.broadcast %squeeze3A_1236 : f32 to vector<16xf32>
      %sub3A_1240 = arith.subf %gather3A, %sub3A_1239 : vector<16xf32>
      %sub3A_1241 = vector.broadcast %squeeze3A_1238 : f32 to vector<16xf32>
      %sub3A_1242 = arith.subf %gather3A_53, %sub3A_1241 : vector<16xf32>
      %mul3A_1243 = arith.mulf %sub3A_1240, %sub3A_1240 : vector<16xf32>
      %mul3A_1244 = arith.mulf %sub3A_1242, %sub3A_1242 : vector<16xf32>
      %add3A_1245 = arith.addf %mul3A_1243, %mul3A_1244 : vector<16xf32>
      %lt3A_1246 = arith.cmpf olt, %add3A_1245, %select_n3A_1219 : vector<16xf32>
      %select_n3A_1247 = arith.select %lt3A_1246, %add3A_1245, %select_n3A_1219 : vector<16xi1>, vector<16xf32>
      %jit3A_1248 = arith.constant 42 : i32
      %broadcast_in_dim3A_1249 = vector.broadcast %jit3A_1248 : i32 to vector<16xi32>
      %select_n3A_1250 = arith.select %lt3A_1246, %broadcast_in_dim3A_1249, %select_n3A_1222 : vector<16xi1>, vector<16xi32>
      %sub3A_1251 = vector.broadcast %squeeze3A_1236 : f32 to vector<16xf32>
      %sub3A_1252 = arith.subf %gather3A_60, %sub3A_1251 : vector<16xf32>
      %sub3A_1253 = vector.broadcast %squeeze3A_1238 : f32 to vector<16xf32>
      %sub3A_1254 = arith.subf %gather3A_61, %sub3A_1253 : vector<16xf32>
      %mul3A_1255 = arith.mulf %sub3A_1252, %sub3A_1252 : vector<16xf32>
      %mul3A_1256 = arith.mulf %sub3A_1254, %sub3A_1254 : vector<16xf32>
      %add3A_1257 = arith.addf %mul3A_1255, %mul3A_1256 : vector<16xf32>
      %lt3A_1258 = arith.cmpf olt, %add3A_1257, %select_n3A_1231 : vector<16xf32>
      %select_n3A_1259 = arith.select %lt3A_1258, %add3A_1257, %select_n3A_1231 : vector<16xi1>, vector<16xf32>
      %jit3A_1260 = arith.constant 42 : i32
      %broadcast_in_dim3A_1261 = vector.broadcast %jit3A_1260 : i32 to vector<16xi32>
      %select_n3A_1262 = arith.select %lt3A_1258, %broadcast_in_dim3A_1261, %select_n3A_1234 : vector<16xi1>, vector<16xi32>
      %slice3A_1263 = vector.extract_strided_slice %get3A_14 {offsets = [11], sizes = [1], strides = [1]} : vector<16xf32> to vector<1xf32>
      %squeeze3A_1264 = vector.extract %slice3A_1263[0] : f32 from vector<1xf32>
      %slice3A_1265 = vector.extract_strided_slice %get3A_30 {offsets = [11], sizes = [1], strides = [1]} : vector<16xf32> to vector<1xf32>
      %squeeze3A_1266 = vector.extract %slice3A_1265[0] : f32 from vector<1xf32>
      %sub3A_1267 = vector.broadcast %squeeze3A_1264 : f32 to vector<16xf32>
      %sub3A_1268 = arith.subf %gather3A, %sub3A_1267 : vector<16xf32>
      %sub3A_1269 = vector.broadcast %squeeze3A_1266 : f32 to vector<16xf32>
      %sub3A_1270 = arith.subf %gather3A_53, %sub3A_1269 : vector<16xf32>
      %mul3A_1271 = arith.mulf %sub3A_1268, %sub3A_1268 : vector<16xf32>
      %mul3A_1272 = arith.mulf %sub3A_1270, %sub3A_1270 : vector<16xf32>
      %add3A_1273 = arith.addf %mul3A_1271, %mul3A_1272 : vector<16xf32>
      %lt3A_1274 = arith.cmpf olt, %add3A_1273, %select_n3A_1247 : vector<16xf32>
      %select_n3A_1275 = arith.select %lt3A_1274, %add3A_1273, %select_n3A_1247 : vector<16xi1>, vector<16xf32>
      %jit3A_1276 = arith.constant 43 : i32
      %broadcast_in_dim3A_1277 = vector.broadcast %jit3A_1276 : i32 to vector<16xi32>
      %select_n3A_1278 = arith.select %lt3A_1274, %broadcast_in_dim3A_1277, %select_n3A_1250 : vector<16xi1>, vector<16xi32>
      %sub3A_1279 = vector.broadcast %squeeze3A_1264 : f32 to vector<16xf32>
      %sub3A_1280 = arith.subf %gather3A_60, %sub3A_1279 : vector<16xf32>
      %sub3A_1281 = vector.broadcast %squeeze3A_1266 : f32 to vector<16xf32>
      %sub3A_1282 = arith.subf %gather3A_61, %sub3A_1281 : vector<16xf32>
      %mul3A_1283 = arith.mulf %sub3A_1280, %sub3A_1280 : vector<16xf32>
      %mul3A_1284 = arith.mulf %sub3A_1282, %sub3A_1282 : vector<16xf32>
      %add3A_1285 = arith.addf %mul3A_1283, %mul3A_1284 : vector<16xf32>
      %lt3A_1286 = arith.cmpf olt, %add3A_1285, %select_n3A_1259 : vector<16xf32>
      %select_n3A_1287 = arith.select %lt3A_1286, %add3A_1285, %select_n3A_1259 : vector<16xi1>, vector<16xf32>
      %jit3A_1288 = arith.constant 43 : i32
      %broadcast_in_dim3A_1289 = vector.broadcast %jit3A_1288 : i32 to vector<16xi32>
      %select_n3A_1290 = arith.select %lt3A_1286, %broadcast_in_dim3A_1289, %select_n3A_1262 : vector<16xi1>, vector<16xi32>
      %slice3A_1291 = vector.extract_strided_slice %get3A_14 {offsets = [12], sizes = [1], strides = [1]} : vector<16xf32> to vector<1xf32>
      %squeeze3A_1292 = vector.extract %slice3A_1291[0] : f32 from vector<1xf32>
      %slice3A_1293 = vector.extract_strided_slice %get3A_30 {offsets = [12], sizes = [1], strides = [1]} : vector<16xf32> to vector<1xf32>
      %squeeze3A_1294 = vector.extract %slice3A_1293[0] : f32 from vector<1xf32>
      %sub3A_1295 = vector.broadcast %squeeze3A_1292 : f32 to vector<16xf32>
      %sub3A_1296 = arith.subf %gather3A, %sub3A_1295 : vector<16xf32>
      %sub3A_1297 = vector.broadcast %squeeze3A_1294 : f32 to vector<16xf32>
      %sub3A_1298 = arith.subf %gather3A_53, %sub3A_1297 : vector<16xf32>
      %mul3A_1299 = arith.mulf %sub3A_1296, %sub3A_1296 : vector<16xf32>
      %mul3A_1300 = arith.mulf %sub3A_1298, %sub3A_1298 : vector<16xf32>
      %add3A_1301 = arith.addf %mul3A_1299, %mul3A_1300 : vector<16xf32>
      %lt3A_1302 = arith.cmpf olt, %add3A_1301, %select_n3A_1275 : vector<16xf32>
      %select_n3A_1303 = arith.select %lt3A_1302, %add3A_1301, %select_n3A_1275 : vector<16xi1>, vector<16xf32>
      %jit3A_1304 = arith.constant 44 : i32
      %broadcast_in_dim3A_1305 = vector.broadcast %jit3A_1304 : i32 to vector<16xi32>
      %select_n3A_1306 = arith.select %lt3A_1302, %broadcast_in_dim3A_1305, %select_n3A_1278 : vector<16xi1>, vector<16xi32>
      %sub3A_1307 = vector.broadcast %squeeze3A_1292 : f32 to vector<16xf32>
      %sub3A_1308 = arith.subf %gather3A_60, %sub3A_1307 : vector<16xf32>
      %sub3A_1309 = vector.broadcast %squeeze3A_1294 : f32 to vector<16xf32>
      %sub3A_1310 = arith.subf %gather3A_61, %sub3A_1309 : vector<16xf32>
      %mul3A_1311 = arith.mulf %sub3A_1308, %sub3A_1308 : vector<16xf32>
      %mul3A_1312 = arith.mulf %sub3A_1310, %sub3A_1310 : vector<16xf32>
      %add3A_1313 = arith.addf %mul3A_1311, %mul3A_1312 : vector<16xf32>
      %lt3A_1314 = arith.cmpf olt, %add3A_1313, %select_n3A_1287 : vector<16xf32>
      %select_n3A_1315 = arith.select %lt3A_1314, %add3A_1313, %select_n3A_1287 : vector<16xi1>, vector<16xf32>
      %jit3A_1316 = arith.constant 44 : i32
      %broadcast_in_dim3A_1317 = vector.broadcast %jit3A_1316 : i32 to vector<16xi32>
      %select_n3A_1318 = arith.select %lt3A_1314, %broadcast_in_dim3A_1317, %select_n3A_1290 : vector<16xi1>, vector<16xi32>
      %slice3A_1319 = vector.extract_strided_slice %get3A_14 {offsets = [13], sizes = [1], strides = [1]} : vector<16xf32> to vector<1xf32>
      %squeeze3A_1320 = vector.extract %slice3A_1319[0] : f32 from vector<1xf32>
      %slice3A_1321 = vector.extract_strided_slice %get3A_30 {offsets = [13], sizes = [1], strides = [1]} : vector<16xf32> to vector<1xf32>
      %squeeze3A_1322 = vector.extract %slice3A_1321[0] : f32 from vector<1xf32>
      %sub3A_1323 = vector.broadcast %squeeze3A_1320 : f32 to vector<16xf32>
      %sub3A_1324 = arith.subf %gather3A, %sub3A_1323 : vector<16xf32>
      %sub3A_1325 = vector.broadcast %squeeze3A_1322 : f32 to vector<16xf32>
      %sub3A_1326 = arith.subf %gather3A_53, %sub3A_1325 : vector<16xf32>
      %mul3A_1327 = arith.mulf %sub3A_1324, %sub3A_1324 : vector<16xf32>
      %mul3A_1328 = arith.mulf %sub3A_1326, %sub3A_1326 : vector<16xf32>
      %add3A_1329 = arith.addf %mul3A_1327, %mul3A_1328 : vector<16xf32>
      %lt3A_1330 = arith.cmpf olt, %add3A_1329, %select_n3A_1303 : vector<16xf32>
      %select_n3A_1331 = arith.select %lt3A_1330, %add3A_1329, %select_n3A_1303 : vector<16xi1>, vector<16xf32>
      %jit3A_1332 = arith.constant 45 : i32
      %broadcast_in_dim3A_1333 = vector.broadcast %jit3A_1332 : i32 to vector<16xi32>
      %select_n3A_1334 = arith.select %lt3A_1330, %broadcast_in_dim3A_1333, %select_n3A_1306 : vector<16xi1>, vector<16xi32>
      %sub3A_1335 = vector.broadcast %squeeze3A_1320 : f32 to vector<16xf32>
      %sub3A_1336 = arith.subf %gather3A_60, %sub3A_1335 : vector<16xf32>
      %sub3A_1337 = vector.broadcast %squeeze3A_1322 : f32 to vector<16xf32>
      %sub3A_1338 = arith.subf %gather3A_61, %sub3A_1337 : vector<16xf32>
      %mul3A_1339 = arith.mulf %sub3A_1336, %sub3A_1336 : vector<16xf32>
      %mul3A_1340 = arith.mulf %sub3A_1338, %sub3A_1338 : vector<16xf32>
      %add3A_1341 = arith.addf %mul3A_1339, %mul3A_1340 : vector<16xf32>
      %lt3A_1342 = arith.cmpf olt, %add3A_1341, %select_n3A_1315 : vector<16xf32>
      %select_n3A_1343 = arith.select %lt3A_1342, %add3A_1341, %select_n3A_1315 : vector<16xi1>, vector<16xf32>
      %jit3A_1344 = arith.constant 45 : i32
      %broadcast_in_dim3A_1345 = vector.broadcast %jit3A_1344 : i32 to vector<16xi32>
      %select_n3A_1346 = arith.select %lt3A_1342, %broadcast_in_dim3A_1345, %select_n3A_1318 : vector<16xi1>, vector<16xi32>
      %slice3A_1347 = vector.extract_strided_slice %get3A_14 {offsets = [14], sizes = [1], strides = [1]} : vector<16xf32> to vector<1xf32>
      %squeeze3A_1348 = vector.extract %slice3A_1347[0] : f32 from vector<1xf32>
      %slice3A_1349 = vector.extract_strided_slice %get3A_30 {offsets = [14], sizes = [1], strides = [1]} : vector<16xf32> to vector<1xf32>
      %squeeze3A_1350 = vector.extract %slice3A_1349[0] : f32 from vector<1xf32>
      %sub3A_1351 = vector.broadcast %squeeze3A_1348 : f32 to vector<16xf32>
      %sub3A_1352 = arith.subf %gather3A, %sub3A_1351 : vector<16xf32>
      %sub3A_1353 = vector.broadcast %squeeze3A_1350 : f32 to vector<16xf32>
      %sub3A_1354 = arith.subf %gather3A_53, %sub3A_1353 : vector<16xf32>
      %mul3A_1355 = arith.mulf %sub3A_1352, %sub3A_1352 : vector<16xf32>
      %mul3A_1356 = arith.mulf %sub3A_1354, %sub3A_1354 : vector<16xf32>
      %add3A_1357 = arith.addf %mul3A_1355, %mul3A_1356 : vector<16xf32>
      %lt3A_1358 = arith.cmpf olt, %add3A_1357, %select_n3A_1331 : vector<16xf32>
      %select_n3A_1359 = arith.select %lt3A_1358, %add3A_1357, %select_n3A_1331 : vector<16xi1>, vector<16xf32>
      %jit3A_1360 = arith.constant 46 : i32
      %broadcast_in_dim3A_1361 = vector.broadcast %jit3A_1360 : i32 to vector<16xi32>
      %select_n3A_1362 = arith.select %lt3A_1358, %broadcast_in_dim3A_1361, %select_n3A_1334 : vector<16xi1>, vector<16xi32>
      %sub3A_1363 = vector.broadcast %squeeze3A_1348 : f32 to vector<16xf32>
      %sub3A_1364 = arith.subf %gather3A_60, %sub3A_1363 : vector<16xf32>
      %sub3A_1365 = vector.broadcast %squeeze3A_1350 : f32 to vector<16xf32>
      %sub3A_1366 = arith.subf %gather3A_61, %sub3A_1365 : vector<16xf32>
      %mul3A_1367 = arith.mulf %sub3A_1364, %sub3A_1364 : vector<16xf32>
      %mul3A_1368 = arith.mulf %sub3A_1366, %sub3A_1366 : vector<16xf32>
      %add3A_1369 = arith.addf %mul3A_1367, %mul3A_1368 : vector<16xf32>
      %lt3A_1370 = arith.cmpf olt, %add3A_1369, %select_n3A_1343 : vector<16xf32>
      %select_n3A_1371 = arith.select %lt3A_1370, %add3A_1369, %select_n3A_1343 : vector<16xi1>, vector<16xf32>
      %jit3A_1372 = arith.constant 46 : i32
      %broadcast_in_dim3A_1373 = vector.broadcast %jit3A_1372 : i32 to vector<16xi32>
      %select_n3A_1374 = arith.select %lt3A_1370, %broadcast_in_dim3A_1373, %select_n3A_1346 : vector<16xi1>, vector<16xi32>
      %slice3A_1375 = vector.extract_strided_slice %get3A_14 {offsets = [15], sizes = [1], strides = [1]} : vector<16xf32> to vector<1xf32>
      %squeeze3A_1376 = vector.extract %slice3A_1375[0] : f32 from vector<1xf32>
      %slice3A_1377 = vector.extract_strided_slice %get3A_30 {offsets = [15], sizes = [1], strides = [1]} : vector<16xf32> to vector<1xf32>
      %squeeze3A_1378 = vector.extract %slice3A_1377[0] : f32 from vector<1xf32>
      %sub3A_1379 = vector.broadcast %squeeze3A_1376 : f32 to vector<16xf32>
      %sub3A_1380 = arith.subf %gather3A, %sub3A_1379 : vector<16xf32>
      %sub3A_1381 = vector.broadcast %squeeze3A_1378 : f32 to vector<16xf32>
      %sub3A_1382 = arith.subf %gather3A_53, %sub3A_1381 : vector<16xf32>
      %mul3A_1383 = arith.mulf %sub3A_1380, %sub3A_1380 : vector<16xf32>
      %mul3A_1384 = arith.mulf %sub3A_1382, %sub3A_1382 : vector<16xf32>
      %add3A_1385 = arith.addf %mul3A_1383, %mul3A_1384 : vector<16xf32>
      %lt3A_1386 = arith.cmpf olt, %add3A_1385, %select_n3A_1359 : vector<16xf32>
      %select_n3A_1387 = arith.select %lt3A_1386, %add3A_1385, %select_n3A_1359 : vector<16xi1>, vector<16xf32>
      %jit3A_1388 = arith.constant 47 : i32
      %broadcast_in_dim3A_1389 = vector.broadcast %jit3A_1388 : i32 to vector<16xi32>
      %select_n3A_1390 = arith.select %lt3A_1386, %broadcast_in_dim3A_1389, %select_n3A_1362 : vector<16xi1>, vector<16xi32>
      %sub3A_1391 = vector.broadcast %squeeze3A_1376 : f32 to vector<16xf32>
      %sub3A_1392 = arith.subf %gather3A_60, %sub3A_1391 : vector<16xf32>
      %sub3A_1393 = vector.broadcast %squeeze3A_1378 : f32 to vector<16xf32>
      %sub3A_1394 = arith.subf %gather3A_61, %sub3A_1393 : vector<16xf32>
      %mul3A_1395 = arith.mulf %sub3A_1392, %sub3A_1392 : vector<16xf32>
      %mul3A_1396 = arith.mulf %sub3A_1394, %sub3A_1394 : vector<16xf32>
      %add3A_1397 = arith.addf %mul3A_1395, %mul3A_1396 : vector<16xf32>
      %lt3A_1398 = arith.cmpf olt, %add3A_1397, %select_n3A_1371 : vector<16xf32>
      %select_n3A_1399 = arith.select %lt3A_1398, %add3A_1397, %select_n3A_1371 : vector<16xi1>, vector<16xf32>
      %jit3A_1400 = arith.constant 47 : i32
      %broadcast_in_dim3A_1401 = vector.broadcast %jit3A_1400 : i32 to vector<16xi32>
      %select_n3A_1402 = arith.select %lt3A_1398, %broadcast_in_dim3A_1401, %select_n3A_1374 : vector<16xi1>, vector<16xi32>
      %slice3A_1403 = vector.extract_strided_slice %get3A_16 {offsets = [0], sizes = [1], strides = [1]} : vector<16xf32> to vector<1xf32>
      %squeeze3A_1404 = vector.extract %slice3A_1403[0] : f32 from vector<1xf32>
      %slice3A_1405 = vector.extract_strided_slice %get3A_32 {offsets = [0], sizes = [1], strides = [1]} : vector<16xf32> to vector<1xf32>
      %squeeze3A_1406 = vector.extract %slice3A_1405[0] : f32 from vector<1xf32>
      %sub3A_1407 = vector.broadcast %squeeze3A_1404 : f32 to vector<16xf32>
      %sub3A_1408 = arith.subf %gather3A, %sub3A_1407 : vector<16xf32>
      %sub3A_1409 = vector.broadcast %squeeze3A_1406 : f32 to vector<16xf32>
      %sub3A_1410 = arith.subf %gather3A_53, %sub3A_1409 : vector<16xf32>
      %mul3A_1411 = arith.mulf %sub3A_1408, %sub3A_1408 : vector<16xf32>
      %mul3A_1412 = arith.mulf %sub3A_1410, %sub3A_1410 : vector<16xf32>
      %add3A_1413 = arith.addf %mul3A_1411, %mul3A_1412 : vector<16xf32>
      %lt3A_1414 = arith.cmpf olt, %add3A_1413, %select_n3A_1387 : vector<16xf32>
      %select_n3A_1415 = arith.select %lt3A_1414, %add3A_1413, %select_n3A_1387 : vector<16xi1>, vector<16xf32>
      %jit3A_1416 = arith.constant 48 : i32
      %broadcast_in_dim3A_1417 = vector.broadcast %jit3A_1416 : i32 to vector<16xi32>
      %select_n3A_1418 = arith.select %lt3A_1414, %broadcast_in_dim3A_1417, %select_n3A_1390 : vector<16xi1>, vector<16xi32>
      %sub3A_1419 = vector.broadcast %squeeze3A_1404 : f32 to vector<16xf32>
      %sub3A_1420 = arith.subf %gather3A_60, %sub3A_1419 : vector<16xf32>
      %sub3A_1421 = vector.broadcast %squeeze3A_1406 : f32 to vector<16xf32>
      %sub3A_1422 = arith.subf %gather3A_61, %sub3A_1421 : vector<16xf32>
      %mul3A_1423 = arith.mulf %sub3A_1420, %sub3A_1420 : vector<16xf32>
      %mul3A_1424 = arith.mulf %sub3A_1422, %sub3A_1422 : vector<16xf32>
      %add3A_1425 = arith.addf %mul3A_1423, %mul3A_1424 : vector<16xf32>
      %lt3A_1426 = arith.cmpf olt, %add3A_1425, %select_n3A_1399 : vector<16xf32>
      %select_n3A_1427 = arith.select %lt3A_1426, %add3A_1425, %select_n3A_1399 : vector<16xi1>, vector<16xf32>
      %jit3A_1428 = arith.constant 48 : i32
      %broadcast_in_dim3A_1429 = vector.broadcast %jit3A_1428 : i32 to vector<16xi32>
      %select_n3A_1430 = arith.select %lt3A_1426, %broadcast_in_dim3A_1429, %select_n3A_1402 : vector<16xi1>, vector<16xi32>
      %slice3A_1431 = vector.extract_strided_slice %get3A_16 {offsets = [1], sizes = [1], strides = [1]} : vector<16xf32> to vector<1xf32>
      %squeeze3A_1432 = vector.extract %slice3A_1431[0] : f32 from vector<1xf32>
      %slice3A_1433 = vector.extract_strided_slice %get3A_32 {offsets = [1], sizes = [1], strides = [1]} : vector<16xf32> to vector<1xf32>
      %squeeze3A_1434 = vector.extract %slice3A_1433[0] : f32 from vector<1xf32>
      %sub3A_1435 = vector.broadcast %squeeze3A_1432 : f32 to vector<16xf32>
      %sub3A_1436 = arith.subf %gather3A, %sub3A_1435 : vector<16xf32>
      %sub3A_1437 = vector.broadcast %squeeze3A_1434 : f32 to vector<16xf32>
      %sub3A_1438 = arith.subf %gather3A_53, %sub3A_1437 : vector<16xf32>
      %mul3A_1439 = arith.mulf %sub3A_1436, %sub3A_1436 : vector<16xf32>
      %mul3A_1440 = arith.mulf %sub3A_1438, %sub3A_1438 : vector<16xf32>
      %add3A_1441 = arith.addf %mul3A_1439, %mul3A_1440 : vector<16xf32>
      %lt3A_1442 = arith.cmpf olt, %add3A_1441, %select_n3A_1415 : vector<16xf32>
      %select_n3A_1443 = arith.select %lt3A_1442, %add3A_1441, %select_n3A_1415 : vector<16xi1>, vector<16xf32>
      %jit3A_1444 = arith.constant 49 : i32
      %broadcast_in_dim3A_1445 = vector.broadcast %jit3A_1444 : i32 to vector<16xi32>
      %select_n3A_1446 = arith.select %lt3A_1442, %broadcast_in_dim3A_1445, %select_n3A_1418 : vector<16xi1>, vector<16xi32>
      %sub3A_1447 = vector.broadcast %squeeze3A_1432 : f32 to vector<16xf32>
      %sub3A_1448 = arith.subf %gather3A_60, %sub3A_1447 : vector<16xf32>
      %sub3A_1449 = vector.broadcast %squeeze3A_1434 : f32 to vector<16xf32>
      %sub3A_1450 = arith.subf %gather3A_61, %sub3A_1449 : vector<16xf32>
      %mul3A_1451 = arith.mulf %sub3A_1448, %sub3A_1448 : vector<16xf32>
      %mul3A_1452 = arith.mulf %sub3A_1450, %sub3A_1450 : vector<16xf32>
      %add3A_1453 = arith.addf %mul3A_1451, %mul3A_1452 : vector<16xf32>
      %lt3A_1454 = arith.cmpf olt, %add3A_1453, %select_n3A_1427 : vector<16xf32>
      %select_n3A_1455 = arith.select %lt3A_1454, %add3A_1453, %select_n3A_1427 : vector<16xi1>, vector<16xf32>
      %jit3A_1456 = arith.constant 49 : i32
      %broadcast_in_dim3A_1457 = vector.broadcast %jit3A_1456 : i32 to vector<16xi32>
      %select_n3A_1458 = arith.select %lt3A_1454, %broadcast_in_dim3A_1457, %select_n3A_1430 : vector<16xi1>, vector<16xi32>
      %slice3A_1459 = vector.extract_strided_slice %get3A_16 {offsets = [2], sizes = [1], strides = [1]} : vector<16xf32> to vector<1xf32>
      %squeeze3A_1460 = vector.extract %slice3A_1459[0] : f32 from vector<1xf32>
      %slice3A_1461 = vector.extract_strided_slice %get3A_32 {offsets = [2], sizes = [1], strides = [1]} : vector<16xf32> to vector<1xf32>
      %squeeze3A_1462 = vector.extract %slice3A_1461[0] : f32 from vector<1xf32>
      %sub3A_1463 = vector.broadcast %squeeze3A_1460 : f32 to vector<16xf32>
      %sub3A_1464 = arith.subf %gather3A, %sub3A_1463 : vector<16xf32>
      %sub3A_1465 = vector.broadcast %squeeze3A_1462 : f32 to vector<16xf32>
      %sub3A_1466 = arith.subf %gather3A_53, %sub3A_1465 : vector<16xf32>
      %mul3A_1467 = arith.mulf %sub3A_1464, %sub3A_1464 : vector<16xf32>
      %mul3A_1468 = arith.mulf %sub3A_1466, %sub3A_1466 : vector<16xf32>
      %add3A_1469 = arith.addf %mul3A_1467, %mul3A_1468 : vector<16xf32>
      %lt3A_1470 = arith.cmpf olt, %add3A_1469, %select_n3A_1443 : vector<16xf32>
      %select_n3A_1471 = arith.select %lt3A_1470, %add3A_1469, %select_n3A_1443 : vector<16xi1>, vector<16xf32>
      %jit3A_1472 = arith.constant 50 : i32
      %broadcast_in_dim3A_1473 = vector.broadcast %jit3A_1472 : i32 to vector<16xi32>
      %select_n3A_1474 = arith.select %lt3A_1470, %broadcast_in_dim3A_1473, %select_n3A_1446 : vector<16xi1>, vector<16xi32>
      %sub3A_1475 = vector.broadcast %squeeze3A_1460 : f32 to vector<16xf32>
      %sub3A_1476 = arith.subf %gather3A_60, %sub3A_1475 : vector<16xf32>
      %sub3A_1477 = vector.broadcast %squeeze3A_1462 : f32 to vector<16xf32>
      %sub3A_1478 = arith.subf %gather3A_61, %sub3A_1477 : vector<16xf32>
      %mul3A_1479 = arith.mulf %sub3A_1476, %sub3A_1476 : vector<16xf32>
      %mul3A_1480 = arith.mulf %sub3A_1478, %sub3A_1478 : vector<16xf32>
      %add3A_1481 = arith.addf %mul3A_1479, %mul3A_1480 : vector<16xf32>
      %lt3A_1482 = arith.cmpf olt, %add3A_1481, %select_n3A_1455 : vector<16xf32>
      %select_n3A_1483 = arith.select %lt3A_1482, %add3A_1481, %select_n3A_1455 : vector<16xi1>, vector<16xf32>
      %jit3A_1484 = arith.constant 50 : i32
      %broadcast_in_dim3A_1485 = vector.broadcast %jit3A_1484 : i32 to vector<16xi32>
      %select_n3A_1486 = arith.select %lt3A_1482, %broadcast_in_dim3A_1485, %select_n3A_1458 : vector<16xi1>, vector<16xi32>
      %slice3A_1487 = vector.extract_strided_slice %get3A_16 {offsets = [3], sizes = [1], strides = [1]} : vector<16xf32> to vector<1xf32>
      %squeeze3A_1488 = vector.extract %slice3A_1487[0] : f32 from vector<1xf32>
      %slice3A_1489 = vector.extract_strided_slice %get3A_32 {offsets = [3], sizes = [1], strides = [1]} : vector<16xf32> to vector<1xf32>
      %squeeze3A_1490 = vector.extract %slice3A_1489[0] : f32 from vector<1xf32>
      %sub3A_1491 = vector.broadcast %squeeze3A_1488 : f32 to vector<16xf32>
      %sub3A_1492 = arith.subf %gather3A, %sub3A_1491 : vector<16xf32>
      %sub3A_1493 = vector.broadcast %squeeze3A_1490 : f32 to vector<16xf32>
      %sub3A_1494 = arith.subf %gather3A_53, %sub3A_1493 : vector<16xf32>
      %mul3A_1495 = arith.mulf %sub3A_1492, %sub3A_1492 : vector<16xf32>
      %mul3A_1496 = arith.mulf %sub3A_1494, %sub3A_1494 : vector<16xf32>
      %add3A_1497 = arith.addf %mul3A_1495, %mul3A_1496 : vector<16xf32>
      %lt3A_1498 = arith.cmpf olt, %add3A_1497, %select_n3A_1471 : vector<16xf32>
      %select_n3A_1499 = arith.select %lt3A_1498, %add3A_1497, %select_n3A_1471 : vector<16xi1>, vector<16xf32>
      %jit3A_1500 = arith.constant 51 : i32
      %broadcast_in_dim3A_1501 = vector.broadcast %jit3A_1500 : i32 to vector<16xi32>
      %select_n3A_1502 = arith.select %lt3A_1498, %broadcast_in_dim3A_1501, %select_n3A_1474 : vector<16xi1>, vector<16xi32>
      %sub3A_1503 = vector.broadcast %squeeze3A_1488 : f32 to vector<16xf32>
      %sub3A_1504 = arith.subf %gather3A_60, %sub3A_1503 : vector<16xf32>
      %sub3A_1505 = vector.broadcast %squeeze3A_1490 : f32 to vector<16xf32>
      %sub3A_1506 = arith.subf %gather3A_61, %sub3A_1505 : vector<16xf32>
      %mul3A_1507 = arith.mulf %sub3A_1504, %sub3A_1504 : vector<16xf32>
      %mul3A_1508 = arith.mulf %sub3A_1506, %sub3A_1506 : vector<16xf32>
      %add3A_1509 = arith.addf %mul3A_1507, %mul3A_1508 : vector<16xf32>
      %lt3A_1510 = arith.cmpf olt, %add3A_1509, %select_n3A_1483 : vector<16xf32>
      %select_n3A_1511 = arith.select %lt3A_1510, %add3A_1509, %select_n3A_1483 : vector<16xi1>, vector<16xf32>
      %jit3A_1512 = arith.constant 51 : i32
      %broadcast_in_dim3A_1513 = vector.broadcast %jit3A_1512 : i32 to vector<16xi32>
      %select_n3A_1514 = arith.select %lt3A_1510, %broadcast_in_dim3A_1513, %select_n3A_1486 : vector<16xi1>, vector<16xi32>
      %slice3A_1515 = vector.extract_strided_slice %get3A_16 {offsets = [4], sizes = [1], strides = [1]} : vector<16xf32> to vector<1xf32>
      %squeeze3A_1516 = vector.extract %slice3A_1515[0] : f32 from vector<1xf32>
      %slice3A_1517 = vector.extract_strided_slice %get3A_32 {offsets = [4], sizes = [1], strides = [1]} : vector<16xf32> to vector<1xf32>
      %squeeze3A_1518 = vector.extract %slice3A_1517[0] : f32 from vector<1xf32>
      %sub3A_1519 = vector.broadcast %squeeze3A_1516 : f32 to vector<16xf32>
      %sub3A_1520 = arith.subf %gather3A, %sub3A_1519 : vector<16xf32>
      %sub3A_1521 = vector.broadcast %squeeze3A_1518 : f32 to vector<16xf32>
      %sub3A_1522 = arith.subf %gather3A_53, %sub3A_1521 : vector<16xf32>
      %mul3A_1523 = arith.mulf %sub3A_1520, %sub3A_1520 : vector<16xf32>
      %mul3A_1524 = arith.mulf %sub3A_1522, %sub3A_1522 : vector<16xf32>
      %add3A_1525 = arith.addf %mul3A_1523, %mul3A_1524 : vector<16xf32>
      %lt3A_1526 = arith.cmpf olt, %add3A_1525, %select_n3A_1499 : vector<16xf32>
      %select_n3A_1527 = arith.select %lt3A_1526, %add3A_1525, %select_n3A_1499 : vector<16xi1>, vector<16xf32>
      %jit3A_1528 = arith.constant 52 : i32
      %broadcast_in_dim3A_1529 = vector.broadcast %jit3A_1528 : i32 to vector<16xi32>
      %select_n3A_1530 = arith.select %lt3A_1526, %broadcast_in_dim3A_1529, %select_n3A_1502 : vector<16xi1>, vector<16xi32>
      %sub3A_1531 = vector.broadcast %squeeze3A_1516 : f32 to vector<16xf32>
      %sub3A_1532 = arith.subf %gather3A_60, %sub3A_1531 : vector<16xf32>
      %sub3A_1533 = vector.broadcast %squeeze3A_1518 : f32 to vector<16xf32>
      %sub3A_1534 = arith.subf %gather3A_61, %sub3A_1533 : vector<16xf32>
      %mul3A_1535 = arith.mulf %sub3A_1532, %sub3A_1532 : vector<16xf32>
      %mul3A_1536 = arith.mulf %sub3A_1534, %sub3A_1534 : vector<16xf32>
      %add3A_1537 = arith.addf %mul3A_1535, %mul3A_1536 : vector<16xf32>
      %lt3A_1538 = arith.cmpf olt, %add3A_1537, %select_n3A_1511 : vector<16xf32>
      %select_n3A_1539 = arith.select %lt3A_1538, %add3A_1537, %select_n3A_1511 : vector<16xi1>, vector<16xf32>
      %jit3A_1540 = arith.constant 52 : i32
      %broadcast_in_dim3A_1541 = vector.broadcast %jit3A_1540 : i32 to vector<16xi32>
      %select_n3A_1542 = arith.select %lt3A_1538, %broadcast_in_dim3A_1541, %select_n3A_1514 : vector<16xi1>, vector<16xi32>
      %slice3A_1543 = vector.extract_strided_slice %get3A_16 {offsets = [5], sizes = [1], strides = [1]} : vector<16xf32> to vector<1xf32>
      %squeeze3A_1544 = vector.extract %slice3A_1543[0] : f32 from vector<1xf32>
      %slice3A_1545 = vector.extract_strided_slice %get3A_32 {offsets = [5], sizes = [1], strides = [1]} : vector<16xf32> to vector<1xf32>
      %squeeze3A_1546 = vector.extract %slice3A_1545[0] : f32 from vector<1xf32>
      %sub3A_1547 = vector.broadcast %squeeze3A_1544 : f32 to vector<16xf32>
      %sub3A_1548 = arith.subf %gather3A, %sub3A_1547 : vector<16xf32>
      %sub3A_1549 = vector.broadcast %squeeze3A_1546 : f32 to vector<16xf32>
      %sub3A_1550 = arith.subf %gather3A_53, %sub3A_1549 : vector<16xf32>
      %mul3A_1551 = arith.mulf %sub3A_1548, %sub3A_1548 : vector<16xf32>
      %mul3A_1552 = arith.mulf %sub3A_1550, %sub3A_1550 : vector<16xf32>
      %add3A_1553 = arith.addf %mul3A_1551, %mul3A_1552 : vector<16xf32>
      %lt3A_1554 = arith.cmpf olt, %add3A_1553, %select_n3A_1527 : vector<16xf32>
      %select_n3A_1555 = arith.select %lt3A_1554, %add3A_1553, %select_n3A_1527 : vector<16xi1>, vector<16xf32>
      %jit3A_1556 = arith.constant 53 : i32
      %broadcast_in_dim3A_1557 = vector.broadcast %jit3A_1556 : i32 to vector<16xi32>
      %select_n3A_1558 = arith.select %lt3A_1554, %broadcast_in_dim3A_1557, %select_n3A_1530 : vector<16xi1>, vector<16xi32>
      %sub3A_1559 = vector.broadcast %squeeze3A_1544 : f32 to vector<16xf32>
      %sub3A_1560 = arith.subf %gather3A_60, %sub3A_1559 : vector<16xf32>
      %sub3A_1561 = vector.broadcast %squeeze3A_1546 : f32 to vector<16xf32>
      %sub3A_1562 = arith.subf %gather3A_61, %sub3A_1561 : vector<16xf32>
      %mul3A_1563 = arith.mulf %sub3A_1560, %sub3A_1560 : vector<16xf32>
      %mul3A_1564 = arith.mulf %sub3A_1562, %sub3A_1562 : vector<16xf32>
      %add3A_1565 = arith.addf %mul3A_1563, %mul3A_1564 : vector<16xf32>
      %lt3A_1566 = arith.cmpf olt, %add3A_1565, %select_n3A_1539 : vector<16xf32>
      %select_n3A_1567 = arith.select %lt3A_1566, %add3A_1565, %select_n3A_1539 : vector<16xi1>, vector<16xf32>
      %jit3A_1568 = arith.constant 53 : i32
      %broadcast_in_dim3A_1569 = vector.broadcast %jit3A_1568 : i32 to vector<16xi32>
      %select_n3A_1570 = arith.select %lt3A_1566, %broadcast_in_dim3A_1569, %select_n3A_1542 : vector<16xi1>, vector<16xi32>
      %slice3A_1571 = vector.extract_strided_slice %get3A_16 {offsets = [6], sizes = [1], strides = [1]} : vector<16xf32> to vector<1xf32>
      %squeeze3A_1572 = vector.extract %slice3A_1571[0] : f32 from vector<1xf32>
      %slice3A_1573 = vector.extract_strided_slice %get3A_32 {offsets = [6], sizes = [1], strides = [1]} : vector<16xf32> to vector<1xf32>
      %squeeze3A_1574 = vector.extract %slice3A_1573[0] : f32 from vector<1xf32>
      %sub3A_1575 = vector.broadcast %squeeze3A_1572 : f32 to vector<16xf32>
      %sub3A_1576 = arith.subf %gather3A, %sub3A_1575 : vector<16xf32>
      %sub3A_1577 = vector.broadcast %squeeze3A_1574 : f32 to vector<16xf32>
      %sub3A_1578 = arith.subf %gather3A_53, %sub3A_1577 : vector<16xf32>
      %mul3A_1579 = arith.mulf %sub3A_1576, %sub3A_1576 : vector<16xf32>
      %mul3A_1580 = arith.mulf %sub3A_1578, %sub3A_1578 : vector<16xf32>
      %add3A_1581 = arith.addf %mul3A_1579, %mul3A_1580 : vector<16xf32>
      %lt3A_1582 = arith.cmpf olt, %add3A_1581, %select_n3A_1555 : vector<16xf32>
      %select_n3A_1583 = arith.select %lt3A_1582, %add3A_1581, %select_n3A_1555 : vector<16xi1>, vector<16xf32>
      %jit3A_1584 = arith.constant 54 : i32
      %broadcast_in_dim3A_1585 = vector.broadcast %jit3A_1584 : i32 to vector<16xi32>
      %select_n3A_1586 = arith.select %lt3A_1582, %broadcast_in_dim3A_1585, %select_n3A_1558 : vector<16xi1>, vector<16xi32>
      %sub3A_1587 = vector.broadcast %squeeze3A_1572 : f32 to vector<16xf32>
      %sub3A_1588 = arith.subf %gather3A_60, %sub3A_1587 : vector<16xf32>
      %sub3A_1589 = vector.broadcast %squeeze3A_1574 : f32 to vector<16xf32>
      %sub3A_1590 = arith.subf %gather3A_61, %sub3A_1589 : vector<16xf32>
      %mul3A_1591 = arith.mulf %sub3A_1588, %sub3A_1588 : vector<16xf32>
      %mul3A_1592 = arith.mulf %sub3A_1590, %sub3A_1590 : vector<16xf32>
      %add3A_1593 = arith.addf %mul3A_1591, %mul3A_1592 : vector<16xf32>
      %lt3A_1594 = arith.cmpf olt, %add3A_1593, %select_n3A_1567 : vector<16xf32>
      %select_n3A_1595 = arith.select %lt3A_1594, %add3A_1593, %select_n3A_1567 : vector<16xi1>, vector<16xf32>
      %jit3A_1596 = arith.constant 54 : i32
      %broadcast_in_dim3A_1597 = vector.broadcast %jit3A_1596 : i32 to vector<16xi32>
      %select_n3A_1598 = arith.select %lt3A_1594, %broadcast_in_dim3A_1597, %select_n3A_1570 : vector<16xi1>, vector<16xi32>
      %slice3A_1599 = vector.extract_strided_slice %get3A_16 {offsets = [7], sizes = [1], strides = [1]} : vector<16xf32> to vector<1xf32>
      %squeeze3A_1600 = vector.extract %slice3A_1599[0] : f32 from vector<1xf32>
      %slice3A_1601 = vector.extract_strided_slice %get3A_32 {offsets = [7], sizes = [1], strides = [1]} : vector<16xf32> to vector<1xf32>
      %squeeze3A_1602 = vector.extract %slice3A_1601[0] : f32 from vector<1xf32>
      %sub3A_1603 = vector.broadcast %squeeze3A_1600 : f32 to vector<16xf32>
      %sub3A_1604 = arith.subf %gather3A, %sub3A_1603 : vector<16xf32>
      %sub3A_1605 = vector.broadcast %squeeze3A_1602 : f32 to vector<16xf32>
      %sub3A_1606 = arith.subf %gather3A_53, %sub3A_1605 : vector<16xf32>
      %mul3A_1607 = arith.mulf %sub3A_1604, %sub3A_1604 : vector<16xf32>
      %mul3A_1608 = arith.mulf %sub3A_1606, %sub3A_1606 : vector<16xf32>
      %add3A_1609 = arith.addf %mul3A_1607, %mul3A_1608 : vector<16xf32>
      %lt3A_1610 = arith.cmpf olt, %add3A_1609, %select_n3A_1583 : vector<16xf32>
      %select_n3A_1611 = arith.select %lt3A_1610, %add3A_1609, %select_n3A_1583 : vector<16xi1>, vector<16xf32>
      %jit3A_1612 = arith.constant 55 : i32
      %broadcast_in_dim3A_1613 = vector.broadcast %jit3A_1612 : i32 to vector<16xi32>
      %select_n3A_1614 = arith.select %lt3A_1610, %broadcast_in_dim3A_1613, %select_n3A_1586 : vector<16xi1>, vector<16xi32>
      %sub3A_1615 = vector.broadcast %squeeze3A_1600 : f32 to vector<16xf32>
      %sub3A_1616 = arith.subf %gather3A_60, %sub3A_1615 : vector<16xf32>
      %sub3A_1617 = vector.broadcast %squeeze3A_1602 : f32 to vector<16xf32>
      %sub3A_1618 = arith.subf %gather3A_61, %sub3A_1617 : vector<16xf32>
      %mul3A_1619 = arith.mulf %sub3A_1616, %sub3A_1616 : vector<16xf32>
      %mul3A_1620 = arith.mulf %sub3A_1618, %sub3A_1618 : vector<16xf32>
      %add3A_1621 = arith.addf %mul3A_1619, %mul3A_1620 : vector<16xf32>
      %lt3A_1622 = arith.cmpf olt, %add3A_1621, %select_n3A_1595 : vector<16xf32>
      %select_n3A_1623 = arith.select %lt3A_1622, %add3A_1621, %select_n3A_1595 : vector<16xi1>, vector<16xf32>
      %jit3A_1624 = arith.constant 55 : i32
      %broadcast_in_dim3A_1625 = vector.broadcast %jit3A_1624 : i32 to vector<16xi32>
      %select_n3A_1626 = arith.select %lt3A_1622, %broadcast_in_dim3A_1625, %select_n3A_1598 : vector<16xi1>, vector<16xi32>
      %slice3A_1627 = vector.extract_strided_slice %get3A_16 {offsets = [8], sizes = [1], strides = [1]} : vector<16xf32> to vector<1xf32>
      %squeeze3A_1628 = vector.extract %slice3A_1627[0] : f32 from vector<1xf32>
      %slice3A_1629 = vector.extract_strided_slice %get3A_32 {offsets = [8], sizes = [1], strides = [1]} : vector<16xf32> to vector<1xf32>
      %squeeze3A_1630 = vector.extract %slice3A_1629[0] : f32 from vector<1xf32>
      %sub3A_1631 = vector.broadcast %squeeze3A_1628 : f32 to vector<16xf32>
      %sub3A_1632 = arith.subf %gather3A, %sub3A_1631 : vector<16xf32>
      %sub3A_1633 = vector.broadcast %squeeze3A_1630 : f32 to vector<16xf32>
      %sub3A_1634 = arith.subf %gather3A_53, %sub3A_1633 : vector<16xf32>
      %mul3A_1635 = arith.mulf %sub3A_1632, %sub3A_1632 : vector<16xf32>
      %mul3A_1636 = arith.mulf %sub3A_1634, %sub3A_1634 : vector<16xf32>
      %add3A_1637 = arith.addf %mul3A_1635, %mul3A_1636 : vector<16xf32>
      %lt3A_1638 = arith.cmpf olt, %add3A_1637, %select_n3A_1611 : vector<16xf32>
      %select_n3A_1639 = arith.select %lt3A_1638, %add3A_1637, %select_n3A_1611 : vector<16xi1>, vector<16xf32>
      %jit3A_1640 = arith.constant 56 : i32
      %broadcast_in_dim3A_1641 = vector.broadcast %jit3A_1640 : i32 to vector<16xi32>
      %select_n3A_1642 = arith.select %lt3A_1638, %broadcast_in_dim3A_1641, %select_n3A_1614 : vector<16xi1>, vector<16xi32>
      %sub3A_1643 = vector.broadcast %squeeze3A_1628 : f32 to vector<16xf32>
      %sub3A_1644 = arith.subf %gather3A_60, %sub3A_1643 : vector<16xf32>
      %sub3A_1645 = vector.broadcast %squeeze3A_1630 : f32 to vector<16xf32>
      %sub3A_1646 = arith.subf %gather3A_61, %sub3A_1645 : vector<16xf32>
      %mul3A_1647 = arith.mulf %sub3A_1644, %sub3A_1644 : vector<16xf32>
      %mul3A_1648 = arith.mulf %sub3A_1646, %sub3A_1646 : vector<16xf32>
      %add3A_1649 = arith.addf %mul3A_1647, %mul3A_1648 : vector<16xf32>
      %lt3A_1650 = arith.cmpf olt, %add3A_1649, %select_n3A_1623 : vector<16xf32>
      %select_n3A_1651 = arith.select %lt3A_1650, %add3A_1649, %select_n3A_1623 : vector<16xi1>, vector<16xf32>
      %jit3A_1652 = arith.constant 56 : i32
      %broadcast_in_dim3A_1653 = vector.broadcast %jit3A_1652 : i32 to vector<16xi32>
      %select_n3A_1654 = arith.select %lt3A_1650, %broadcast_in_dim3A_1653, %select_n3A_1626 : vector<16xi1>, vector<16xi32>
      %slice3A_1655 = vector.extract_strided_slice %get3A_16 {offsets = [9], sizes = [1], strides = [1]} : vector<16xf32> to vector<1xf32>
      %squeeze3A_1656 = vector.extract %slice3A_1655[0] : f32 from vector<1xf32>
      %slice3A_1657 = vector.extract_strided_slice %get3A_32 {offsets = [9], sizes = [1], strides = [1]} : vector<16xf32> to vector<1xf32>
      %squeeze3A_1658 = vector.extract %slice3A_1657[0] : f32 from vector<1xf32>
      %sub3A_1659 = vector.broadcast %squeeze3A_1656 : f32 to vector<16xf32>
      %sub3A_1660 = arith.subf %gather3A, %sub3A_1659 : vector<16xf32>
      %sub3A_1661 = vector.broadcast %squeeze3A_1658 : f32 to vector<16xf32>
      %sub3A_1662 = arith.subf %gather3A_53, %sub3A_1661 : vector<16xf32>
      %mul3A_1663 = arith.mulf %sub3A_1660, %sub3A_1660 : vector<16xf32>
      %mul3A_1664 = arith.mulf %sub3A_1662, %sub3A_1662 : vector<16xf32>
      %add3A_1665 = arith.addf %mul3A_1663, %mul3A_1664 : vector<16xf32>
      %lt3A_1666 = arith.cmpf olt, %add3A_1665, %select_n3A_1639 : vector<16xf32>
      %select_n3A_1667 = arith.select %lt3A_1666, %add3A_1665, %select_n3A_1639 : vector<16xi1>, vector<16xf32>
      %jit3A_1668 = arith.constant 57 : i32
      %broadcast_in_dim3A_1669 = vector.broadcast %jit3A_1668 : i32 to vector<16xi32>
      %select_n3A_1670 = arith.select %lt3A_1666, %broadcast_in_dim3A_1669, %select_n3A_1642 : vector<16xi1>, vector<16xi32>
      %sub3A_1671 = vector.broadcast %squeeze3A_1656 : f32 to vector<16xf32>
      %sub3A_1672 = arith.subf %gather3A_60, %sub3A_1671 : vector<16xf32>
      %sub3A_1673 = vector.broadcast %squeeze3A_1658 : f32 to vector<16xf32>
      %sub3A_1674 = arith.subf %gather3A_61, %sub3A_1673 : vector<16xf32>
      %mul3A_1675 = arith.mulf %sub3A_1672, %sub3A_1672 : vector<16xf32>
      %mul3A_1676 = arith.mulf %sub3A_1674, %sub3A_1674 : vector<16xf32>
      %add3A_1677 = arith.addf %mul3A_1675, %mul3A_1676 : vector<16xf32>
      %lt3A_1678 = arith.cmpf olt, %add3A_1677, %select_n3A_1651 : vector<16xf32>
      %select_n3A_1679 = arith.select %lt3A_1678, %add3A_1677, %select_n3A_1651 : vector<16xi1>, vector<16xf32>
      %jit3A_1680 = arith.constant 57 : i32
      %broadcast_in_dim3A_1681 = vector.broadcast %jit3A_1680 : i32 to vector<16xi32>
      %select_n3A_1682 = arith.select %lt3A_1678, %broadcast_in_dim3A_1681, %select_n3A_1654 : vector<16xi1>, vector<16xi32>
      %slice3A_1683 = vector.extract_strided_slice %get3A_16 {offsets = [10], sizes = [1], strides = [1]} : vector<16xf32> to vector<1xf32>
      %squeeze3A_1684 = vector.extract %slice3A_1683[0] : f32 from vector<1xf32>
      %slice3A_1685 = vector.extract_strided_slice %get3A_32 {offsets = [10], sizes = [1], strides = [1]} : vector<16xf32> to vector<1xf32>
      %squeeze3A_1686 = vector.extract %slice3A_1685[0] : f32 from vector<1xf32>
      %sub3A_1687 = vector.broadcast %squeeze3A_1684 : f32 to vector<16xf32>
      %sub3A_1688 = arith.subf %gather3A, %sub3A_1687 : vector<16xf32>
      %sub3A_1689 = vector.broadcast %squeeze3A_1686 : f32 to vector<16xf32>
      %sub3A_1690 = arith.subf %gather3A_53, %sub3A_1689 : vector<16xf32>
      %mul3A_1691 = arith.mulf %sub3A_1688, %sub3A_1688 : vector<16xf32>
      %mul3A_1692 = arith.mulf %sub3A_1690, %sub3A_1690 : vector<16xf32>
      %add3A_1693 = arith.addf %mul3A_1691, %mul3A_1692 : vector<16xf32>
      %lt3A_1694 = arith.cmpf olt, %add3A_1693, %select_n3A_1667 : vector<16xf32>
      %select_n3A_1695 = arith.select %lt3A_1694, %add3A_1693, %select_n3A_1667 : vector<16xi1>, vector<16xf32>
      %jit3A_1696 = arith.constant 58 : i32
      %broadcast_in_dim3A_1697 = vector.broadcast %jit3A_1696 : i32 to vector<16xi32>
      %select_n3A_1698 = arith.select %lt3A_1694, %broadcast_in_dim3A_1697, %select_n3A_1670 : vector<16xi1>, vector<16xi32>
      %sub3A_1699 = vector.broadcast %squeeze3A_1684 : f32 to vector<16xf32>
      %sub3A_1700 = arith.subf %gather3A_60, %sub3A_1699 : vector<16xf32>
      %sub3A_1701 = vector.broadcast %squeeze3A_1686 : f32 to vector<16xf32>
      %sub3A_1702 = arith.subf %gather3A_61, %sub3A_1701 : vector<16xf32>
      %mul3A_1703 = arith.mulf %sub3A_1700, %sub3A_1700 : vector<16xf32>
      %mul3A_1704 = arith.mulf %sub3A_1702, %sub3A_1702 : vector<16xf32>
      %add3A_1705 = arith.addf %mul3A_1703, %mul3A_1704 : vector<16xf32>
      %lt3A_1706 = arith.cmpf olt, %add3A_1705, %select_n3A_1679 : vector<16xf32>
      %select_n3A_1707 = arith.select %lt3A_1706, %add3A_1705, %select_n3A_1679 : vector<16xi1>, vector<16xf32>
      %jit3A_1708 = arith.constant 58 : i32
      %broadcast_in_dim3A_1709 = vector.broadcast %jit3A_1708 : i32 to vector<16xi32>
      %select_n3A_1710 = arith.select %lt3A_1706, %broadcast_in_dim3A_1709, %select_n3A_1682 : vector<16xi1>, vector<16xi32>
      %slice3A_1711 = vector.extract_strided_slice %get3A_16 {offsets = [11], sizes = [1], strides = [1]} : vector<16xf32> to vector<1xf32>
      %squeeze3A_1712 = vector.extract %slice3A_1711[0] : f32 from vector<1xf32>
      %slice3A_1713 = vector.extract_strided_slice %get3A_32 {offsets = [11], sizes = [1], strides = [1]} : vector<16xf32> to vector<1xf32>
      %squeeze3A_1714 = vector.extract %slice3A_1713[0] : f32 from vector<1xf32>
      %sub3A_1715 = vector.broadcast %squeeze3A_1712 : f32 to vector<16xf32>
      %sub3A_1716 = arith.subf %gather3A, %sub3A_1715 : vector<16xf32>
      %sub3A_1717 = vector.broadcast %squeeze3A_1714 : f32 to vector<16xf32>
      %sub3A_1718 = arith.subf %gather3A_53, %sub3A_1717 : vector<16xf32>
      %mul3A_1719 = arith.mulf %sub3A_1716, %sub3A_1716 : vector<16xf32>
      %mul3A_1720 = arith.mulf %sub3A_1718, %sub3A_1718 : vector<16xf32>
      %add3A_1721 = arith.addf %mul3A_1719, %mul3A_1720 : vector<16xf32>
      %lt3A_1722 = arith.cmpf olt, %add3A_1721, %select_n3A_1695 : vector<16xf32>
      %select_n3A_1723 = arith.select %lt3A_1722, %add3A_1721, %select_n3A_1695 : vector<16xi1>, vector<16xf32>
      %jit3A_1724 = arith.constant 59 : i32
      %broadcast_in_dim3A_1725 = vector.broadcast %jit3A_1724 : i32 to vector<16xi32>
      %select_n3A_1726 = arith.select %lt3A_1722, %broadcast_in_dim3A_1725, %select_n3A_1698 : vector<16xi1>, vector<16xi32>
      %sub3A_1727 = vector.broadcast %squeeze3A_1712 : f32 to vector<16xf32>
      %sub3A_1728 = arith.subf %gather3A_60, %sub3A_1727 : vector<16xf32>
      %sub3A_1729 = vector.broadcast %squeeze3A_1714 : f32 to vector<16xf32>
      %sub3A_1730 = arith.subf %gather3A_61, %sub3A_1729 : vector<16xf32>
      %mul3A_1731 = arith.mulf %sub3A_1728, %sub3A_1728 : vector<16xf32>
      %mul3A_1732 = arith.mulf %sub3A_1730, %sub3A_1730 : vector<16xf32>
      %add3A_1733 = arith.addf %mul3A_1731, %mul3A_1732 : vector<16xf32>
      %lt3A_1734 = arith.cmpf olt, %add3A_1733, %select_n3A_1707 : vector<16xf32>
      %select_n3A_1735 = arith.select %lt3A_1734, %add3A_1733, %select_n3A_1707 : vector<16xi1>, vector<16xf32>
      %jit3A_1736 = arith.constant 59 : i32
      %broadcast_in_dim3A_1737 = vector.broadcast %jit3A_1736 : i32 to vector<16xi32>
      %select_n3A_1738 = arith.select %lt3A_1734, %broadcast_in_dim3A_1737, %select_n3A_1710 : vector<16xi1>, vector<16xi32>
      %slice3A_1739 = vector.extract_strided_slice %get3A_16 {offsets = [12], sizes = [1], strides = [1]} : vector<16xf32> to vector<1xf32>
      %squeeze3A_1740 = vector.extract %slice3A_1739[0] : f32 from vector<1xf32>
      %slice3A_1741 = vector.extract_strided_slice %get3A_32 {offsets = [12], sizes = [1], strides = [1]} : vector<16xf32> to vector<1xf32>
      %squeeze3A_1742 = vector.extract %slice3A_1741[0] : f32 from vector<1xf32>
      %sub3A_1743 = vector.broadcast %squeeze3A_1740 : f32 to vector<16xf32>
      %sub3A_1744 = arith.subf %gather3A, %sub3A_1743 : vector<16xf32>
      %sub3A_1745 = vector.broadcast %squeeze3A_1742 : f32 to vector<16xf32>
      %sub3A_1746 = arith.subf %gather3A_53, %sub3A_1745 : vector<16xf32>
      %mul3A_1747 = arith.mulf %sub3A_1744, %sub3A_1744 : vector<16xf32>
      %mul3A_1748 = arith.mulf %sub3A_1746, %sub3A_1746 : vector<16xf32>
      %add3A_1749 = arith.addf %mul3A_1747, %mul3A_1748 : vector<16xf32>
      %lt3A_1750 = arith.cmpf olt, %add3A_1749, %select_n3A_1723 : vector<16xf32>
      %select_n3A_1751 = arith.select %lt3A_1750, %add3A_1749, %select_n3A_1723 : vector<16xi1>, vector<16xf32>
      %jit3A_1752 = arith.constant 60 : i32
      %broadcast_in_dim3A_1753 = vector.broadcast %jit3A_1752 : i32 to vector<16xi32>
      %select_n3A_1754 = arith.select %lt3A_1750, %broadcast_in_dim3A_1753, %select_n3A_1726 : vector<16xi1>, vector<16xi32>
      %sub3A_1755 = vector.broadcast %squeeze3A_1740 : f32 to vector<16xf32>
      %sub3A_1756 = arith.subf %gather3A_60, %sub3A_1755 : vector<16xf32>
      %sub3A_1757 = vector.broadcast %squeeze3A_1742 : f32 to vector<16xf32>
      %sub3A_1758 = arith.subf %gather3A_61, %sub3A_1757 : vector<16xf32>
      %mul3A_1759 = arith.mulf %sub3A_1756, %sub3A_1756 : vector<16xf32>
      %mul3A_1760 = arith.mulf %sub3A_1758, %sub3A_1758 : vector<16xf32>
      %add3A_1761 = arith.addf %mul3A_1759, %mul3A_1760 : vector<16xf32>
      %lt3A_1762 = arith.cmpf olt, %add3A_1761, %select_n3A_1735 : vector<16xf32>
      %select_n3A_1763 = arith.select %lt3A_1762, %add3A_1761, %select_n3A_1735 : vector<16xi1>, vector<16xf32>
      %jit3A_1764 = arith.constant 60 : i32
      %broadcast_in_dim3A_1765 = vector.broadcast %jit3A_1764 : i32 to vector<16xi32>
      %select_n3A_1766 = arith.select %lt3A_1762, %broadcast_in_dim3A_1765, %select_n3A_1738 : vector<16xi1>, vector<16xi32>
      %slice3A_1767 = vector.extract_strided_slice %get3A_16 {offsets = [13], sizes = [1], strides = [1]} : vector<16xf32> to vector<1xf32>
      %squeeze3A_1768 = vector.extract %slice3A_1767[0] : f32 from vector<1xf32>
      %slice3A_1769 = vector.extract_strided_slice %get3A_32 {offsets = [13], sizes = [1], strides = [1]} : vector<16xf32> to vector<1xf32>
      %squeeze3A_1770 = vector.extract %slice3A_1769[0] : f32 from vector<1xf32>
      %sub3A_1771 = vector.broadcast %squeeze3A_1768 : f32 to vector<16xf32>
      %sub3A_1772 = arith.subf %gather3A, %sub3A_1771 : vector<16xf32>
      %sub3A_1773 = vector.broadcast %squeeze3A_1770 : f32 to vector<16xf32>
      %sub3A_1774 = arith.subf %gather3A_53, %sub3A_1773 : vector<16xf32>
      %mul3A_1775 = arith.mulf %sub3A_1772, %sub3A_1772 : vector<16xf32>
      %mul3A_1776 = arith.mulf %sub3A_1774, %sub3A_1774 : vector<16xf32>
      %add3A_1777 = arith.addf %mul3A_1775, %mul3A_1776 : vector<16xf32>
      %lt3A_1778 = arith.cmpf olt, %add3A_1777, %select_n3A_1751 : vector<16xf32>
      %select_n3A_1779 = arith.select %lt3A_1778, %add3A_1777, %select_n3A_1751 : vector<16xi1>, vector<16xf32>
      %jit3A_1780 = arith.constant 61 : i32
      %broadcast_in_dim3A_1781 = vector.broadcast %jit3A_1780 : i32 to vector<16xi32>
      %select_n3A_1782 = arith.select %lt3A_1778, %broadcast_in_dim3A_1781, %select_n3A_1754 : vector<16xi1>, vector<16xi32>
      %sub3A_1783 = vector.broadcast %squeeze3A_1768 : f32 to vector<16xf32>
      %sub3A_1784 = arith.subf %gather3A_60, %sub3A_1783 : vector<16xf32>
      %sub3A_1785 = vector.broadcast %squeeze3A_1770 : f32 to vector<16xf32>
      %sub3A_1786 = arith.subf %gather3A_61, %sub3A_1785 : vector<16xf32>
      %mul3A_1787 = arith.mulf %sub3A_1784, %sub3A_1784 : vector<16xf32>
      %mul3A_1788 = arith.mulf %sub3A_1786, %sub3A_1786 : vector<16xf32>
      %add3A_1789 = arith.addf %mul3A_1787, %mul3A_1788 : vector<16xf32>
      %lt3A_1790 = arith.cmpf olt, %add3A_1789, %select_n3A_1763 : vector<16xf32>
      %select_n3A_1791 = arith.select %lt3A_1790, %add3A_1789, %select_n3A_1763 : vector<16xi1>, vector<16xf32>
      %jit3A_1792 = arith.constant 61 : i32
      %broadcast_in_dim3A_1793 = vector.broadcast %jit3A_1792 : i32 to vector<16xi32>
      %select_n3A_1794 = arith.select %lt3A_1790, %broadcast_in_dim3A_1793, %select_n3A_1766 : vector<16xi1>, vector<16xi32>
      %slice3A_1795 = vector.extract_strided_slice %get3A_16 {offsets = [14], sizes = [1], strides = [1]} : vector<16xf32> to vector<1xf32>
      %squeeze3A_1796 = vector.extract %slice3A_1795[0] : f32 from vector<1xf32>
      %slice3A_1797 = vector.extract_strided_slice %get3A_32 {offsets = [14], sizes = [1], strides = [1]} : vector<16xf32> to vector<1xf32>
      %squeeze3A_1798 = vector.extract %slice3A_1797[0] : f32 from vector<1xf32>
      %sub3A_1799 = vector.broadcast %squeeze3A_1796 : f32 to vector<16xf32>
      %sub3A_1800 = arith.subf %gather3A, %sub3A_1799 : vector<16xf32>
      %sub3A_1801 = vector.broadcast %squeeze3A_1798 : f32 to vector<16xf32>
      %sub3A_1802 = arith.subf %gather3A_53, %sub3A_1801 : vector<16xf32>
      %mul3A_1803 = arith.mulf %sub3A_1800, %sub3A_1800 : vector<16xf32>
      %mul3A_1804 = arith.mulf %sub3A_1802, %sub3A_1802 : vector<16xf32>
      %add3A_1805 = arith.addf %mul3A_1803, %mul3A_1804 : vector<16xf32>
      %lt3A_1806 = arith.cmpf olt, %add3A_1805, %select_n3A_1779 : vector<16xf32>
      %select_n3A_1807 = arith.select %lt3A_1806, %add3A_1805, %select_n3A_1779 : vector<16xi1>, vector<16xf32>
      %jit3A_1808 = arith.constant 62 : i32
      %broadcast_in_dim3A_1809 = vector.broadcast %jit3A_1808 : i32 to vector<16xi32>
      %select_n3A_1810 = arith.select %lt3A_1806, %broadcast_in_dim3A_1809, %select_n3A_1782 : vector<16xi1>, vector<16xi32>
      %sub3A_1811 = vector.broadcast %squeeze3A_1796 : f32 to vector<16xf32>
      %sub3A_1812 = arith.subf %gather3A_60, %sub3A_1811 : vector<16xf32>
      %sub3A_1813 = vector.broadcast %squeeze3A_1798 : f32 to vector<16xf32>
      %sub3A_1814 = arith.subf %gather3A_61, %sub3A_1813 : vector<16xf32>
      %mul3A_1815 = arith.mulf %sub3A_1812, %sub3A_1812 : vector<16xf32>
      %mul3A_1816 = arith.mulf %sub3A_1814, %sub3A_1814 : vector<16xf32>
      %add3A_1817 = arith.addf %mul3A_1815, %mul3A_1816 : vector<16xf32>
      %lt3A_1818 = arith.cmpf olt, %add3A_1817, %select_n3A_1791 : vector<16xf32>
      %select_n3A_1819 = arith.select %lt3A_1818, %add3A_1817, %select_n3A_1791 : vector<16xi1>, vector<16xf32>
      %jit3A_1820 = arith.constant 62 : i32
      %broadcast_in_dim3A_1821 = vector.broadcast %jit3A_1820 : i32 to vector<16xi32>
      %select_n3A_1822 = arith.select %lt3A_1818, %broadcast_in_dim3A_1821, %select_n3A_1794 : vector<16xi1>, vector<16xi32>
      %slice3A_1823 = vector.extract_strided_slice %get3A_16 {offsets = [15], sizes = [1], strides = [1]} : vector<16xf32> to vector<1xf32>
      %squeeze3A_1824 = vector.extract %slice3A_1823[0] : f32 from vector<1xf32>
      %slice3A_1825 = vector.extract_strided_slice %get3A_32 {offsets = [15], sizes = [1], strides = [1]} : vector<16xf32> to vector<1xf32>
      %squeeze3A_1826 = vector.extract %slice3A_1825[0] : f32 from vector<1xf32>
      %sub3A_1827 = vector.broadcast %squeeze3A_1824 : f32 to vector<16xf32>
      %sub3A_1828 = arith.subf %gather3A, %sub3A_1827 : vector<16xf32>
      %sub3A_1829 = vector.broadcast %squeeze3A_1826 : f32 to vector<16xf32>
      %sub3A_1830 = arith.subf %gather3A_53, %sub3A_1829 : vector<16xf32>
      %mul3A_1831 = arith.mulf %sub3A_1828, %sub3A_1828 : vector<16xf32>
      %mul3A_1832 = arith.mulf %sub3A_1830, %sub3A_1830 : vector<16xf32>
      %add3A_1833 = arith.addf %mul3A_1831, %mul3A_1832 : vector<16xf32>
      %lt3A_1834 = arith.cmpf olt, %add3A_1833, %select_n3A_1807 : vector<16xf32>
      %select_n3A_1835 = arith.select %lt3A_1834, %add3A_1833, %select_n3A_1807 : vector<16xi1>, vector<16xf32>
      %jit3A_1836 = arith.constant 63 : i32
      %broadcast_in_dim3A_1837 = vector.broadcast %jit3A_1836 : i32 to vector<16xi32>
      %select_n3A_1838 = arith.select %lt3A_1834, %broadcast_in_dim3A_1837, %select_n3A_1810 : vector<16xi1>, vector<16xi32>
      %sub3A_1839 = vector.broadcast %squeeze3A_1824 : f32 to vector<16xf32>
      %sub3A_1840 = arith.subf %gather3A_60, %sub3A_1839 : vector<16xf32>
      %sub3A_1841 = vector.broadcast %squeeze3A_1826 : f32 to vector<16xf32>
      %sub3A_1842 = arith.subf %gather3A_61, %sub3A_1841 : vector<16xf32>
      %mul3A_1843 = arith.mulf %sub3A_1840, %sub3A_1840 : vector<16xf32>
      %mul3A_1844 = arith.mulf %sub3A_1842, %sub3A_1842 : vector<16xf32>
      %add3A_1845 = arith.addf %mul3A_1843, %mul3A_1844 : vector<16xf32>
      %lt3A_1846 = arith.cmpf olt, %add3A_1845, %select_n3A_1819 : vector<16xf32>
      %select_n3A_1847 = arith.select %lt3A_1846, %add3A_1845, %select_n3A_1819 : vector<16xi1>, vector<16xf32>
      %jit3A_1848 = arith.constant 63 : i32
      %broadcast_in_dim3A_1849 = vector.broadcast %jit3A_1848 : i32 to vector<16xi32>
      %select_n3A_1850 = arith.select %lt3A_1846, %broadcast_in_dim3A_1849, %select_n3A_1822 : vector<16xi1>, vector<16xi32>
      %slice3A_1851 = vector.extract_strided_slice %get3A_18 {offsets = [0], sizes = [1], strides = [1]} : vector<16xf32> to vector<1xf32>
      %squeeze3A_1852 = vector.extract %slice3A_1851[0] : f32 from vector<1xf32>
      %slice3A_1853 = vector.extract_strided_slice %get3A_34 {offsets = [0], sizes = [1], strides = [1]} : vector<16xf32> to vector<1xf32>
      %squeeze3A_1854 = vector.extract %slice3A_1853[0] : f32 from vector<1xf32>
      %sub3A_1855 = vector.broadcast %squeeze3A_1852 : f32 to vector<16xf32>
      %sub3A_1856 = arith.subf %gather3A, %sub3A_1855 : vector<16xf32>
      %sub3A_1857 = vector.broadcast %squeeze3A_1854 : f32 to vector<16xf32>
      %sub3A_1858 = arith.subf %gather3A_53, %sub3A_1857 : vector<16xf32>
      %mul3A_1859 = arith.mulf %sub3A_1856, %sub3A_1856 : vector<16xf32>
      %mul3A_1860 = arith.mulf %sub3A_1858, %sub3A_1858 : vector<16xf32>
      %add3A_1861 = arith.addf %mul3A_1859, %mul3A_1860 : vector<16xf32>
      %lt3A_1862 = arith.cmpf olt, %add3A_1861, %broadcast_in_dim3A_62 : vector<16xf32>
      %select_n3A_1863 = arith.select %lt3A_1862, %add3A_1861, %broadcast_in_dim3A_62 : vector<16xi1>, vector<16xf32>
      %jit3A_1864 = arith.constant 64 : i32
      %broadcast_in_dim3A_1865 = vector.broadcast %jit3A_1864 : i32 to vector<16xi32>
      %select_n3A_1866 = arith.select %lt3A_1862, %broadcast_in_dim3A_1865, %broadcast_in_dim3A_64 : vector<16xi1>, vector<16xi32>
      %sub3A_1867 = vector.broadcast %squeeze3A_1852 : f32 to vector<16xf32>
      %sub3A_1868 = arith.subf %gather3A_60, %sub3A_1867 : vector<16xf32>
      %sub3A_1869 = vector.broadcast %squeeze3A_1854 : f32 to vector<16xf32>
      %sub3A_1870 = arith.subf %gather3A_61, %sub3A_1869 : vector<16xf32>
      %mul3A_1871 = arith.mulf %sub3A_1868, %sub3A_1868 : vector<16xf32>
      %mul3A_1872 = arith.mulf %sub3A_1870, %sub3A_1870 : vector<16xf32>
      %add3A_1873 = arith.addf %mul3A_1871, %mul3A_1872 : vector<16xf32>
      %lt3A_1874 = arith.cmpf olt, %add3A_1873, %broadcast_in_dim3A_62 : vector<16xf32>
      %select_n3A_1875 = arith.select %lt3A_1874, %add3A_1873, %broadcast_in_dim3A_62 : vector<16xi1>, vector<16xf32>
      %jit3A_1876 = arith.constant 64 : i32
      %broadcast_in_dim3A_1877 = vector.broadcast %jit3A_1876 : i32 to vector<16xi32>
      %select_n3A_1878 = arith.select %lt3A_1874, %broadcast_in_dim3A_1877, %broadcast_in_dim3A_64 : vector<16xi1>, vector<16xi32>
      %slice3A_1879 = vector.extract_strided_slice %get3A_18 {offsets = [1], sizes = [1], strides = [1]} : vector<16xf32> to vector<1xf32>
      %squeeze3A_1880 = vector.extract %slice3A_1879[0] : f32 from vector<1xf32>
      %slice3A_1881 = vector.extract_strided_slice %get3A_34 {offsets = [1], sizes = [1], strides = [1]} : vector<16xf32> to vector<1xf32>
      %squeeze3A_1882 = vector.extract %slice3A_1881[0] : f32 from vector<1xf32>
      %sub3A_1883 = vector.broadcast %squeeze3A_1880 : f32 to vector<16xf32>
      %sub3A_1884 = arith.subf %gather3A, %sub3A_1883 : vector<16xf32>
      %sub3A_1885 = vector.broadcast %squeeze3A_1882 : f32 to vector<16xf32>
      %sub3A_1886 = arith.subf %gather3A_53, %sub3A_1885 : vector<16xf32>
      %mul3A_1887 = arith.mulf %sub3A_1884, %sub3A_1884 : vector<16xf32>
      %mul3A_1888 = arith.mulf %sub3A_1886, %sub3A_1886 : vector<16xf32>
      %add3A_1889 = arith.addf %mul3A_1887, %mul3A_1888 : vector<16xf32>
      %lt3A_1890 = arith.cmpf olt, %add3A_1889, %select_n3A_1863 : vector<16xf32>
      %select_n3A_1891 = arith.select %lt3A_1890, %add3A_1889, %select_n3A_1863 : vector<16xi1>, vector<16xf32>
      %jit3A_1892 = arith.constant 65 : i32
      %broadcast_in_dim3A_1893 = vector.broadcast %jit3A_1892 : i32 to vector<16xi32>
      %select_n3A_1894 = arith.select %lt3A_1890, %broadcast_in_dim3A_1893, %select_n3A_1866 : vector<16xi1>, vector<16xi32>
      %sub3A_1895 = vector.broadcast %squeeze3A_1880 : f32 to vector<16xf32>
      %sub3A_1896 = arith.subf %gather3A_60, %sub3A_1895 : vector<16xf32>
      %sub3A_1897 = vector.broadcast %squeeze3A_1882 : f32 to vector<16xf32>
      %sub3A_1898 = arith.subf %gather3A_61, %sub3A_1897 : vector<16xf32>
      %mul3A_1899 = arith.mulf %sub3A_1896, %sub3A_1896 : vector<16xf32>
      %mul3A_1900 = arith.mulf %sub3A_1898, %sub3A_1898 : vector<16xf32>
      %add3A_1901 = arith.addf %mul3A_1899, %mul3A_1900 : vector<16xf32>
      %lt3A_1902 = arith.cmpf olt, %add3A_1901, %select_n3A_1875 : vector<16xf32>
      %select_n3A_1903 = arith.select %lt3A_1902, %add3A_1901, %select_n3A_1875 : vector<16xi1>, vector<16xf32>
      %jit3A_1904 = arith.constant 65 : i32
      %broadcast_in_dim3A_1905 = vector.broadcast %jit3A_1904 : i32 to vector<16xi32>
      %select_n3A_1906 = arith.select %lt3A_1902, %broadcast_in_dim3A_1905, %select_n3A_1878 : vector<16xi1>, vector<16xi32>
      %slice3A_1907 = vector.extract_strided_slice %get3A_18 {offsets = [2], sizes = [1], strides = [1]} : vector<16xf32> to vector<1xf32>
      %squeeze3A_1908 = vector.extract %slice3A_1907[0] : f32 from vector<1xf32>
      %slice3A_1909 = vector.extract_strided_slice %get3A_34 {offsets = [2], sizes = [1], strides = [1]} : vector<16xf32> to vector<1xf32>
      %squeeze3A_1910 = vector.extract %slice3A_1909[0] : f32 from vector<1xf32>
      %sub3A_1911 = vector.broadcast %squeeze3A_1908 : f32 to vector<16xf32>
      %sub3A_1912 = arith.subf %gather3A, %sub3A_1911 : vector<16xf32>
      %sub3A_1913 = vector.broadcast %squeeze3A_1910 : f32 to vector<16xf32>
      %sub3A_1914 = arith.subf %gather3A_53, %sub3A_1913 : vector<16xf32>
      %mul3A_1915 = arith.mulf %sub3A_1912, %sub3A_1912 : vector<16xf32>
      %mul3A_1916 = arith.mulf %sub3A_1914, %sub3A_1914 : vector<16xf32>
      %add3A_1917 = arith.addf %mul3A_1915, %mul3A_1916 : vector<16xf32>
      %lt3A_1918 = arith.cmpf olt, %add3A_1917, %select_n3A_1891 : vector<16xf32>
      %select_n3A_1919 = arith.select %lt3A_1918, %add3A_1917, %select_n3A_1891 : vector<16xi1>, vector<16xf32>
      %jit3A_1920 = arith.constant 66 : i32
      %broadcast_in_dim3A_1921 = vector.broadcast %jit3A_1920 : i32 to vector<16xi32>
      %select_n3A_1922 = arith.select %lt3A_1918, %broadcast_in_dim3A_1921, %select_n3A_1894 : vector<16xi1>, vector<16xi32>
      %sub3A_1923 = vector.broadcast %squeeze3A_1908 : f32 to vector<16xf32>
      %sub3A_1924 = arith.subf %gather3A_60, %sub3A_1923 : vector<16xf32>
      %sub3A_1925 = vector.broadcast %squeeze3A_1910 : f32 to vector<16xf32>
      %sub3A_1926 = arith.subf %gather3A_61, %sub3A_1925 : vector<16xf32>
      %mul3A_1927 = arith.mulf %sub3A_1924, %sub3A_1924 : vector<16xf32>
      %mul3A_1928 = arith.mulf %sub3A_1926, %sub3A_1926 : vector<16xf32>
      %add3A_1929 = arith.addf %mul3A_1927, %mul3A_1928 : vector<16xf32>
      %lt3A_1930 = arith.cmpf olt, %add3A_1929, %select_n3A_1903 : vector<16xf32>
      %select_n3A_1931 = arith.select %lt3A_1930, %add3A_1929, %select_n3A_1903 : vector<16xi1>, vector<16xf32>
      %jit3A_1932 = arith.constant 66 : i32
      %broadcast_in_dim3A_1933 = vector.broadcast %jit3A_1932 : i32 to vector<16xi32>
      %select_n3A_1934 = arith.select %lt3A_1930, %broadcast_in_dim3A_1933, %select_n3A_1906 : vector<16xi1>, vector<16xi32>
      %slice3A_1935 = vector.extract_strided_slice %get3A_18 {offsets = [3], sizes = [1], strides = [1]} : vector<16xf32> to vector<1xf32>
      %squeeze3A_1936 = vector.extract %slice3A_1935[0] : f32 from vector<1xf32>
      %slice3A_1937 = vector.extract_strided_slice %get3A_34 {offsets = [3], sizes = [1], strides = [1]} : vector<16xf32> to vector<1xf32>
      %squeeze3A_1938 = vector.extract %slice3A_1937[0] : f32 from vector<1xf32>
      %sub3A_1939 = vector.broadcast %squeeze3A_1936 : f32 to vector<16xf32>
      %sub3A_1940 = arith.subf %gather3A, %sub3A_1939 : vector<16xf32>
      %sub3A_1941 = vector.broadcast %squeeze3A_1938 : f32 to vector<16xf32>
      %sub3A_1942 = arith.subf %gather3A_53, %sub3A_1941 : vector<16xf32>
      %mul3A_1943 = arith.mulf %sub3A_1940, %sub3A_1940 : vector<16xf32>
      %mul3A_1944 = arith.mulf %sub3A_1942, %sub3A_1942 : vector<16xf32>
      %add3A_1945 = arith.addf %mul3A_1943, %mul3A_1944 : vector<16xf32>
      %lt3A_1946 = arith.cmpf olt, %add3A_1945, %select_n3A_1919 : vector<16xf32>
      %select_n3A_1947 = arith.select %lt3A_1946, %add3A_1945, %select_n3A_1919 : vector<16xi1>, vector<16xf32>
      %jit3A_1948 = arith.constant 67 : i32
      %broadcast_in_dim3A_1949 = vector.broadcast %jit3A_1948 : i32 to vector<16xi32>
      %select_n3A_1950 = arith.select %lt3A_1946, %broadcast_in_dim3A_1949, %select_n3A_1922 : vector<16xi1>, vector<16xi32>
      %sub3A_1951 = vector.broadcast %squeeze3A_1936 : f32 to vector<16xf32>
      %sub3A_1952 = arith.subf %gather3A_60, %sub3A_1951 : vector<16xf32>
      %sub3A_1953 = vector.broadcast %squeeze3A_1938 : f32 to vector<16xf32>
      %sub3A_1954 = arith.subf %gather3A_61, %sub3A_1953 : vector<16xf32>
      %mul3A_1955 = arith.mulf %sub3A_1952, %sub3A_1952 : vector<16xf32>
      %mul3A_1956 = arith.mulf %sub3A_1954, %sub3A_1954 : vector<16xf32>
      %add3A_1957 = arith.addf %mul3A_1955, %mul3A_1956 : vector<16xf32>
      %lt3A_1958 = arith.cmpf olt, %add3A_1957, %select_n3A_1931 : vector<16xf32>
      %select_n3A_1959 = arith.select %lt3A_1958, %add3A_1957, %select_n3A_1931 : vector<16xi1>, vector<16xf32>
      %jit3A_1960 = arith.constant 67 : i32
      %broadcast_in_dim3A_1961 = vector.broadcast %jit3A_1960 : i32 to vector<16xi32>
      %select_n3A_1962 = arith.select %lt3A_1958, %broadcast_in_dim3A_1961, %select_n3A_1934 : vector<16xi1>, vector<16xi32>
      %slice3A_1963 = vector.extract_strided_slice %get3A_18 {offsets = [4], sizes = [1], strides = [1]} : vector<16xf32> to vector<1xf32>
      %squeeze3A_1964 = vector.extract %slice3A_1963[0] : f32 from vector<1xf32>
      %slice3A_1965 = vector.extract_strided_slice %get3A_34 {offsets = [4], sizes = [1], strides = [1]} : vector<16xf32> to vector<1xf32>
      %squeeze3A_1966 = vector.extract %slice3A_1965[0] : f32 from vector<1xf32>
      %sub3A_1967 = vector.broadcast %squeeze3A_1964 : f32 to vector<16xf32>
      %sub3A_1968 = arith.subf %gather3A, %sub3A_1967 : vector<16xf32>
      %sub3A_1969 = vector.broadcast %squeeze3A_1966 : f32 to vector<16xf32>
      %sub3A_1970 = arith.subf %gather3A_53, %sub3A_1969 : vector<16xf32>
      %mul3A_1971 = arith.mulf %sub3A_1968, %sub3A_1968 : vector<16xf32>
      %mul3A_1972 = arith.mulf %sub3A_1970, %sub3A_1970 : vector<16xf32>
      %add3A_1973 = arith.addf %mul3A_1971, %mul3A_1972 : vector<16xf32>
      %lt3A_1974 = arith.cmpf olt, %add3A_1973, %select_n3A_1947 : vector<16xf32>
      %select_n3A_1975 = arith.select %lt3A_1974, %add3A_1973, %select_n3A_1947 : vector<16xi1>, vector<16xf32>
      %jit3A_1976 = arith.constant 68 : i32
      %broadcast_in_dim3A_1977 = vector.broadcast %jit3A_1976 : i32 to vector<16xi32>
      %select_n3A_1978 = arith.select %lt3A_1974, %broadcast_in_dim3A_1977, %select_n3A_1950 : vector<16xi1>, vector<16xi32>
      %sub3A_1979 = vector.broadcast %squeeze3A_1964 : f32 to vector<16xf32>
      %sub3A_1980 = arith.subf %gather3A_60, %sub3A_1979 : vector<16xf32>
      %sub3A_1981 = vector.broadcast %squeeze3A_1966 : f32 to vector<16xf32>
      %sub3A_1982 = arith.subf %gather3A_61, %sub3A_1981 : vector<16xf32>
      %mul3A_1983 = arith.mulf %sub3A_1980, %sub3A_1980 : vector<16xf32>
      %mul3A_1984 = arith.mulf %sub3A_1982, %sub3A_1982 : vector<16xf32>
      %add3A_1985 = arith.addf %mul3A_1983, %mul3A_1984 : vector<16xf32>
      %lt3A_1986 = arith.cmpf olt, %add3A_1985, %select_n3A_1959 : vector<16xf32>
      %select_n3A_1987 = arith.select %lt3A_1986, %add3A_1985, %select_n3A_1959 : vector<16xi1>, vector<16xf32>
      %jit3A_1988 = arith.constant 68 : i32
      %broadcast_in_dim3A_1989 = vector.broadcast %jit3A_1988 : i32 to vector<16xi32>
      %select_n3A_1990 = arith.select %lt3A_1986, %broadcast_in_dim3A_1989, %select_n3A_1962 : vector<16xi1>, vector<16xi32>
      %slice3A_1991 = vector.extract_strided_slice %get3A_18 {offsets = [5], sizes = [1], strides = [1]} : vector<16xf32> to vector<1xf32>
      %squeeze3A_1992 = vector.extract %slice3A_1991[0] : f32 from vector<1xf32>
      %slice3A_1993 = vector.extract_strided_slice %get3A_34 {offsets = [5], sizes = [1], strides = [1]} : vector<16xf32> to vector<1xf32>
      %squeeze3A_1994 = vector.extract %slice3A_1993[0] : f32 from vector<1xf32>
      %sub3A_1995 = vector.broadcast %squeeze3A_1992 : f32 to vector<16xf32>
      %sub3A_1996 = arith.subf %gather3A, %sub3A_1995 : vector<16xf32>
      %sub3A_1997 = vector.broadcast %squeeze3A_1994 : f32 to vector<16xf32>
      %sub3A_1998 = arith.subf %gather3A_53, %sub3A_1997 : vector<16xf32>
      %mul3A_1999 = arith.mulf %sub3A_1996, %sub3A_1996 : vector<16xf32>
      %mul3A_2000 = arith.mulf %sub3A_1998, %sub3A_1998 : vector<16xf32>
      %add3A_2001 = arith.addf %mul3A_1999, %mul3A_2000 : vector<16xf32>
      %lt3A_2002 = arith.cmpf olt, %add3A_2001, %select_n3A_1975 : vector<16xf32>
      %select_n3A_2003 = arith.select %lt3A_2002, %add3A_2001, %select_n3A_1975 : vector<16xi1>, vector<16xf32>
      %jit3A_2004 = arith.constant 69 : i32
      %broadcast_in_dim3A_2005 = vector.broadcast %jit3A_2004 : i32 to vector<16xi32>
      %select_n3A_2006 = arith.select %lt3A_2002, %broadcast_in_dim3A_2005, %select_n3A_1978 : vector<16xi1>, vector<16xi32>
      %sub3A_2007 = vector.broadcast %squeeze3A_1992 : f32 to vector<16xf32>
      %sub3A_2008 = arith.subf %gather3A_60, %sub3A_2007 : vector<16xf32>
      %sub3A_2009 = vector.broadcast %squeeze3A_1994 : f32 to vector<16xf32>
      %sub3A_2010 = arith.subf %gather3A_61, %sub3A_2009 : vector<16xf32>
      %mul3A_2011 = arith.mulf %sub3A_2008, %sub3A_2008 : vector<16xf32>
      %mul3A_2012 = arith.mulf %sub3A_2010, %sub3A_2010 : vector<16xf32>
      %add3A_2013 = arith.addf %mul3A_2011, %mul3A_2012 : vector<16xf32>
      %lt3A_2014 = arith.cmpf olt, %add3A_2013, %select_n3A_1987 : vector<16xf32>
      %select_n3A_2015 = arith.select %lt3A_2014, %add3A_2013, %select_n3A_1987 : vector<16xi1>, vector<16xf32>
      %jit3A_2016 = arith.constant 69 : i32
      %broadcast_in_dim3A_2017 = vector.broadcast %jit3A_2016 : i32 to vector<16xi32>
      %select_n3A_2018 = arith.select %lt3A_2014, %broadcast_in_dim3A_2017, %select_n3A_1990 : vector<16xi1>, vector<16xi32>
      %slice3A_2019 = vector.extract_strided_slice %get3A_18 {offsets = [6], sizes = [1], strides = [1]} : vector<16xf32> to vector<1xf32>
      %squeeze3A_2020 = vector.extract %slice3A_2019[0] : f32 from vector<1xf32>
      %slice3A_2021 = vector.extract_strided_slice %get3A_34 {offsets = [6], sizes = [1], strides = [1]} : vector<16xf32> to vector<1xf32>
      %squeeze3A_2022 = vector.extract %slice3A_2021[0] : f32 from vector<1xf32>
      %sub3A_2023 = vector.broadcast %squeeze3A_2020 : f32 to vector<16xf32>
      %sub3A_2024 = arith.subf %gather3A, %sub3A_2023 : vector<16xf32>
      %sub3A_2025 = vector.broadcast %squeeze3A_2022 : f32 to vector<16xf32>
      %sub3A_2026 = arith.subf %gather3A_53, %sub3A_2025 : vector<16xf32>
      %mul3A_2027 = arith.mulf %sub3A_2024, %sub3A_2024 : vector<16xf32>
      %mul3A_2028 = arith.mulf %sub3A_2026, %sub3A_2026 : vector<16xf32>
      %add3A_2029 = arith.addf %mul3A_2027, %mul3A_2028 : vector<16xf32>
      %lt3A_2030 = arith.cmpf olt, %add3A_2029, %select_n3A_2003 : vector<16xf32>
      %select_n3A_2031 = arith.select %lt3A_2030, %add3A_2029, %select_n3A_2003 : vector<16xi1>, vector<16xf32>
      %jit3A_2032 = arith.constant 70 : i32
      %broadcast_in_dim3A_2033 = vector.broadcast %jit3A_2032 : i32 to vector<16xi32>
      %select_n3A_2034 = arith.select %lt3A_2030, %broadcast_in_dim3A_2033, %select_n3A_2006 : vector<16xi1>, vector<16xi32>
      %sub3A_2035 = vector.broadcast %squeeze3A_2020 : f32 to vector<16xf32>
      %sub3A_2036 = arith.subf %gather3A_60, %sub3A_2035 : vector<16xf32>
      %sub3A_2037 = vector.broadcast %squeeze3A_2022 : f32 to vector<16xf32>
      %sub3A_2038 = arith.subf %gather3A_61, %sub3A_2037 : vector<16xf32>
      %mul3A_2039 = arith.mulf %sub3A_2036, %sub3A_2036 : vector<16xf32>
      %mul3A_2040 = arith.mulf %sub3A_2038, %sub3A_2038 : vector<16xf32>
      %add3A_2041 = arith.addf %mul3A_2039, %mul3A_2040 : vector<16xf32>
      %lt3A_2042 = arith.cmpf olt, %add3A_2041, %select_n3A_2015 : vector<16xf32>
      %select_n3A_2043 = arith.select %lt3A_2042, %add3A_2041, %select_n3A_2015 : vector<16xi1>, vector<16xf32>
      %jit3A_2044 = arith.constant 70 : i32
      %broadcast_in_dim3A_2045 = vector.broadcast %jit3A_2044 : i32 to vector<16xi32>
      %select_n3A_2046 = arith.select %lt3A_2042, %broadcast_in_dim3A_2045, %select_n3A_2018 : vector<16xi1>, vector<16xi32>
      %slice3A_2047 = vector.extract_strided_slice %get3A_18 {offsets = [7], sizes = [1], strides = [1]} : vector<16xf32> to vector<1xf32>
      %squeeze3A_2048 = vector.extract %slice3A_2047[0] : f32 from vector<1xf32>
      %slice3A_2049 = vector.extract_strided_slice %get3A_34 {offsets = [7], sizes = [1], strides = [1]} : vector<16xf32> to vector<1xf32>
      %squeeze3A_2050 = vector.extract %slice3A_2049[0] : f32 from vector<1xf32>
      %sub3A_2051 = vector.broadcast %squeeze3A_2048 : f32 to vector<16xf32>
      %sub3A_2052 = arith.subf %gather3A, %sub3A_2051 : vector<16xf32>
      %sub3A_2053 = vector.broadcast %squeeze3A_2050 : f32 to vector<16xf32>
      %sub3A_2054 = arith.subf %gather3A_53, %sub3A_2053 : vector<16xf32>
      %mul3A_2055 = arith.mulf %sub3A_2052, %sub3A_2052 : vector<16xf32>
      %mul3A_2056 = arith.mulf %sub3A_2054, %sub3A_2054 : vector<16xf32>
      %add3A_2057 = arith.addf %mul3A_2055, %mul3A_2056 : vector<16xf32>
      %lt3A_2058 = arith.cmpf olt, %add3A_2057, %select_n3A_2031 : vector<16xf32>
      %select_n3A_2059 = arith.select %lt3A_2058, %add3A_2057, %select_n3A_2031 : vector<16xi1>, vector<16xf32>
      %jit3A_2060 = arith.constant 71 : i32
      %broadcast_in_dim3A_2061 = vector.broadcast %jit3A_2060 : i32 to vector<16xi32>
      %select_n3A_2062 = arith.select %lt3A_2058, %broadcast_in_dim3A_2061, %select_n3A_2034 : vector<16xi1>, vector<16xi32>
      %sub3A_2063 = vector.broadcast %squeeze3A_2048 : f32 to vector<16xf32>
      %sub3A_2064 = arith.subf %gather3A_60, %sub3A_2063 : vector<16xf32>
      %sub3A_2065 = vector.broadcast %squeeze3A_2050 : f32 to vector<16xf32>
      %sub3A_2066 = arith.subf %gather3A_61, %sub3A_2065 : vector<16xf32>
      %mul3A_2067 = arith.mulf %sub3A_2064, %sub3A_2064 : vector<16xf32>
      %mul3A_2068 = arith.mulf %sub3A_2066, %sub3A_2066 : vector<16xf32>
      %add3A_2069 = arith.addf %mul3A_2067, %mul3A_2068 : vector<16xf32>
      %lt3A_2070 = arith.cmpf olt, %add3A_2069, %select_n3A_2043 : vector<16xf32>
      %select_n3A_2071 = arith.select %lt3A_2070, %add3A_2069, %select_n3A_2043 : vector<16xi1>, vector<16xf32>
      %jit3A_2072 = arith.constant 71 : i32
      %broadcast_in_dim3A_2073 = vector.broadcast %jit3A_2072 : i32 to vector<16xi32>
      %select_n3A_2074 = arith.select %lt3A_2070, %broadcast_in_dim3A_2073, %select_n3A_2046 : vector<16xi1>, vector<16xi32>
      %slice3A_2075 = vector.extract_strided_slice %get3A_18 {offsets = [8], sizes = [1], strides = [1]} : vector<16xf32> to vector<1xf32>
      %squeeze3A_2076 = vector.extract %slice3A_2075[0] : f32 from vector<1xf32>
      %slice3A_2077 = vector.extract_strided_slice %get3A_34 {offsets = [8], sizes = [1], strides = [1]} : vector<16xf32> to vector<1xf32>
      %squeeze3A_2078 = vector.extract %slice3A_2077[0] : f32 from vector<1xf32>
      %sub3A_2079 = vector.broadcast %squeeze3A_2076 : f32 to vector<16xf32>
      %sub3A_2080 = arith.subf %gather3A, %sub3A_2079 : vector<16xf32>
      %sub3A_2081 = vector.broadcast %squeeze3A_2078 : f32 to vector<16xf32>
      %sub3A_2082 = arith.subf %gather3A_53, %sub3A_2081 : vector<16xf32>
      %mul3A_2083 = arith.mulf %sub3A_2080, %sub3A_2080 : vector<16xf32>
      %mul3A_2084 = arith.mulf %sub3A_2082, %sub3A_2082 : vector<16xf32>
      %add3A_2085 = arith.addf %mul3A_2083, %mul3A_2084 : vector<16xf32>
      %lt3A_2086 = arith.cmpf olt, %add3A_2085, %select_n3A_2059 : vector<16xf32>
      %select_n3A_2087 = arith.select %lt3A_2086, %add3A_2085, %select_n3A_2059 : vector<16xi1>, vector<16xf32>
      %jit3A_2088 = arith.constant 72 : i32
      %broadcast_in_dim3A_2089 = vector.broadcast %jit3A_2088 : i32 to vector<16xi32>
      %select_n3A_2090 = arith.select %lt3A_2086, %broadcast_in_dim3A_2089, %select_n3A_2062 : vector<16xi1>, vector<16xi32>
      %sub3A_2091 = vector.broadcast %squeeze3A_2076 : f32 to vector<16xf32>
      %sub3A_2092 = arith.subf %gather3A_60, %sub3A_2091 : vector<16xf32>
      %sub3A_2093 = vector.broadcast %squeeze3A_2078 : f32 to vector<16xf32>
      %sub3A_2094 = arith.subf %gather3A_61, %sub3A_2093 : vector<16xf32>
      %mul3A_2095 = arith.mulf %sub3A_2092, %sub3A_2092 : vector<16xf32>
      %mul3A_2096 = arith.mulf %sub3A_2094, %sub3A_2094 : vector<16xf32>
      %add3A_2097 = arith.addf %mul3A_2095, %mul3A_2096 : vector<16xf32>
      %lt3A_2098 = arith.cmpf olt, %add3A_2097, %select_n3A_2071 : vector<16xf32>
      %select_n3A_2099 = arith.select %lt3A_2098, %add3A_2097, %select_n3A_2071 : vector<16xi1>, vector<16xf32>
      %jit3A_2100 = arith.constant 72 : i32
      %broadcast_in_dim3A_2101 = vector.broadcast %jit3A_2100 : i32 to vector<16xi32>
      %select_n3A_2102 = arith.select %lt3A_2098, %broadcast_in_dim3A_2101, %select_n3A_2074 : vector<16xi1>, vector<16xi32>
      %slice3A_2103 = vector.extract_strided_slice %get3A_18 {offsets = [9], sizes = [1], strides = [1]} : vector<16xf32> to vector<1xf32>
      %squeeze3A_2104 = vector.extract %slice3A_2103[0] : f32 from vector<1xf32>
      %slice3A_2105 = vector.extract_strided_slice %get3A_34 {offsets = [9], sizes = [1], strides = [1]} : vector<16xf32> to vector<1xf32>
      %squeeze3A_2106 = vector.extract %slice3A_2105[0] : f32 from vector<1xf32>
      %sub3A_2107 = vector.broadcast %squeeze3A_2104 : f32 to vector<16xf32>
      %sub3A_2108 = arith.subf %gather3A, %sub3A_2107 : vector<16xf32>
      %sub3A_2109 = vector.broadcast %squeeze3A_2106 : f32 to vector<16xf32>
      %sub3A_2110 = arith.subf %gather3A_53, %sub3A_2109 : vector<16xf32>
      %mul3A_2111 = arith.mulf %sub3A_2108, %sub3A_2108 : vector<16xf32>
      %mul3A_2112 = arith.mulf %sub3A_2110, %sub3A_2110 : vector<16xf32>
      %add3A_2113 = arith.addf %mul3A_2111, %mul3A_2112 : vector<16xf32>
      %lt3A_2114 = arith.cmpf olt, %add3A_2113, %select_n3A_2087 : vector<16xf32>
      %select_n3A_2115 = arith.select %lt3A_2114, %add3A_2113, %select_n3A_2087 : vector<16xi1>, vector<16xf32>
      %jit3A_2116 = arith.constant 73 : i32
      %broadcast_in_dim3A_2117 = vector.broadcast %jit3A_2116 : i32 to vector<16xi32>
      %select_n3A_2118 = arith.select %lt3A_2114, %broadcast_in_dim3A_2117, %select_n3A_2090 : vector<16xi1>, vector<16xi32>
      %sub3A_2119 = vector.broadcast %squeeze3A_2104 : f32 to vector<16xf32>
      %sub3A_2120 = arith.subf %gather3A_60, %sub3A_2119 : vector<16xf32>
      %sub3A_2121 = vector.broadcast %squeeze3A_2106 : f32 to vector<16xf32>
      %sub3A_2122 = arith.subf %gather3A_61, %sub3A_2121 : vector<16xf32>
      %mul3A_2123 = arith.mulf %sub3A_2120, %sub3A_2120 : vector<16xf32>
      %mul3A_2124 = arith.mulf %sub3A_2122, %sub3A_2122 : vector<16xf32>
      %add3A_2125 = arith.addf %mul3A_2123, %mul3A_2124 : vector<16xf32>
      %lt3A_2126 = arith.cmpf olt, %add3A_2125, %select_n3A_2099 : vector<16xf32>
      %select_n3A_2127 = arith.select %lt3A_2126, %add3A_2125, %select_n3A_2099 : vector<16xi1>, vector<16xf32>
      %jit3A_2128 = arith.constant 73 : i32
      %broadcast_in_dim3A_2129 = vector.broadcast %jit3A_2128 : i32 to vector<16xi32>
      %select_n3A_2130 = arith.select %lt3A_2126, %broadcast_in_dim3A_2129, %select_n3A_2102 : vector<16xi1>, vector<16xi32>
      %slice3A_2131 = vector.extract_strided_slice %get3A_18 {offsets = [10], sizes = [1], strides = [1]} : vector<16xf32> to vector<1xf32>
      %squeeze3A_2132 = vector.extract %slice3A_2131[0] : f32 from vector<1xf32>
      %slice3A_2133 = vector.extract_strided_slice %get3A_34 {offsets = [10], sizes = [1], strides = [1]} : vector<16xf32> to vector<1xf32>
      %squeeze3A_2134 = vector.extract %slice3A_2133[0] : f32 from vector<1xf32>
      %sub3A_2135 = vector.broadcast %squeeze3A_2132 : f32 to vector<16xf32>
      %sub3A_2136 = arith.subf %gather3A, %sub3A_2135 : vector<16xf32>
      %sub3A_2137 = vector.broadcast %squeeze3A_2134 : f32 to vector<16xf32>
      %sub3A_2138 = arith.subf %gather3A_53, %sub3A_2137 : vector<16xf32>
      %mul3A_2139 = arith.mulf %sub3A_2136, %sub3A_2136 : vector<16xf32>
      %mul3A_2140 = arith.mulf %sub3A_2138, %sub3A_2138 : vector<16xf32>
      %add3A_2141 = arith.addf %mul3A_2139, %mul3A_2140 : vector<16xf32>
      %lt3A_2142 = arith.cmpf olt, %add3A_2141, %select_n3A_2115 : vector<16xf32>
      %select_n3A_2143 = arith.select %lt3A_2142, %add3A_2141, %select_n3A_2115 : vector<16xi1>, vector<16xf32>
      %jit3A_2144 = arith.constant 74 : i32
      %broadcast_in_dim3A_2145 = vector.broadcast %jit3A_2144 : i32 to vector<16xi32>
      %select_n3A_2146 = arith.select %lt3A_2142, %broadcast_in_dim3A_2145, %select_n3A_2118 : vector<16xi1>, vector<16xi32>
      %sub3A_2147 = vector.broadcast %squeeze3A_2132 : f32 to vector<16xf32>
      %sub3A_2148 = arith.subf %gather3A_60, %sub3A_2147 : vector<16xf32>
      %sub3A_2149 = vector.broadcast %squeeze3A_2134 : f32 to vector<16xf32>
      %sub3A_2150 = arith.subf %gather3A_61, %sub3A_2149 : vector<16xf32>
      %mul3A_2151 = arith.mulf %sub3A_2148, %sub3A_2148 : vector<16xf32>
      %mul3A_2152 = arith.mulf %sub3A_2150, %sub3A_2150 : vector<16xf32>
      %add3A_2153 = arith.addf %mul3A_2151, %mul3A_2152 : vector<16xf32>
      %lt3A_2154 = arith.cmpf olt, %add3A_2153, %select_n3A_2127 : vector<16xf32>
      %select_n3A_2155 = arith.select %lt3A_2154, %add3A_2153, %select_n3A_2127 : vector<16xi1>, vector<16xf32>
      %jit3A_2156 = arith.constant 74 : i32
      %broadcast_in_dim3A_2157 = vector.broadcast %jit3A_2156 : i32 to vector<16xi32>
      %select_n3A_2158 = arith.select %lt3A_2154, %broadcast_in_dim3A_2157, %select_n3A_2130 : vector<16xi1>, vector<16xi32>
      %slice3A_2159 = vector.extract_strided_slice %get3A_18 {offsets = [11], sizes = [1], strides = [1]} : vector<16xf32> to vector<1xf32>
      %squeeze3A_2160 = vector.extract %slice3A_2159[0] : f32 from vector<1xf32>
      %slice3A_2161 = vector.extract_strided_slice %get3A_34 {offsets = [11], sizes = [1], strides = [1]} : vector<16xf32> to vector<1xf32>
      %squeeze3A_2162 = vector.extract %slice3A_2161[0] : f32 from vector<1xf32>
      %sub3A_2163 = vector.broadcast %squeeze3A_2160 : f32 to vector<16xf32>
      %sub3A_2164 = arith.subf %gather3A, %sub3A_2163 : vector<16xf32>
      %sub3A_2165 = vector.broadcast %squeeze3A_2162 : f32 to vector<16xf32>
      %sub3A_2166 = arith.subf %gather3A_53, %sub3A_2165 : vector<16xf32>
      %mul3A_2167 = arith.mulf %sub3A_2164, %sub3A_2164 : vector<16xf32>
      %mul3A_2168 = arith.mulf %sub3A_2166, %sub3A_2166 : vector<16xf32>
      %add3A_2169 = arith.addf %mul3A_2167, %mul3A_2168 : vector<16xf32>
      %lt3A_2170 = arith.cmpf olt, %add3A_2169, %select_n3A_2143 : vector<16xf32>
      %select_n3A_2171 = arith.select %lt3A_2170, %add3A_2169, %select_n3A_2143 : vector<16xi1>, vector<16xf32>
      %jit3A_2172 = arith.constant 75 : i32
      %broadcast_in_dim3A_2173 = vector.broadcast %jit3A_2172 : i32 to vector<16xi32>
      %select_n3A_2174 = arith.select %lt3A_2170, %broadcast_in_dim3A_2173, %select_n3A_2146 : vector<16xi1>, vector<16xi32>
      %sub3A_2175 = vector.broadcast %squeeze3A_2160 : f32 to vector<16xf32>
      %sub3A_2176 = arith.subf %gather3A_60, %sub3A_2175 : vector<16xf32>
      %sub3A_2177 = vector.broadcast %squeeze3A_2162 : f32 to vector<16xf32>
      %sub3A_2178 = arith.subf %gather3A_61, %sub3A_2177 : vector<16xf32>
      %mul3A_2179 = arith.mulf %sub3A_2176, %sub3A_2176 : vector<16xf32>
      %mul3A_2180 = arith.mulf %sub3A_2178, %sub3A_2178 : vector<16xf32>
      %add3A_2181 = arith.addf %mul3A_2179, %mul3A_2180 : vector<16xf32>
      %lt3A_2182 = arith.cmpf olt, %add3A_2181, %select_n3A_2155 : vector<16xf32>
      %select_n3A_2183 = arith.select %lt3A_2182, %add3A_2181, %select_n3A_2155 : vector<16xi1>, vector<16xf32>
      %jit3A_2184 = arith.constant 75 : i32
      %broadcast_in_dim3A_2185 = vector.broadcast %jit3A_2184 : i32 to vector<16xi32>
      %select_n3A_2186 = arith.select %lt3A_2182, %broadcast_in_dim3A_2185, %select_n3A_2158 : vector<16xi1>, vector<16xi32>
      %slice3A_2187 = vector.extract_strided_slice %get3A_18 {offsets = [12], sizes = [1], strides = [1]} : vector<16xf32> to vector<1xf32>
      %squeeze3A_2188 = vector.extract %slice3A_2187[0] : f32 from vector<1xf32>
      %slice3A_2189 = vector.extract_strided_slice %get3A_34 {offsets = [12], sizes = [1], strides = [1]} : vector<16xf32> to vector<1xf32>
      %squeeze3A_2190 = vector.extract %slice3A_2189[0] : f32 from vector<1xf32>
      %sub3A_2191 = vector.broadcast %squeeze3A_2188 : f32 to vector<16xf32>
      %sub3A_2192 = arith.subf %gather3A, %sub3A_2191 : vector<16xf32>
      %sub3A_2193 = vector.broadcast %squeeze3A_2190 : f32 to vector<16xf32>
      %sub3A_2194 = arith.subf %gather3A_53, %sub3A_2193 : vector<16xf32>
      %mul3A_2195 = arith.mulf %sub3A_2192, %sub3A_2192 : vector<16xf32>
      %mul3A_2196 = arith.mulf %sub3A_2194, %sub3A_2194 : vector<16xf32>
      %add3A_2197 = arith.addf %mul3A_2195, %mul3A_2196 : vector<16xf32>
      %lt3A_2198 = arith.cmpf olt, %add3A_2197, %select_n3A_2171 : vector<16xf32>
      %select_n3A_2199 = arith.select %lt3A_2198, %add3A_2197, %select_n3A_2171 : vector<16xi1>, vector<16xf32>
      %jit3A_2200 = arith.constant 76 : i32
      %broadcast_in_dim3A_2201 = vector.broadcast %jit3A_2200 : i32 to vector<16xi32>
      %select_n3A_2202 = arith.select %lt3A_2198, %broadcast_in_dim3A_2201, %select_n3A_2174 : vector<16xi1>, vector<16xi32>
      %sub3A_2203 = vector.broadcast %squeeze3A_2188 : f32 to vector<16xf32>
      %sub3A_2204 = arith.subf %gather3A_60, %sub3A_2203 : vector<16xf32>
      %sub3A_2205 = vector.broadcast %squeeze3A_2190 : f32 to vector<16xf32>
      %sub3A_2206 = arith.subf %gather3A_61, %sub3A_2205 : vector<16xf32>
      %mul3A_2207 = arith.mulf %sub3A_2204, %sub3A_2204 : vector<16xf32>
      %mul3A_2208 = arith.mulf %sub3A_2206, %sub3A_2206 : vector<16xf32>
      %add3A_2209 = arith.addf %mul3A_2207, %mul3A_2208 : vector<16xf32>
      %lt3A_2210 = arith.cmpf olt, %add3A_2209, %select_n3A_2183 : vector<16xf32>
      %select_n3A_2211 = arith.select %lt3A_2210, %add3A_2209, %select_n3A_2183 : vector<16xi1>, vector<16xf32>
      %jit3A_2212 = arith.constant 76 : i32
      %broadcast_in_dim3A_2213 = vector.broadcast %jit3A_2212 : i32 to vector<16xi32>
      %select_n3A_2214 = arith.select %lt3A_2210, %broadcast_in_dim3A_2213, %select_n3A_2186 : vector<16xi1>, vector<16xi32>
      %slice3A_2215 = vector.extract_strided_slice %get3A_18 {offsets = [13], sizes = [1], strides = [1]} : vector<16xf32> to vector<1xf32>
      %squeeze3A_2216 = vector.extract %slice3A_2215[0] : f32 from vector<1xf32>
      %slice3A_2217 = vector.extract_strided_slice %get3A_34 {offsets = [13], sizes = [1], strides = [1]} : vector<16xf32> to vector<1xf32>
      %squeeze3A_2218 = vector.extract %slice3A_2217[0] : f32 from vector<1xf32>
      %sub3A_2219 = vector.broadcast %squeeze3A_2216 : f32 to vector<16xf32>
      %sub3A_2220 = arith.subf %gather3A, %sub3A_2219 : vector<16xf32>
      %sub3A_2221 = vector.broadcast %squeeze3A_2218 : f32 to vector<16xf32>
      %sub3A_2222 = arith.subf %gather3A_53, %sub3A_2221 : vector<16xf32>
      %mul3A_2223 = arith.mulf %sub3A_2220, %sub3A_2220 : vector<16xf32>
      %mul3A_2224 = arith.mulf %sub3A_2222, %sub3A_2222 : vector<16xf32>
      %add3A_2225 = arith.addf %mul3A_2223, %mul3A_2224 : vector<16xf32>
      %lt3A_2226 = arith.cmpf olt, %add3A_2225, %select_n3A_2199 : vector<16xf32>
      %select_n3A_2227 = arith.select %lt3A_2226, %add3A_2225, %select_n3A_2199 : vector<16xi1>, vector<16xf32>
      %jit3A_2228 = arith.constant 77 : i32
      %broadcast_in_dim3A_2229 = vector.broadcast %jit3A_2228 : i32 to vector<16xi32>
      %select_n3A_2230 = arith.select %lt3A_2226, %broadcast_in_dim3A_2229, %select_n3A_2202 : vector<16xi1>, vector<16xi32>
      %sub3A_2231 = vector.broadcast %squeeze3A_2216 : f32 to vector<16xf32>
      %sub3A_2232 = arith.subf %gather3A_60, %sub3A_2231 : vector<16xf32>
      %sub3A_2233 = vector.broadcast %squeeze3A_2218 : f32 to vector<16xf32>
      %sub3A_2234 = arith.subf %gather3A_61, %sub3A_2233 : vector<16xf32>
      %mul3A_2235 = arith.mulf %sub3A_2232, %sub3A_2232 : vector<16xf32>
      %mul3A_2236 = arith.mulf %sub3A_2234, %sub3A_2234 : vector<16xf32>
      %add3A_2237 = arith.addf %mul3A_2235, %mul3A_2236 : vector<16xf32>
      %lt3A_2238 = arith.cmpf olt, %add3A_2237, %select_n3A_2211 : vector<16xf32>
      %select_n3A_2239 = arith.select %lt3A_2238, %add3A_2237, %select_n3A_2211 : vector<16xi1>, vector<16xf32>
      %jit3A_2240 = arith.constant 77 : i32
      %broadcast_in_dim3A_2241 = vector.broadcast %jit3A_2240 : i32 to vector<16xi32>
      %select_n3A_2242 = arith.select %lt3A_2238, %broadcast_in_dim3A_2241, %select_n3A_2214 : vector<16xi1>, vector<16xi32>
      %slice3A_2243 = vector.extract_strided_slice %get3A_18 {offsets = [14], sizes = [1], strides = [1]} : vector<16xf32> to vector<1xf32>
      %squeeze3A_2244 = vector.extract %slice3A_2243[0] : f32 from vector<1xf32>
      %slice3A_2245 = vector.extract_strided_slice %get3A_34 {offsets = [14], sizes = [1], strides = [1]} : vector<16xf32> to vector<1xf32>
      %squeeze3A_2246 = vector.extract %slice3A_2245[0] : f32 from vector<1xf32>
      %sub3A_2247 = vector.broadcast %squeeze3A_2244 : f32 to vector<16xf32>
      %sub3A_2248 = arith.subf %gather3A, %sub3A_2247 : vector<16xf32>
      %sub3A_2249 = vector.broadcast %squeeze3A_2246 : f32 to vector<16xf32>
      %sub3A_2250 = arith.subf %gather3A_53, %sub3A_2249 : vector<16xf32>
      %mul3A_2251 = arith.mulf %sub3A_2248, %sub3A_2248 : vector<16xf32>
      %mul3A_2252 = arith.mulf %sub3A_2250, %sub3A_2250 : vector<16xf32>
      %add3A_2253 = arith.addf %mul3A_2251, %mul3A_2252 : vector<16xf32>
      %lt3A_2254 = arith.cmpf olt, %add3A_2253, %select_n3A_2227 : vector<16xf32>
      %select_n3A_2255 = arith.select %lt3A_2254, %add3A_2253, %select_n3A_2227 : vector<16xi1>, vector<16xf32>
      %jit3A_2256 = arith.constant 78 : i32
      %broadcast_in_dim3A_2257 = vector.broadcast %jit3A_2256 : i32 to vector<16xi32>
      %select_n3A_2258 = arith.select %lt3A_2254, %broadcast_in_dim3A_2257, %select_n3A_2230 : vector<16xi1>, vector<16xi32>
      %sub3A_2259 = vector.broadcast %squeeze3A_2244 : f32 to vector<16xf32>
      %sub3A_2260 = arith.subf %gather3A_60, %sub3A_2259 : vector<16xf32>
      %sub3A_2261 = vector.broadcast %squeeze3A_2246 : f32 to vector<16xf32>
      %sub3A_2262 = arith.subf %gather3A_61, %sub3A_2261 : vector<16xf32>
      %mul3A_2263 = arith.mulf %sub3A_2260, %sub3A_2260 : vector<16xf32>
      %mul3A_2264 = arith.mulf %sub3A_2262, %sub3A_2262 : vector<16xf32>
      %add3A_2265 = arith.addf %mul3A_2263, %mul3A_2264 : vector<16xf32>
      %lt3A_2266 = arith.cmpf olt, %add3A_2265, %select_n3A_2239 : vector<16xf32>
      %select_n3A_2267 = arith.select %lt3A_2266, %add3A_2265, %select_n3A_2239 : vector<16xi1>, vector<16xf32>
      %jit3A_2268 = arith.constant 78 : i32
      %broadcast_in_dim3A_2269 = vector.broadcast %jit3A_2268 : i32 to vector<16xi32>
      %select_n3A_2270 = arith.select %lt3A_2266, %broadcast_in_dim3A_2269, %select_n3A_2242 : vector<16xi1>, vector<16xi32>
      %slice3A_2271 = vector.extract_strided_slice %get3A_18 {offsets = [15], sizes = [1], strides = [1]} : vector<16xf32> to vector<1xf32>
      %squeeze3A_2272 = vector.extract %slice3A_2271[0] : f32 from vector<1xf32>
      %slice3A_2273 = vector.extract_strided_slice %get3A_34 {offsets = [15], sizes = [1], strides = [1]} : vector<16xf32> to vector<1xf32>
      %squeeze3A_2274 = vector.extract %slice3A_2273[0] : f32 from vector<1xf32>
      %sub3A_2275 = vector.broadcast %squeeze3A_2272 : f32 to vector<16xf32>
      %sub3A_2276 = arith.subf %gather3A, %sub3A_2275 : vector<16xf32>
      %sub3A_2277 = vector.broadcast %squeeze3A_2274 : f32 to vector<16xf32>
      %sub3A_2278 = arith.subf %gather3A_53, %sub3A_2277 : vector<16xf32>
      %mul3A_2279 = arith.mulf %sub3A_2276, %sub3A_2276 : vector<16xf32>
      %mul3A_2280 = arith.mulf %sub3A_2278, %sub3A_2278 : vector<16xf32>
      %add3A_2281 = arith.addf %mul3A_2279, %mul3A_2280 : vector<16xf32>
      %lt3A_2282 = arith.cmpf olt, %add3A_2281, %select_n3A_2255 : vector<16xf32>
      %select_n3A_2283 = arith.select %lt3A_2282, %add3A_2281, %select_n3A_2255 : vector<16xi1>, vector<16xf32>
      %jit3A_2284 = arith.constant 79 : i32
      %broadcast_in_dim3A_2285 = vector.broadcast %jit3A_2284 : i32 to vector<16xi32>
      %select_n3A_2286 = arith.select %lt3A_2282, %broadcast_in_dim3A_2285, %select_n3A_2258 : vector<16xi1>, vector<16xi32>
      %sub3A_2287 = vector.broadcast %squeeze3A_2272 : f32 to vector<16xf32>
      %sub3A_2288 = arith.subf %gather3A_60, %sub3A_2287 : vector<16xf32>
      %sub3A_2289 = vector.broadcast %squeeze3A_2274 : f32 to vector<16xf32>
      %sub3A_2290 = arith.subf %gather3A_61, %sub3A_2289 : vector<16xf32>
      %mul3A_2291 = arith.mulf %sub3A_2288, %sub3A_2288 : vector<16xf32>
      %mul3A_2292 = arith.mulf %sub3A_2290, %sub3A_2290 : vector<16xf32>
      %add3A_2293 = arith.addf %mul3A_2291, %mul3A_2292 : vector<16xf32>
      %lt3A_2294 = arith.cmpf olt, %add3A_2293, %select_n3A_2267 : vector<16xf32>
      %select_n3A_2295 = arith.select %lt3A_2294, %add3A_2293, %select_n3A_2267 : vector<16xi1>, vector<16xf32>
      %jit3A_2296 = arith.constant 79 : i32
      %broadcast_in_dim3A_2297 = vector.broadcast %jit3A_2296 : i32 to vector<16xi32>
      %select_n3A_2298 = arith.select %lt3A_2294, %broadcast_in_dim3A_2297, %select_n3A_2270 : vector<16xi1>, vector<16xi32>
      %slice3A_2299 = vector.extract_strided_slice %get3A_20 {offsets = [0], sizes = [1], strides = [1]} : vector<16xf32> to vector<1xf32>
      %squeeze3A_2300 = vector.extract %slice3A_2299[0] : f32 from vector<1xf32>
      %slice3A_2301 = vector.extract_strided_slice %get3A_36 {offsets = [0], sizes = [1], strides = [1]} : vector<16xf32> to vector<1xf32>
      %squeeze3A_2302 = vector.extract %slice3A_2301[0] : f32 from vector<1xf32>
      %sub3A_2303 = vector.broadcast %squeeze3A_2300 : f32 to vector<16xf32>
      %sub3A_2304 = arith.subf %gather3A, %sub3A_2303 : vector<16xf32>
      %sub3A_2305 = vector.broadcast %squeeze3A_2302 : f32 to vector<16xf32>
      %sub3A_2306 = arith.subf %gather3A_53, %sub3A_2305 : vector<16xf32>
      %mul3A_2307 = arith.mulf %sub3A_2304, %sub3A_2304 : vector<16xf32>
      %mul3A_2308 = arith.mulf %sub3A_2306, %sub3A_2306 : vector<16xf32>
      %add3A_2309 = arith.addf %mul3A_2307, %mul3A_2308 : vector<16xf32>
      %lt3A_2310 = arith.cmpf olt, %add3A_2309, %select_n3A_2283 : vector<16xf32>
      %select_n3A_2311 = arith.select %lt3A_2310, %add3A_2309, %select_n3A_2283 : vector<16xi1>, vector<16xf32>
      %jit3A_2312 = arith.constant 80 : i32
      %broadcast_in_dim3A_2313 = vector.broadcast %jit3A_2312 : i32 to vector<16xi32>
      %select_n3A_2314 = arith.select %lt3A_2310, %broadcast_in_dim3A_2313, %select_n3A_2286 : vector<16xi1>, vector<16xi32>
      %sub3A_2315 = vector.broadcast %squeeze3A_2300 : f32 to vector<16xf32>
      %sub3A_2316 = arith.subf %gather3A_60, %sub3A_2315 : vector<16xf32>
      %sub3A_2317 = vector.broadcast %squeeze3A_2302 : f32 to vector<16xf32>
      %sub3A_2318 = arith.subf %gather3A_61, %sub3A_2317 : vector<16xf32>
      %mul3A_2319 = arith.mulf %sub3A_2316, %sub3A_2316 : vector<16xf32>
      %mul3A_2320 = arith.mulf %sub3A_2318, %sub3A_2318 : vector<16xf32>
      %add3A_2321 = arith.addf %mul3A_2319, %mul3A_2320 : vector<16xf32>
      %lt3A_2322 = arith.cmpf olt, %add3A_2321, %select_n3A_2295 : vector<16xf32>
      %select_n3A_2323 = arith.select %lt3A_2322, %add3A_2321, %select_n3A_2295 : vector<16xi1>, vector<16xf32>
      %jit3A_2324 = arith.constant 80 : i32
      %broadcast_in_dim3A_2325 = vector.broadcast %jit3A_2324 : i32 to vector<16xi32>
      %select_n3A_2326 = arith.select %lt3A_2322, %broadcast_in_dim3A_2325, %select_n3A_2298 : vector<16xi1>, vector<16xi32>
      %slice3A_2327 = vector.extract_strided_slice %get3A_20 {offsets = [1], sizes = [1], strides = [1]} : vector<16xf32> to vector<1xf32>
      %squeeze3A_2328 = vector.extract %slice3A_2327[0] : f32 from vector<1xf32>
      %slice3A_2329 = vector.extract_strided_slice %get3A_36 {offsets = [1], sizes = [1], strides = [1]} : vector<16xf32> to vector<1xf32>
      %squeeze3A_2330 = vector.extract %slice3A_2329[0] : f32 from vector<1xf32>
      %sub3A_2331 = vector.broadcast %squeeze3A_2328 : f32 to vector<16xf32>
      %sub3A_2332 = arith.subf %gather3A, %sub3A_2331 : vector<16xf32>
      %sub3A_2333 = vector.broadcast %squeeze3A_2330 : f32 to vector<16xf32>
      %sub3A_2334 = arith.subf %gather3A_53, %sub3A_2333 : vector<16xf32>
      %mul3A_2335 = arith.mulf %sub3A_2332, %sub3A_2332 : vector<16xf32>
      %mul3A_2336 = arith.mulf %sub3A_2334, %sub3A_2334 : vector<16xf32>
      %add3A_2337 = arith.addf %mul3A_2335, %mul3A_2336 : vector<16xf32>
      %lt3A_2338 = arith.cmpf olt, %add3A_2337, %select_n3A_2311 : vector<16xf32>
      %select_n3A_2339 = arith.select %lt3A_2338, %add3A_2337, %select_n3A_2311 : vector<16xi1>, vector<16xf32>
      %jit3A_2340 = arith.constant 81 : i32
      %broadcast_in_dim3A_2341 = vector.broadcast %jit3A_2340 : i32 to vector<16xi32>
      %select_n3A_2342 = arith.select %lt3A_2338, %broadcast_in_dim3A_2341, %select_n3A_2314 : vector<16xi1>, vector<16xi32>
      %sub3A_2343 = vector.broadcast %squeeze3A_2328 : f32 to vector<16xf32>
      %sub3A_2344 = arith.subf %gather3A_60, %sub3A_2343 : vector<16xf32>
      %sub3A_2345 = vector.broadcast %squeeze3A_2330 : f32 to vector<16xf32>
      %sub3A_2346 = arith.subf %gather3A_61, %sub3A_2345 : vector<16xf32>
      %mul3A_2347 = arith.mulf %sub3A_2344, %sub3A_2344 : vector<16xf32>
      %mul3A_2348 = arith.mulf %sub3A_2346, %sub3A_2346 : vector<16xf32>
      %add3A_2349 = arith.addf %mul3A_2347, %mul3A_2348 : vector<16xf32>
      %lt3A_2350 = arith.cmpf olt, %add3A_2349, %select_n3A_2323 : vector<16xf32>
      %select_n3A_2351 = arith.select %lt3A_2350, %add3A_2349, %select_n3A_2323 : vector<16xi1>, vector<16xf32>
      %jit3A_2352 = arith.constant 81 : i32
      %broadcast_in_dim3A_2353 = vector.broadcast %jit3A_2352 : i32 to vector<16xi32>
      %select_n3A_2354 = arith.select %lt3A_2350, %broadcast_in_dim3A_2353, %select_n3A_2326 : vector<16xi1>, vector<16xi32>
      %slice3A_2355 = vector.extract_strided_slice %get3A_20 {offsets = [2], sizes = [1], strides = [1]} : vector<16xf32> to vector<1xf32>
      %squeeze3A_2356 = vector.extract %slice3A_2355[0] : f32 from vector<1xf32>
      %slice3A_2357 = vector.extract_strided_slice %get3A_36 {offsets = [2], sizes = [1], strides = [1]} : vector<16xf32> to vector<1xf32>
      %squeeze3A_2358 = vector.extract %slice3A_2357[0] : f32 from vector<1xf32>
      %sub3A_2359 = vector.broadcast %squeeze3A_2356 : f32 to vector<16xf32>
      %sub3A_2360 = arith.subf %gather3A, %sub3A_2359 : vector<16xf32>
      %sub3A_2361 = vector.broadcast %squeeze3A_2358 : f32 to vector<16xf32>
      %sub3A_2362 = arith.subf %gather3A_53, %sub3A_2361 : vector<16xf32>
      %mul3A_2363 = arith.mulf %sub3A_2360, %sub3A_2360 : vector<16xf32>
      %mul3A_2364 = arith.mulf %sub3A_2362, %sub3A_2362 : vector<16xf32>
      %add3A_2365 = arith.addf %mul3A_2363, %mul3A_2364 : vector<16xf32>
      %lt3A_2366 = arith.cmpf olt, %add3A_2365, %select_n3A_2339 : vector<16xf32>
      %select_n3A_2367 = arith.select %lt3A_2366, %add3A_2365, %select_n3A_2339 : vector<16xi1>, vector<16xf32>
      %jit3A_2368 = arith.constant 82 : i32
      %broadcast_in_dim3A_2369 = vector.broadcast %jit3A_2368 : i32 to vector<16xi32>
      %select_n3A_2370 = arith.select %lt3A_2366, %broadcast_in_dim3A_2369, %select_n3A_2342 : vector<16xi1>, vector<16xi32>
      %sub3A_2371 = vector.broadcast %squeeze3A_2356 : f32 to vector<16xf32>
      %sub3A_2372 = arith.subf %gather3A_60, %sub3A_2371 : vector<16xf32>
      %sub3A_2373 = vector.broadcast %squeeze3A_2358 : f32 to vector<16xf32>
      %sub3A_2374 = arith.subf %gather3A_61, %sub3A_2373 : vector<16xf32>
      %mul3A_2375 = arith.mulf %sub3A_2372, %sub3A_2372 : vector<16xf32>
      %mul3A_2376 = arith.mulf %sub3A_2374, %sub3A_2374 : vector<16xf32>
      %add3A_2377 = arith.addf %mul3A_2375, %mul3A_2376 : vector<16xf32>
      %lt3A_2378 = arith.cmpf olt, %add3A_2377, %select_n3A_2351 : vector<16xf32>
      %select_n3A_2379 = arith.select %lt3A_2378, %add3A_2377, %select_n3A_2351 : vector<16xi1>, vector<16xf32>
      %jit3A_2380 = arith.constant 82 : i32
      %broadcast_in_dim3A_2381 = vector.broadcast %jit3A_2380 : i32 to vector<16xi32>
      %select_n3A_2382 = arith.select %lt3A_2378, %broadcast_in_dim3A_2381, %select_n3A_2354 : vector<16xi1>, vector<16xi32>
      %slice3A_2383 = vector.extract_strided_slice %get3A_20 {offsets = [3], sizes = [1], strides = [1]} : vector<16xf32> to vector<1xf32>
      %squeeze3A_2384 = vector.extract %slice3A_2383[0] : f32 from vector<1xf32>
      %slice3A_2385 = vector.extract_strided_slice %get3A_36 {offsets = [3], sizes = [1], strides = [1]} : vector<16xf32> to vector<1xf32>
      %squeeze3A_2386 = vector.extract %slice3A_2385[0] : f32 from vector<1xf32>
      %sub3A_2387 = vector.broadcast %squeeze3A_2384 : f32 to vector<16xf32>
      %sub3A_2388 = arith.subf %gather3A, %sub3A_2387 : vector<16xf32>
      %sub3A_2389 = vector.broadcast %squeeze3A_2386 : f32 to vector<16xf32>
      %sub3A_2390 = arith.subf %gather3A_53, %sub3A_2389 : vector<16xf32>
      %mul3A_2391 = arith.mulf %sub3A_2388, %sub3A_2388 : vector<16xf32>
      %mul3A_2392 = arith.mulf %sub3A_2390, %sub3A_2390 : vector<16xf32>
      %add3A_2393 = arith.addf %mul3A_2391, %mul3A_2392 : vector<16xf32>
      %lt3A_2394 = arith.cmpf olt, %add3A_2393, %select_n3A_2367 : vector<16xf32>
      %select_n3A_2395 = arith.select %lt3A_2394, %add3A_2393, %select_n3A_2367 : vector<16xi1>, vector<16xf32>
      %jit3A_2396 = arith.constant 83 : i32
      %broadcast_in_dim3A_2397 = vector.broadcast %jit3A_2396 : i32 to vector<16xi32>
      %select_n3A_2398 = arith.select %lt3A_2394, %broadcast_in_dim3A_2397, %select_n3A_2370 : vector<16xi1>, vector<16xi32>
      %sub3A_2399 = vector.broadcast %squeeze3A_2384 : f32 to vector<16xf32>
      %sub3A_2400 = arith.subf %gather3A_60, %sub3A_2399 : vector<16xf32>
      %sub3A_2401 = vector.broadcast %squeeze3A_2386 : f32 to vector<16xf32>
      %sub3A_2402 = arith.subf %gather3A_61, %sub3A_2401 : vector<16xf32>
      %mul3A_2403 = arith.mulf %sub3A_2400, %sub3A_2400 : vector<16xf32>
      %mul3A_2404 = arith.mulf %sub3A_2402, %sub3A_2402 : vector<16xf32>
      %add3A_2405 = arith.addf %mul3A_2403, %mul3A_2404 : vector<16xf32>
      %lt3A_2406 = arith.cmpf olt, %add3A_2405, %select_n3A_2379 : vector<16xf32>
      %select_n3A_2407 = arith.select %lt3A_2406, %add3A_2405, %select_n3A_2379 : vector<16xi1>, vector<16xf32>
      %jit3A_2408 = arith.constant 83 : i32
      %broadcast_in_dim3A_2409 = vector.broadcast %jit3A_2408 : i32 to vector<16xi32>
      %select_n3A_2410 = arith.select %lt3A_2406, %broadcast_in_dim3A_2409, %select_n3A_2382 : vector<16xi1>, vector<16xi32>
      %slice3A_2411 = vector.extract_strided_slice %get3A_20 {offsets = [4], sizes = [1], strides = [1]} : vector<16xf32> to vector<1xf32>
      %squeeze3A_2412 = vector.extract %slice3A_2411[0] : f32 from vector<1xf32>
      %slice3A_2413 = vector.extract_strided_slice %get3A_36 {offsets = [4], sizes = [1], strides = [1]} : vector<16xf32> to vector<1xf32>
      %squeeze3A_2414 = vector.extract %slice3A_2413[0] : f32 from vector<1xf32>
      %sub3A_2415 = vector.broadcast %squeeze3A_2412 : f32 to vector<16xf32>
      %sub3A_2416 = arith.subf %gather3A, %sub3A_2415 : vector<16xf32>
      %sub3A_2417 = vector.broadcast %squeeze3A_2414 : f32 to vector<16xf32>
      %sub3A_2418 = arith.subf %gather3A_53, %sub3A_2417 : vector<16xf32>
      %mul3A_2419 = arith.mulf %sub3A_2416, %sub3A_2416 : vector<16xf32>
      %mul3A_2420 = arith.mulf %sub3A_2418, %sub3A_2418 : vector<16xf32>
      %add3A_2421 = arith.addf %mul3A_2419, %mul3A_2420 : vector<16xf32>
      %lt3A_2422 = arith.cmpf olt, %add3A_2421, %select_n3A_2395 : vector<16xf32>
      %select_n3A_2423 = arith.select %lt3A_2422, %add3A_2421, %select_n3A_2395 : vector<16xi1>, vector<16xf32>
      %jit3A_2424 = arith.constant 84 : i32
      %broadcast_in_dim3A_2425 = vector.broadcast %jit3A_2424 : i32 to vector<16xi32>
      %select_n3A_2426 = arith.select %lt3A_2422, %broadcast_in_dim3A_2425, %select_n3A_2398 : vector<16xi1>, vector<16xi32>
      %sub3A_2427 = vector.broadcast %squeeze3A_2412 : f32 to vector<16xf32>
      %sub3A_2428 = arith.subf %gather3A_60, %sub3A_2427 : vector<16xf32>
      %sub3A_2429 = vector.broadcast %squeeze3A_2414 : f32 to vector<16xf32>
      %sub3A_2430 = arith.subf %gather3A_61, %sub3A_2429 : vector<16xf32>
      %mul3A_2431 = arith.mulf %sub3A_2428, %sub3A_2428 : vector<16xf32>
      %mul3A_2432 = arith.mulf %sub3A_2430, %sub3A_2430 : vector<16xf32>
      %add3A_2433 = arith.addf %mul3A_2431, %mul3A_2432 : vector<16xf32>
      %lt3A_2434 = arith.cmpf olt, %add3A_2433, %select_n3A_2407 : vector<16xf32>
      %select_n3A_2435 = arith.select %lt3A_2434, %add3A_2433, %select_n3A_2407 : vector<16xi1>, vector<16xf32>
      %jit3A_2436 = arith.constant 84 : i32
      %broadcast_in_dim3A_2437 = vector.broadcast %jit3A_2436 : i32 to vector<16xi32>
      %select_n3A_2438 = arith.select %lt3A_2434, %broadcast_in_dim3A_2437, %select_n3A_2410 : vector<16xi1>, vector<16xi32>
      %slice3A_2439 = vector.extract_strided_slice %get3A_20 {offsets = [5], sizes = [1], strides = [1]} : vector<16xf32> to vector<1xf32>
      %squeeze3A_2440 = vector.extract %slice3A_2439[0] : f32 from vector<1xf32>
      %slice3A_2441 = vector.extract_strided_slice %get3A_36 {offsets = [5], sizes = [1], strides = [1]} : vector<16xf32> to vector<1xf32>
      %squeeze3A_2442 = vector.extract %slice3A_2441[0] : f32 from vector<1xf32>
      %sub3A_2443 = vector.broadcast %squeeze3A_2440 : f32 to vector<16xf32>
      %sub3A_2444 = arith.subf %gather3A, %sub3A_2443 : vector<16xf32>
      %sub3A_2445 = vector.broadcast %squeeze3A_2442 : f32 to vector<16xf32>
      %sub3A_2446 = arith.subf %gather3A_53, %sub3A_2445 : vector<16xf32>
      %mul3A_2447 = arith.mulf %sub3A_2444, %sub3A_2444 : vector<16xf32>
      %mul3A_2448 = arith.mulf %sub3A_2446, %sub3A_2446 : vector<16xf32>
      %add3A_2449 = arith.addf %mul3A_2447, %mul3A_2448 : vector<16xf32>
      %lt3A_2450 = arith.cmpf olt, %add3A_2449, %select_n3A_2423 : vector<16xf32>
      %select_n3A_2451 = arith.select %lt3A_2450, %add3A_2449, %select_n3A_2423 : vector<16xi1>, vector<16xf32>
      %jit3A_2452 = arith.constant 85 : i32
      %broadcast_in_dim3A_2453 = vector.broadcast %jit3A_2452 : i32 to vector<16xi32>
      %select_n3A_2454 = arith.select %lt3A_2450, %broadcast_in_dim3A_2453, %select_n3A_2426 : vector<16xi1>, vector<16xi32>
      %sub3A_2455 = vector.broadcast %squeeze3A_2440 : f32 to vector<16xf32>
      %sub3A_2456 = arith.subf %gather3A_60, %sub3A_2455 : vector<16xf32>
      %sub3A_2457 = vector.broadcast %squeeze3A_2442 : f32 to vector<16xf32>
      %sub3A_2458 = arith.subf %gather3A_61, %sub3A_2457 : vector<16xf32>
      %mul3A_2459 = arith.mulf %sub3A_2456, %sub3A_2456 : vector<16xf32>
      %mul3A_2460 = arith.mulf %sub3A_2458, %sub3A_2458 : vector<16xf32>
      %add3A_2461 = arith.addf %mul3A_2459, %mul3A_2460 : vector<16xf32>
      %lt3A_2462 = arith.cmpf olt, %add3A_2461, %select_n3A_2435 : vector<16xf32>
      %select_n3A_2463 = arith.select %lt3A_2462, %add3A_2461, %select_n3A_2435 : vector<16xi1>, vector<16xf32>
      %jit3A_2464 = arith.constant 85 : i32
      %broadcast_in_dim3A_2465 = vector.broadcast %jit3A_2464 : i32 to vector<16xi32>
      %select_n3A_2466 = arith.select %lt3A_2462, %broadcast_in_dim3A_2465, %select_n3A_2438 : vector<16xi1>, vector<16xi32>
      %slice3A_2467 = vector.extract_strided_slice %get3A_20 {offsets = [6], sizes = [1], strides = [1]} : vector<16xf32> to vector<1xf32>
      %squeeze3A_2468 = vector.extract %slice3A_2467[0] : f32 from vector<1xf32>
      %slice3A_2469 = vector.extract_strided_slice %get3A_36 {offsets = [6], sizes = [1], strides = [1]} : vector<16xf32> to vector<1xf32>
      %squeeze3A_2470 = vector.extract %slice3A_2469[0] : f32 from vector<1xf32>
      %sub3A_2471 = vector.broadcast %squeeze3A_2468 : f32 to vector<16xf32>
      %sub3A_2472 = arith.subf %gather3A, %sub3A_2471 : vector<16xf32>
      %sub3A_2473 = vector.broadcast %squeeze3A_2470 : f32 to vector<16xf32>
      %sub3A_2474 = arith.subf %gather3A_53, %sub3A_2473 : vector<16xf32>
      %mul3A_2475 = arith.mulf %sub3A_2472, %sub3A_2472 : vector<16xf32>
      %mul3A_2476 = arith.mulf %sub3A_2474, %sub3A_2474 : vector<16xf32>
      %add3A_2477 = arith.addf %mul3A_2475, %mul3A_2476 : vector<16xf32>
      %lt3A_2478 = arith.cmpf olt, %add3A_2477, %select_n3A_2451 : vector<16xf32>
      %select_n3A_2479 = arith.select %lt3A_2478, %add3A_2477, %select_n3A_2451 : vector<16xi1>, vector<16xf32>
      %jit3A_2480 = arith.constant 86 : i32
      %broadcast_in_dim3A_2481 = vector.broadcast %jit3A_2480 : i32 to vector<16xi32>
      %select_n3A_2482 = arith.select %lt3A_2478, %broadcast_in_dim3A_2481, %select_n3A_2454 : vector<16xi1>, vector<16xi32>
      %sub3A_2483 = vector.broadcast %squeeze3A_2468 : f32 to vector<16xf32>
      %sub3A_2484 = arith.subf %gather3A_60, %sub3A_2483 : vector<16xf32>
      %sub3A_2485 = vector.broadcast %squeeze3A_2470 : f32 to vector<16xf32>
      %sub3A_2486 = arith.subf %gather3A_61, %sub3A_2485 : vector<16xf32>
      %mul3A_2487 = arith.mulf %sub3A_2484, %sub3A_2484 : vector<16xf32>
      %mul3A_2488 = arith.mulf %sub3A_2486, %sub3A_2486 : vector<16xf32>
      %add3A_2489 = arith.addf %mul3A_2487, %mul3A_2488 : vector<16xf32>
      %lt3A_2490 = arith.cmpf olt, %add3A_2489, %select_n3A_2463 : vector<16xf32>
      %select_n3A_2491 = arith.select %lt3A_2490, %add3A_2489, %select_n3A_2463 : vector<16xi1>, vector<16xf32>
      %jit3A_2492 = arith.constant 86 : i32
      %broadcast_in_dim3A_2493 = vector.broadcast %jit3A_2492 : i32 to vector<16xi32>
      %select_n3A_2494 = arith.select %lt3A_2490, %broadcast_in_dim3A_2493, %select_n3A_2466 : vector<16xi1>, vector<16xi32>
      %slice3A_2495 = vector.extract_strided_slice %get3A_20 {offsets = [7], sizes = [1], strides = [1]} : vector<16xf32> to vector<1xf32>
      %squeeze3A_2496 = vector.extract %slice3A_2495[0] : f32 from vector<1xf32>
      %slice3A_2497 = vector.extract_strided_slice %get3A_36 {offsets = [7], sizes = [1], strides = [1]} : vector<16xf32> to vector<1xf32>
      %squeeze3A_2498 = vector.extract %slice3A_2497[0] : f32 from vector<1xf32>
      %sub3A_2499 = vector.broadcast %squeeze3A_2496 : f32 to vector<16xf32>
      %sub3A_2500 = arith.subf %gather3A, %sub3A_2499 : vector<16xf32>
      %sub3A_2501 = vector.broadcast %squeeze3A_2498 : f32 to vector<16xf32>
      %sub3A_2502 = arith.subf %gather3A_53, %sub3A_2501 : vector<16xf32>
      %mul3A_2503 = arith.mulf %sub3A_2500, %sub3A_2500 : vector<16xf32>
      %mul3A_2504 = arith.mulf %sub3A_2502, %sub3A_2502 : vector<16xf32>
      %add3A_2505 = arith.addf %mul3A_2503, %mul3A_2504 : vector<16xf32>
      %lt3A_2506 = arith.cmpf olt, %add3A_2505, %select_n3A_2479 : vector<16xf32>
      %select_n3A_2507 = arith.select %lt3A_2506, %add3A_2505, %select_n3A_2479 : vector<16xi1>, vector<16xf32>
      %jit3A_2508 = arith.constant 87 : i32
      %broadcast_in_dim3A_2509 = vector.broadcast %jit3A_2508 : i32 to vector<16xi32>
      %select_n3A_2510 = arith.select %lt3A_2506, %broadcast_in_dim3A_2509, %select_n3A_2482 : vector<16xi1>, vector<16xi32>
      %sub3A_2511 = vector.broadcast %squeeze3A_2496 : f32 to vector<16xf32>
      %sub3A_2512 = arith.subf %gather3A_60, %sub3A_2511 : vector<16xf32>
      %sub3A_2513 = vector.broadcast %squeeze3A_2498 : f32 to vector<16xf32>
      %sub3A_2514 = arith.subf %gather3A_61, %sub3A_2513 : vector<16xf32>
      %mul3A_2515 = arith.mulf %sub3A_2512, %sub3A_2512 : vector<16xf32>
      %mul3A_2516 = arith.mulf %sub3A_2514, %sub3A_2514 : vector<16xf32>
      %add3A_2517 = arith.addf %mul3A_2515, %mul3A_2516 : vector<16xf32>
      %lt3A_2518 = arith.cmpf olt, %add3A_2517, %select_n3A_2491 : vector<16xf32>
      %select_n3A_2519 = arith.select %lt3A_2518, %add3A_2517, %select_n3A_2491 : vector<16xi1>, vector<16xf32>
      %jit3A_2520 = arith.constant 87 : i32
      %broadcast_in_dim3A_2521 = vector.broadcast %jit3A_2520 : i32 to vector<16xi32>
      %select_n3A_2522 = arith.select %lt3A_2518, %broadcast_in_dim3A_2521, %select_n3A_2494 : vector<16xi1>, vector<16xi32>
      %slice3A_2523 = vector.extract_strided_slice %get3A_20 {offsets = [8], sizes = [1], strides = [1]} : vector<16xf32> to vector<1xf32>
      %squeeze3A_2524 = vector.extract %slice3A_2523[0] : f32 from vector<1xf32>
      %slice3A_2525 = vector.extract_strided_slice %get3A_36 {offsets = [8], sizes = [1], strides = [1]} : vector<16xf32> to vector<1xf32>
      %squeeze3A_2526 = vector.extract %slice3A_2525[0] : f32 from vector<1xf32>
      %sub3A_2527 = vector.broadcast %squeeze3A_2524 : f32 to vector<16xf32>
      %sub3A_2528 = arith.subf %gather3A, %sub3A_2527 : vector<16xf32>
      %sub3A_2529 = vector.broadcast %squeeze3A_2526 : f32 to vector<16xf32>
      %sub3A_2530 = arith.subf %gather3A_53, %sub3A_2529 : vector<16xf32>
      %mul3A_2531 = arith.mulf %sub3A_2528, %sub3A_2528 : vector<16xf32>
      %mul3A_2532 = arith.mulf %sub3A_2530, %sub3A_2530 : vector<16xf32>
      %add3A_2533 = arith.addf %mul3A_2531, %mul3A_2532 : vector<16xf32>
      %lt3A_2534 = arith.cmpf olt, %add3A_2533, %select_n3A_2507 : vector<16xf32>
      %select_n3A_2535 = arith.select %lt3A_2534, %add3A_2533, %select_n3A_2507 : vector<16xi1>, vector<16xf32>
      %jit3A_2536 = arith.constant 88 : i32
      %broadcast_in_dim3A_2537 = vector.broadcast %jit3A_2536 : i32 to vector<16xi32>
      %select_n3A_2538 = arith.select %lt3A_2534, %broadcast_in_dim3A_2537, %select_n3A_2510 : vector<16xi1>, vector<16xi32>
      %sub3A_2539 = vector.broadcast %squeeze3A_2524 : f32 to vector<16xf32>
      %sub3A_2540 = arith.subf %gather3A_60, %sub3A_2539 : vector<16xf32>
      %sub3A_2541 = vector.broadcast %squeeze3A_2526 : f32 to vector<16xf32>
      %sub3A_2542 = arith.subf %gather3A_61, %sub3A_2541 : vector<16xf32>
      %mul3A_2543 = arith.mulf %sub3A_2540, %sub3A_2540 : vector<16xf32>
      %mul3A_2544 = arith.mulf %sub3A_2542, %sub3A_2542 : vector<16xf32>
      %add3A_2545 = arith.addf %mul3A_2543, %mul3A_2544 : vector<16xf32>
      %lt3A_2546 = arith.cmpf olt, %add3A_2545, %select_n3A_2519 : vector<16xf32>
      %select_n3A_2547 = arith.select %lt3A_2546, %add3A_2545, %select_n3A_2519 : vector<16xi1>, vector<16xf32>
      %jit3A_2548 = arith.constant 88 : i32
      %broadcast_in_dim3A_2549 = vector.broadcast %jit3A_2548 : i32 to vector<16xi32>
      %select_n3A_2550 = arith.select %lt3A_2546, %broadcast_in_dim3A_2549, %select_n3A_2522 : vector<16xi1>, vector<16xi32>
      %slice3A_2551 = vector.extract_strided_slice %get3A_20 {offsets = [9], sizes = [1], strides = [1]} : vector<16xf32> to vector<1xf32>
      %squeeze3A_2552 = vector.extract %slice3A_2551[0] : f32 from vector<1xf32>
      %slice3A_2553 = vector.extract_strided_slice %get3A_36 {offsets = [9], sizes = [1], strides = [1]} : vector<16xf32> to vector<1xf32>
      %squeeze3A_2554 = vector.extract %slice3A_2553[0] : f32 from vector<1xf32>
      %sub3A_2555 = vector.broadcast %squeeze3A_2552 : f32 to vector<16xf32>
      %sub3A_2556 = arith.subf %gather3A, %sub3A_2555 : vector<16xf32>
      %sub3A_2557 = vector.broadcast %squeeze3A_2554 : f32 to vector<16xf32>
      %sub3A_2558 = arith.subf %gather3A_53, %sub3A_2557 : vector<16xf32>
      %mul3A_2559 = arith.mulf %sub3A_2556, %sub3A_2556 : vector<16xf32>
      %mul3A_2560 = arith.mulf %sub3A_2558, %sub3A_2558 : vector<16xf32>
      %add3A_2561 = arith.addf %mul3A_2559, %mul3A_2560 : vector<16xf32>
      %lt3A_2562 = arith.cmpf olt, %add3A_2561, %select_n3A_2535 : vector<16xf32>
      %select_n3A_2563 = arith.select %lt3A_2562, %add3A_2561, %select_n3A_2535 : vector<16xi1>, vector<16xf32>
      %jit3A_2564 = arith.constant 89 : i32
      %broadcast_in_dim3A_2565 = vector.broadcast %jit3A_2564 : i32 to vector<16xi32>
      %select_n3A_2566 = arith.select %lt3A_2562, %broadcast_in_dim3A_2565, %select_n3A_2538 : vector<16xi1>, vector<16xi32>
      %sub3A_2567 = vector.broadcast %squeeze3A_2552 : f32 to vector<16xf32>
      %sub3A_2568 = arith.subf %gather3A_60, %sub3A_2567 : vector<16xf32>
      %sub3A_2569 = vector.broadcast %squeeze3A_2554 : f32 to vector<16xf32>
      %sub3A_2570 = arith.subf %gather3A_61, %sub3A_2569 : vector<16xf32>
      %mul3A_2571 = arith.mulf %sub3A_2568, %sub3A_2568 : vector<16xf32>
      %mul3A_2572 = arith.mulf %sub3A_2570, %sub3A_2570 : vector<16xf32>
      %add3A_2573 = arith.addf %mul3A_2571, %mul3A_2572 : vector<16xf32>
      %lt3A_2574 = arith.cmpf olt, %add3A_2573, %select_n3A_2547 : vector<16xf32>
      %select_n3A_2575 = arith.select %lt3A_2574, %add3A_2573, %select_n3A_2547 : vector<16xi1>, vector<16xf32>
      %jit3A_2576 = arith.constant 89 : i32
      %broadcast_in_dim3A_2577 = vector.broadcast %jit3A_2576 : i32 to vector<16xi32>
      %select_n3A_2578 = arith.select %lt3A_2574, %broadcast_in_dim3A_2577, %select_n3A_2550 : vector<16xi1>, vector<16xi32>
      %slice3A_2579 = vector.extract_strided_slice %get3A_20 {offsets = [10], sizes = [1], strides = [1]} : vector<16xf32> to vector<1xf32>
      %squeeze3A_2580 = vector.extract %slice3A_2579[0] : f32 from vector<1xf32>
      %slice3A_2581 = vector.extract_strided_slice %get3A_36 {offsets = [10], sizes = [1], strides = [1]} : vector<16xf32> to vector<1xf32>
      %squeeze3A_2582 = vector.extract %slice3A_2581[0] : f32 from vector<1xf32>
      %sub3A_2583 = vector.broadcast %squeeze3A_2580 : f32 to vector<16xf32>
      %sub3A_2584 = arith.subf %gather3A, %sub3A_2583 : vector<16xf32>
      %sub3A_2585 = vector.broadcast %squeeze3A_2582 : f32 to vector<16xf32>
      %sub3A_2586 = arith.subf %gather3A_53, %sub3A_2585 : vector<16xf32>
      %mul3A_2587 = arith.mulf %sub3A_2584, %sub3A_2584 : vector<16xf32>
      %mul3A_2588 = arith.mulf %sub3A_2586, %sub3A_2586 : vector<16xf32>
      %add3A_2589 = arith.addf %mul3A_2587, %mul3A_2588 : vector<16xf32>
      %lt3A_2590 = arith.cmpf olt, %add3A_2589, %select_n3A_2563 : vector<16xf32>
      %select_n3A_2591 = arith.select %lt3A_2590, %add3A_2589, %select_n3A_2563 : vector<16xi1>, vector<16xf32>
      %jit3A_2592 = arith.constant 90 : i32
      %broadcast_in_dim3A_2593 = vector.broadcast %jit3A_2592 : i32 to vector<16xi32>
      %select_n3A_2594 = arith.select %lt3A_2590, %broadcast_in_dim3A_2593, %select_n3A_2566 : vector<16xi1>, vector<16xi32>
      %sub3A_2595 = vector.broadcast %squeeze3A_2580 : f32 to vector<16xf32>
      %sub3A_2596 = arith.subf %gather3A_60, %sub3A_2595 : vector<16xf32>
      %sub3A_2597 = vector.broadcast %squeeze3A_2582 : f32 to vector<16xf32>
      %sub3A_2598 = arith.subf %gather3A_61, %sub3A_2597 : vector<16xf32>
      %mul3A_2599 = arith.mulf %sub3A_2596, %sub3A_2596 : vector<16xf32>
      %mul3A_2600 = arith.mulf %sub3A_2598, %sub3A_2598 : vector<16xf32>
      %add3A_2601 = arith.addf %mul3A_2599, %mul3A_2600 : vector<16xf32>
      %lt3A_2602 = arith.cmpf olt, %add3A_2601, %select_n3A_2575 : vector<16xf32>
      %select_n3A_2603 = arith.select %lt3A_2602, %add3A_2601, %select_n3A_2575 : vector<16xi1>, vector<16xf32>
      %jit3A_2604 = arith.constant 90 : i32
      %broadcast_in_dim3A_2605 = vector.broadcast %jit3A_2604 : i32 to vector<16xi32>
      %select_n3A_2606 = arith.select %lt3A_2602, %broadcast_in_dim3A_2605, %select_n3A_2578 : vector<16xi1>, vector<16xi32>
      %slice3A_2607 = vector.extract_strided_slice %get3A_20 {offsets = [11], sizes = [1], strides = [1]} : vector<16xf32> to vector<1xf32>
      %squeeze3A_2608 = vector.extract %slice3A_2607[0] : f32 from vector<1xf32>
      %slice3A_2609 = vector.extract_strided_slice %get3A_36 {offsets = [11], sizes = [1], strides = [1]} : vector<16xf32> to vector<1xf32>
      %squeeze3A_2610 = vector.extract %slice3A_2609[0] : f32 from vector<1xf32>
      %sub3A_2611 = vector.broadcast %squeeze3A_2608 : f32 to vector<16xf32>
      %sub3A_2612 = arith.subf %gather3A, %sub3A_2611 : vector<16xf32>
      %sub3A_2613 = vector.broadcast %squeeze3A_2610 : f32 to vector<16xf32>
      %sub3A_2614 = arith.subf %gather3A_53, %sub3A_2613 : vector<16xf32>
      %mul3A_2615 = arith.mulf %sub3A_2612, %sub3A_2612 : vector<16xf32>
      %mul3A_2616 = arith.mulf %sub3A_2614, %sub3A_2614 : vector<16xf32>
      %add3A_2617 = arith.addf %mul3A_2615, %mul3A_2616 : vector<16xf32>
      %lt3A_2618 = arith.cmpf olt, %add3A_2617, %select_n3A_2591 : vector<16xf32>
      %select_n3A_2619 = arith.select %lt3A_2618, %add3A_2617, %select_n3A_2591 : vector<16xi1>, vector<16xf32>
      %jit3A_2620 = arith.constant 91 : i32
      %broadcast_in_dim3A_2621 = vector.broadcast %jit3A_2620 : i32 to vector<16xi32>
      %select_n3A_2622 = arith.select %lt3A_2618, %broadcast_in_dim3A_2621, %select_n3A_2594 : vector<16xi1>, vector<16xi32>
      %sub3A_2623 = vector.broadcast %squeeze3A_2608 : f32 to vector<16xf32>
      %sub3A_2624 = arith.subf %gather3A_60, %sub3A_2623 : vector<16xf32>
      %sub3A_2625 = vector.broadcast %squeeze3A_2610 : f32 to vector<16xf32>
      %sub3A_2626 = arith.subf %gather3A_61, %sub3A_2625 : vector<16xf32>
      %mul3A_2627 = arith.mulf %sub3A_2624, %sub3A_2624 : vector<16xf32>
      %mul3A_2628 = arith.mulf %sub3A_2626, %sub3A_2626 : vector<16xf32>
      %add3A_2629 = arith.addf %mul3A_2627, %mul3A_2628 : vector<16xf32>
      %lt3A_2630 = arith.cmpf olt, %add3A_2629, %select_n3A_2603 : vector<16xf32>
      %select_n3A_2631 = arith.select %lt3A_2630, %add3A_2629, %select_n3A_2603 : vector<16xi1>, vector<16xf32>
      %jit3A_2632 = arith.constant 91 : i32
      %broadcast_in_dim3A_2633 = vector.broadcast %jit3A_2632 : i32 to vector<16xi32>
      %select_n3A_2634 = arith.select %lt3A_2630, %broadcast_in_dim3A_2633, %select_n3A_2606 : vector<16xi1>, vector<16xi32>
      %slice3A_2635 = vector.extract_strided_slice %get3A_20 {offsets = [12], sizes = [1], strides = [1]} : vector<16xf32> to vector<1xf32>
      %squeeze3A_2636 = vector.extract %slice3A_2635[0] : f32 from vector<1xf32>
      %slice3A_2637 = vector.extract_strided_slice %get3A_36 {offsets = [12], sizes = [1], strides = [1]} : vector<16xf32> to vector<1xf32>
      %squeeze3A_2638 = vector.extract %slice3A_2637[0] : f32 from vector<1xf32>
      %sub3A_2639 = vector.broadcast %squeeze3A_2636 : f32 to vector<16xf32>
      %sub3A_2640 = arith.subf %gather3A, %sub3A_2639 : vector<16xf32>
      %sub3A_2641 = vector.broadcast %squeeze3A_2638 : f32 to vector<16xf32>
      %sub3A_2642 = arith.subf %gather3A_53, %sub3A_2641 : vector<16xf32>
      %mul3A_2643 = arith.mulf %sub3A_2640, %sub3A_2640 : vector<16xf32>
      %mul3A_2644 = arith.mulf %sub3A_2642, %sub3A_2642 : vector<16xf32>
      %add3A_2645 = arith.addf %mul3A_2643, %mul3A_2644 : vector<16xf32>
      %lt3A_2646 = arith.cmpf olt, %add3A_2645, %select_n3A_2619 : vector<16xf32>
      %select_n3A_2647 = arith.select %lt3A_2646, %add3A_2645, %select_n3A_2619 : vector<16xi1>, vector<16xf32>
      %jit3A_2648 = arith.constant 92 : i32
      %broadcast_in_dim3A_2649 = vector.broadcast %jit3A_2648 : i32 to vector<16xi32>
      %select_n3A_2650 = arith.select %lt3A_2646, %broadcast_in_dim3A_2649, %select_n3A_2622 : vector<16xi1>, vector<16xi32>
      %sub3A_2651 = vector.broadcast %squeeze3A_2636 : f32 to vector<16xf32>
      %sub3A_2652 = arith.subf %gather3A_60, %sub3A_2651 : vector<16xf32>
      %sub3A_2653 = vector.broadcast %squeeze3A_2638 : f32 to vector<16xf32>
      %sub3A_2654 = arith.subf %gather3A_61, %sub3A_2653 : vector<16xf32>
      %mul3A_2655 = arith.mulf %sub3A_2652, %sub3A_2652 : vector<16xf32>
      %mul3A_2656 = arith.mulf %sub3A_2654, %sub3A_2654 : vector<16xf32>
      %add3A_2657 = arith.addf %mul3A_2655, %mul3A_2656 : vector<16xf32>
      %lt3A_2658 = arith.cmpf olt, %add3A_2657, %select_n3A_2631 : vector<16xf32>
      %select_n3A_2659 = arith.select %lt3A_2658, %add3A_2657, %select_n3A_2631 : vector<16xi1>, vector<16xf32>
      %jit3A_2660 = arith.constant 92 : i32
      %broadcast_in_dim3A_2661 = vector.broadcast %jit3A_2660 : i32 to vector<16xi32>
      %select_n3A_2662 = arith.select %lt3A_2658, %broadcast_in_dim3A_2661, %select_n3A_2634 : vector<16xi1>, vector<16xi32>
      %slice3A_2663 = vector.extract_strided_slice %get3A_20 {offsets = [13], sizes = [1], strides = [1]} : vector<16xf32> to vector<1xf32>
      %squeeze3A_2664 = vector.extract %slice3A_2663[0] : f32 from vector<1xf32>
      %slice3A_2665 = vector.extract_strided_slice %get3A_36 {offsets = [13], sizes = [1], strides = [1]} : vector<16xf32> to vector<1xf32>
      %squeeze3A_2666 = vector.extract %slice3A_2665[0] : f32 from vector<1xf32>
      %sub3A_2667 = vector.broadcast %squeeze3A_2664 : f32 to vector<16xf32>
      %sub3A_2668 = arith.subf %gather3A, %sub3A_2667 : vector<16xf32>
      %sub3A_2669 = vector.broadcast %squeeze3A_2666 : f32 to vector<16xf32>
      %sub3A_2670 = arith.subf %gather3A_53, %sub3A_2669 : vector<16xf32>
      %mul3A_2671 = arith.mulf %sub3A_2668, %sub3A_2668 : vector<16xf32>
      %mul3A_2672 = arith.mulf %sub3A_2670, %sub3A_2670 : vector<16xf32>
      %add3A_2673 = arith.addf %mul3A_2671, %mul3A_2672 : vector<16xf32>
      %lt3A_2674 = arith.cmpf olt, %add3A_2673, %select_n3A_2647 : vector<16xf32>
      %select_n3A_2675 = arith.select %lt3A_2674, %add3A_2673, %select_n3A_2647 : vector<16xi1>, vector<16xf32>
      %jit3A_2676 = arith.constant 93 : i32
      %broadcast_in_dim3A_2677 = vector.broadcast %jit3A_2676 : i32 to vector<16xi32>
      %select_n3A_2678 = arith.select %lt3A_2674, %broadcast_in_dim3A_2677, %select_n3A_2650 : vector<16xi1>, vector<16xi32>
      %sub3A_2679 = vector.broadcast %squeeze3A_2664 : f32 to vector<16xf32>
      %sub3A_2680 = arith.subf %gather3A_60, %sub3A_2679 : vector<16xf32>
      %sub3A_2681 = vector.broadcast %squeeze3A_2666 : f32 to vector<16xf32>
      %sub3A_2682 = arith.subf %gather3A_61, %sub3A_2681 : vector<16xf32>
      %mul3A_2683 = arith.mulf %sub3A_2680, %sub3A_2680 : vector<16xf32>
      %mul3A_2684 = arith.mulf %sub3A_2682, %sub3A_2682 : vector<16xf32>
      %add3A_2685 = arith.addf %mul3A_2683, %mul3A_2684 : vector<16xf32>
      %lt3A_2686 = arith.cmpf olt, %add3A_2685, %select_n3A_2659 : vector<16xf32>
      %select_n3A_2687 = arith.select %lt3A_2686, %add3A_2685, %select_n3A_2659 : vector<16xi1>, vector<16xf32>
      %jit3A_2688 = arith.constant 93 : i32
      %broadcast_in_dim3A_2689 = vector.broadcast %jit3A_2688 : i32 to vector<16xi32>
      %select_n3A_2690 = arith.select %lt3A_2686, %broadcast_in_dim3A_2689, %select_n3A_2662 : vector<16xi1>, vector<16xi32>
      %slice3A_2691 = vector.extract_strided_slice %get3A_20 {offsets = [14], sizes = [1], strides = [1]} : vector<16xf32> to vector<1xf32>
      %squeeze3A_2692 = vector.extract %slice3A_2691[0] : f32 from vector<1xf32>
      %slice3A_2693 = vector.extract_strided_slice %get3A_36 {offsets = [14], sizes = [1], strides = [1]} : vector<16xf32> to vector<1xf32>
      %squeeze3A_2694 = vector.extract %slice3A_2693[0] : f32 from vector<1xf32>
      %sub3A_2695 = vector.broadcast %squeeze3A_2692 : f32 to vector<16xf32>
      %sub3A_2696 = arith.subf %gather3A, %sub3A_2695 : vector<16xf32>
      %sub3A_2697 = vector.broadcast %squeeze3A_2694 : f32 to vector<16xf32>
      %sub3A_2698 = arith.subf %gather3A_53, %sub3A_2697 : vector<16xf32>
      %mul3A_2699 = arith.mulf %sub3A_2696, %sub3A_2696 : vector<16xf32>
      %mul3A_2700 = arith.mulf %sub3A_2698, %sub3A_2698 : vector<16xf32>
      %add3A_2701 = arith.addf %mul3A_2699, %mul3A_2700 : vector<16xf32>
      %lt3A_2702 = arith.cmpf olt, %add3A_2701, %select_n3A_2675 : vector<16xf32>
      %select_n3A_2703 = arith.select %lt3A_2702, %add3A_2701, %select_n3A_2675 : vector<16xi1>, vector<16xf32>
      %jit3A_2704 = arith.constant 94 : i32
      %broadcast_in_dim3A_2705 = vector.broadcast %jit3A_2704 : i32 to vector<16xi32>
      %select_n3A_2706 = arith.select %lt3A_2702, %broadcast_in_dim3A_2705, %select_n3A_2678 : vector<16xi1>, vector<16xi32>
      %sub3A_2707 = vector.broadcast %squeeze3A_2692 : f32 to vector<16xf32>
      %sub3A_2708 = arith.subf %gather3A_60, %sub3A_2707 : vector<16xf32>
      %sub3A_2709 = vector.broadcast %squeeze3A_2694 : f32 to vector<16xf32>
      %sub3A_2710 = arith.subf %gather3A_61, %sub3A_2709 : vector<16xf32>
      %mul3A_2711 = arith.mulf %sub3A_2708, %sub3A_2708 : vector<16xf32>
      %mul3A_2712 = arith.mulf %sub3A_2710, %sub3A_2710 : vector<16xf32>
      %add3A_2713 = arith.addf %mul3A_2711, %mul3A_2712 : vector<16xf32>
      %lt3A_2714 = arith.cmpf olt, %add3A_2713, %select_n3A_2687 : vector<16xf32>
      %select_n3A_2715 = arith.select %lt3A_2714, %add3A_2713, %select_n3A_2687 : vector<16xi1>, vector<16xf32>
      %jit3A_2716 = arith.constant 94 : i32
      %broadcast_in_dim3A_2717 = vector.broadcast %jit3A_2716 : i32 to vector<16xi32>
      %select_n3A_2718 = arith.select %lt3A_2714, %broadcast_in_dim3A_2717, %select_n3A_2690 : vector<16xi1>, vector<16xi32>
      %slice3A_2719 = vector.extract_strided_slice %get3A_20 {offsets = [15], sizes = [1], strides = [1]} : vector<16xf32> to vector<1xf32>
      %squeeze3A_2720 = vector.extract %slice3A_2719[0] : f32 from vector<1xf32>
      %slice3A_2721 = vector.extract_strided_slice %get3A_36 {offsets = [15], sizes = [1], strides = [1]} : vector<16xf32> to vector<1xf32>
      %squeeze3A_2722 = vector.extract %slice3A_2721[0] : f32 from vector<1xf32>
      %sub3A_2723 = vector.broadcast %squeeze3A_2720 : f32 to vector<16xf32>
      %sub3A_2724 = arith.subf %gather3A, %sub3A_2723 : vector<16xf32>
      %sub3A_2725 = vector.broadcast %squeeze3A_2722 : f32 to vector<16xf32>
      %sub3A_2726 = arith.subf %gather3A_53, %sub3A_2725 : vector<16xf32>
      %mul3A_2727 = arith.mulf %sub3A_2724, %sub3A_2724 : vector<16xf32>
      %mul3A_2728 = arith.mulf %sub3A_2726, %sub3A_2726 : vector<16xf32>
      %add3A_2729 = arith.addf %mul3A_2727, %mul3A_2728 : vector<16xf32>
      %lt3A_2730 = arith.cmpf olt, %add3A_2729, %select_n3A_2703 : vector<16xf32>
      %select_n3A_2731 = arith.select %lt3A_2730, %add3A_2729, %select_n3A_2703 : vector<16xi1>, vector<16xf32>
      %jit3A_2732 = arith.constant 95 : i32
      %broadcast_in_dim3A_2733 = vector.broadcast %jit3A_2732 : i32 to vector<16xi32>
      %select_n3A_2734 = arith.select %lt3A_2730, %broadcast_in_dim3A_2733, %select_n3A_2706 : vector<16xi1>, vector<16xi32>
      %sub3A_2735 = vector.broadcast %squeeze3A_2720 : f32 to vector<16xf32>
      %sub3A_2736 = arith.subf %gather3A_60, %sub3A_2735 : vector<16xf32>
      %sub3A_2737 = vector.broadcast %squeeze3A_2722 : f32 to vector<16xf32>
      %sub3A_2738 = arith.subf %gather3A_61, %sub3A_2737 : vector<16xf32>
      %mul3A_2739 = arith.mulf %sub3A_2736, %sub3A_2736 : vector<16xf32>
      %mul3A_2740 = arith.mulf %sub3A_2738, %sub3A_2738 : vector<16xf32>
      %add3A_2741 = arith.addf %mul3A_2739, %mul3A_2740 : vector<16xf32>
      %lt3A_2742 = arith.cmpf olt, %add3A_2741, %select_n3A_2715 : vector<16xf32>
      %select_n3A_2743 = arith.select %lt3A_2742, %add3A_2741, %select_n3A_2715 : vector<16xi1>, vector<16xf32>
      %jit3A_2744 = arith.constant 95 : i32
      %broadcast_in_dim3A_2745 = vector.broadcast %jit3A_2744 : i32 to vector<16xi32>
      %select_n3A_2746 = arith.select %lt3A_2742, %broadcast_in_dim3A_2745, %select_n3A_2718 : vector<16xi1>, vector<16xi32>
      %slice3A_2747 = vector.extract_strided_slice %get3A_22 {offsets = [0], sizes = [1], strides = [1]} : vector<16xf32> to vector<1xf32>
      %squeeze3A_2748 = vector.extract %slice3A_2747[0] : f32 from vector<1xf32>
      %slice3A_2749 = vector.extract_strided_slice %get3A_38 {offsets = [0], sizes = [1], strides = [1]} : vector<16xf32> to vector<1xf32>
      %squeeze3A_2750 = vector.extract %slice3A_2749[0] : f32 from vector<1xf32>
      %sub3A_2751 = vector.broadcast %squeeze3A_2748 : f32 to vector<16xf32>
      %sub3A_2752 = arith.subf %gather3A, %sub3A_2751 : vector<16xf32>
      %sub3A_2753 = vector.broadcast %squeeze3A_2750 : f32 to vector<16xf32>
      %sub3A_2754 = arith.subf %gather3A_53, %sub3A_2753 : vector<16xf32>
      %mul3A_2755 = arith.mulf %sub3A_2752, %sub3A_2752 : vector<16xf32>
      %mul3A_2756 = arith.mulf %sub3A_2754, %sub3A_2754 : vector<16xf32>
      %add3A_2757 = arith.addf %mul3A_2755, %mul3A_2756 : vector<16xf32>
      %lt3A_2758 = arith.cmpf olt, %add3A_2757, %broadcast_in_dim3A_62 : vector<16xf32>
      %select_n3A_2759 = arith.select %lt3A_2758, %add3A_2757, %broadcast_in_dim3A_62 : vector<16xi1>, vector<16xf32>
      %jit3A_2760 = arith.constant 96 : i32
      %broadcast_in_dim3A_2761 = vector.broadcast %jit3A_2760 : i32 to vector<16xi32>
      %select_n3A_2762 = arith.select %lt3A_2758, %broadcast_in_dim3A_2761, %broadcast_in_dim3A_64 : vector<16xi1>, vector<16xi32>
      %sub3A_2763 = vector.broadcast %squeeze3A_2748 : f32 to vector<16xf32>
      %sub3A_2764 = arith.subf %gather3A_60, %sub3A_2763 : vector<16xf32>
      %sub3A_2765 = vector.broadcast %squeeze3A_2750 : f32 to vector<16xf32>
      %sub3A_2766 = arith.subf %gather3A_61, %sub3A_2765 : vector<16xf32>
      %mul3A_2767 = arith.mulf %sub3A_2764, %sub3A_2764 : vector<16xf32>
      %mul3A_2768 = arith.mulf %sub3A_2766, %sub3A_2766 : vector<16xf32>
      %add3A_2769 = arith.addf %mul3A_2767, %mul3A_2768 : vector<16xf32>
      %lt3A_2770 = arith.cmpf olt, %add3A_2769, %broadcast_in_dim3A_62 : vector<16xf32>
      %select_n3A_2771 = arith.select %lt3A_2770, %add3A_2769, %broadcast_in_dim3A_62 : vector<16xi1>, vector<16xf32>
      %jit3A_2772 = arith.constant 96 : i32
      %broadcast_in_dim3A_2773 = vector.broadcast %jit3A_2772 : i32 to vector<16xi32>
      %select_n3A_2774 = arith.select %lt3A_2770, %broadcast_in_dim3A_2773, %broadcast_in_dim3A_64 : vector<16xi1>, vector<16xi32>
      %slice3A_2775 = vector.extract_strided_slice %get3A_22 {offsets = [1], sizes = [1], strides = [1]} : vector<16xf32> to vector<1xf32>
      %squeeze3A_2776 = vector.extract %slice3A_2775[0] : f32 from vector<1xf32>
      %slice3A_2777 = vector.extract_strided_slice %get3A_38 {offsets = [1], sizes = [1], strides = [1]} : vector<16xf32> to vector<1xf32>
      %squeeze3A_2778 = vector.extract %slice3A_2777[0] : f32 from vector<1xf32>
      %sub3A_2779 = vector.broadcast %squeeze3A_2776 : f32 to vector<16xf32>
      %sub3A_2780 = arith.subf %gather3A, %sub3A_2779 : vector<16xf32>
      %sub3A_2781 = vector.broadcast %squeeze3A_2778 : f32 to vector<16xf32>
      %sub3A_2782 = arith.subf %gather3A_53, %sub3A_2781 : vector<16xf32>
      %mul3A_2783 = arith.mulf %sub3A_2780, %sub3A_2780 : vector<16xf32>
      %mul3A_2784 = arith.mulf %sub3A_2782, %sub3A_2782 : vector<16xf32>
      %add3A_2785 = arith.addf %mul3A_2783, %mul3A_2784 : vector<16xf32>
      %lt3A_2786 = arith.cmpf olt, %add3A_2785, %select_n3A_2759 : vector<16xf32>
      %select_n3A_2787 = arith.select %lt3A_2786, %add3A_2785, %select_n3A_2759 : vector<16xi1>, vector<16xf32>
      %jit3A_2788 = arith.constant 97 : i32
      %broadcast_in_dim3A_2789 = vector.broadcast %jit3A_2788 : i32 to vector<16xi32>
      %select_n3A_2790 = arith.select %lt3A_2786, %broadcast_in_dim3A_2789, %select_n3A_2762 : vector<16xi1>, vector<16xi32>
      %sub3A_2791 = vector.broadcast %squeeze3A_2776 : f32 to vector<16xf32>
      %sub3A_2792 = arith.subf %gather3A_60, %sub3A_2791 : vector<16xf32>
      %sub3A_2793 = vector.broadcast %squeeze3A_2778 : f32 to vector<16xf32>
      %sub3A_2794 = arith.subf %gather3A_61, %sub3A_2793 : vector<16xf32>
      %mul3A_2795 = arith.mulf %sub3A_2792, %sub3A_2792 : vector<16xf32>
      %mul3A_2796 = arith.mulf %sub3A_2794, %sub3A_2794 : vector<16xf32>
      %add3A_2797 = arith.addf %mul3A_2795, %mul3A_2796 : vector<16xf32>
      %lt3A_2798 = arith.cmpf olt, %add3A_2797, %select_n3A_2771 : vector<16xf32>
      %select_n3A_2799 = arith.select %lt3A_2798, %add3A_2797, %select_n3A_2771 : vector<16xi1>, vector<16xf32>
      %jit3A_2800 = arith.constant 97 : i32
      %broadcast_in_dim3A_2801 = vector.broadcast %jit3A_2800 : i32 to vector<16xi32>
      %select_n3A_2802 = arith.select %lt3A_2798, %broadcast_in_dim3A_2801, %select_n3A_2774 : vector<16xi1>, vector<16xi32>
      %slice3A_2803 = vector.extract_strided_slice %get3A_22 {offsets = [2], sizes = [1], strides = [1]} : vector<16xf32> to vector<1xf32>
      %squeeze3A_2804 = vector.extract %slice3A_2803[0] : f32 from vector<1xf32>
      %slice3A_2805 = vector.extract_strided_slice %get3A_38 {offsets = [2], sizes = [1], strides = [1]} : vector<16xf32> to vector<1xf32>
      %squeeze3A_2806 = vector.extract %slice3A_2805[0] : f32 from vector<1xf32>
      %sub3A_2807 = vector.broadcast %squeeze3A_2804 : f32 to vector<16xf32>
      %sub3A_2808 = arith.subf %gather3A, %sub3A_2807 : vector<16xf32>
      %sub3A_2809 = vector.broadcast %squeeze3A_2806 : f32 to vector<16xf32>
      %sub3A_2810 = arith.subf %gather3A_53, %sub3A_2809 : vector<16xf32>
      %mul3A_2811 = arith.mulf %sub3A_2808, %sub3A_2808 : vector<16xf32>
      %mul3A_2812 = arith.mulf %sub3A_2810, %sub3A_2810 : vector<16xf32>
      %add3A_2813 = arith.addf %mul3A_2811, %mul3A_2812 : vector<16xf32>
      %lt3A_2814 = arith.cmpf olt, %add3A_2813, %select_n3A_2787 : vector<16xf32>
      %select_n3A_2815 = arith.select %lt3A_2814, %add3A_2813, %select_n3A_2787 : vector<16xi1>, vector<16xf32>
      %jit3A_2816 = arith.constant 98 : i32
      %broadcast_in_dim3A_2817 = vector.broadcast %jit3A_2816 : i32 to vector<16xi32>
      %select_n3A_2818 = arith.select %lt3A_2814, %broadcast_in_dim3A_2817, %select_n3A_2790 : vector<16xi1>, vector<16xi32>
      %sub3A_2819 = vector.broadcast %squeeze3A_2804 : f32 to vector<16xf32>
      %sub3A_2820 = arith.subf %gather3A_60, %sub3A_2819 : vector<16xf32>
      %sub3A_2821 = vector.broadcast %squeeze3A_2806 : f32 to vector<16xf32>
      %sub3A_2822 = arith.subf %gather3A_61, %sub3A_2821 : vector<16xf32>
      %mul3A_2823 = arith.mulf %sub3A_2820, %sub3A_2820 : vector<16xf32>
      %mul3A_2824 = arith.mulf %sub3A_2822, %sub3A_2822 : vector<16xf32>
      %add3A_2825 = arith.addf %mul3A_2823, %mul3A_2824 : vector<16xf32>
      %lt3A_2826 = arith.cmpf olt, %add3A_2825, %select_n3A_2799 : vector<16xf32>
      %select_n3A_2827 = arith.select %lt3A_2826, %add3A_2825, %select_n3A_2799 : vector<16xi1>, vector<16xf32>
      %jit3A_2828 = arith.constant 98 : i32
      %broadcast_in_dim3A_2829 = vector.broadcast %jit3A_2828 : i32 to vector<16xi32>
      %select_n3A_2830 = arith.select %lt3A_2826, %broadcast_in_dim3A_2829, %select_n3A_2802 : vector<16xi1>, vector<16xi32>
      %slice3A_2831 = vector.extract_strided_slice %get3A_22 {offsets = [3], sizes = [1], strides = [1]} : vector<16xf32> to vector<1xf32>
      %squeeze3A_2832 = vector.extract %slice3A_2831[0] : f32 from vector<1xf32>
      %slice3A_2833 = vector.extract_strided_slice %get3A_38 {offsets = [3], sizes = [1], strides = [1]} : vector<16xf32> to vector<1xf32>
      %squeeze3A_2834 = vector.extract %slice3A_2833[0] : f32 from vector<1xf32>
      %sub3A_2835 = vector.broadcast %squeeze3A_2832 : f32 to vector<16xf32>
      %sub3A_2836 = arith.subf %gather3A, %sub3A_2835 : vector<16xf32>
      %sub3A_2837 = vector.broadcast %squeeze3A_2834 : f32 to vector<16xf32>
      %sub3A_2838 = arith.subf %gather3A_53, %sub3A_2837 : vector<16xf32>
      %mul3A_2839 = arith.mulf %sub3A_2836, %sub3A_2836 : vector<16xf32>
      %mul3A_2840 = arith.mulf %sub3A_2838, %sub3A_2838 : vector<16xf32>
      %add3A_2841 = arith.addf %mul3A_2839, %mul3A_2840 : vector<16xf32>
      %lt3A_2842 = arith.cmpf olt, %add3A_2841, %select_n3A_2815 : vector<16xf32>
      %select_n3A_2843 = arith.select %lt3A_2842, %add3A_2841, %select_n3A_2815 : vector<16xi1>, vector<16xf32>
      %jit3A_2844 = arith.constant 99 : i32
      %broadcast_in_dim3A_2845 = vector.broadcast %jit3A_2844 : i32 to vector<16xi32>
      %select_n3A_2846 = arith.select %lt3A_2842, %broadcast_in_dim3A_2845, %select_n3A_2818 : vector<16xi1>, vector<16xi32>
      %sub3A_2847 = vector.broadcast %squeeze3A_2832 : f32 to vector<16xf32>
      %sub3A_2848 = arith.subf %gather3A_60, %sub3A_2847 : vector<16xf32>
      %sub3A_2849 = vector.broadcast %squeeze3A_2834 : f32 to vector<16xf32>
      %sub3A_2850 = arith.subf %gather3A_61, %sub3A_2849 : vector<16xf32>
      %mul3A_2851 = arith.mulf %sub3A_2848, %sub3A_2848 : vector<16xf32>
      %mul3A_2852 = arith.mulf %sub3A_2850, %sub3A_2850 : vector<16xf32>
      %add3A_2853 = arith.addf %mul3A_2851, %mul3A_2852 : vector<16xf32>
      %lt3A_2854 = arith.cmpf olt, %add3A_2853, %select_n3A_2827 : vector<16xf32>
      %select_n3A_2855 = arith.select %lt3A_2854, %add3A_2853, %select_n3A_2827 : vector<16xi1>, vector<16xf32>
      %jit3A_2856 = arith.constant 99 : i32
      %broadcast_in_dim3A_2857 = vector.broadcast %jit3A_2856 : i32 to vector<16xi32>
      %select_n3A_2858 = arith.select %lt3A_2854, %broadcast_in_dim3A_2857, %select_n3A_2830 : vector<16xi1>, vector<16xi32>
      %slice3A_2859 = vector.extract_strided_slice %get3A_22 {offsets = [4], sizes = [1], strides = [1]} : vector<16xf32> to vector<1xf32>
      %squeeze3A_2860 = vector.extract %slice3A_2859[0] : f32 from vector<1xf32>
      %slice3A_2861 = vector.extract_strided_slice %get3A_38 {offsets = [4], sizes = [1], strides = [1]} : vector<16xf32> to vector<1xf32>
      %squeeze3A_2862 = vector.extract %slice3A_2861[0] : f32 from vector<1xf32>
      %sub3A_2863 = vector.broadcast %squeeze3A_2860 : f32 to vector<16xf32>
      %sub3A_2864 = arith.subf %gather3A, %sub3A_2863 : vector<16xf32>
      %sub3A_2865 = vector.broadcast %squeeze3A_2862 : f32 to vector<16xf32>
      %sub3A_2866 = arith.subf %gather3A_53, %sub3A_2865 : vector<16xf32>
      %mul3A_2867 = arith.mulf %sub3A_2864, %sub3A_2864 : vector<16xf32>
      %mul3A_2868 = arith.mulf %sub3A_2866, %sub3A_2866 : vector<16xf32>
      %add3A_2869 = arith.addf %mul3A_2867, %mul3A_2868 : vector<16xf32>
      %lt3A_2870 = arith.cmpf olt, %add3A_2869, %select_n3A_2843 : vector<16xf32>
      %select_n3A_2871 = arith.select %lt3A_2870, %add3A_2869, %select_n3A_2843 : vector<16xi1>, vector<16xf32>
      %jit3A_2872 = arith.constant 100 : i32
      %broadcast_in_dim3A_2873 = vector.broadcast %jit3A_2872 : i32 to vector<16xi32>
      %select_n3A_2874 = arith.select %lt3A_2870, %broadcast_in_dim3A_2873, %select_n3A_2846 : vector<16xi1>, vector<16xi32>
      %sub3A_2875 = vector.broadcast %squeeze3A_2860 : f32 to vector<16xf32>
      %sub3A_2876 = arith.subf %gather3A_60, %sub3A_2875 : vector<16xf32>
      %sub3A_2877 = vector.broadcast %squeeze3A_2862 : f32 to vector<16xf32>
      %sub3A_2878 = arith.subf %gather3A_61, %sub3A_2877 : vector<16xf32>
      %mul3A_2879 = arith.mulf %sub3A_2876, %sub3A_2876 : vector<16xf32>
      %mul3A_2880 = arith.mulf %sub3A_2878, %sub3A_2878 : vector<16xf32>
      %add3A_2881 = arith.addf %mul3A_2879, %mul3A_2880 : vector<16xf32>
      %lt3A_2882 = arith.cmpf olt, %add3A_2881, %select_n3A_2855 : vector<16xf32>
      %select_n3A_2883 = arith.select %lt3A_2882, %add3A_2881, %select_n3A_2855 : vector<16xi1>, vector<16xf32>
      %jit3A_2884 = arith.constant 100 : i32
      %broadcast_in_dim3A_2885 = vector.broadcast %jit3A_2884 : i32 to vector<16xi32>
      %select_n3A_2886 = arith.select %lt3A_2882, %broadcast_in_dim3A_2885, %select_n3A_2858 : vector<16xi1>, vector<16xi32>
      %slice3A_2887 = vector.extract_strided_slice %get3A_22 {offsets = [5], sizes = [1], strides = [1]} : vector<16xf32> to vector<1xf32>
      %squeeze3A_2888 = vector.extract %slice3A_2887[0] : f32 from vector<1xf32>
      %slice3A_2889 = vector.extract_strided_slice %get3A_38 {offsets = [5], sizes = [1], strides = [1]} : vector<16xf32> to vector<1xf32>
      %squeeze3A_2890 = vector.extract %slice3A_2889[0] : f32 from vector<1xf32>
      %sub3A_2891 = vector.broadcast %squeeze3A_2888 : f32 to vector<16xf32>
      %sub3A_2892 = arith.subf %gather3A, %sub3A_2891 : vector<16xf32>
      %sub3A_2893 = vector.broadcast %squeeze3A_2890 : f32 to vector<16xf32>
      %sub3A_2894 = arith.subf %gather3A_53, %sub3A_2893 : vector<16xf32>
      %mul3A_2895 = arith.mulf %sub3A_2892, %sub3A_2892 : vector<16xf32>
      %mul3A_2896 = arith.mulf %sub3A_2894, %sub3A_2894 : vector<16xf32>
      %add3A_2897 = arith.addf %mul3A_2895, %mul3A_2896 : vector<16xf32>
      %lt3A_2898 = arith.cmpf olt, %add3A_2897, %select_n3A_2871 : vector<16xf32>
      %select_n3A_2899 = arith.select %lt3A_2898, %add3A_2897, %select_n3A_2871 : vector<16xi1>, vector<16xf32>
      %jit3A_2900 = arith.constant 101 : i32
      %broadcast_in_dim3A_2901 = vector.broadcast %jit3A_2900 : i32 to vector<16xi32>
      %select_n3A_2902 = arith.select %lt3A_2898, %broadcast_in_dim3A_2901, %select_n3A_2874 : vector<16xi1>, vector<16xi32>
      %sub3A_2903 = vector.broadcast %squeeze3A_2888 : f32 to vector<16xf32>
      %sub3A_2904 = arith.subf %gather3A_60, %sub3A_2903 : vector<16xf32>
      %sub3A_2905 = vector.broadcast %squeeze3A_2890 : f32 to vector<16xf32>
      %sub3A_2906 = arith.subf %gather3A_61, %sub3A_2905 : vector<16xf32>
      %mul3A_2907 = arith.mulf %sub3A_2904, %sub3A_2904 : vector<16xf32>
      %mul3A_2908 = arith.mulf %sub3A_2906, %sub3A_2906 : vector<16xf32>
      %add3A_2909 = arith.addf %mul3A_2907, %mul3A_2908 : vector<16xf32>
      %lt3A_2910 = arith.cmpf olt, %add3A_2909, %select_n3A_2883 : vector<16xf32>
      %select_n3A_2911 = arith.select %lt3A_2910, %add3A_2909, %select_n3A_2883 : vector<16xi1>, vector<16xf32>
      %jit3A_2912 = arith.constant 101 : i32
      %broadcast_in_dim3A_2913 = vector.broadcast %jit3A_2912 : i32 to vector<16xi32>
      %select_n3A_2914 = arith.select %lt3A_2910, %broadcast_in_dim3A_2913, %select_n3A_2886 : vector<16xi1>, vector<16xi32>
      %slice3A_2915 = vector.extract_strided_slice %get3A_22 {offsets = [6], sizes = [1], strides = [1]} : vector<16xf32> to vector<1xf32>
      %squeeze3A_2916 = vector.extract %slice3A_2915[0] : f32 from vector<1xf32>
      %slice3A_2917 = vector.extract_strided_slice %get3A_38 {offsets = [6], sizes = [1], strides = [1]} : vector<16xf32> to vector<1xf32>
      %squeeze3A_2918 = vector.extract %slice3A_2917[0] : f32 from vector<1xf32>
      %sub3A_2919 = vector.broadcast %squeeze3A_2916 : f32 to vector<16xf32>
      %sub3A_2920 = arith.subf %gather3A, %sub3A_2919 : vector<16xf32>
      %sub3A_2921 = vector.broadcast %squeeze3A_2918 : f32 to vector<16xf32>
      %sub3A_2922 = arith.subf %gather3A_53, %sub3A_2921 : vector<16xf32>
      %mul3A_2923 = arith.mulf %sub3A_2920, %sub3A_2920 : vector<16xf32>
      %mul3A_2924 = arith.mulf %sub3A_2922, %sub3A_2922 : vector<16xf32>
      %add3A_2925 = arith.addf %mul3A_2923, %mul3A_2924 : vector<16xf32>
      %lt3A_2926 = arith.cmpf olt, %add3A_2925, %select_n3A_2899 : vector<16xf32>
      %select_n3A_2927 = arith.select %lt3A_2926, %add3A_2925, %select_n3A_2899 : vector<16xi1>, vector<16xf32>
      %jit3A_2928 = arith.constant 102 : i32
      %broadcast_in_dim3A_2929 = vector.broadcast %jit3A_2928 : i32 to vector<16xi32>
      %select_n3A_2930 = arith.select %lt3A_2926, %broadcast_in_dim3A_2929, %select_n3A_2902 : vector<16xi1>, vector<16xi32>
      %sub3A_2931 = vector.broadcast %squeeze3A_2916 : f32 to vector<16xf32>
      %sub3A_2932 = arith.subf %gather3A_60, %sub3A_2931 : vector<16xf32>
      %sub3A_2933 = vector.broadcast %squeeze3A_2918 : f32 to vector<16xf32>
      %sub3A_2934 = arith.subf %gather3A_61, %sub3A_2933 : vector<16xf32>
      %mul3A_2935 = arith.mulf %sub3A_2932, %sub3A_2932 : vector<16xf32>
      %mul3A_2936 = arith.mulf %sub3A_2934, %sub3A_2934 : vector<16xf32>
      %add3A_2937 = arith.addf %mul3A_2935, %mul3A_2936 : vector<16xf32>
      %lt3A_2938 = arith.cmpf olt, %add3A_2937, %select_n3A_2911 : vector<16xf32>
      %select_n3A_2939 = arith.select %lt3A_2938, %add3A_2937, %select_n3A_2911 : vector<16xi1>, vector<16xf32>
      %jit3A_2940 = arith.constant 102 : i32
      %broadcast_in_dim3A_2941 = vector.broadcast %jit3A_2940 : i32 to vector<16xi32>
      %select_n3A_2942 = arith.select %lt3A_2938, %broadcast_in_dim3A_2941, %select_n3A_2914 : vector<16xi1>, vector<16xi32>
      %slice3A_2943 = vector.extract_strided_slice %get3A_22 {offsets = [7], sizes = [1], strides = [1]} : vector<16xf32> to vector<1xf32>
      %squeeze3A_2944 = vector.extract %slice3A_2943[0] : f32 from vector<1xf32>
      %slice3A_2945 = vector.extract_strided_slice %get3A_38 {offsets = [7], sizes = [1], strides = [1]} : vector<16xf32> to vector<1xf32>
      %squeeze3A_2946 = vector.extract %slice3A_2945[0] : f32 from vector<1xf32>
      %sub3A_2947 = vector.broadcast %squeeze3A_2944 : f32 to vector<16xf32>
      %sub3A_2948 = arith.subf %gather3A, %sub3A_2947 : vector<16xf32>
      %sub3A_2949 = vector.broadcast %squeeze3A_2946 : f32 to vector<16xf32>
      %sub3A_2950 = arith.subf %gather3A_53, %sub3A_2949 : vector<16xf32>
      %mul3A_2951 = arith.mulf %sub3A_2948, %sub3A_2948 : vector<16xf32>
      %mul3A_2952 = arith.mulf %sub3A_2950, %sub3A_2950 : vector<16xf32>
      %add3A_2953 = arith.addf %mul3A_2951, %mul3A_2952 : vector<16xf32>
      %lt3A_2954 = arith.cmpf olt, %add3A_2953, %select_n3A_2927 : vector<16xf32>
      %select_n3A_2955 = arith.select %lt3A_2954, %add3A_2953, %select_n3A_2927 : vector<16xi1>, vector<16xf32>
      %jit3A_2956 = arith.constant 103 : i32
      %broadcast_in_dim3A_2957 = vector.broadcast %jit3A_2956 : i32 to vector<16xi32>
      %select_n3A_2958 = arith.select %lt3A_2954, %broadcast_in_dim3A_2957, %select_n3A_2930 : vector<16xi1>, vector<16xi32>
      %sub3A_2959 = vector.broadcast %squeeze3A_2944 : f32 to vector<16xf32>
      %sub3A_2960 = arith.subf %gather3A_60, %sub3A_2959 : vector<16xf32>
      %sub3A_2961 = vector.broadcast %squeeze3A_2946 : f32 to vector<16xf32>
      %sub3A_2962 = arith.subf %gather3A_61, %sub3A_2961 : vector<16xf32>
      %mul3A_2963 = arith.mulf %sub3A_2960, %sub3A_2960 : vector<16xf32>
      %mul3A_2964 = arith.mulf %sub3A_2962, %sub3A_2962 : vector<16xf32>
      %add3A_2965 = arith.addf %mul3A_2963, %mul3A_2964 : vector<16xf32>
      %lt3A_2966 = arith.cmpf olt, %add3A_2965, %select_n3A_2939 : vector<16xf32>
      %select_n3A_2967 = arith.select %lt3A_2966, %add3A_2965, %select_n3A_2939 : vector<16xi1>, vector<16xf32>
      %jit3A_2968 = arith.constant 103 : i32
      %broadcast_in_dim3A_2969 = vector.broadcast %jit3A_2968 : i32 to vector<16xi32>
      %select_n3A_2970 = arith.select %lt3A_2966, %broadcast_in_dim3A_2969, %select_n3A_2942 : vector<16xi1>, vector<16xi32>
      %slice3A_2971 = vector.extract_strided_slice %get3A_22 {offsets = [8], sizes = [1], strides = [1]} : vector<16xf32> to vector<1xf32>
      %squeeze3A_2972 = vector.extract %slice3A_2971[0] : f32 from vector<1xf32>
      %slice3A_2973 = vector.extract_strided_slice %get3A_38 {offsets = [8], sizes = [1], strides = [1]} : vector<16xf32> to vector<1xf32>
      %squeeze3A_2974 = vector.extract %slice3A_2973[0] : f32 from vector<1xf32>
      %sub3A_2975 = vector.broadcast %squeeze3A_2972 : f32 to vector<16xf32>
      %sub3A_2976 = arith.subf %gather3A, %sub3A_2975 : vector<16xf32>
      %sub3A_2977 = vector.broadcast %squeeze3A_2974 : f32 to vector<16xf32>
      %sub3A_2978 = arith.subf %gather3A_53, %sub3A_2977 : vector<16xf32>
      %mul3A_2979 = arith.mulf %sub3A_2976, %sub3A_2976 : vector<16xf32>
      %mul3A_2980 = arith.mulf %sub3A_2978, %sub3A_2978 : vector<16xf32>
      %add3A_2981 = arith.addf %mul3A_2979, %mul3A_2980 : vector<16xf32>
      %lt3A_2982 = arith.cmpf olt, %add3A_2981, %select_n3A_2955 : vector<16xf32>
      %select_n3A_2983 = arith.select %lt3A_2982, %add3A_2981, %select_n3A_2955 : vector<16xi1>, vector<16xf32>
      %jit3A_2984 = arith.constant 104 : i32
      %broadcast_in_dim3A_2985 = vector.broadcast %jit3A_2984 : i32 to vector<16xi32>
      %select_n3A_2986 = arith.select %lt3A_2982, %broadcast_in_dim3A_2985, %select_n3A_2958 : vector<16xi1>, vector<16xi32>
      %sub3A_2987 = vector.broadcast %squeeze3A_2972 : f32 to vector<16xf32>
      %sub3A_2988 = arith.subf %gather3A_60, %sub3A_2987 : vector<16xf32>
      %sub3A_2989 = vector.broadcast %squeeze3A_2974 : f32 to vector<16xf32>
      %sub3A_2990 = arith.subf %gather3A_61, %sub3A_2989 : vector<16xf32>
      %mul3A_2991 = arith.mulf %sub3A_2988, %sub3A_2988 : vector<16xf32>
      %mul3A_2992 = arith.mulf %sub3A_2990, %sub3A_2990 : vector<16xf32>
      %add3A_2993 = arith.addf %mul3A_2991, %mul3A_2992 : vector<16xf32>
      %lt3A_2994 = arith.cmpf olt, %add3A_2993, %select_n3A_2967 : vector<16xf32>
      %select_n3A_2995 = arith.select %lt3A_2994, %add3A_2993, %select_n3A_2967 : vector<16xi1>, vector<16xf32>
      %jit3A_2996 = arith.constant 104 : i32
      %broadcast_in_dim3A_2997 = vector.broadcast %jit3A_2996 : i32 to vector<16xi32>
      %select_n3A_2998 = arith.select %lt3A_2994, %broadcast_in_dim3A_2997, %select_n3A_2970 : vector<16xi1>, vector<16xi32>
      %slice3A_2999 = vector.extract_strided_slice %get3A_22 {offsets = [9], sizes = [1], strides = [1]} : vector<16xf32> to vector<1xf32>
      %squeeze3A_3000 = vector.extract %slice3A_2999[0] : f32 from vector<1xf32>
      %slice3A_3001 = vector.extract_strided_slice %get3A_38 {offsets = [9], sizes = [1], strides = [1]} : vector<16xf32> to vector<1xf32>
      %squeeze3A_3002 = vector.extract %slice3A_3001[0] : f32 from vector<1xf32>
      %sub3A_3003 = vector.broadcast %squeeze3A_3000 : f32 to vector<16xf32>
      %sub3A_3004 = arith.subf %gather3A, %sub3A_3003 : vector<16xf32>
      %sub3A_3005 = vector.broadcast %squeeze3A_3002 : f32 to vector<16xf32>
      %sub3A_3006 = arith.subf %gather3A_53, %sub3A_3005 : vector<16xf32>
      %mul3A_3007 = arith.mulf %sub3A_3004, %sub3A_3004 : vector<16xf32>
      %mul3A_3008 = arith.mulf %sub3A_3006, %sub3A_3006 : vector<16xf32>
      %add3A_3009 = arith.addf %mul3A_3007, %mul3A_3008 : vector<16xf32>
      %lt3A_3010 = arith.cmpf olt, %add3A_3009, %select_n3A_2983 : vector<16xf32>
      %select_n3A_3011 = arith.select %lt3A_3010, %add3A_3009, %select_n3A_2983 : vector<16xi1>, vector<16xf32>
      %jit3A_3012 = arith.constant 105 : i32
      %broadcast_in_dim3A_3013 = vector.broadcast %jit3A_3012 : i32 to vector<16xi32>
      %select_n3A_3014 = arith.select %lt3A_3010, %broadcast_in_dim3A_3013, %select_n3A_2986 : vector<16xi1>, vector<16xi32>
      %sub3A_3015 = vector.broadcast %squeeze3A_3000 : f32 to vector<16xf32>
      %sub3A_3016 = arith.subf %gather3A_60, %sub3A_3015 : vector<16xf32>
      %sub3A_3017 = vector.broadcast %squeeze3A_3002 : f32 to vector<16xf32>
      %sub3A_3018 = arith.subf %gather3A_61, %sub3A_3017 : vector<16xf32>
      %mul3A_3019 = arith.mulf %sub3A_3016, %sub3A_3016 : vector<16xf32>
      %mul3A_3020 = arith.mulf %sub3A_3018, %sub3A_3018 : vector<16xf32>
      %add3A_3021 = arith.addf %mul3A_3019, %mul3A_3020 : vector<16xf32>
      %lt3A_3022 = arith.cmpf olt, %add3A_3021, %select_n3A_2995 : vector<16xf32>
      %select_n3A_3023 = arith.select %lt3A_3022, %add3A_3021, %select_n3A_2995 : vector<16xi1>, vector<16xf32>
      %jit3A_3024 = arith.constant 105 : i32
      %broadcast_in_dim3A_3025 = vector.broadcast %jit3A_3024 : i32 to vector<16xi32>
      %select_n3A_3026 = arith.select %lt3A_3022, %broadcast_in_dim3A_3025, %select_n3A_2998 : vector<16xi1>, vector<16xi32>
      %slice3A_3027 = vector.extract_strided_slice %get3A_22 {offsets = [10], sizes = [1], strides = [1]} : vector<16xf32> to vector<1xf32>
      %squeeze3A_3028 = vector.extract %slice3A_3027[0] : f32 from vector<1xf32>
      %slice3A_3029 = vector.extract_strided_slice %get3A_38 {offsets = [10], sizes = [1], strides = [1]} : vector<16xf32> to vector<1xf32>
      %squeeze3A_3030 = vector.extract %slice3A_3029[0] : f32 from vector<1xf32>
      %sub3A_3031 = vector.broadcast %squeeze3A_3028 : f32 to vector<16xf32>
      %sub3A_3032 = arith.subf %gather3A, %sub3A_3031 : vector<16xf32>
      %sub3A_3033 = vector.broadcast %squeeze3A_3030 : f32 to vector<16xf32>
      %sub3A_3034 = arith.subf %gather3A_53, %sub3A_3033 : vector<16xf32>
      %mul3A_3035 = arith.mulf %sub3A_3032, %sub3A_3032 : vector<16xf32>
      %mul3A_3036 = arith.mulf %sub3A_3034, %sub3A_3034 : vector<16xf32>
      %add3A_3037 = arith.addf %mul3A_3035, %mul3A_3036 : vector<16xf32>
      %lt3A_3038 = arith.cmpf olt, %add3A_3037, %select_n3A_3011 : vector<16xf32>
      %select_n3A_3039 = arith.select %lt3A_3038, %add3A_3037, %select_n3A_3011 : vector<16xi1>, vector<16xf32>
      %jit3A_3040 = arith.constant 106 : i32
      %broadcast_in_dim3A_3041 = vector.broadcast %jit3A_3040 : i32 to vector<16xi32>
      %select_n3A_3042 = arith.select %lt3A_3038, %broadcast_in_dim3A_3041, %select_n3A_3014 : vector<16xi1>, vector<16xi32>
      %sub3A_3043 = vector.broadcast %squeeze3A_3028 : f32 to vector<16xf32>
      %sub3A_3044 = arith.subf %gather3A_60, %sub3A_3043 : vector<16xf32>
      %sub3A_3045 = vector.broadcast %squeeze3A_3030 : f32 to vector<16xf32>
      %sub3A_3046 = arith.subf %gather3A_61, %sub3A_3045 : vector<16xf32>
      %mul3A_3047 = arith.mulf %sub3A_3044, %sub3A_3044 : vector<16xf32>
      %mul3A_3048 = arith.mulf %sub3A_3046, %sub3A_3046 : vector<16xf32>
      %add3A_3049 = arith.addf %mul3A_3047, %mul3A_3048 : vector<16xf32>
      %lt3A_3050 = arith.cmpf olt, %add3A_3049, %select_n3A_3023 : vector<16xf32>
      %select_n3A_3051 = arith.select %lt3A_3050, %add3A_3049, %select_n3A_3023 : vector<16xi1>, vector<16xf32>
      %jit3A_3052 = arith.constant 106 : i32
      %broadcast_in_dim3A_3053 = vector.broadcast %jit3A_3052 : i32 to vector<16xi32>
      %select_n3A_3054 = arith.select %lt3A_3050, %broadcast_in_dim3A_3053, %select_n3A_3026 : vector<16xi1>, vector<16xi32>
      %slice3A_3055 = vector.extract_strided_slice %get3A_22 {offsets = [11], sizes = [1], strides = [1]} : vector<16xf32> to vector<1xf32>
      %squeeze3A_3056 = vector.extract %slice3A_3055[0] : f32 from vector<1xf32>
      %slice3A_3057 = vector.extract_strided_slice %get3A_38 {offsets = [11], sizes = [1], strides = [1]} : vector<16xf32> to vector<1xf32>
      %squeeze3A_3058 = vector.extract %slice3A_3057[0] : f32 from vector<1xf32>
      %sub3A_3059 = vector.broadcast %squeeze3A_3056 : f32 to vector<16xf32>
      %sub3A_3060 = arith.subf %gather3A, %sub3A_3059 : vector<16xf32>
      %sub3A_3061 = vector.broadcast %squeeze3A_3058 : f32 to vector<16xf32>
      %sub3A_3062 = arith.subf %gather3A_53, %sub3A_3061 : vector<16xf32>
      %mul3A_3063 = arith.mulf %sub3A_3060, %sub3A_3060 : vector<16xf32>
      %mul3A_3064 = arith.mulf %sub3A_3062, %sub3A_3062 : vector<16xf32>
      %add3A_3065 = arith.addf %mul3A_3063, %mul3A_3064 : vector<16xf32>
      %lt3A_3066 = arith.cmpf olt, %add3A_3065, %select_n3A_3039 : vector<16xf32>
      %select_n3A_3067 = arith.select %lt3A_3066, %add3A_3065, %select_n3A_3039 : vector<16xi1>, vector<16xf32>
      %jit3A_3068 = arith.constant 107 : i32
      %broadcast_in_dim3A_3069 = vector.broadcast %jit3A_3068 : i32 to vector<16xi32>
      %select_n3A_3070 = arith.select %lt3A_3066, %broadcast_in_dim3A_3069, %select_n3A_3042 : vector<16xi1>, vector<16xi32>
      %sub3A_3071 = vector.broadcast %squeeze3A_3056 : f32 to vector<16xf32>
      %sub3A_3072 = arith.subf %gather3A_60, %sub3A_3071 : vector<16xf32>
      %sub3A_3073 = vector.broadcast %squeeze3A_3058 : f32 to vector<16xf32>
      %sub3A_3074 = arith.subf %gather3A_61, %sub3A_3073 : vector<16xf32>
      %mul3A_3075 = arith.mulf %sub3A_3072, %sub3A_3072 : vector<16xf32>
      %mul3A_3076 = arith.mulf %sub3A_3074, %sub3A_3074 : vector<16xf32>
      %add3A_3077 = arith.addf %mul3A_3075, %mul3A_3076 : vector<16xf32>
      %lt3A_3078 = arith.cmpf olt, %add3A_3077, %select_n3A_3051 : vector<16xf32>
      %select_n3A_3079 = arith.select %lt3A_3078, %add3A_3077, %select_n3A_3051 : vector<16xi1>, vector<16xf32>
      %jit3A_3080 = arith.constant 107 : i32
      %broadcast_in_dim3A_3081 = vector.broadcast %jit3A_3080 : i32 to vector<16xi32>
      %select_n3A_3082 = arith.select %lt3A_3078, %broadcast_in_dim3A_3081, %select_n3A_3054 : vector<16xi1>, vector<16xi32>
      %slice3A_3083 = vector.extract_strided_slice %get3A_22 {offsets = [12], sizes = [1], strides = [1]} : vector<16xf32> to vector<1xf32>
      %squeeze3A_3084 = vector.extract %slice3A_3083[0] : f32 from vector<1xf32>
      %slice3A_3085 = vector.extract_strided_slice %get3A_38 {offsets = [12], sizes = [1], strides = [1]} : vector<16xf32> to vector<1xf32>
      %squeeze3A_3086 = vector.extract %slice3A_3085[0] : f32 from vector<1xf32>
      %sub3A_3087 = vector.broadcast %squeeze3A_3084 : f32 to vector<16xf32>
      %sub3A_3088 = arith.subf %gather3A, %sub3A_3087 : vector<16xf32>
      %sub3A_3089 = vector.broadcast %squeeze3A_3086 : f32 to vector<16xf32>
      %sub3A_3090 = arith.subf %gather3A_53, %sub3A_3089 : vector<16xf32>
      %mul3A_3091 = arith.mulf %sub3A_3088, %sub3A_3088 : vector<16xf32>
      %mul3A_3092 = arith.mulf %sub3A_3090, %sub3A_3090 : vector<16xf32>
      %add3A_3093 = arith.addf %mul3A_3091, %mul3A_3092 : vector<16xf32>
      %lt3A_3094 = arith.cmpf olt, %add3A_3093, %select_n3A_3067 : vector<16xf32>
      %select_n3A_3095 = arith.select %lt3A_3094, %add3A_3093, %select_n3A_3067 : vector<16xi1>, vector<16xf32>
      %jit3A_3096 = arith.constant 108 : i32
      %broadcast_in_dim3A_3097 = vector.broadcast %jit3A_3096 : i32 to vector<16xi32>
      %select_n3A_3098 = arith.select %lt3A_3094, %broadcast_in_dim3A_3097, %select_n3A_3070 : vector<16xi1>, vector<16xi32>
      %sub3A_3099 = vector.broadcast %squeeze3A_3084 : f32 to vector<16xf32>
      %sub3A_3100 = arith.subf %gather3A_60, %sub3A_3099 : vector<16xf32>
      %sub3A_3101 = vector.broadcast %squeeze3A_3086 : f32 to vector<16xf32>
      %sub3A_3102 = arith.subf %gather3A_61, %sub3A_3101 : vector<16xf32>
      %mul3A_3103 = arith.mulf %sub3A_3100, %sub3A_3100 : vector<16xf32>
      %mul3A_3104 = arith.mulf %sub3A_3102, %sub3A_3102 : vector<16xf32>
      %add3A_3105 = arith.addf %mul3A_3103, %mul3A_3104 : vector<16xf32>
      %lt3A_3106 = arith.cmpf olt, %add3A_3105, %select_n3A_3079 : vector<16xf32>
      %select_n3A_3107 = arith.select %lt3A_3106, %add3A_3105, %select_n3A_3079 : vector<16xi1>, vector<16xf32>
      %jit3A_3108 = arith.constant 108 : i32
      %broadcast_in_dim3A_3109 = vector.broadcast %jit3A_3108 : i32 to vector<16xi32>
      %select_n3A_3110 = arith.select %lt3A_3106, %broadcast_in_dim3A_3109, %select_n3A_3082 : vector<16xi1>, vector<16xi32>
      %slice3A_3111 = vector.extract_strided_slice %get3A_22 {offsets = [13], sizes = [1], strides = [1]} : vector<16xf32> to vector<1xf32>
      %squeeze3A_3112 = vector.extract %slice3A_3111[0] : f32 from vector<1xf32>
      %slice3A_3113 = vector.extract_strided_slice %get3A_38 {offsets = [13], sizes = [1], strides = [1]} : vector<16xf32> to vector<1xf32>
      %squeeze3A_3114 = vector.extract %slice3A_3113[0] : f32 from vector<1xf32>
      %sub3A_3115 = vector.broadcast %squeeze3A_3112 : f32 to vector<16xf32>
      %sub3A_3116 = arith.subf %gather3A, %sub3A_3115 : vector<16xf32>
      %sub3A_3117 = vector.broadcast %squeeze3A_3114 : f32 to vector<16xf32>
      %sub3A_3118 = arith.subf %gather3A_53, %sub3A_3117 : vector<16xf32>
      %mul3A_3119 = arith.mulf %sub3A_3116, %sub3A_3116 : vector<16xf32>
      %mul3A_3120 = arith.mulf %sub3A_3118, %sub3A_3118 : vector<16xf32>
      %add3A_3121 = arith.addf %mul3A_3119, %mul3A_3120 : vector<16xf32>
      %lt3A_3122 = arith.cmpf olt, %add3A_3121, %select_n3A_3095 : vector<16xf32>
      %select_n3A_3123 = arith.select %lt3A_3122, %add3A_3121, %select_n3A_3095 : vector<16xi1>, vector<16xf32>
      %jit3A_3124 = arith.constant 109 : i32
      %broadcast_in_dim3A_3125 = vector.broadcast %jit3A_3124 : i32 to vector<16xi32>
      %select_n3A_3126 = arith.select %lt3A_3122, %broadcast_in_dim3A_3125, %select_n3A_3098 : vector<16xi1>, vector<16xi32>
      %sub3A_3127 = vector.broadcast %squeeze3A_3112 : f32 to vector<16xf32>
      %sub3A_3128 = arith.subf %gather3A_60, %sub3A_3127 : vector<16xf32>
      %sub3A_3129 = vector.broadcast %squeeze3A_3114 : f32 to vector<16xf32>
      %sub3A_3130 = arith.subf %gather3A_61, %sub3A_3129 : vector<16xf32>
      %mul3A_3131 = arith.mulf %sub3A_3128, %sub3A_3128 : vector<16xf32>
      %mul3A_3132 = arith.mulf %sub3A_3130, %sub3A_3130 : vector<16xf32>
      %add3A_3133 = arith.addf %mul3A_3131, %mul3A_3132 : vector<16xf32>
      %lt3A_3134 = arith.cmpf olt, %add3A_3133, %select_n3A_3107 : vector<16xf32>
      %select_n3A_3135 = arith.select %lt3A_3134, %add3A_3133, %select_n3A_3107 : vector<16xi1>, vector<16xf32>
      %jit3A_3136 = arith.constant 109 : i32
      %broadcast_in_dim3A_3137 = vector.broadcast %jit3A_3136 : i32 to vector<16xi32>
      %select_n3A_3138 = arith.select %lt3A_3134, %broadcast_in_dim3A_3137, %select_n3A_3110 : vector<16xi1>, vector<16xi32>
      %slice3A_3139 = vector.extract_strided_slice %get3A_22 {offsets = [14], sizes = [1], strides = [1]} : vector<16xf32> to vector<1xf32>
      %squeeze3A_3140 = vector.extract %slice3A_3139[0] : f32 from vector<1xf32>
      %slice3A_3141 = vector.extract_strided_slice %get3A_38 {offsets = [14], sizes = [1], strides = [1]} : vector<16xf32> to vector<1xf32>
      %squeeze3A_3142 = vector.extract %slice3A_3141[0] : f32 from vector<1xf32>
      %sub3A_3143 = vector.broadcast %squeeze3A_3140 : f32 to vector<16xf32>
      %sub3A_3144 = arith.subf %gather3A, %sub3A_3143 : vector<16xf32>
      %sub3A_3145 = vector.broadcast %squeeze3A_3142 : f32 to vector<16xf32>
      %sub3A_3146 = arith.subf %gather3A_53, %sub3A_3145 : vector<16xf32>
      %mul3A_3147 = arith.mulf %sub3A_3144, %sub3A_3144 : vector<16xf32>
      %mul3A_3148 = arith.mulf %sub3A_3146, %sub3A_3146 : vector<16xf32>
      %add3A_3149 = arith.addf %mul3A_3147, %mul3A_3148 : vector<16xf32>
      %lt3A_3150 = arith.cmpf olt, %add3A_3149, %select_n3A_3123 : vector<16xf32>
      %select_n3A_3151 = arith.select %lt3A_3150, %add3A_3149, %select_n3A_3123 : vector<16xi1>, vector<16xf32>
      %jit3A_3152 = arith.constant 110 : i32
      %broadcast_in_dim3A_3153 = vector.broadcast %jit3A_3152 : i32 to vector<16xi32>
      %select_n3A_3154 = arith.select %lt3A_3150, %broadcast_in_dim3A_3153, %select_n3A_3126 : vector<16xi1>, vector<16xi32>
      %sub3A_3155 = vector.broadcast %squeeze3A_3140 : f32 to vector<16xf32>
      %sub3A_3156 = arith.subf %gather3A_60, %sub3A_3155 : vector<16xf32>
      %sub3A_3157 = vector.broadcast %squeeze3A_3142 : f32 to vector<16xf32>
      %sub3A_3158 = arith.subf %gather3A_61, %sub3A_3157 : vector<16xf32>
      %mul3A_3159 = arith.mulf %sub3A_3156, %sub3A_3156 : vector<16xf32>
      %mul3A_3160 = arith.mulf %sub3A_3158, %sub3A_3158 : vector<16xf32>
      %add3A_3161 = arith.addf %mul3A_3159, %mul3A_3160 : vector<16xf32>
      %lt3A_3162 = arith.cmpf olt, %add3A_3161, %select_n3A_3135 : vector<16xf32>
      %select_n3A_3163 = arith.select %lt3A_3162, %add3A_3161, %select_n3A_3135 : vector<16xi1>, vector<16xf32>
      %jit3A_3164 = arith.constant 110 : i32
      %broadcast_in_dim3A_3165 = vector.broadcast %jit3A_3164 : i32 to vector<16xi32>
      %select_n3A_3166 = arith.select %lt3A_3162, %broadcast_in_dim3A_3165, %select_n3A_3138 : vector<16xi1>, vector<16xi32>
      %slice3A_3167 = vector.extract_strided_slice %get3A_22 {offsets = [15], sizes = [1], strides = [1]} : vector<16xf32> to vector<1xf32>
      %squeeze3A_3168 = vector.extract %slice3A_3167[0] : f32 from vector<1xf32>
      %slice3A_3169 = vector.extract_strided_slice %get3A_38 {offsets = [15], sizes = [1], strides = [1]} : vector<16xf32> to vector<1xf32>
      %squeeze3A_3170 = vector.extract %slice3A_3169[0] : f32 from vector<1xf32>
      %sub3A_3171 = vector.broadcast %squeeze3A_3168 : f32 to vector<16xf32>
      %sub3A_3172 = arith.subf %gather3A, %sub3A_3171 : vector<16xf32>
      %sub3A_3173 = vector.broadcast %squeeze3A_3170 : f32 to vector<16xf32>
      %sub3A_3174 = arith.subf %gather3A_53, %sub3A_3173 : vector<16xf32>
      %mul3A_3175 = arith.mulf %sub3A_3172, %sub3A_3172 : vector<16xf32>
      %mul3A_3176 = arith.mulf %sub3A_3174, %sub3A_3174 : vector<16xf32>
      %add3A_3177 = arith.addf %mul3A_3175, %mul3A_3176 : vector<16xf32>
      %lt3A_3178 = arith.cmpf olt, %add3A_3177, %select_n3A_3151 : vector<16xf32>
      %select_n3A_3179 = arith.select %lt3A_3178, %add3A_3177, %select_n3A_3151 : vector<16xi1>, vector<16xf32>
      %jit3A_3180 = arith.constant 111 : i32
      %broadcast_in_dim3A_3181 = vector.broadcast %jit3A_3180 : i32 to vector<16xi32>
      %select_n3A_3182 = arith.select %lt3A_3178, %broadcast_in_dim3A_3181, %select_n3A_3154 : vector<16xi1>, vector<16xi32>
      %sub3A_3183 = vector.broadcast %squeeze3A_3168 : f32 to vector<16xf32>
      %sub3A_3184 = arith.subf %gather3A_60, %sub3A_3183 : vector<16xf32>
      %sub3A_3185 = vector.broadcast %squeeze3A_3170 : f32 to vector<16xf32>
      %sub3A_3186 = arith.subf %gather3A_61, %sub3A_3185 : vector<16xf32>
      %mul3A_3187 = arith.mulf %sub3A_3184, %sub3A_3184 : vector<16xf32>
      %mul3A_3188 = arith.mulf %sub3A_3186, %sub3A_3186 : vector<16xf32>
      %add3A_3189 = arith.addf %mul3A_3187, %mul3A_3188 : vector<16xf32>
      %lt3A_3190 = arith.cmpf olt, %add3A_3189, %select_n3A_3163 : vector<16xf32>
      %select_n3A_3191 = arith.select %lt3A_3190, %add3A_3189, %select_n3A_3163 : vector<16xi1>, vector<16xf32>
      %jit3A_3192 = arith.constant 111 : i32
      %broadcast_in_dim3A_3193 = vector.broadcast %jit3A_3192 : i32 to vector<16xi32>
      %select_n3A_3194 = arith.select %lt3A_3190, %broadcast_in_dim3A_3193, %select_n3A_3166 : vector<16xi1>, vector<16xi32>
      %slice3A_3195 = vector.extract_strided_slice %get3A_24 {offsets = [0], sizes = [1], strides = [1]} : vector<16xf32> to vector<1xf32>
      %squeeze3A_3196 = vector.extract %slice3A_3195[0] : f32 from vector<1xf32>
      %slice3A_3197 = vector.extract_strided_slice %get3A_40 {offsets = [0], sizes = [1], strides = [1]} : vector<16xf32> to vector<1xf32>
      %squeeze3A_3198 = vector.extract %slice3A_3197[0] : f32 from vector<1xf32>
      %sub3A_3199 = vector.broadcast %squeeze3A_3196 : f32 to vector<16xf32>
      %sub3A_3200 = arith.subf %gather3A, %sub3A_3199 : vector<16xf32>
      %sub3A_3201 = vector.broadcast %squeeze3A_3198 : f32 to vector<16xf32>
      %sub3A_3202 = arith.subf %gather3A_53, %sub3A_3201 : vector<16xf32>
      %mul3A_3203 = arith.mulf %sub3A_3200, %sub3A_3200 : vector<16xf32>
      %mul3A_3204 = arith.mulf %sub3A_3202, %sub3A_3202 : vector<16xf32>
      %add3A_3205 = arith.addf %mul3A_3203, %mul3A_3204 : vector<16xf32>
      %lt3A_3206 = arith.cmpf olt, %add3A_3205, %select_n3A_3179 : vector<16xf32>
      %select_n3A_3207 = arith.select %lt3A_3206, %add3A_3205, %select_n3A_3179 : vector<16xi1>, vector<16xf32>
      %jit3A_3208 = arith.constant 112 : i32
      %broadcast_in_dim3A_3209 = vector.broadcast %jit3A_3208 : i32 to vector<16xi32>
      %select_n3A_3210 = arith.select %lt3A_3206, %broadcast_in_dim3A_3209, %select_n3A_3182 : vector<16xi1>, vector<16xi32>
      %sub3A_3211 = vector.broadcast %squeeze3A_3196 : f32 to vector<16xf32>
      %sub3A_3212 = arith.subf %gather3A_60, %sub3A_3211 : vector<16xf32>
      %sub3A_3213 = vector.broadcast %squeeze3A_3198 : f32 to vector<16xf32>
      %sub3A_3214 = arith.subf %gather3A_61, %sub3A_3213 : vector<16xf32>
      %mul3A_3215 = arith.mulf %sub3A_3212, %sub3A_3212 : vector<16xf32>
      %mul3A_3216 = arith.mulf %sub3A_3214, %sub3A_3214 : vector<16xf32>
      %add3A_3217 = arith.addf %mul3A_3215, %mul3A_3216 : vector<16xf32>
      %lt3A_3218 = arith.cmpf olt, %add3A_3217, %select_n3A_3191 : vector<16xf32>
      %select_n3A_3219 = arith.select %lt3A_3218, %add3A_3217, %select_n3A_3191 : vector<16xi1>, vector<16xf32>
      %jit3A_3220 = arith.constant 112 : i32
      %broadcast_in_dim3A_3221 = vector.broadcast %jit3A_3220 : i32 to vector<16xi32>
      %select_n3A_3222 = arith.select %lt3A_3218, %broadcast_in_dim3A_3221, %select_n3A_3194 : vector<16xi1>, vector<16xi32>
      %slice3A_3223 = vector.extract_strided_slice %get3A_24 {offsets = [1], sizes = [1], strides = [1]} : vector<16xf32> to vector<1xf32>
      %squeeze3A_3224 = vector.extract %slice3A_3223[0] : f32 from vector<1xf32>
      %slice3A_3225 = vector.extract_strided_slice %get3A_40 {offsets = [1], sizes = [1], strides = [1]} : vector<16xf32> to vector<1xf32>
      %squeeze3A_3226 = vector.extract %slice3A_3225[0] : f32 from vector<1xf32>
      %sub3A_3227 = vector.broadcast %squeeze3A_3224 : f32 to vector<16xf32>
      %sub3A_3228 = arith.subf %gather3A, %sub3A_3227 : vector<16xf32>
      %sub3A_3229 = vector.broadcast %squeeze3A_3226 : f32 to vector<16xf32>
      %sub3A_3230 = arith.subf %gather3A_53, %sub3A_3229 : vector<16xf32>
      %mul3A_3231 = arith.mulf %sub3A_3228, %sub3A_3228 : vector<16xf32>
      %mul3A_3232 = arith.mulf %sub3A_3230, %sub3A_3230 : vector<16xf32>
      %add3A_3233 = arith.addf %mul3A_3231, %mul3A_3232 : vector<16xf32>
      %lt3A_3234 = arith.cmpf olt, %add3A_3233, %select_n3A_3207 : vector<16xf32>
      %select_n3A_3235 = arith.select %lt3A_3234, %add3A_3233, %select_n3A_3207 : vector<16xi1>, vector<16xf32>
      %jit3A_3236 = arith.constant 113 : i32
      %broadcast_in_dim3A_3237 = vector.broadcast %jit3A_3236 : i32 to vector<16xi32>
      %select_n3A_3238 = arith.select %lt3A_3234, %broadcast_in_dim3A_3237, %select_n3A_3210 : vector<16xi1>, vector<16xi32>
      %sub3A_3239 = vector.broadcast %squeeze3A_3224 : f32 to vector<16xf32>
      %sub3A_3240 = arith.subf %gather3A_60, %sub3A_3239 : vector<16xf32>
      %sub3A_3241 = vector.broadcast %squeeze3A_3226 : f32 to vector<16xf32>
      %sub3A_3242 = arith.subf %gather3A_61, %sub3A_3241 : vector<16xf32>
      %mul3A_3243 = arith.mulf %sub3A_3240, %sub3A_3240 : vector<16xf32>
      %mul3A_3244 = arith.mulf %sub3A_3242, %sub3A_3242 : vector<16xf32>
      %add3A_3245 = arith.addf %mul3A_3243, %mul3A_3244 : vector<16xf32>
      %lt3A_3246 = arith.cmpf olt, %add3A_3245, %select_n3A_3219 : vector<16xf32>
      %select_n3A_3247 = arith.select %lt3A_3246, %add3A_3245, %select_n3A_3219 : vector<16xi1>, vector<16xf32>
      %jit3A_3248 = arith.constant 113 : i32
      %broadcast_in_dim3A_3249 = vector.broadcast %jit3A_3248 : i32 to vector<16xi32>
      %select_n3A_3250 = arith.select %lt3A_3246, %broadcast_in_dim3A_3249, %select_n3A_3222 : vector<16xi1>, vector<16xi32>
      %slice3A_3251 = vector.extract_strided_slice %get3A_24 {offsets = [2], sizes = [1], strides = [1]} : vector<16xf32> to vector<1xf32>
      %squeeze3A_3252 = vector.extract %slice3A_3251[0] : f32 from vector<1xf32>
      %slice3A_3253 = vector.extract_strided_slice %get3A_40 {offsets = [2], sizes = [1], strides = [1]} : vector<16xf32> to vector<1xf32>
      %squeeze3A_3254 = vector.extract %slice3A_3253[0] : f32 from vector<1xf32>
      %sub3A_3255 = vector.broadcast %squeeze3A_3252 : f32 to vector<16xf32>
      %sub3A_3256 = arith.subf %gather3A, %sub3A_3255 : vector<16xf32>
      %sub3A_3257 = vector.broadcast %squeeze3A_3254 : f32 to vector<16xf32>
      %sub3A_3258 = arith.subf %gather3A_53, %sub3A_3257 : vector<16xf32>
      %mul3A_3259 = arith.mulf %sub3A_3256, %sub3A_3256 : vector<16xf32>
      %mul3A_3260 = arith.mulf %sub3A_3258, %sub3A_3258 : vector<16xf32>
      %add3A_3261 = arith.addf %mul3A_3259, %mul3A_3260 : vector<16xf32>
      %lt3A_3262 = arith.cmpf olt, %add3A_3261, %select_n3A_3235 : vector<16xf32>
      %select_n3A_3263 = arith.select %lt3A_3262, %add3A_3261, %select_n3A_3235 : vector<16xi1>, vector<16xf32>
      %jit3A_3264 = arith.constant 114 : i32
      %broadcast_in_dim3A_3265 = vector.broadcast %jit3A_3264 : i32 to vector<16xi32>
      %select_n3A_3266 = arith.select %lt3A_3262, %broadcast_in_dim3A_3265, %select_n3A_3238 : vector<16xi1>, vector<16xi32>
      %sub3A_3267 = vector.broadcast %squeeze3A_3252 : f32 to vector<16xf32>
      %sub3A_3268 = arith.subf %gather3A_60, %sub3A_3267 : vector<16xf32>
      %sub3A_3269 = vector.broadcast %squeeze3A_3254 : f32 to vector<16xf32>
      %sub3A_3270 = arith.subf %gather3A_61, %sub3A_3269 : vector<16xf32>
      %mul3A_3271 = arith.mulf %sub3A_3268, %sub3A_3268 : vector<16xf32>
      %mul3A_3272 = arith.mulf %sub3A_3270, %sub3A_3270 : vector<16xf32>
      %add3A_3273 = arith.addf %mul3A_3271, %mul3A_3272 : vector<16xf32>
      %lt3A_3274 = arith.cmpf olt, %add3A_3273, %select_n3A_3247 : vector<16xf32>
      %select_n3A_3275 = arith.select %lt3A_3274, %add3A_3273, %select_n3A_3247 : vector<16xi1>, vector<16xf32>
      %jit3A_3276 = arith.constant 114 : i32
      %broadcast_in_dim3A_3277 = vector.broadcast %jit3A_3276 : i32 to vector<16xi32>
      %select_n3A_3278 = arith.select %lt3A_3274, %broadcast_in_dim3A_3277, %select_n3A_3250 : vector<16xi1>, vector<16xi32>
      %slice3A_3279 = vector.extract_strided_slice %get3A_24 {offsets = [3], sizes = [1], strides = [1]} : vector<16xf32> to vector<1xf32>
      %squeeze3A_3280 = vector.extract %slice3A_3279[0] : f32 from vector<1xf32>
      %slice3A_3281 = vector.extract_strided_slice %get3A_40 {offsets = [3], sizes = [1], strides = [1]} : vector<16xf32> to vector<1xf32>
      %squeeze3A_3282 = vector.extract %slice3A_3281[0] : f32 from vector<1xf32>
      %sub3A_3283 = vector.broadcast %squeeze3A_3280 : f32 to vector<16xf32>
      %sub3A_3284 = arith.subf %gather3A, %sub3A_3283 : vector<16xf32>
      %sub3A_3285 = vector.broadcast %squeeze3A_3282 : f32 to vector<16xf32>
      %sub3A_3286 = arith.subf %gather3A_53, %sub3A_3285 : vector<16xf32>
      %mul3A_3287 = arith.mulf %sub3A_3284, %sub3A_3284 : vector<16xf32>
      %mul3A_3288 = arith.mulf %sub3A_3286, %sub3A_3286 : vector<16xf32>
      %add3A_3289 = arith.addf %mul3A_3287, %mul3A_3288 : vector<16xf32>
      %lt3A_3290 = arith.cmpf olt, %add3A_3289, %select_n3A_3263 : vector<16xf32>
      %select_n3A_3291 = arith.select %lt3A_3290, %add3A_3289, %select_n3A_3263 : vector<16xi1>, vector<16xf32>
      %jit3A_3292 = arith.constant 115 : i32
      %broadcast_in_dim3A_3293 = vector.broadcast %jit3A_3292 : i32 to vector<16xi32>
      %select_n3A_3294 = arith.select %lt3A_3290, %broadcast_in_dim3A_3293, %select_n3A_3266 : vector<16xi1>, vector<16xi32>
      %sub3A_3295 = vector.broadcast %squeeze3A_3280 : f32 to vector<16xf32>
      %sub3A_3296 = arith.subf %gather3A_60, %sub3A_3295 : vector<16xf32>
      %sub3A_3297 = vector.broadcast %squeeze3A_3282 : f32 to vector<16xf32>
      %sub3A_3298 = arith.subf %gather3A_61, %sub3A_3297 : vector<16xf32>
      %mul3A_3299 = arith.mulf %sub3A_3296, %sub3A_3296 : vector<16xf32>
      %mul3A_3300 = arith.mulf %sub3A_3298, %sub3A_3298 : vector<16xf32>
      %add3A_3301 = arith.addf %mul3A_3299, %mul3A_3300 : vector<16xf32>
      %lt3A_3302 = arith.cmpf olt, %add3A_3301, %select_n3A_3275 : vector<16xf32>
      %select_n3A_3303 = arith.select %lt3A_3302, %add3A_3301, %select_n3A_3275 : vector<16xi1>, vector<16xf32>
      %jit3A_3304 = arith.constant 115 : i32
      %broadcast_in_dim3A_3305 = vector.broadcast %jit3A_3304 : i32 to vector<16xi32>
      %select_n3A_3306 = arith.select %lt3A_3302, %broadcast_in_dim3A_3305, %select_n3A_3278 : vector<16xi1>, vector<16xi32>
      %slice3A_3307 = vector.extract_strided_slice %get3A_24 {offsets = [4], sizes = [1], strides = [1]} : vector<16xf32> to vector<1xf32>
      %squeeze3A_3308 = vector.extract %slice3A_3307[0] : f32 from vector<1xf32>
      %slice3A_3309 = vector.extract_strided_slice %get3A_40 {offsets = [4], sizes = [1], strides = [1]} : vector<16xf32> to vector<1xf32>
      %squeeze3A_3310 = vector.extract %slice3A_3309[0] : f32 from vector<1xf32>
      %sub3A_3311 = vector.broadcast %squeeze3A_3308 : f32 to vector<16xf32>
      %sub3A_3312 = arith.subf %gather3A, %sub3A_3311 : vector<16xf32>
      %sub3A_3313 = vector.broadcast %squeeze3A_3310 : f32 to vector<16xf32>
      %sub3A_3314 = arith.subf %gather3A_53, %sub3A_3313 : vector<16xf32>
      %mul3A_3315 = arith.mulf %sub3A_3312, %sub3A_3312 : vector<16xf32>
      %mul3A_3316 = arith.mulf %sub3A_3314, %sub3A_3314 : vector<16xf32>
      %add3A_3317 = arith.addf %mul3A_3315, %mul3A_3316 : vector<16xf32>
      %lt3A_3318 = arith.cmpf olt, %add3A_3317, %select_n3A_3291 : vector<16xf32>
      %select_n3A_3319 = arith.select %lt3A_3318, %add3A_3317, %select_n3A_3291 : vector<16xi1>, vector<16xf32>
      %jit3A_3320 = arith.constant 116 : i32
      %broadcast_in_dim3A_3321 = vector.broadcast %jit3A_3320 : i32 to vector<16xi32>
      %select_n3A_3322 = arith.select %lt3A_3318, %broadcast_in_dim3A_3321, %select_n3A_3294 : vector<16xi1>, vector<16xi32>
      %sub3A_3323 = vector.broadcast %squeeze3A_3308 : f32 to vector<16xf32>
      %sub3A_3324 = arith.subf %gather3A_60, %sub3A_3323 : vector<16xf32>
      %sub3A_3325 = vector.broadcast %squeeze3A_3310 : f32 to vector<16xf32>
      %sub3A_3326 = arith.subf %gather3A_61, %sub3A_3325 : vector<16xf32>
      %mul3A_3327 = arith.mulf %sub3A_3324, %sub3A_3324 : vector<16xf32>
      %mul3A_3328 = arith.mulf %sub3A_3326, %sub3A_3326 : vector<16xf32>
      %add3A_3329 = arith.addf %mul3A_3327, %mul3A_3328 : vector<16xf32>
      %lt3A_3330 = arith.cmpf olt, %add3A_3329, %select_n3A_3303 : vector<16xf32>
      %select_n3A_3331 = arith.select %lt3A_3330, %add3A_3329, %select_n3A_3303 : vector<16xi1>, vector<16xf32>
      %jit3A_3332 = arith.constant 116 : i32
      %broadcast_in_dim3A_3333 = vector.broadcast %jit3A_3332 : i32 to vector<16xi32>
      %select_n3A_3334 = arith.select %lt3A_3330, %broadcast_in_dim3A_3333, %select_n3A_3306 : vector<16xi1>, vector<16xi32>
      %slice3A_3335 = vector.extract_strided_slice %get3A_24 {offsets = [5], sizes = [1], strides = [1]} : vector<16xf32> to vector<1xf32>
      %squeeze3A_3336 = vector.extract %slice3A_3335[0] : f32 from vector<1xf32>
      %slice3A_3337 = vector.extract_strided_slice %get3A_40 {offsets = [5], sizes = [1], strides = [1]} : vector<16xf32> to vector<1xf32>
      %squeeze3A_3338 = vector.extract %slice3A_3337[0] : f32 from vector<1xf32>
      %sub3A_3339 = vector.broadcast %squeeze3A_3336 : f32 to vector<16xf32>
      %sub3A_3340 = arith.subf %gather3A, %sub3A_3339 : vector<16xf32>
      %sub3A_3341 = vector.broadcast %squeeze3A_3338 : f32 to vector<16xf32>
      %sub3A_3342 = arith.subf %gather3A_53, %sub3A_3341 : vector<16xf32>
      %mul3A_3343 = arith.mulf %sub3A_3340, %sub3A_3340 : vector<16xf32>
      %mul3A_3344 = arith.mulf %sub3A_3342, %sub3A_3342 : vector<16xf32>
      %add3A_3345 = arith.addf %mul3A_3343, %mul3A_3344 : vector<16xf32>
      %lt3A_3346 = arith.cmpf olt, %add3A_3345, %select_n3A_3319 : vector<16xf32>
      %select_n3A_3347 = arith.select %lt3A_3346, %add3A_3345, %select_n3A_3319 : vector<16xi1>, vector<16xf32>
      %jit3A_3348 = arith.constant 117 : i32
      %broadcast_in_dim3A_3349 = vector.broadcast %jit3A_3348 : i32 to vector<16xi32>
      %select_n3A_3350 = arith.select %lt3A_3346, %broadcast_in_dim3A_3349, %select_n3A_3322 : vector<16xi1>, vector<16xi32>
      %sub3A_3351 = vector.broadcast %squeeze3A_3336 : f32 to vector<16xf32>
      %sub3A_3352 = arith.subf %gather3A_60, %sub3A_3351 : vector<16xf32>
      %sub3A_3353 = vector.broadcast %squeeze3A_3338 : f32 to vector<16xf32>
      %sub3A_3354 = arith.subf %gather3A_61, %sub3A_3353 : vector<16xf32>
      %mul3A_3355 = arith.mulf %sub3A_3352, %sub3A_3352 : vector<16xf32>
      %mul3A_3356 = arith.mulf %sub3A_3354, %sub3A_3354 : vector<16xf32>
      %add3A_3357 = arith.addf %mul3A_3355, %mul3A_3356 : vector<16xf32>
      %lt3A_3358 = arith.cmpf olt, %add3A_3357, %select_n3A_3331 : vector<16xf32>
      %select_n3A_3359 = arith.select %lt3A_3358, %add3A_3357, %select_n3A_3331 : vector<16xi1>, vector<16xf32>
      %jit3A_3360 = arith.constant 117 : i32
      %broadcast_in_dim3A_3361 = vector.broadcast %jit3A_3360 : i32 to vector<16xi32>
      %select_n3A_3362 = arith.select %lt3A_3358, %broadcast_in_dim3A_3361, %select_n3A_3334 : vector<16xi1>, vector<16xi32>
      %slice3A_3363 = vector.extract_strided_slice %get3A_24 {offsets = [6], sizes = [1], strides = [1]} : vector<16xf32> to vector<1xf32>
      %squeeze3A_3364 = vector.extract %slice3A_3363[0] : f32 from vector<1xf32>
      %slice3A_3365 = vector.extract_strided_slice %get3A_40 {offsets = [6], sizes = [1], strides = [1]} : vector<16xf32> to vector<1xf32>
      %squeeze3A_3366 = vector.extract %slice3A_3365[0] : f32 from vector<1xf32>
      %sub3A_3367 = vector.broadcast %squeeze3A_3364 : f32 to vector<16xf32>
      %sub3A_3368 = arith.subf %gather3A, %sub3A_3367 : vector<16xf32>
      %sub3A_3369 = vector.broadcast %squeeze3A_3366 : f32 to vector<16xf32>
      %sub3A_3370 = arith.subf %gather3A_53, %sub3A_3369 : vector<16xf32>
      %mul3A_3371 = arith.mulf %sub3A_3368, %sub3A_3368 : vector<16xf32>
      %mul3A_3372 = arith.mulf %sub3A_3370, %sub3A_3370 : vector<16xf32>
      %add3A_3373 = arith.addf %mul3A_3371, %mul3A_3372 : vector<16xf32>
      %lt3A_3374 = arith.cmpf olt, %add3A_3373, %select_n3A_3347 : vector<16xf32>
      %select_n3A_3375 = arith.select %lt3A_3374, %add3A_3373, %select_n3A_3347 : vector<16xi1>, vector<16xf32>
      %jit3A_3376 = arith.constant 118 : i32
      %broadcast_in_dim3A_3377 = vector.broadcast %jit3A_3376 : i32 to vector<16xi32>
      %select_n3A_3378 = arith.select %lt3A_3374, %broadcast_in_dim3A_3377, %select_n3A_3350 : vector<16xi1>, vector<16xi32>
      %sub3A_3379 = vector.broadcast %squeeze3A_3364 : f32 to vector<16xf32>
      %sub3A_3380 = arith.subf %gather3A_60, %sub3A_3379 : vector<16xf32>
      %sub3A_3381 = vector.broadcast %squeeze3A_3366 : f32 to vector<16xf32>
      %sub3A_3382 = arith.subf %gather3A_61, %sub3A_3381 : vector<16xf32>
      %mul3A_3383 = arith.mulf %sub3A_3380, %sub3A_3380 : vector<16xf32>
      %mul3A_3384 = arith.mulf %sub3A_3382, %sub3A_3382 : vector<16xf32>
      %add3A_3385 = arith.addf %mul3A_3383, %mul3A_3384 : vector<16xf32>
      %lt3A_3386 = arith.cmpf olt, %add3A_3385, %select_n3A_3359 : vector<16xf32>
      %select_n3A_3387 = arith.select %lt3A_3386, %add3A_3385, %select_n3A_3359 : vector<16xi1>, vector<16xf32>
      %jit3A_3388 = arith.constant 118 : i32
      %broadcast_in_dim3A_3389 = vector.broadcast %jit3A_3388 : i32 to vector<16xi32>
      %select_n3A_3390 = arith.select %lt3A_3386, %broadcast_in_dim3A_3389, %select_n3A_3362 : vector<16xi1>, vector<16xi32>
      %slice3A_3391 = vector.extract_strided_slice %get3A_24 {offsets = [7], sizes = [1], strides = [1]} : vector<16xf32> to vector<1xf32>
      %squeeze3A_3392 = vector.extract %slice3A_3391[0] : f32 from vector<1xf32>
      %slice3A_3393 = vector.extract_strided_slice %get3A_40 {offsets = [7], sizes = [1], strides = [1]} : vector<16xf32> to vector<1xf32>
      %squeeze3A_3394 = vector.extract %slice3A_3393[0] : f32 from vector<1xf32>
      %sub3A_3395 = vector.broadcast %squeeze3A_3392 : f32 to vector<16xf32>
      %sub3A_3396 = arith.subf %gather3A, %sub3A_3395 : vector<16xf32>
      %sub3A_3397 = vector.broadcast %squeeze3A_3394 : f32 to vector<16xf32>
      %sub3A_3398 = arith.subf %gather3A_53, %sub3A_3397 : vector<16xf32>
      %mul3A_3399 = arith.mulf %sub3A_3396, %sub3A_3396 : vector<16xf32>
      %mul3A_3400 = arith.mulf %sub3A_3398, %sub3A_3398 : vector<16xf32>
      %add3A_3401 = arith.addf %mul3A_3399, %mul3A_3400 : vector<16xf32>
      %lt3A_3402 = arith.cmpf olt, %add3A_3401, %select_n3A_3375 : vector<16xf32>
      %select_n3A_3403 = arith.select %lt3A_3402, %add3A_3401, %select_n3A_3375 : vector<16xi1>, vector<16xf32>
      %jit3A_3404 = arith.constant 119 : i32
      %broadcast_in_dim3A_3405 = vector.broadcast %jit3A_3404 : i32 to vector<16xi32>
      %select_n3A_3406 = arith.select %lt3A_3402, %broadcast_in_dim3A_3405, %select_n3A_3378 : vector<16xi1>, vector<16xi32>
      %sub3A_3407 = vector.broadcast %squeeze3A_3392 : f32 to vector<16xf32>
      %sub3A_3408 = arith.subf %gather3A_60, %sub3A_3407 : vector<16xf32>
      %sub3A_3409 = vector.broadcast %squeeze3A_3394 : f32 to vector<16xf32>
      %sub3A_3410 = arith.subf %gather3A_61, %sub3A_3409 : vector<16xf32>
      %mul3A_3411 = arith.mulf %sub3A_3408, %sub3A_3408 : vector<16xf32>
      %mul3A_3412 = arith.mulf %sub3A_3410, %sub3A_3410 : vector<16xf32>
      %add3A_3413 = arith.addf %mul3A_3411, %mul3A_3412 : vector<16xf32>
      %lt3A_3414 = arith.cmpf olt, %add3A_3413, %select_n3A_3387 : vector<16xf32>
      %select_n3A_3415 = arith.select %lt3A_3414, %add3A_3413, %select_n3A_3387 : vector<16xi1>, vector<16xf32>
      %jit3A_3416 = arith.constant 119 : i32
      %broadcast_in_dim3A_3417 = vector.broadcast %jit3A_3416 : i32 to vector<16xi32>
      %select_n3A_3418 = arith.select %lt3A_3414, %broadcast_in_dim3A_3417, %select_n3A_3390 : vector<16xi1>, vector<16xi32>
      %slice3A_3419 = vector.extract_strided_slice %get3A_24 {offsets = [8], sizes = [1], strides = [1]} : vector<16xf32> to vector<1xf32>
      %squeeze3A_3420 = vector.extract %slice3A_3419[0] : f32 from vector<1xf32>
      %slice3A_3421 = vector.extract_strided_slice %get3A_40 {offsets = [8], sizes = [1], strides = [1]} : vector<16xf32> to vector<1xf32>
      %squeeze3A_3422 = vector.extract %slice3A_3421[0] : f32 from vector<1xf32>
      %sub3A_3423 = vector.broadcast %squeeze3A_3420 : f32 to vector<16xf32>
      %sub3A_3424 = arith.subf %gather3A, %sub3A_3423 : vector<16xf32>
      %sub3A_3425 = vector.broadcast %squeeze3A_3422 : f32 to vector<16xf32>
      %sub3A_3426 = arith.subf %gather3A_53, %sub3A_3425 : vector<16xf32>
      %mul3A_3427 = arith.mulf %sub3A_3424, %sub3A_3424 : vector<16xf32>
      %mul3A_3428 = arith.mulf %sub3A_3426, %sub3A_3426 : vector<16xf32>
      %add3A_3429 = arith.addf %mul3A_3427, %mul3A_3428 : vector<16xf32>
      %lt3A_3430 = arith.cmpf olt, %add3A_3429, %select_n3A_3403 : vector<16xf32>
      %select_n3A_3431 = arith.select %lt3A_3430, %add3A_3429, %select_n3A_3403 : vector<16xi1>, vector<16xf32>
      %jit3A_3432 = arith.constant 120 : i32
      %broadcast_in_dim3A_3433 = vector.broadcast %jit3A_3432 : i32 to vector<16xi32>
      %select_n3A_3434 = arith.select %lt3A_3430, %broadcast_in_dim3A_3433, %select_n3A_3406 : vector<16xi1>, vector<16xi32>
      %sub3A_3435 = vector.broadcast %squeeze3A_3420 : f32 to vector<16xf32>
      %sub3A_3436 = arith.subf %gather3A_60, %sub3A_3435 : vector<16xf32>
      %sub3A_3437 = vector.broadcast %squeeze3A_3422 : f32 to vector<16xf32>
      %sub3A_3438 = arith.subf %gather3A_61, %sub3A_3437 : vector<16xf32>
      %mul3A_3439 = arith.mulf %sub3A_3436, %sub3A_3436 : vector<16xf32>
      %mul3A_3440 = arith.mulf %sub3A_3438, %sub3A_3438 : vector<16xf32>
      %add3A_3441 = arith.addf %mul3A_3439, %mul3A_3440 : vector<16xf32>
      %lt3A_3442 = arith.cmpf olt, %add3A_3441, %select_n3A_3415 : vector<16xf32>
      %select_n3A_3443 = arith.select %lt3A_3442, %add3A_3441, %select_n3A_3415 : vector<16xi1>, vector<16xf32>
      %jit3A_3444 = arith.constant 120 : i32
      %broadcast_in_dim3A_3445 = vector.broadcast %jit3A_3444 : i32 to vector<16xi32>
      %select_n3A_3446 = arith.select %lt3A_3442, %broadcast_in_dim3A_3445, %select_n3A_3418 : vector<16xi1>, vector<16xi32>
      %slice3A_3447 = vector.extract_strided_slice %get3A_24 {offsets = [9], sizes = [1], strides = [1]} : vector<16xf32> to vector<1xf32>
      %squeeze3A_3448 = vector.extract %slice3A_3447[0] : f32 from vector<1xf32>
      %slice3A_3449 = vector.extract_strided_slice %get3A_40 {offsets = [9], sizes = [1], strides = [1]} : vector<16xf32> to vector<1xf32>
      %squeeze3A_3450 = vector.extract %slice3A_3449[0] : f32 from vector<1xf32>
      %sub3A_3451 = vector.broadcast %squeeze3A_3448 : f32 to vector<16xf32>
      %sub3A_3452 = arith.subf %gather3A, %sub3A_3451 : vector<16xf32>
      %sub3A_3453 = vector.broadcast %squeeze3A_3450 : f32 to vector<16xf32>
      %sub3A_3454 = arith.subf %gather3A_53, %sub3A_3453 : vector<16xf32>
      %mul3A_3455 = arith.mulf %sub3A_3452, %sub3A_3452 : vector<16xf32>
      %mul3A_3456 = arith.mulf %sub3A_3454, %sub3A_3454 : vector<16xf32>
      %add3A_3457 = arith.addf %mul3A_3455, %mul3A_3456 : vector<16xf32>
      %lt3A_3458 = arith.cmpf olt, %add3A_3457, %select_n3A_3431 : vector<16xf32>
      %select_n3A_3459 = arith.select %lt3A_3458, %add3A_3457, %select_n3A_3431 : vector<16xi1>, vector<16xf32>
      %jit3A_3460 = arith.constant 121 : i32
      %broadcast_in_dim3A_3461 = vector.broadcast %jit3A_3460 : i32 to vector<16xi32>
      %select_n3A_3462 = arith.select %lt3A_3458, %broadcast_in_dim3A_3461, %select_n3A_3434 : vector<16xi1>, vector<16xi32>
      %sub3A_3463 = vector.broadcast %squeeze3A_3448 : f32 to vector<16xf32>
      %sub3A_3464 = arith.subf %gather3A_60, %sub3A_3463 : vector<16xf32>
      %sub3A_3465 = vector.broadcast %squeeze3A_3450 : f32 to vector<16xf32>
      %sub3A_3466 = arith.subf %gather3A_61, %sub3A_3465 : vector<16xf32>
      %mul3A_3467 = arith.mulf %sub3A_3464, %sub3A_3464 : vector<16xf32>
      %mul3A_3468 = arith.mulf %sub3A_3466, %sub3A_3466 : vector<16xf32>
      %add3A_3469 = arith.addf %mul3A_3467, %mul3A_3468 : vector<16xf32>
      %lt3A_3470 = arith.cmpf olt, %add3A_3469, %select_n3A_3443 : vector<16xf32>
      %select_n3A_3471 = arith.select %lt3A_3470, %add3A_3469, %select_n3A_3443 : vector<16xi1>, vector<16xf32>
      %jit3A_3472 = arith.constant 121 : i32
      %broadcast_in_dim3A_3473 = vector.broadcast %jit3A_3472 : i32 to vector<16xi32>
      %select_n3A_3474 = arith.select %lt3A_3470, %broadcast_in_dim3A_3473, %select_n3A_3446 : vector<16xi1>, vector<16xi32>
      %slice3A_3475 = vector.extract_strided_slice %get3A_24 {offsets = [10], sizes = [1], strides = [1]} : vector<16xf32> to vector<1xf32>
      %squeeze3A_3476 = vector.extract %slice3A_3475[0] : f32 from vector<1xf32>
      %slice3A_3477 = vector.extract_strided_slice %get3A_40 {offsets = [10], sizes = [1], strides = [1]} : vector<16xf32> to vector<1xf32>
      %squeeze3A_3478 = vector.extract %slice3A_3477[0] : f32 from vector<1xf32>
      %sub3A_3479 = vector.broadcast %squeeze3A_3476 : f32 to vector<16xf32>
      %sub3A_3480 = arith.subf %gather3A, %sub3A_3479 : vector<16xf32>
      %sub3A_3481 = vector.broadcast %squeeze3A_3478 : f32 to vector<16xf32>
      %sub3A_3482 = arith.subf %gather3A_53, %sub3A_3481 : vector<16xf32>
      %mul3A_3483 = arith.mulf %sub3A_3480, %sub3A_3480 : vector<16xf32>
      %mul3A_3484 = arith.mulf %sub3A_3482, %sub3A_3482 : vector<16xf32>
      %add3A_3485 = arith.addf %mul3A_3483, %mul3A_3484 : vector<16xf32>
      %lt3A_3486 = arith.cmpf olt, %add3A_3485, %select_n3A_3459 : vector<16xf32>
      %select_n3A_3487 = arith.select %lt3A_3486, %add3A_3485, %select_n3A_3459 : vector<16xi1>, vector<16xf32>
      %jit3A_3488 = arith.constant 122 : i32
      %broadcast_in_dim3A_3489 = vector.broadcast %jit3A_3488 : i32 to vector<16xi32>
      %select_n3A_3490 = arith.select %lt3A_3486, %broadcast_in_dim3A_3489, %select_n3A_3462 : vector<16xi1>, vector<16xi32>
      %sub3A_3491 = vector.broadcast %squeeze3A_3476 : f32 to vector<16xf32>
      %sub3A_3492 = arith.subf %gather3A_60, %sub3A_3491 : vector<16xf32>
      %sub3A_3493 = vector.broadcast %squeeze3A_3478 : f32 to vector<16xf32>
      %sub3A_3494 = arith.subf %gather3A_61, %sub3A_3493 : vector<16xf32>
      %mul3A_3495 = arith.mulf %sub3A_3492, %sub3A_3492 : vector<16xf32>
      %mul3A_3496 = arith.mulf %sub3A_3494, %sub3A_3494 : vector<16xf32>
      %add3A_3497 = arith.addf %mul3A_3495, %mul3A_3496 : vector<16xf32>
      %lt3A_3498 = arith.cmpf olt, %add3A_3497, %select_n3A_3471 : vector<16xf32>
      %select_n3A_3499 = arith.select %lt3A_3498, %add3A_3497, %select_n3A_3471 : vector<16xi1>, vector<16xf32>
      %jit3A_3500 = arith.constant 122 : i32
      %broadcast_in_dim3A_3501 = vector.broadcast %jit3A_3500 : i32 to vector<16xi32>
      %select_n3A_3502 = arith.select %lt3A_3498, %broadcast_in_dim3A_3501, %select_n3A_3474 : vector<16xi1>, vector<16xi32>
      %slice3A_3503 = vector.extract_strided_slice %get3A_24 {offsets = [11], sizes = [1], strides = [1]} : vector<16xf32> to vector<1xf32>
      %squeeze3A_3504 = vector.extract %slice3A_3503[0] : f32 from vector<1xf32>
      %slice3A_3505 = vector.extract_strided_slice %get3A_40 {offsets = [11], sizes = [1], strides = [1]} : vector<16xf32> to vector<1xf32>
      %squeeze3A_3506 = vector.extract %slice3A_3505[0] : f32 from vector<1xf32>
      %sub3A_3507 = vector.broadcast %squeeze3A_3504 : f32 to vector<16xf32>
      %sub3A_3508 = arith.subf %gather3A, %sub3A_3507 : vector<16xf32>
      %sub3A_3509 = vector.broadcast %squeeze3A_3506 : f32 to vector<16xf32>
      %sub3A_3510 = arith.subf %gather3A_53, %sub3A_3509 : vector<16xf32>
      %mul3A_3511 = arith.mulf %sub3A_3508, %sub3A_3508 : vector<16xf32>
      %mul3A_3512 = arith.mulf %sub3A_3510, %sub3A_3510 : vector<16xf32>
      %add3A_3513 = arith.addf %mul3A_3511, %mul3A_3512 : vector<16xf32>
      %lt3A_3514 = arith.cmpf olt, %add3A_3513, %select_n3A_3487 : vector<16xf32>
      %select_n3A_3515 = arith.select %lt3A_3514, %add3A_3513, %select_n3A_3487 : vector<16xi1>, vector<16xf32>
      %jit3A_3516 = arith.constant 123 : i32
      %broadcast_in_dim3A_3517 = vector.broadcast %jit3A_3516 : i32 to vector<16xi32>
      %select_n3A_3518 = arith.select %lt3A_3514, %broadcast_in_dim3A_3517, %select_n3A_3490 : vector<16xi1>, vector<16xi32>
      %sub3A_3519 = vector.broadcast %squeeze3A_3504 : f32 to vector<16xf32>
      %sub3A_3520 = arith.subf %gather3A_60, %sub3A_3519 : vector<16xf32>
      %sub3A_3521 = vector.broadcast %squeeze3A_3506 : f32 to vector<16xf32>
      %sub3A_3522 = arith.subf %gather3A_61, %sub3A_3521 : vector<16xf32>
      %mul3A_3523 = arith.mulf %sub3A_3520, %sub3A_3520 : vector<16xf32>
      %mul3A_3524 = arith.mulf %sub3A_3522, %sub3A_3522 : vector<16xf32>
      %add3A_3525 = arith.addf %mul3A_3523, %mul3A_3524 : vector<16xf32>
      %lt3A_3526 = arith.cmpf olt, %add3A_3525, %select_n3A_3499 : vector<16xf32>
      %select_n3A_3527 = arith.select %lt3A_3526, %add3A_3525, %select_n3A_3499 : vector<16xi1>, vector<16xf32>
      %jit3A_3528 = arith.constant 123 : i32
      %broadcast_in_dim3A_3529 = vector.broadcast %jit3A_3528 : i32 to vector<16xi32>
      %select_n3A_3530 = arith.select %lt3A_3526, %broadcast_in_dim3A_3529, %select_n3A_3502 : vector<16xi1>, vector<16xi32>
      %slice3A_3531 = vector.extract_strided_slice %get3A_24 {offsets = [12], sizes = [1], strides = [1]} : vector<16xf32> to vector<1xf32>
      %squeeze3A_3532 = vector.extract %slice3A_3531[0] : f32 from vector<1xf32>
      %slice3A_3533 = vector.extract_strided_slice %get3A_40 {offsets = [12], sizes = [1], strides = [1]} : vector<16xf32> to vector<1xf32>
      %squeeze3A_3534 = vector.extract %slice3A_3533[0] : f32 from vector<1xf32>
      %sub3A_3535 = vector.broadcast %squeeze3A_3532 : f32 to vector<16xf32>
      %sub3A_3536 = arith.subf %gather3A, %sub3A_3535 : vector<16xf32>
      %sub3A_3537 = vector.broadcast %squeeze3A_3534 : f32 to vector<16xf32>
      %sub3A_3538 = arith.subf %gather3A_53, %sub3A_3537 : vector<16xf32>
      %mul3A_3539 = arith.mulf %sub3A_3536, %sub3A_3536 : vector<16xf32>
      %mul3A_3540 = arith.mulf %sub3A_3538, %sub3A_3538 : vector<16xf32>
      %add3A_3541 = arith.addf %mul3A_3539, %mul3A_3540 : vector<16xf32>
      %lt3A_3542 = arith.cmpf olt, %add3A_3541, %select_n3A_3515 : vector<16xf32>
      %select_n3A_3543 = arith.select %lt3A_3542, %add3A_3541, %select_n3A_3515 : vector<16xi1>, vector<16xf32>
      %jit3A_3544 = arith.constant 124 : i32
      %broadcast_in_dim3A_3545 = vector.broadcast %jit3A_3544 : i32 to vector<16xi32>
      %select_n3A_3546 = arith.select %lt3A_3542, %broadcast_in_dim3A_3545, %select_n3A_3518 : vector<16xi1>, vector<16xi32>
      %sub3A_3547 = vector.broadcast %squeeze3A_3532 : f32 to vector<16xf32>
      %sub3A_3548 = arith.subf %gather3A_60, %sub3A_3547 : vector<16xf32>
      %sub3A_3549 = vector.broadcast %squeeze3A_3534 : f32 to vector<16xf32>
      %sub3A_3550 = arith.subf %gather3A_61, %sub3A_3549 : vector<16xf32>
      %mul3A_3551 = arith.mulf %sub3A_3548, %sub3A_3548 : vector<16xf32>
      %mul3A_3552 = arith.mulf %sub3A_3550, %sub3A_3550 : vector<16xf32>
      %add3A_3553 = arith.addf %mul3A_3551, %mul3A_3552 : vector<16xf32>
      %lt3A_3554 = arith.cmpf olt, %add3A_3553, %select_n3A_3527 : vector<16xf32>
      %select_n3A_3555 = arith.select %lt3A_3554, %add3A_3553, %select_n3A_3527 : vector<16xi1>, vector<16xf32>
      %jit3A_3556 = arith.constant 124 : i32
      %broadcast_in_dim3A_3557 = vector.broadcast %jit3A_3556 : i32 to vector<16xi32>
      %select_n3A_3558 = arith.select %lt3A_3554, %broadcast_in_dim3A_3557, %select_n3A_3530 : vector<16xi1>, vector<16xi32>
      %slice3A_3559 = vector.extract_strided_slice %get3A_24 {offsets = [13], sizes = [1], strides = [1]} : vector<16xf32> to vector<1xf32>
      %squeeze3A_3560 = vector.extract %slice3A_3559[0] : f32 from vector<1xf32>
      %slice3A_3561 = vector.extract_strided_slice %get3A_40 {offsets = [13], sizes = [1], strides = [1]} : vector<16xf32> to vector<1xf32>
      %squeeze3A_3562 = vector.extract %slice3A_3561[0] : f32 from vector<1xf32>
      %sub3A_3563 = vector.broadcast %squeeze3A_3560 : f32 to vector<16xf32>
      %sub3A_3564 = arith.subf %gather3A, %sub3A_3563 : vector<16xf32>
      %sub3A_3565 = vector.broadcast %squeeze3A_3562 : f32 to vector<16xf32>
      %sub3A_3566 = arith.subf %gather3A_53, %sub3A_3565 : vector<16xf32>
      %mul3A_3567 = arith.mulf %sub3A_3564, %sub3A_3564 : vector<16xf32>
      %mul3A_3568 = arith.mulf %sub3A_3566, %sub3A_3566 : vector<16xf32>
      %add3A_3569 = arith.addf %mul3A_3567, %mul3A_3568 : vector<16xf32>
      %lt3A_3570 = arith.cmpf olt, %add3A_3569, %select_n3A_3543 : vector<16xf32>
      %select_n3A_3571 = arith.select %lt3A_3570, %add3A_3569, %select_n3A_3543 : vector<16xi1>, vector<16xf32>
      %jit3A_3572 = arith.constant 125 : i32
      %broadcast_in_dim3A_3573 = vector.broadcast %jit3A_3572 : i32 to vector<16xi32>
      %select_n3A_3574 = arith.select %lt3A_3570, %broadcast_in_dim3A_3573, %select_n3A_3546 : vector<16xi1>, vector<16xi32>
      %sub3A_3575 = vector.broadcast %squeeze3A_3560 : f32 to vector<16xf32>
      %sub3A_3576 = arith.subf %gather3A_60, %sub3A_3575 : vector<16xf32>
      %sub3A_3577 = vector.broadcast %squeeze3A_3562 : f32 to vector<16xf32>
      %sub3A_3578 = arith.subf %gather3A_61, %sub3A_3577 : vector<16xf32>
      %mul3A_3579 = arith.mulf %sub3A_3576, %sub3A_3576 : vector<16xf32>
      %mul3A_3580 = arith.mulf %sub3A_3578, %sub3A_3578 : vector<16xf32>
      %add3A_3581 = arith.addf %mul3A_3579, %mul3A_3580 : vector<16xf32>
      %lt3A_3582 = arith.cmpf olt, %add3A_3581, %select_n3A_3555 : vector<16xf32>
      %select_n3A_3583 = arith.select %lt3A_3582, %add3A_3581, %select_n3A_3555 : vector<16xi1>, vector<16xf32>
      %jit3A_3584 = arith.constant 125 : i32
      %broadcast_in_dim3A_3585 = vector.broadcast %jit3A_3584 : i32 to vector<16xi32>
      %select_n3A_3586 = arith.select %lt3A_3582, %broadcast_in_dim3A_3585, %select_n3A_3558 : vector<16xi1>, vector<16xi32>
      %slice3A_3587 = vector.extract_strided_slice %get3A_24 {offsets = [14], sizes = [1], strides = [1]} : vector<16xf32> to vector<1xf32>
      %squeeze3A_3588 = vector.extract %slice3A_3587[0] : f32 from vector<1xf32>
      %slice3A_3589 = vector.extract_strided_slice %get3A_40 {offsets = [14], sizes = [1], strides = [1]} : vector<16xf32> to vector<1xf32>
      %squeeze3A_3590 = vector.extract %slice3A_3589[0] : f32 from vector<1xf32>
      %sub3A_3591 = vector.broadcast %squeeze3A_3588 : f32 to vector<16xf32>
      %sub3A_3592 = arith.subf %gather3A, %sub3A_3591 : vector<16xf32>
      %sub3A_3593 = vector.broadcast %squeeze3A_3590 : f32 to vector<16xf32>
      %sub3A_3594 = arith.subf %gather3A_53, %sub3A_3593 : vector<16xf32>
      %mul3A_3595 = arith.mulf %sub3A_3592, %sub3A_3592 : vector<16xf32>
      %mul3A_3596 = arith.mulf %sub3A_3594, %sub3A_3594 : vector<16xf32>
      %add3A_3597 = arith.addf %mul3A_3595, %mul3A_3596 : vector<16xf32>
      %lt3A_3598 = arith.cmpf olt, %add3A_3597, %select_n3A_3571 : vector<16xf32>
      %select_n3A_3599 = arith.select %lt3A_3598, %add3A_3597, %select_n3A_3571 : vector<16xi1>, vector<16xf32>
      %jit3A_3600 = arith.constant 126 : i32
      %broadcast_in_dim3A_3601 = vector.broadcast %jit3A_3600 : i32 to vector<16xi32>
      %select_n3A_3602 = arith.select %lt3A_3598, %broadcast_in_dim3A_3601, %select_n3A_3574 : vector<16xi1>, vector<16xi32>
      %sub3A_3603 = vector.broadcast %squeeze3A_3588 : f32 to vector<16xf32>
      %sub3A_3604 = arith.subf %gather3A_60, %sub3A_3603 : vector<16xf32>
      %sub3A_3605 = vector.broadcast %squeeze3A_3590 : f32 to vector<16xf32>
      %sub3A_3606 = arith.subf %gather3A_61, %sub3A_3605 : vector<16xf32>
      %mul3A_3607 = arith.mulf %sub3A_3604, %sub3A_3604 : vector<16xf32>
      %mul3A_3608 = arith.mulf %sub3A_3606, %sub3A_3606 : vector<16xf32>
      %add3A_3609 = arith.addf %mul3A_3607, %mul3A_3608 : vector<16xf32>
      %lt3A_3610 = arith.cmpf olt, %add3A_3609, %select_n3A_3583 : vector<16xf32>
      %select_n3A_3611 = arith.select %lt3A_3610, %add3A_3609, %select_n3A_3583 : vector<16xi1>, vector<16xf32>
      %jit3A_3612 = arith.constant 126 : i32
      %broadcast_in_dim3A_3613 = vector.broadcast %jit3A_3612 : i32 to vector<16xi32>
      %select_n3A_3614 = arith.select %lt3A_3610, %broadcast_in_dim3A_3613, %select_n3A_3586 : vector<16xi1>, vector<16xi32>
      %slice3A_3615 = vector.extract_strided_slice %get3A_24 {offsets = [15], sizes = [1], strides = [1]} : vector<16xf32> to vector<1xf32>
      %squeeze3A_3616 = vector.extract %slice3A_3615[0] : f32 from vector<1xf32>
      %slice3A_3617 = vector.extract_strided_slice %get3A_40 {offsets = [15], sizes = [1], strides = [1]} : vector<16xf32> to vector<1xf32>
      %squeeze3A_3618 = vector.extract %slice3A_3617[0] : f32 from vector<1xf32>
      %sub3A_3619 = vector.broadcast %squeeze3A_3616 : f32 to vector<16xf32>
      %sub3A_3620 = arith.subf %gather3A, %sub3A_3619 : vector<16xf32>
      %sub3A_3621 = vector.broadcast %squeeze3A_3618 : f32 to vector<16xf32>
      %sub3A_3622 = arith.subf %gather3A_53, %sub3A_3621 : vector<16xf32>
      %mul3A_3623 = arith.mulf %sub3A_3620, %sub3A_3620 : vector<16xf32>
      %mul3A_3624 = arith.mulf %sub3A_3622, %sub3A_3622 : vector<16xf32>
      %add3A_3625 = arith.addf %mul3A_3623, %mul3A_3624 : vector<16xf32>
      %lt3A_3626 = arith.cmpf olt, %add3A_3625, %select_n3A_3599 : vector<16xf32>
      %select_n3A_3627 = arith.select %lt3A_3626, %add3A_3625, %select_n3A_3599 : vector<16xi1>, vector<16xf32>
      %jit3A_3628 = arith.constant 127 : i32
      %broadcast_in_dim3A_3629 = vector.broadcast %jit3A_3628 : i32 to vector<16xi32>
      %select_n3A_3630 = arith.select %lt3A_3626, %broadcast_in_dim3A_3629, %select_n3A_3602 : vector<16xi1>, vector<16xi32>
      %sub3A_3631 = vector.broadcast %squeeze3A_3616 : f32 to vector<16xf32>
      %sub3A_3632 = arith.subf %gather3A_60, %sub3A_3631 : vector<16xf32>
      %sub3A_3633 = vector.broadcast %squeeze3A_3618 : f32 to vector<16xf32>
      %sub3A_3634 = arith.subf %gather3A_61, %sub3A_3633 : vector<16xf32>
      %mul3A_3635 = arith.mulf %sub3A_3632, %sub3A_3632 : vector<16xf32>
      %mul3A_3636 = arith.mulf %sub3A_3634, %sub3A_3634 : vector<16xf32>
      %add3A_3637 = arith.addf %mul3A_3635, %mul3A_3636 : vector<16xf32>
      %lt3A_3638 = arith.cmpf olt, %add3A_3637, %select_n3A_3611 : vector<16xf32>
      %select_n3A_3639 = arith.select %lt3A_3638, %add3A_3637, %select_n3A_3611 : vector<16xi1>, vector<16xf32>
      %jit3A_3640 = arith.constant 127 : i32
      %broadcast_in_dim3A_3641 = vector.broadcast %jit3A_3640 : i32 to vector<16xi32>
      %select_n3A_3642 = arith.select %lt3A_3638, %broadcast_in_dim3A_3641, %select_n3A_3614 : vector<16xi1>, vector<16xi32>
      %lt3A_3643 = arith.cmpf olt, %select_n3A_1835, %select_n3A_939 : vector<16xf32>
      %select_n3A_3644 = arith.select %lt3A_3643, %select_n3A_1835, %select_n3A_939 : vector<16xi1>, vector<16xf32>
      %select_n3A_3645 = arith.select %lt3A_3643, %select_n3A_1838, %select_n3A_942 : vector<16xi1>, vector<16xi32>
      %lt3A_3646 = arith.cmpf olt, %select_n3A_2731, %select_n3A_3644 : vector<16xf32>
      %select_n3A_3647 = arith.select %lt3A_3646, %select_n3A_2731, %select_n3A_3644 : vector<16xi1>, vector<16xf32>
      %select_n3A_3648 = arith.select %lt3A_3646, %select_n3A_2734, %select_n3A_3645 : vector<16xi1>, vector<16xi32>
      %lt3A_3649 = arith.cmpf olt, %select_n3A_3627, %select_n3A_3647 : vector<16xf32>
      %select_n3A_3650 = arith.select %lt3A_3649, %select_n3A_3627, %select_n3A_3647 : vector<16xi1>, vector<16xf32>
      %select_n3A_3651 = arith.select %lt3A_3649, %select_n3A_3630, %select_n3A_3648 : vector<16xi1>, vector<16xi32>
      %gather3A_3652 = tpu.vector_load_idx %arg14[%select_n3A_3651] : memref<128xf32, #tpu.memory_space<vmem>>[vector<16xi32>], vector<16xf32>,
      tpu.vector_store_idx %arg15[%add3A_52], %select_n3A_3651 : memref<640xi32, #tpu.memory_space<vmem>>[vector<16xi32>], vector<16xi32>,
      tpu.vector_store_idx %arg16[%add3A_52], %select_n3A_3650 : memref<640xf32, #tpu.memory_space<vmem>>[vector<16xi32>], vector<16xf32>,
      %convert_element_type3A = arith.fptosi %gather3A_3652 : vector<16xf32> to vector<16xi32>
      tpu.vector_store_idx %arg17[%add3A_52], %convert_element_type3A : memref<640xi32, #tpu.memory_space<vmem>>[vector<16xi32>], vector<16xi32>,
      %lt3A_3653 = arith.cmpf olt, %select_n3A_1847, %select_n3A_951 : vector<16xf32>
      %select_n3A_3654 = arith.select %lt3A_3653, %select_n3A_1847, %select_n3A_951 : vector<16xi1>, vector<16xf32>
      %select_n3A_3655 = arith.select %lt3A_3653, %select_n3A_1850, %select_n3A_954 : vector<16xi1>, vector<16xi32>
      %lt3A_3656 = arith.cmpf olt, %select_n3A_2743, %select_n3A_3654 : vector<16xf32>
      %select_n3A_3657 = arith.select %lt3A_3656, %select_n3A_2743, %select_n3A_3654 : vector<16xi1>, vector<16xf32>
      %select_n3A_3658 = arith.select %lt3A_3656, %select_n3A_2746, %select_n3A_3655 : vector<16xi1>, vector<16xi32>
      %lt3A_3659 = arith.cmpf olt, %select_n3A_3639, %select_n3A_3657 : vector<16xf32>
      %select_n3A_3660 = arith.select %lt3A_3659, %select_n3A_3639, %select_n3A_3657 : vector<16xi1>, vector<16xf32>
      %select_n3A_3661 = arith.select %lt3A_3659, %select_n3A_3642, %select_n3A_3658 : vector<16xi1>, vector<16xi32>
      %gather3A_3662 = tpu.vector_load_idx %arg14[%select_n3A_3661] : memref<128xf32, #tpu.memory_space<vmem>>[vector<16xi32>], vector<16xf32>,
      tpu.vector_store_idx %arg15[%add3A_59], %select_n3A_3661 : memref<640xi32, #tpu.memory_space<vmem>>[vector<16xi32>], vector<16xi32>,
      tpu.vector_store_idx %arg16[%add3A_59], %select_n3A_3660 : memref<640xf32, #tpu.memory_space<vmem>>[vector<16xi32>], vector<16xf32>,
      %convert_element_type3A_3663 = arith.fptosi %gather3A_3662 : vector<16xf32> to vector<16xi32>
      tpu.vector_store_idx %arg17[%add3A_59], %convert_element_type3A_3663 : memref<640xi32, #tpu.memory_space<vmem>>[vector<16xi32>], vector<16xi32>,
    }
    %scan3A_45 = arith.constant 20 : i32
    "tpu.region"() ({
      %run_scoped3A = tpu.sem_alloc : memref<!tpu.dma_semaphore, #tpu.memory_space<semaphore_mem>>
      %dma_start3A_46 = tpu.memref_slice %arg7[%min3A_3] : memref<20000xi32, #tpu.memory_space<hbm>> -> memref<640xi32, #tpu.memory_space<hbm>>
      %dma_start3A_47 = tpu.memref_slice %arg7[%min3A_3] : memref<20000xi32, #tpu.memory_space<hbm>> -> memref<640xi32, #tpu.memory_space<hbm>>
      tpu.enqueue_dma source(%arg15 : memref<640xi32, #tpu.memory_space<vmem>>) target(%dma_start3A_47 : memref<640xi32, #tpu.memory_space<hbm>>) target_semaphore(%run_scoped3A : memref<!tpu.dma_semaphore, #tpu.memory_space<semaphore_mem>>)
      %dma_wait3A_48 = tpu.memref_slice %arg7[%min3A_3] : memref<20000xi32, #tpu.memory_space<hbm>> -> memref<640xi32, #tpu.memory_space<hbm>>
      %dma_wait3A_49 = tpu.memref_slice %arg7[%min3A_3] : memref<20000xi32, #tpu.memory_space<hbm>> -> memref<640xi32, #tpu.memory_space<hbm>>
      tpu.wait_dma2 semaphore(%run_scoped3A : memref<!tpu.dma_semaphore, #tpu.memory_space<semaphore_mem>>) src(%arg15 : memref<640xi32, #tpu.memory_space<vmem>>) dst(%dma_wait3A_49 : memref<640xi32, #tpu.memory_space<hbm>>)
      tpu.yield
    }) : () -> ()
    "tpu.region"() ({
      %run_scoped3A = tpu.sem_alloc : memref<!tpu.dma_semaphore, #tpu.memory_space<semaphore_mem>>
      %dma_start3A_46 = tpu.memref_slice %arg8[%min3A_3] : memref<20000xf32, #tpu.memory_space<hbm>> -> memref<640xf32, #tpu.memory_space<hbm>>
      %dma_start3A_47 = tpu.memref_slice %arg8[%min3A_3] : memref<20000xf32, #tpu.memory_space<hbm>> -> memref<640xf32, #tpu.memory_space<hbm>>
      tpu.enqueue_dma source(%arg16 : memref<640xf32, #tpu.memory_space<vmem>>) target(%dma_start3A_47 : memref<640xf32, #tpu.memory_space<hbm>>) target_semaphore(%run_scoped3A : memref<!tpu.dma_semaphore, #tpu.memory_space<semaphore_mem>>)
      %dma_wait3A_48 = tpu.memref_slice %arg8[%min3A_3] : memref<20000xf32, #tpu.memory_space<hbm>> -> memref<640xf32, #tpu.memory_space<hbm>>
      %dma_wait3A_49 = tpu.memref_slice %arg8[%min3A_3] : memref<20000xf32, #tpu.memory_space<hbm>> -> memref<640xf32, #tpu.memory_space<hbm>>
      tpu.wait_dma2 semaphore(%run_scoped3A : memref<!tpu.dma_semaphore, #tpu.memory_space<semaphore_mem>>) src(%arg16 : memref<640xf32, #tpu.memory_space<vmem>>) dst(%dma_wait3A_49 : memref<640xf32, #tpu.memory_space<hbm>>)
      tpu.yield
    }) : () -> ()
    "tpu.region"() ({
      %run_scoped3A = tpu.sem_alloc : memref<!tpu.dma_semaphore, #tpu.memory_space<semaphore_mem>>
      %dma_start3A_46 = tpu.memref_slice %arg9[%min3A_3] : memref<20000xi32, #tpu.memory_space<hbm>> -> memref<640xi32, #tpu.memory_space<hbm>>
      %dma_start3A_47 = tpu.memref_slice %arg9[%min3A_3] : memref<20000xi32, #tpu.memory_space<hbm>> -> memref<640xi32, #tpu.memory_space<hbm>>
      tpu.enqueue_dma source(%arg17 : memref<640xi32, #tpu.memory_space<vmem>>) target(%dma_start3A_47 : memref<640xi32, #tpu.memory_space<hbm>>) target_semaphore(%run_scoped3A : memref<!tpu.dma_semaphore, #tpu.memory_space<semaphore_mem>>)
      %dma_wait3A_48 = tpu.memref_slice %arg9[%min3A_3] : memref<20000xi32, #tpu.memory_space<hbm>> -> memref<640xi32, #tpu.memory_space<hbm>>
      %dma_wait3A_49 = tpu.memref_slice %arg9[%min3A_3] : memref<20000xi32, #tpu.memory_space<hbm>> -> memref<640xi32, #tpu.memory_space<hbm>>
      tpu.wait_dma2 semaphore(%run_scoped3A : memref<!tpu.dma_semaphore, #tpu.memory_space<semaphore_mem>>) src(%arg17 : memref<640xi32, #tpu.memory_space<vmem>>) dst(%dma_wait3A_49 : memref<640xi32, #tpu.memory_space<hbm>>)
      tpu.yield
    }) : () -> ()
    return
  }
}

module attributes {stable_mosaic.version = 14 : i64} {
  func.func @_tc1_body(%arg0: memref<20000xf32, #tpu.memory_space<vmem>>, %arg1: memref<20000xf32, #tpu.memory_space<vmem>>, %arg2: memref<20000xf32, #tpu.memory_space<vmem>>, %arg3: memref<20000xf32, #tpu.memory_space<vmem>>, %arg4: memref<128xf32, #tpu.memory_space<vmem>>, %arg5: memref<128xf32, #tpu.memory_space<vmem>>, %arg6: memref<128xf32, #tpu.memory_space<vmem>>, %arg7: memref<128xf32, #tpu.memory_space<vmem>>, %arg8: memref<128xf32, #tpu.memory_space<vmem>>, %arg9: memref<20480xf32, #tpu.memory_space<vmem>>, %arg10: memref<20480xf32, #tpu.memory_space<vmem>>, %arg11: memref<128xf32, #tpu.memory_space<vmem>>, %arg12: memref<128xf32, #tpu.memory_space<vmem>>, %arg13: memref<128xf32, #tpu.memory_space<vmem>>) attributes {dimension_semantics = [], scalar_prefetch = 0 : i64, scratch_operands = 0 : i64, tpu.core_type = #tpu.core_type<tc>} {
    %get3A = arith.constant 0 : index
    %get3A_0 = vector.load %arg0[%get3A] : memref<20000xf32, #tpu.memory_space<vmem>>, vector<20000xf32>
    %get3A_1 = arith.constant 0 : index
    %get3A_2 = vector.load %arg2[%get3A_1] : memref<20000xf32, #tpu.memory_space<vmem>>, vector<20000xf32>
    %add3A = arith.addf %get3A_0, %get3A_2 : vector<20000xf32>
    %div3A = arith.constant 2.000000e+00 : f32
    %div3A_3 = vector.broadcast %div3A : f32 to vector<20000xf32>
    %div3A_4 = arith.divf %add3A, %div3A_3 : vector<20000xf32>
    %swap3A = arith.constant 0 : index
    %swap3A_5 = vector.load %arg9[%swap3A] : memref<20480xf32, #tpu.memory_space<vmem>>, vector<20000xf32>
    tpu.vector_store %arg9[%swap3A], %div3A_4 {strides = array<i32>} : memref<20480xf32, #tpu.memory_space<vmem>>, vector<20000xf32>,
    %get3A_6 = arith.constant 0 : index
    %get3A_7 = vector.load %arg1[%get3A_6] : memref<20000xf32, #tpu.memory_space<vmem>>, vector<20000xf32>
    %get3A_8 = arith.constant 0 : index
    %get3A_9 = vector.load %arg3[%get3A_8] : memref<20000xf32, #tpu.memory_space<vmem>>, vector<20000xf32>
    %add3A_10 = arith.addf %get3A_7, %get3A_9 : vector<20000xf32>
    %div3A_11 = arith.constant 2.000000e+00 : f32
    %div3A_12 = vector.broadcast %div3A_11 : f32 to vector<20000xf32>
    %div3A_13 = arith.divf %add3A_10, %div3A_12 : vector<20000xf32>
    %swap3A_14 = arith.constant 0 : index
    %swap3A_15 = vector.load %arg10[%swap3A_14] : memref<20480xf32, #tpu.memory_space<vmem>>, vector<20000xf32>
    tpu.vector_store %arg10[%swap3A_14], %div3A_13 {strides = array<i32>} : memref<20480xf32, #tpu.memory_space<vmem>>, vector<20000xf32>,
    %get3A_16 = arith.constant 0 : index
    %get3A_17 = vector.load %arg4[%get3A_16] : memref<128xf32, #tpu.memory_space<vmem>>, vector<128xf32>
    %get3A_18 = arith.constant 0 : index
    %get3A_19 = vector.load %arg6[%get3A_18] : memref<128xf32, #tpu.memory_space<vmem>>, vector<128xf32>
    %add3A_20 = arith.addf %get3A_17, %get3A_19 : vector<128xf32>
    %div3A_21 = arith.constant 2.000000e+00 : f32
    %div3A_22 = vector.broadcast %div3A_21 : f32 to vector<128xf32>
    %div3A_23 = arith.divf %add3A_20, %div3A_22 : vector<128xf32>
    %swap3A_24 = arith.constant 0 : index
    %swap3A_25 = vector.load %arg11[%swap3A_24] : memref<128xf32, #tpu.memory_space<vmem>>, vector<128xf32>
    tpu.vector_store %arg11[%swap3A_24], %div3A_23 {strides = array<i32>} : memref<128xf32, #tpu.memory_space<vmem>>, vector<128xf32>,
    %get3A_26 = arith.constant 0 : index
    %get3A_27 = vector.load %arg5[%get3A_26] : memref<128xf32, #tpu.memory_space<vmem>>, vector<128xf32>
    %get3A_28 = arith.constant 0 : index
    %get3A_29 = vector.load %arg7[%get3A_28] : memref<128xf32, #tpu.memory_space<vmem>>, vector<128xf32>
    %add3A_30 = arith.addf %get3A_27, %get3A_29 : vector<128xf32>
    %div3A_31 = arith.constant 2.000000e+00 : f32
    %div3A_32 = vector.broadcast %div3A_31 : f32 to vector<128xf32>
    %div3A_33 = arith.divf %add3A_30, %div3A_32 : vector<128xf32>
    %swap3A_34 = arith.constant 0 : index
    %swap3A_35 = vector.load %arg12[%swap3A_34] : memref<128xf32, #tpu.memory_space<vmem>>, vector<128xf32>
    tpu.vector_store %arg12[%swap3A_34], %div3A_33 {strides = array<i32>} : memref<128xf32, #tpu.memory_space<vmem>>, vector<128xf32>,
    %get3A_36 = arith.constant 0 : index
    %get3A_37 = vector.load %arg8[%get3A_36] : memref<128xf32, #tpu.memory_space<vmem>>, vector<128xf32>
    %swap3A_38 = arith.constant 0 : index
    %swap3A_39 = vector.load %arg13[%swap3A_38] : memref<128xf32, #tpu.memory_space<vmem>>, vector<128xf32>
    tpu.vector_store %arg13[%swap3A_38], %get3A_37 {strides = array<i32>} : memref<128xf32, #tpu.memory_space<vmem>>, vector<128xf32>,
    return
  }
}

module attributes {stable_mosaic.version = 14 : i64} {
  func.func @_tc2_body(%arg0: i32, %arg1: memref<2048x80xf32, #tpu.memory_space<vmem>>, %arg2: memref<2048xi32, #tpu.memory_space<vmem>>) attributes {dimension_semantics = [#tpu.dimension_semantics<arbitrary>], iteration_bounds = array<i64: 10>, scalar_prefetch = 0 : i64, scratch_operands = 0 : i64, tpu.core_type = #tpu.core_type<tc>, window_params = [{transform_indices = @transform_0, window_bounds = array<i64: 2048, 80>}, {transform_indices = @transform_1, window_bounds = array<i64: 2048>}]} {
    %get3A = arith.constant 0 : index
    %get3A_0 = arith.constant 0 : index
    %get3A_1 = vector.load %arg1[%get3A, %get3A_0] : memref<2048x80xf32, #tpu.memory_space<vmem>>, vector<2048x80xf32>
    %transpose3A = tpu.transpose %get3A_1, [1, 0] : vector<2048x80xf32> -> vector<80x2048xf32>
    %reduce_max3A = arith.constant dense<0xFF800000> : vector<2048xf32>
    %reduce_max3A_2 = vector.multi_reduction <maximumf>, %transpose3A, %reduce_max3A [0] : vector<80x2048xf32> to vector<2048xf32>
    %iota3A = tpu.iota {dimensions = array<i32: 0>} : vector<80x2048xi32>
    %broadcast_in_dim3A = vector.shape_cast %reduce_max3A_2 : vector<2048xf32> to vector<1x2048xf32>
    %eq3A = vector.broadcast %broadcast_in_dim3A : vector<1x2048xf32> to vector<80x2048xf32>
    %eq3A_3 = arith.cmpf oeq, %transpose3A, %eq3A : vector<80x2048xf32>
    %jit3A = arith.constant 80 : i32
    %broadcast_in_dim3A_4 = vector.broadcast %jit3A : i32 to vector<80x2048xi32>
    %select_n3A = arith.select %eq3A_3, %iota3A, %broadcast_in_dim3A_4 : vector<80x2048xi1>, vector<80x2048xi32>
    %reduce_min3A = arith.constant dense<2147483647> : vector<2048xi32>
    %reduce_min3A_5 = vector.multi_reduction <minsi>, %select_n3A, %reduce_min3A [0] : vector<80x2048xi32> to vector<2048xi32>
    %gt3A = arith.constant 0.000000e+00 : f32
    %gt3A_6 = vector.broadcast %gt3A : f32 to vector<2048xf32>
    %gt3A_7 = arith.cmpf ogt, %reduce_max3A_2, %gt3A_6 : vector<2048xf32>
    %jit3A_8 = arith.constant -1 : i32
    %broadcast_in_dim3A_9 = vector.broadcast %jit3A_8 : i32 to vector<2048xi32>
    %select_n3A_10 = arith.select %gt3A_7, %reduce_min3A_5, %broadcast_in_dim3A_9 : vector<2048xi1>, vector<2048xi32>
    %swap3A = arith.constant 0 : index
    %swap3A_11 = vector.load %arg2[%swap3A] : memref<2048xi32, #tpu.memory_space<vmem>>, vector<2048xi32>
    tpu.vector_store %arg2[%swap3A], %select_n3A_10 {strides = array<i32>} : memref<2048xi32, #tpu.memory_space<vmem>>, vector<2048xi32>,
    return
  }
  func.func @transform_0(%arg0: i32) -> (i32, i32) {
    %c0_i32 = arith.constant 0 : i32
    %c0_i32_0 = arith.constant 0 : i32
    return %arg0, %c0_i32 : i32, i32
  }
  func.func @transform_1(%arg0: i32) -> i32 {
    %c0_i32 = arith.constant 0 : i32
    return %arg0 : i32
  }
}

module attributes {stable_mosaic.version = 14 : i64} {
  func.func @_tc3_body(%arg0: memref<20000xi32, #tpu.memory_space<vmem>>, %arg1: memref<20000xf32, #tpu.memory_space<vmem>>, %arg2: memref<20000xi32, #tpu.memory_space<vmem>>, %arg3: memref<20000xi32, #tpu.memory_space<vmem>>, %arg4: memref<20000xi32, #tpu.memory_space<vmem>>, %arg5: memref<20000xf32, #tpu.memory_space<vmem>>, %arg6: memref<20000xi32, #tpu.memory_space<vmem>>) attributes {dimension_semantics = [], scalar_prefetch = 0 : i64, scratch_operands = 0 : i64, tpu.core_type = #tpu.core_type<tc>} {
    %get3A = arith.constant 0 : index
    %get3A_0 = vector.load %arg0[%get3A] : memref<20000xi32, #tpu.memory_space<vmem>>, vector<20000xi32>
    %get3A_1 = arith.constant 0 : index
    %get3A_2 = vector.load %arg2[%get3A_1] : memref<20000xi32, #tpu.memory_space<vmem>>, vector<20000xi32>
    %get3A_3 = arith.constant 0 : index
    %get3A_4 = vector.load %arg3[%get3A_3] : memref<20000xi32, #tpu.memory_space<vmem>>, vector<20000xi32>
    %eq3A = arith.cmpi eq, %get3A_4, %get3A_2 : vector<20000xi32>
    %add3A = arith.constant 1 : i32
    %add3A_5 = vector.broadcast %add3A : i32 to vector<20000xi32>
    %add3A_6 = arith.addi %get3A_0, %add3A_5 : vector<20000xi32>
    %jit3A = arith.constant 0 : i32
    %broadcast_in_dim3A = vector.broadcast %jit3A : i32 to vector<20000xi32>
    %select_n3A = arith.select %eq3A, %add3A_6, %broadcast_in_dim3A : vector<20000xi1>, vector<20000xi32>
    %swap3A = arith.constant 0 : index
    %swap3A_7 = vector.load %arg4[%swap3A] : memref<20000xi32, #tpu.memory_space<vmem>>, vector<20000xi32>
    tpu.vector_store %arg4[%swap3A], %select_n3A {strides = array<i32>} : memref<20000xi32, #tpu.memory_space<vmem>>, vector<20000xi32>,
    %get3A_8 = arith.constant 0 : index
    %get3A_9 = vector.load %arg1[%get3A_8] : memref<20000xf32, #tpu.memory_space<vmem>>, vector<20000xf32>
    %sqrt3A = math.sqrt %get3A_9 : vector<20000xf32>
    %swap3A_10 = arith.constant 0 : index
    %swap3A_11 = vector.load %arg5[%swap3A_10] : memref<20000xf32, #tpu.memory_space<vmem>>, vector<20000xf32>
    tpu.vector_store %arg5[%swap3A_10], %sqrt3A {strides = array<i32>} : memref<20000xf32, #tpu.memory_space<vmem>>, vector<20000xf32>,
    %jit3A_12 = arith.constant -1 : i32
    %broadcast_in_dim3A_13 = vector.broadcast %jit3A_12 : i32 to vector<20000xi32>
    %select_n3A_14 = arith.select %eq3A, %get3A_2, %broadcast_in_dim3A_13 : vector<20000xi1>, vector<20000xi32>
    %swap3A_15 = arith.constant 0 : index
    %swap3A_16 = vector.load %arg6[%swap3A_15] : memref<20000xi32, #tpu.memory_space<vmem>>, vector<20000xi32>
    tpu.vector_store %arg6[%swap3A_15], %select_n3A_14 {strides = array<i32>} : memref<20000xi32, #tpu.memory_space<vmem>>, vector<20000xi32>,
    return
  }
}

</mosaic_0001>

<sc_bundles>
// kernel: _run.6.cloned.1.call-start
scs
__scs_entry_jumppad:
0x0: {  	(pc) =	sbr.rel $0x88, $3  }
0x1: {  	(tag) =	ssettag $0x0;
	lr =	simm.s32 $0x1  }
0x2: {  	[smem:$0x3F9E] =	sst lr;
	_ =	strace $0xD0000000  }
0x3: {  	_ = 	snop  }
0x4: {  	_ = 	snop  }
0x5: {  	_ = 	snop  }
0x6: {  	_ = 	snop  }
0x7: {  	_ = 	snop  }
__scs_overlays_trampoline_lowered:
0x8: {  	[smem:$0x3FAD] =	sst s0  }
0x9: {  	[smem:$0x3FAE] =	sst s1  }
0xa: {  	[smem:$0x3FAF] =	sst s2  }
0xb: {  	[smem:$0x3FB0] =	sst s3  }
0xc: {  	[smem:$0x3FB1] =	sst s4  }
0xd: {  	[smem:$0x3FB2] =	sst s5  }
0xe: {  	[smem:$0x3FB3] =	sst s6  }
0xf: {  	[smem:$0x3FB4] =	sst s7  }
0x10: {  	[smem:$0x3FB5] =	sst s8  }
0x11: {  	[smem:$0x3FB6] =	sst s9;
	s0 =	simm.s32 @!p0 $0x0  }
0x12: {  	s1 =	sld [smem:$0x3F9C];
	s0 =	simm.s32 @p0 $0x1  }
0x13: {  	[smem:$0x3FB7] =	sst s0;
	s0 =	simm.s32 @!p1 $0x0  }
0x14: {  	s2 =	sld [smem:$0x3F9B];
	s0 =	simm.s32 @p1 $0x1  }
0x15: {  	[smem:$0x3FB8] =	sst s0;
	s0 =	simm.s32 @!p2 $0x0  }
0x16: {  	s3 =	sld [smem:$0x3FDB];
	s0 =	simm.s32 @p2 $0x1  }
0x17: {  	s4 =	simm.s32 $0x1BF5;
	[smem:$0x3FBA] =	sst s0  }
0x18: {  	s0 =	sld [smem:$0x3F9D];
	_ =	swait.ge [sflag:s4], $0x0  }
0x19: {  	s7 =	sld [smem:$0x3F9E]  }
0x1a: {  	s8 =	sadd.s32 $0xFFFFE003, lr  }
0x1b: {  	s9 =	sadd.s32 $0xFFFFFEF7, lr;
	s5 =	simm.s32 $0xFFFFFFFF;
	p2 =	slt.u32 s8, $0xFFFFF086  }
0x1c: {  	p1 =	slt.u32 s9, $0xF7A;
	s5 =	simm.s32 @!p2 $0x0  }
0x1d: {  	s5 =	simm.s32 @p1 $0x1;
	p0 =	seq.s32 s7, s2  }
0x1e: {  	s7 =	smul.u32 @!p0 $0xF7A, s2;
	p2 =	seq.s32 @!p0 s5, $0x0  }
0x1f: {  	s9 =	smul.u32 $0xF7A, s1;
	s8 =	simm.s32 @!p0 $0x1BF5;
	p2 =	por !p2, p0  }
0x20: {  	[sflag:s8] =	ssyncset.s32 @!p0 $0xFFFFF086;
	s6 =	sadd.s32 @!p0 s3, s7;
	s7 =	simm.s32 @!p0 $0x108  }
0x21: {  	s3 =	sadd.s32 s3, s9;
	s6 =	sadd.s32 @!p0 $0x88, s6;
	s7 =	simm.s32 @p2 $0x1082  }
0x22: {  	[simem:s7], [sflag:s8] =	dma.local @!p0 [hbm:s6], $0xF7A  }
0x23: {  	s9 =	sor.u32 $0xD0000000, s2;
	s6 =	simm.s32 $0x108;
	_ =	swait.ge @!p0 [sflag:s8], $0x0  }
0x24: {  	s3 =	sadd.s32 $0x88, s3;
	s6 =	simm.s32 @!p1 $0x1082;
	[sflag:s4] =	ssyncset.s32 $0xFFFFF086  }
0x25: {  	[simem:s6], [sflag:s4] =	dma.local [hbm:s3], $0xF7A  }
0x26: {  	[smem:$0x3F9E] =	sst s1;
	(tag) =	ssettag s2;
	_ =	strace s9  }
0x27: {  	s1 =	sld [smem:$0x3FAE]  }
0x28: {  	s2 =	sld [smem:$0x3FAF]  }
0x29: {  	s4 =	sld [smem:$0x3FB1]  }
0x2a: {  	p0 =	seq.s32 s5, $0x0;
	s5 =	sld [smem:$0x3FB2]  }
0x2b: {  	s6 =	sld [smem:$0x3FB3]  }
0x2c: {  	s7 =	sld [smem:$0x3FB4]  }
0x2d: {  	s3 =	simm.s32 $0x108;
	s8 =	sld [smem:$0x3FB5]  }
0x2e: {  	s3 =	simm.s32 @!p0 $0x1082;
	s9 =	sld [smem:$0x3FB6]  }
0x2f: {  	lr =	sadd.s32 s0, s3;
	s0 =	sld [smem:$0x3FAD]  }
0x30: {  	s3 =	sld [smem:$0x3FB0]  }
0x31: {  	[smem:$0x3FB9] =	sst s10  }
0x32: {  	s10 =	sld [smem:$0x3FB7];
	_ =	sdelay $0x3  }
0x33: {  	p0 =	seq.s32 s10, $0x1;
	s10 =	sld [smem:$0x3FB9];
	_ =	sdelay $0x3  }
0x34: {  	[smem:$0x3FB9] =	sst s10  }
0x35: {  	s10 =	sld [smem:$0x3FB8];
	_ =	sdelay $0x3  }
0x36: {  	p1 =	seq.s32 s10, $0x1;
	s10 =	sld [smem:$0x3FB9];
	_ =	sdelay $0x3  }
0x37: {  	[smem:$0x3FB9] =	sst s10  }
0x38: {  	s10 =	sld [smem:$0x3FBA]  }
0x39: {  	_ = 	snop;
	(pc) =	sbr.ind lr, $3  }
0x3a: {  	_ = 	snop  }
0x3b: {  	_ = 	snop  }
0x3c: {  	p2 =	seq.s32 s10, $0x1;
	s10 =	sld [smem:$0x3FB9]  }
0x3d: {  	_ =	shalt  }
0x3e: {  	_ =	shalt  }
0x3f: {  	_ =	shalt  }
0x40: {  	_ =	shalt  }
0x41: {  	_ =	shalt  }
0x42: {  	_ =	shalt  }
0x43: {  	_ =	shalt  }
0x44: {  	_ =	shalt  }
0x45: {  	_ =	shalt  }
0x46: {  	_ =	shalt  }
0x47: {  	_ =	shalt  }
0x48: {  	_ =	shalt  }
0x49: {  	_ =	shalt  }
0x4a: {  	_ =	shalt  }
0x4b: {  	_ =	shalt  }
0x4c: {  	_ =	shalt  }
0x4d: {  	_ =	shalt  }
0x4e: {  	_ =	shalt  }
0x4f: {  	_ =	shalt  }
0x50: {  	_ =	shalt  }
0x51: {  	_ =	shalt  }
0x52: {  	_ =	shalt  }
0x53: {  	_ =	shalt  }
0x54: {  	_ =	shalt  }
0x55: {  	_ =	shalt  }
0x56: {  	_ =	shalt  }
0x57: {  	_ =	shalt  }
0x58: {  	_ =	shalt  }
0x59: {  	_ =	shalt  }
0x5a: {  	_ =	shalt  }
0x5b: {  	_ =	shalt  }
0x5c: {  	_ =	shalt  }
0x5d: {  	_ =	shalt  }
0x5e: {  	_ =	shalt  }
0x5f: {  	_ =	shalt  }
0x60: {  	_ =	shalt  }
0x61: {  	_ =	shalt  }
0x62: {  	_ =	shalt  }
0x63: {  	_ =	shalt  }
0x64: {  	_ =	shalt  }
0x65: {  	_ =	shalt  }
0x66: {  	_ =	shalt  }
0x67: {  	_ =	shalt  }
0x68: {  	_ =	shalt  }
0x69: {  	_ =	shalt  }
0x6a: {  	_ =	shalt  }
0x6b: {  	_ =	shalt  }
0x6c: {  	_ =	shalt  }
0x6d: {  	_ =	shalt  }
0x6e: {  	_ =	shalt  }
0x6f: {  	_ =	shalt  }
0x70: {  	_ =	shalt  }
0x71: {  	_ =	shalt  }
0x72: {  	_ =	shalt  }
0x73: {  	_ =	shalt  }
0x74: {  	_ =	shalt  }
0x75: {  	_ =	shalt  }
0x76: {  	_ =	shalt  }
0x77: {  	_ =	shalt  }
0x78: {  	_ =	shalt  }
0x79: {  	_ =	shalt  }
0x7a: {  	_ =	shalt  }
0x7b: {  	_ =	shalt  }
0x7c: {  	_ =	shalt  }
0x7d: {  	_ =	shalt  }
0x7e: {  	_ =	shalt  }
0x7f: {  	_ =	shalt  }
0x80: {  	_ =	shalt  }
0x81: {  	_ =	shalt  }
0x82: {  	_ =	shalt  }
0x83: {  	_ =	shalt  }
0x84: {  	_ =	shalt  }
0x85: {  	_ =	shalt  }
0x86: {  	_ =	shalt  }
0x87: {  	_ =	shalt  }
.Lfunc_end0:
.L_simem_size_0:
called_computation_lowered:
.L_overlay_start_0:
0x88: {  	s2 =	sld [smem:$0x3FD9]  }
0x89: {  	s3 =	sld [smem:$0x3FFE];
	_ =	sdelay $0x1  }
0x8a: {  	s1 =	srdreg.scid  }
0x8b: {  	s0 =	sand.u32 $0x1, s1  }
0x8c: {  	s14 =	sshll.u32 s0, $0xA;
	s2 =	sadd.s32 s3, s2  }
0x8d: {  	s2 =	sadd.s32 s2, s14  }
0x8e: {  	[smem:$0x3FC5] =	sst s2  }
0x8f: {  	_ = 	snop  }
0x90: {  	s2 =	sld [smem:$0x3FD0];
	_ =	sdelay $0x2  }
0x91: {  	s15 =	simm.s32 $0xA;
	s4 =	simm.s32 $0x10  }
0x92: {  	[smem:s4], [sflag:s15] =	dma.local [hbm:s2], $0x1  }
0x93: {  	_ =	swait.eq [sflag:s15], $0x1  }
0x94: {  	s16 =	sld [smem:$0x10]  }
0x95: {  	s17 =	sld [smem:$0x11];
	[sflag:s15] =	ssyncset.done $0x0  }
0x96: {  	s5 =	sld [smem:$0x12];
	[sflag:s15] =	ssyncadd.s32 $0xFFFFFFFF  }
0x97: {  	s18 =	sld [smem:$0x13];
	(tm) =	ssettm $0x1  }
0x98: {  	s6 =	sld [smem:$0x3FFB];
	_ =	sdelay $0x3  }
0x99: {  	_ =	strace s6  }
0x9a: {  	s6 =	sld [smem:$0x3FFC];
	_ =	sdelay $0x3  }
0x9b: {  	_ =	strace s6  }
0x9c: {  	s6 =	sld [smem:$0x3FFD];
	_ =	sdelay $0x3  }
0x9d: {  	_ =	strace s6  }
0x9e: {  	_ =	strace $0x8FFFFFFF  }
0x9f: {  	s19 =	sld [smem:$0x3FDB];
	_ =	sdelay $0x1  }
0xa0: {  	s7 =	simm.s32 $_scs_section_size  }
0xa1: {  	s8 =	simm.s32 $_size__tile_overlayer_lowered;
	s9 =	simm.s32 $_tile_overlayer_lowered  }
0xa2: {  	s22 =	simm.s32 $0x1BFF;
	s21 =	sshll.u32 s9, $0x1;
	s6 =	sadd.s32 s7, s19  }
0xa3: {  	s10 =	simm.s32 $0x0;
	s20 =	sshll.u32 s8, $0x1;
	s8 =	sadd.s32 s21, s6  }
0xa4: {  	[timem:s10], [sflag:s22] =	dma.local [hbm:s8], s20  }
0xa5: {  	_ =	swait.ge [sflag:s22], s20  }
0xa6: {  	s7 =	ssub.s32 $0x0, s20;
	[sflag:s22] =	ssyncset.done $0x0  }
0xa7: {  	[sflag:s22] =	ssyncadd.s32 s7;
	_ =	sdelay $0x1  }
0xa8: {  	s23 =	simm.s32 $0x1B8B  }
0xa9: {  	_ =	swait.ge [sflag:s23], $0x1  }
0xaa: {  	[sflag:s23] =	ssyncset.done $0x0  }
0xab: {  	s25 =	simm.s32 $0x1B8E;
	s24 =	sld [smem:$0x3FFE];
	[sflag:s23] =	ssyncadd.s32 $0xFFFFFFFF  }
0xac: {  	s26 =	simm.s32 $execute0_lowered;
	[smem:$0x3FD2] =	sst s25  }
0xad: {  	s8 =	sshll.u32 s26, $0x1;
	_ =	strace $0x80000046;
	[dreg:$0x1] =	wrdreg $0xFFFFFFFF  }
0xae: {  	s28 =	simm.s32 $_size_execute0_lowered;
	s6 =	sadd.s32 s6, s8;
	[dreg:$0x0] =	wrdreg $0x0  }
0xaf: {  	s8 =	sshll.u32 s28, $0x1;
	[dreg:$0x2] =	wrdreg s6  }
0xb0: {  	[dreg:$0x3] =	wrdreg s8  }
0xb1: {  	[dreg:$0x4] =	wrdreg $0xC0  }
0xb2: {  	_ =	task [dreg:s10], $0x5FFFF  }
0xb3: {  	[dreg:$0x1] =	wrdreg $0xFFFFFFFF  }
0xb4: {  	[dreg:$0x0] =	wrdreg $0x60  }
0xb5: {  	[dreg:$0x2] =	wrdreg s5  }
0xb6: {  	[dreg:$0x3] =	wrdreg s17  }
0xb7: {  	[dreg:$0x4] =	wrdreg s24  }
0xb8: {  	[dreg:$0x5] =	wrdreg s16  }
0xb9: {  	[dreg:$0x6] =	wrdreg s18  }
0xba: {  	[dreg:$0x7] =	wrdreg $0x9  }
0xbb: {  	_ =	task.clear_ibuf [dreg:s10], $0x8FFFF;
	_ =	strace $0x90000046  }
0xbc: {  	s29 =	simm.s32 $0x9;
	_ =	strace $0x80000048  }
0xbd: {  	_ =	swait.ge [sflag:s29], $0x1  }
0xbe: {  	[sflag:s29] =	ssyncadd.s32 $0xFFFFFFFF  }
0xbf: {  	_ =	strace $0x90000048  }
0xc0: {  	_ =	sfence  }
0xc1: {  	s30 =	sld [smem:$0x0];
	_ =	sdelay $0x2  }
0xc2: {  	s31 =	sshll.u32 s1, $0xD;
	s1 =	sshrl.u32 s1, $0x2  }
0xc3: {  	s3 =	sand.u32 $0x4000, s31;
	s1 =	sadd.s32 s1, s30  }
0xc4: {  	s0 =	sor.u32 s3, s0;
	s1 =	sshll.u32 s1, $0x11  }
0xc5: {  	s0 =	sor.u32 s1, s0  }
0xc6: {  	s0 =	sadd.s32 $0x8F2B, s0  }
0xc7: {  	[sflag:s0] =	ssyncadd.remote.s32 $0x1  }
0xc8: {  	_ =	sfence.sel $0xFFFF  }
0xc9: {  	[dreg:$0x0] =	wrdreg $0xFFFFFFFF;
	(pc) =	sbr.abs _section_cstart, $3  }
0xca: {  	[dreg:$0x1] =	wrdreg $0xFFFFFFFF  }
0xcb: {  	_ =	task.clear_ibuf [dreg:s10], $0x2FFFF;
	_ =	strace $0x9FFFFFFF  }
0xcc: {  	(tm) =	ssettm $0x7FFFFFFF  }
0xcd: {  	_ =	shalt  }
tec
execute0_lowered:
.L_overlay_start_1:
0x0: {  	(tag) =	ssettag $0x1  }
0x1: {  	s6 =	rddreg [dreg:$0x0]  }
0x2: {  	s7 =	rddreg [dreg:$0x1]  }
0x3: {  	s8 =	rddreg [dreg:$0x2]  }
0x4: {  	s9 =	rddreg [dreg:$0x3];
	s1 =	srdreg.scid  }
0x5: {  	s0 =	stileid.u32;
	s10 =	rddreg [dreg:$0x4]  }
0x6: {  	s2 =	simm.s32 $0x0;
	s15 =	simm.s32 $0x600;
	s16 =	simm.s32 $0x1  }
0x7: {  	s17 =	simm.s32 $0x680;
	s18 =	simm.s32 $0x900;
	s19 =	simm.s32 $0xB80  }
0x8: {  	s20 =	simm.s32 $0x2;
	s5 =	sand.u32 $0x1, s1;
	s3 =	sshll.u32 s0, $0x1  }
0x9: {  	s21 =	simm.s32 $0x0;
	s1 =	rddreg [dreg:$0x5];
	s3 =	sor.u32 s5, s3  }
0xa: {  	[smem:$0x7FF] =	sst s2;
	s4 =	sadd.s32 $0xE00, s8;
	s11 =	smul.u32 $0x280, s3  }
0xb: {  	_ =	strace $0x80000047;
	s12 =	ssub.s32 $0x2, s5;
	s5 =	sadd.s32 $0x1000, s8  }
0xc: {  	s3 =	sadd.s32 $0xC00, s8;
	s13 =	sshrl.u32 s12, $0x1;
	s11 =	smin.u32 s11, $0x4BA0  }
0xd: {  	s12 =	ssub.s32 s12, s13;
	s13 =	simm.s32 $0x500;
	s11 =	sshrl.u32 s11, $0x3  }
0xe: {  	s14 =	sadd.s32 s11, s8;
	s6 =	sadd.s32 s6, s11;
	s7 =	sadd.s32 s7, s11  }
0xf: {  	s8 =	sadd.s32 s9, s11;
	s9 =	sadd.s32 s10, s11;
	s11 =	smax.u32 s12, $0x1  }
0x10: {  	v6 =	vlaneseq.u32;
	v1 =	vimm.s32 $0x0;
	s12 =	simm.s32 $0x280;
	s10 =	sadd.s32 $0x1200, s14;
	s14 =	simm.s32 $0x580  }
.LBB2_1:
0x11: {  	[tilespmem:s2], [sflag:$0x1] =	stream.linear.gather [hbm4b:s6+s2], $0x280, $0x38;
	[tilespmem:$0xE00] =	vst v63  }
0x12: {  	_ = 	snop  }
0x13: {  	[tilespmem:s12], [sflag:$0x1] =	stream.linear.gather [hbm4b:s7+s2], $0x280, $0x38;
	[tilespmem:$0xE00] =	vst v63  }
0x14: {  	_ = 	snop  }
0x15: {  	[tilespmem:s13], [sflag:$0x1] =	stream.linear.gather [hbm4b:s3+s2], $0x80, $0x38;
	[tilespmem:$0xE00] =	vst v63  }
0x16: {  	_ = 	snop  }
0x17: {  	[tilespmem:s14], [sflag:$0x1] =	stream.linear.gather [hbm4b:s4+s2], $0x80, $0x38;
	[tilespmem:$0xE00] =	vst v63  }
0x18: {  	_ = 	snop  }
0x19: {  	[tilespmem:s15], [sflag:$0x1] =	stream.linear.gather [hbm4b:s5+s2], $0x80, $0x38;
	[tilespmem:$0xE00] =	vst v63  }
0x1a: {  	_ =	swait.ge [sflag:s16], $0x280  }
0x1b: {  	[sflag:s16] =	ssyncset.done $0x0  }
0x1c: {  	[sflag:s16] =	ssyncadd.s32 $0xFFFFFD80  }
0x1d: {  	_ =	swait.ge [sflag:s16], $0x280  }
0x1e: {  	[sflag:s16] =	ssyncset.done $0x0  }
0x1f: {  	[sflag:s16] =	ssyncadd.s32 $0xFFFFFD80  }
0x20: {  	_ =	swait.ge [sflag:s16], $0x80  }
0x21: {  	[sflag:s16] =	ssyncset.done $0x0  }
0x22: {  	[sflag:s16] =	ssyncadd.s32 $0xFFFFFF80  }
0x23: {  	_ =	swait.ge [sflag:s16], $0x80  }
0x24: {  	[sflag:s16] =	ssyncset.done $0x0  }
0x25: {  	[sflag:s16] =	ssyncadd.s32 $0xFFFFFF80  }
0x26: {  	_ =	swait.ge [sflag:s16], $0x80  }
0x27: {  	[sflag:s16] =	ssyncset.done $0x0  }
0x28: {  	[sflag:s16] =	ssyncadd.s32 $0xFFFFFF80  }
0x29: {  	v0 =	vld [tilespmem:$0x500];
	_ =	sdelay $0x1  }
0x2a: {  	v2 =	vld [tilespmem:$0x580];
	_ =	sdelay $0x2  }
0x2b: {  	v3 =	vbroadcast v0, $0x0;
	_ =	sdelay $0x1  }
0x2c: {  	[tilespmem:$0x1F210] =	vst v3;
	v3 =	vbroadcast v2, $0x0;
	_ =	sdelay $0x1  }
0x2d: {  	[tilespmem:$0x1F220] =	vst v3;
	v3 =	vbroadcast v0, $0x1;
	_ =	sdelay $0x1  }
0x2e: {  	[tilespmem:$0x1F230] =	vst v3;
	v3 =	vbroadcast v2, $0x1;
	_ =	sdelay $0x1  }
0x2f: {  	[tilespmem:$0x1F240] =	vst v3;
	v3 =	vbroadcast v0, $0x2;
	_ =	sdelay $0x1  }
0x30: {  	[tilespmem:$0x1F250] =	vst v3;
	v3 =	vbroadcast v2, $0x2;
	_ =	sdelay $0x1  }
0x31: {  	[tilespmem:$0x1F260] =	vst v3;
	v3 =	vbroadcast v0, $0x3;
	_ =	sdelay $0x1  }
0x32: {  	[tilespmem:$0x1F270] =	vst v3;
	v3 =	vbroadcast v2, $0x3;
	_ =	sdelay $0x1  }
0x33: {  	[tilespmem:$0x1F280] =	vst v3;
	v3 =	vbroadcast v0, $0x4;
	_ =	sdelay $0x1  }
0x34: {  	[tilespmem:$0x1F290] =	vst v3;
	v3 =	vbroadcast v2, $0x4;
	_ =	sdelay $0x1  }
0x35: {  	[tilespmem:$0x1F2A0] =	vst v3;
	v3 =	vbroadcast v0, $0x5;
	_ =	sdelay $0x1  }
0x36: {  	[tilespmem:$0x1F2B0] =	vst v3;
	v3 =	vbroadcast v2, $0x5;
	_ =	sdelay $0x1  }
0x37: {  	[tilespmem:$0x1F2C0] =	vst v3;
	v3 =	vbroadcast v0, $0x6;
	_ =	sdelay $0x1  }
0x38: {  	[tilespmem:$0x1F2D0] =	vst v3;
	v3 =	vbroadcast v2, $0x6  }
0x39: {  	v4 =	vbroadcast v0, $0xA  }
0x3a: {  	[tilespmem:$0x1F2E0] =	vst v3;
	v3 =	vbroadcast v0, $0x7  }
0x3b: {  	v5 =	vbroadcast v0, $0xB;
	[tilespmem:$0x1F350] =	vst v4  }
0x3c: {  	[tilespmem:$0x1F2F0] =	vst v3;
	v3 =	vbroadcast v2, $0x7  }
0x3d: {  	[tilespmem:$0x1F370] =	vst v5;
	v5 =	vbroadcast v2, $0xB  }
0x3e: {  	[tilespmem:$0x1F300] =	vst v3;
	v3 =	vbroadcast v0, $0x8  }
0x3f: {  	[tilespmem:$0x1F380] =	vst v5;
	v5 =	vbroadcast v0, $0xC  }
0x40: {  	[tilespmem:$0x1F310] =	vst v3;
	v3 =	vbroadcast v2, $0x8  }
0x41: {  	[tilespmem:$0x1F390] =	vst v5;
	v5 =	vbroadcast v2, $0xC  }
0x42: {  	[tilespmem:$0x1F320] =	vst v3;
	v3 =	vbroadcast v0, $0x9  }
0x43: {  	[tilespmem:$0x1F3A0] =	vst v5;
	v5 =	vbroadcast v0, $0xD  }
0x44: {  	[tilespmem:$0x1F330] =	vst v3;
	v3 =	vbroadcast v2, $0x9  }
0x45: {  	[tilespmem:$0x1F3B0] =	vst v5;
	v5 =	vbroadcast v2, $0xD  }
0x46: {  	v4 =	vbroadcast v2, $0xA;
	[tilespmem:$0x1F340] =	vst v3;
	v3 =	vld [tilespmem:$0x510]  }
0x47: {  	[tilespmem:$0x1F3C0] =	vst v5;
	v5 =	vbroadcast v0, $0xE;
	v0 =	vbroadcast v0, $0xF  }
0x48: {  	[tilespmem:$0x1F360] =	vst v4;
	v4 =	vld [tilespmem:$0x590]  }
0x49: {  	[tilespmem:$0x1F3F0] =	vst v0;
	v0 =	vbroadcast v2, $0xF;
	_ =	sdelay $0x1  }
0x4a: {  	[tilespmem:$0x1F400] =	vst v0;
	v0 =	vbroadcast v3, $0x0;
	_ =	sdelay $0x1  }
0x4b: {  	[tilespmem:$0x1F410] =	vst v0;
	v0 =	vbroadcast v4, $0x0;
	_ =	sdelay $0x1  }
0x4c: {  	[tilespmem:$0x1F420] =	vst v0;
	v0 =	vbroadcast v3, $0x1;
	_ =	sdelay $0x1  }
0x4d: {  	[tilespmem:$0x1F430] =	vst v0;
	v0 =	vbroadcast v4, $0x1;
	_ =	sdelay $0x1  }
0x4e: {  	[tilespmem:$0x1F440] =	vst v0;
	v0 =	vbroadcast v3, $0x2;
	_ =	sdelay $0x1  }
0x4f: {  	[tilespmem:$0x1F450] =	vst v0;
	v0 =	vbroadcast v4, $0x2;
	_ =	sdelay $0x1  }
0x50: {  	[tilespmem:$0x1F460] =	vst v0;
	v0 =	vbroadcast v3, $0x3;
	_ =	sdelay $0x1  }
0x51: {  	[tilespmem:$0x1F470] =	vst v0;
	v0 =	vbroadcast v4, $0x3;
	_ =	sdelay $0x1  }
0x52: {  	[tilespmem:$0x1F480] =	vst v0;
	v0 =	vbroadcast v3, $0x4;
	_ =	sdelay $0x1  }
0x53: {  	[tilespmem:$0x1F490] =	vst v0;
	v0 =	vbroadcast v4, $0x4;
	_ =	sdelay $0x1  }
0x54: {  	[tilespmem:$0x1F4A0] =	vst v0;
	v0 =	vbroadcast v3, $0x5;
	_ =	sdelay $0x1  }
0x55: {  	[tilespmem:$0x1F4B0] =	vst v0;
	v0 =	vbroadcast v4, $0x5;
	_ =	sdelay $0x1  }
0x56: {  	[tilespmem:$0x1F4C0] =	vst v0;
	v0 =	vbroadcast v3, $0x6;
	_ =	sdelay $0x1  }
0x57: {  	[tilespmem:$0x1F4D0] =	vst v0;
	v0 =	vbroadcast v4, $0x6;
	_ =	sdelay $0x1  }
0x58: {  	[tilespmem:$0x1F4E0] =	vst v0;
	v0 =	vbroadcast v3, $0x7  }
0x59: {  	[tilespmem:$0x1F3D0] =	vst v5;
	v5 =	vbroadcast v2, $0xE;
	v2 =	vbroadcast v3, $0xB  }
0x5a: {  	[tilespmem:$0x1F4F0] =	vst v0;
	v0 =	vbroadcast v4, $0x7  }
0x5b: {  	[tilespmem:$0x1F570] =	vst v2;
	v2 =	vbroadcast v4, $0xB  }
0x5c: {  	[tilespmem:$0x1F500] =	vst v0;
	v0 =	vbroadcast v3, $0x8  }
0x5d: {  	[tilespmem:$0x1F580] =	vst v2;
	v2 =	vbroadcast v3, $0xC  }
0x5e: {  	[tilespmem:$0x1F510] =	vst v0;
	v0 =	vbroadcast v4, $0x8  }
0x5f: {  	[tilespmem:$0x1F590] =	vst v2;
	v2 =	vbroadcast v4, $0xC  }
0x60: {  	[tilespmem:$0x1F520] =	vst v0;
	v0 =	vbroadcast v3, $0x9  }
0x61: {  	[tilespmem:$0x1F5A0] =	vst v2;
	v2 =	vbroadcast v3, $0xD  }
0x62: {  	[tilespmem:$0x1F530] =	vst v0;
	v0 =	vbroadcast v4, $0x9  }
0x63: {  	[tilespmem:$0x1F5B0] =	vst v2;
	v2 =	vbroadcast v4, $0xD  }
0x64: {  	[tilespmem:$0x1F540] =	vst v0;
	v0 =	vbroadcast v3, $0xA  }
0x65: {  	[tilespmem:$0x1F5C0] =	vst v2;
	v2 =	vbroadcast v3, $0xE  }
0x66: {  	[tilespmem:$0x1F550] =	vst v0;
	v0 =	vbroadcast v4, $0xA  }
0x67: {  	[tilespmem:$0x1F5D0] =	vst v2  }
0x68: {  	v2 =	vbroadcast v3, $0xF;
	[tilespmem:$0x1F560] =	vst v0;
	v0 =	vld [tilespmem:$0x520];
	_ =	sdelay $0x1  }
0x69: {  	[tilespmem:$0x1F5E0] =	vst v2;
	v2 =	vbroadcast v4, $0xE;
	_ =	sdelay $0x1  }
0x6a: {  	[tilespmem:$0x1F5F0] =	vst v2;
	v2 =	vbroadcast v4, $0xF  }
0x6b: {  	v3 =	vbroadcast v0, $0x6  }
0x6c: {  	[tilespmem:$0x1F600] =	vst v2;
	v2 =	vbroadcast v0, $0x0  }
0x6d: {  	[tilespmem:$0x1F670] =	vst v3;
	v3 =	vbroadcast v0, $0x7  }
0x6e: {  	[tilespmem:$0x1F610] =	vst v2;
	v2 =	vbroadcast v0, $0x1  }
0x6f: {  	[tilespmem:$0x1F680] =	vst v3;
	v3 =	vbroadcast v0, $0x8  }
0x70: {  	[tilespmem:$0x1F620] =	vst v2;
	v2 =	vbroadcast v0, $0x2  }
0x71: {  	[tilespmem:$0x1F690] =	vst v3;
	v3 =	vbroadcast v0, $0x9  }
0x72: {  	[tilespmem:$0x1F630] =	vst v2;
	v2 =	vbroadcast v0, $0x3  }
0x73: {  	[tilespmem:$0x1F6A0] =	vst v3;
	v3 =	vbroadcast v0, $0xA  }
0x74: {  	[tilespmem:$0x1F640] =	vst v2;
	v2 =	vbroadcast v0, $0x4  }
0x75: {  	[tilespmem:$0x1F6B0] =	vst v3;
	v3 =	vbroadcast v0, $0xB  }
0x76: {  	[tilespmem:$0x1F650] =	vst v2;
	v2 =	vbroadcast v0, $0x5  }
0x77: {  	[tilespmem:$0x1F6C0] =	vst v3;
	v3 =	vbroadcast v0, $0xC  }
0x78: {  	[tilespmem:$0x1F660] =	vst v2;
	v2 =	vld [tilespmem:$0x5A0]  }
0x79: {  	[tilespmem:$0x1F6D0] =	vst v3;
	v3 =	vbroadcast v0, $0xD;
	_ =	sdelay $0x1  }
0x7a: {  	[tilespmem:$0x1F6E0] =	vst v3;
	v3 =	vbroadcast v0, $0xE  }
0x7b: {  	v0 =	vbroadcast v0, $0xF  }
0x7c: {  	[tilespmem:$0x1F6F0] =	vst v3;
	v3 =	vbroadcast v2, $0x6  }
0x7d: {  	[tilespmem:$0x1F700] =	vst v0;
	v0 =	vbroadcast v2, $0x0  }
0x7e: {  	[tilespmem:$0x1F770] =	vst v3;
	v3 =	vbroadcast v2, $0x7  }
0x7f: {  	[tilespmem:$0x1F710] =	vst v0;
	v0 =	vbroadcast v2, $0x1  }
0x80: {  	[tilespmem:$0x1F780] =	vst v3;
	v3 =	vbroadcast v2, $0x8  }
0x81: {  	[tilespmem:$0x1F720] =	vst v0;
	v0 =	vbroadcast v2, $0x2  }
0x82: {  	[tilespmem:$0x1F790] =	vst v3;
	v3 =	vbroadcast v2, $0x9  }
0x83: {  	[tilespmem:$0x1F730] =	vst v0;
	v0 =	vbroadcast v2, $0x3  }
0x84: {  	[tilespmem:$0x1F7A0] =	vst v3;
	v3 =	vbroadcast v2, $0xA  }
0x85: {  	[tilespmem:$0x1F740] =	vst v0;
	v0 =	vbroadcast v2, $0x4  }
0x86: {  	[tilespmem:$0x1F7B0] =	vst v3;
	v3 =	vbroadcast v2, $0xB  }
0x87: {  	[tilespmem:$0x1F750] =	vst v0;
	v0 =	vbroadcast v2, $0x5  }
0x88: {  	[tilespmem:$0x1F7C0] =	vst v3;
	v3 =	vbroadcast v2, $0xC  }
0x89: {  	[tilespmem:$0x1F760] =	vst v0;
	v0 =	vld [tilespmem:$0x530]  }
0x8a: {  	[tilespmem:$0x1F7D0] =	vst v3;
	v3 =	vbroadcast v2, $0xD;
	_ =	sdelay $0x1  }
0x8b: {  	[tilespmem:$0x1F7E0] =	vst v3;
	v3 =	vbroadcast v2, $0xE  }
0x8c: {  	v2 =	vbroadcast v2, $0xF  }
0x8d: {  	[tilespmem:$0x1F7F0] =	vst v3;
	v3 =	vbroadcast v0, $0x6  }
0x8e: {  	[tilespmem:$0x1F800] =	vst v2;
	v2 =	vbroadcast v0, $0x0  }
0x8f: {  	[tilespmem:$0x1F870] =	vst v3;
	v3 =	vbroadcast v0, $0x7  }
0x90: {  	[tilespmem:$0x1F810] =	vst v2;
	v2 =	vbroadcast v0, $0x1  }
0x91: {  	[tilespmem:$0x1F880] =	vst v3;
	v3 =	vbroadcast v0, $0x8  }
0x92: {  	[tilespmem:$0x1F820] =	vst v2;
	v2 =	vbroadcast v0, $0x2  }
0x93: {  	[tilespmem:$0x1F890] =	vst v3;
	v3 =	vbroadcast v0, $0x9  }
0x94: {  	[tilespmem:$0x1F830] =	vst v2;
	v2 =	vbroadcast v0, $0x3  }
0x95: {  	[tilespmem:$0x1F8A0] =	vst v3;
	v3 =	vbroadcast v0, $0xA  }
0x96: {  	[tilespmem:$0x1F840] =	vst v2;
	v2 =	vbroadcast v0, $0x4  }
0x97: {  	[tilespmem:$0x1F8B0] =	vst v3;
	v3 =	vbroadcast v0, $0xB  }
0x98: {  	[tilespmem:$0x1F850] =	vst v2;
	v2 =	vbroadcast v0, $0x5  }
0x99: {  	[tilespmem:$0x1F8C0] =	vst v3;
	v3 =	vbroadcast v0, $0xC  }
0x9a: {  	[tilespmem:$0x1F860] =	vst v2;
	v2 =	vld [tilespmem:$0x5B0]  }
0x9b: {  	[tilespmem:$0x1F8D0] =	vst v3;
	v3 =	vbroadcast v0, $0xD;
	_ =	sdelay $0x1  }
0x9c: {  	[tilespmem:$0x1F8E0] =	vst v3;
	v3 =	vbroadcast v0, $0xE  }
0x9d: {  	v0 =	vbroadcast v0, $0xF  }
0x9e: {  	[tilespmem:$0x1F8F0] =	vst v3;
	v3 =	vbroadcast v2, $0x6  }
0x9f: {  	[tilespmem:$0x1F900] =	vst v0;
	v0 =	vbroadcast v2, $0x0  }
0xa0: {  	[tilespmem:$0x1F970] =	vst v3;
	v3 =	vbroadcast v2, $0x7  }
0xa1: {  	[tilespmem:$0x1F910] =	vst v0;
	v0 =	vbroadcast v2, $0x1  }
0xa2: {  	[tilespmem:$0x1F980] =	vst v3;
	v3 =	vbroadcast v2, $0x8  }
0xa3: {  	[tilespmem:$0x1F920] =	vst v0;
	v0 =	vbroadcast v2, $0x2  }
0xa4: {  	[tilespmem:$0x1F990] =	vst v3;
	v3 =	vbroadcast v2, $0x9  }
0xa5: {  	[tilespmem:$0x1F930] =	vst v0;
	v0 =	vbroadcast v2, $0x3  }
0xa6: {  	[tilespmem:$0x1F9A0] =	vst v3;
	v3 =	vbroadcast v2, $0xA  }
0xa7: {  	[tilespmem:$0x1F940] =	vst v0;
	v0 =	vbroadcast v2, $0x4  }
0xa8: {  	[tilespmem:$0x1F9B0] =	vst v3;
	v3 =	vbroadcast v2, $0xB  }
0xa9: {  	[tilespmem:$0x1F950] =	vst v0;
	v0 =	vbroadcast v2, $0x5  }
0xaa: {  	[tilespmem:$0x1F9C0] =	vst v3;
	v3 =	vbroadcast v2, $0xC  }
0xab: {  	[tilespmem:$0x1F960] =	vst v0;
	v0 =	vld [tilespmem:$0x540]  }
0xac: {  	[tilespmem:$0x1F9D0] =	vst v3;
	v3 =	vbroadcast v2, $0xD;
	_ =	sdelay $0x1  }
0xad: {  	[tilespmem:$0x1F9E0] =	vst v3;
	v3 =	vbroadcast v2, $0xE  }
0xae: {  	v2 =	vbroadcast v2, $0xF  }
0xaf: {  	[tilespmem:$0x1F9F0] =	vst v3;
	v3 =	vbroadcast v0, $0x6  }
0xb0: {  	[tilespmem:$0x1FA00] =	vst v2;
	v2 =	vbroadcast v0, $0x0  }
0xb1: {  	[tilespmem:$0x1FA70] =	vst v3;
	v3 =	vbroadcast v0, $0x7  }
0xb2: {  	[tilespmem:$0x1FA10] =	vst v2;
	v2 =	vbroadcast v0, $0x1  }
0xb3: {  	[tilespmem:$0x1FA80] =	vst v3;
	v3 =	vbroadcast v0, $0x8  }
0xb4: {  	[tilespmem:$0x1FA20] =	vst v2;
	v2 =	vbroadcast v0, $0x2  }
0xb5: {  	[tilespmem:$0x1FA90] =	vst v3;
	v3 =	vbroadcast v0, $0x9  }
0xb6: {  	[tilespmem:$0x1FA30] =	vst v2;
	v2 =	vbroadcast v0, $0x3  }
0xb7: {  	[tilespmem:$0x1FAA0] =	vst v3;
	v3 =	vbroadcast v0, $0xA  }
0xb8: {  	[tilespmem:$0x1FA40] =	vst v2;
	v2 =	vbroadcast v0, $0x4  }
0xb9: {  	[tilespmem:$0x1FAB0] =	vst v3;
	v3 =	vbroadcast v0, $0xB  }
0xba: {  	[tilespmem:$0x1FA50] =	vst v2;
	v2 =	vbroadcast v0, $0x5  }
0xbb: {  	[tilespmem:$0x1FAC0] =	vst v3;
	v3 =	vbroadcast v0, $0xC  }
0xbc: {  	[tilespmem:$0x1FA60] =	vst v2;
	v2 =	vld [tilespmem:$0x5C0]  }
0xbd: {  	[tilespmem:$0x1FAD0] =	vst v3;
	v3 =	vbroadcast v0, $0xD;
	_ =	sdelay $0x1  }
0xbe: {  	[tilespmem:$0x1FAE0] =	vst v3;
	v3 =	vbroadcast v0, $0xE  }
0xbf: {  	v0 =	vbroadcast v0, $0xF  }
0xc0: {  	[tilespmem:$0x1FAF0] =	vst v3;
	v3 =	vbroadcast v2, $0x6  }
0xc1: {  	[tilespmem:$0x1FB00] =	vst v0;
	v0 =	vbroadcast v2, $0x0  }
0xc2: {  	[tilespmem:$0x1FB70] =	vst v3;
	v3 =	vbroadcast v2, $0x7  }
0xc3: {  	[tilespmem:$0x1FB10] =	vst v0;
	v0 =	vbroadcast v2, $0x1  }
0xc4: {  	[tilespmem:$0x1FB80] =	vst v3;
	v3 =	vbroadcast v2, $0x8  }
0xc5: {  	[tilespmem:$0x1FB20] =	vst v0;
	v0 =	vbroadcast v2, $0x2  }
0xc6: {  	[tilespmem:$0x1FB90] =	vst v3;
	v3 =	vbroadcast v2, $0x9  }
0xc7: {  	[tilespmem:$0x1FB30] =	vst v0;
	v0 =	vbroadcast v2, $0x3  }
0xc8: {  	[tilespmem:$0x1FBA0] =	vst v3;
	v3 =	vbroadcast v2, $0xA  }
0xc9: {  	[tilespmem:$0x1FB40] =	vst v0;
	v0 =	vbroadcast v2, $0x4  }
0xca: {  	[tilespmem:$0x1FBB0] =	vst v3;
	v3 =	vbroadcast v2, $0xB  }
0xcb: {  	[tilespmem:$0x1FB50] =	vst v0;
	v0 =	vbroadcast v2, $0x5  }
0xcc: {  	[tilespmem:$0x1FBC0] =	vst v3;
	v3 =	vbroadcast v2, $0xC  }
0xcd: {  	[tilespmem:$0x1FB60] =	vst v0;
	v0 =	vld [tilespmem:$0x550]  }
0xce: {  	[tilespmem:$0x1FBD0] =	vst v3;
	v3 =	vbroadcast v2, $0xD;
	_ =	sdelay $0x1  }
0xcf: {  	[tilespmem:$0x1FBE0] =	vst v3;
	v3 =	vbroadcast v2, $0xE  }
0xd0: {  	v2 =	vbroadcast v2, $0xF  }
0xd1: {  	[tilespmem:$0x1FBF0] =	vst v3;
	v3 =	vbroadcast v0, $0x6  }
0xd2: {  	[tilespmem:$0x1FC00] =	vst v2;
	v2 =	vbroadcast v0, $0x0  }
0xd3: {  	[tilespmem:$0x1FC70] =	vst v3;
	v3 =	vbroadcast v0, $0x7  }
0xd4: {  	[tilespmem:$0x1FC10] =	vst v2;
	v2 =	vbroadcast v0, $0x1  }
0xd5: {  	[tilespmem:$0x1FC80] =	vst v3;
	v3 =	vbroadcast v0, $0x8  }
0xd6: {  	[tilespmem:$0x1FC20] =	vst v2;
	v2 =	vbroadcast v0, $0x2  }
0xd7: {  	[tilespmem:$0x1FC90] =	vst v3;
	v3 =	vbroadcast v0, $0x9  }
0xd8: {  	[tilespmem:$0x1FC30] =	vst v2;
	v2 =	vbroadcast v0, $0x3  }
0xd9: {  	[tilespmem:$0x1FCA0] =	vst v3;
	v3 =	vbroadcast v0, $0xA  }
0xda: {  	[tilespmem:$0x1FC40] =	vst v2;
	v2 =	vbroadcast v0, $0x4  }
0xdb: {  	[tilespmem:$0x1FCB0] =	vst v3;
	v3 =	vbroadcast v0, $0xB  }
0xdc: {  	[tilespmem:$0x1FC50] =	vst v2;
	v2 =	vbroadcast v0, $0x5  }
0xdd: {  	[tilespmem:$0x1FCC0] =	vst v3;
	v3 =	vbroadcast v0, $0xC  }
0xde: {  	[tilespmem:$0x1FC60] =	vst v2;
	v2 =	vld [tilespmem:$0x5D0]  }
0xdf: {  	[tilespmem:$0x1FCD0] =	vst v3;
	v3 =	vbroadcast v0, $0xD;
	_ =	sdelay $0x1  }
0xe0: {  	[tilespmem:$0x1FCE0] =	vst v3;
	v3 =	vbroadcast v0, $0xE  }
0xe1: {  	v0 =	vbroadcast v0, $0xF  }
0xe2: {  	[tilespmem:$0x1FCF0] =	vst v3;
	v3 =	vbroadcast v2, $0x6  }
0xe3: {  	[tilespmem:$0x1FD00] =	vst v0;
	v0 =	vbroadcast v2, $0x0  }
0xe4: {  	[tilespmem:$0x1FD70] =	vst v3;
	v3 =	vbroadcast v2, $0x7  }
0xe5: {  	[tilespmem:$0x1FD10] =	vst v0;
	v0 =	vbroadcast v2, $0x1  }
0xe6: {  	[tilespmem:$0x1FD80] =	vst v3;
	v3 =	vbroadcast v2, $0x8  }
0xe7: {  	[tilespmem:$0x1FD20] =	vst v0;
	v0 =	vbroadcast v2, $0x2  }
0xe8: {  	[tilespmem:$0x1FD90] =	vst v3;
	v3 =	vbroadcast v2, $0x9  }
0xe9: {  	[tilespmem:$0x1FD30] =	vst v0;
	v0 =	vbroadcast v2, $0x3  }
0xea: {  	[tilespmem:$0x1FDA0] =	vst v3;
	v3 =	vbroadcast v2, $0xA  }
0xeb: {  	[tilespmem:$0x1FD40] =	vst v0;
	v0 =	vbroadcast v2, $0x4  }
0xec: {  	[tilespmem:$0x1FDB0] =	vst v3;
	v3 =	vbroadcast v2, $0xB  }
0xed: {  	[tilespmem:$0x1FD50] =	vst v0;
	v0 =	vbroadcast v2, $0x5  }
0xee: {  	[tilespmem:$0x1FDC0] =	vst v3;
	v3 =	vbroadcast v2, $0xC  }
0xef: {  	[tilespmem:$0x1FD60] =	vst v0;
	v0 =	vld [tilespmem:$0x560]  }
0xf0: {  	[tilespmem:$0x1FDD0] =	vst v3;
	v3 =	vbroadcast v2, $0xD;
	_ =	sdelay $0x1  }
0xf1: {  	[tilespmem:$0x1FDE0] =	vst v3;
	v3 =	vbroadcast v2, $0xE  }
0xf2: {  	v2 =	vbroadcast v2, $0xF  }
0xf3: {  	[tilespmem:$0x1FDF0] =	vst v3;
	v3 =	vbroadcast v0, $0x6  }
0xf4: {  	[tilespmem:$0x1FE00] =	vst v2;
	v2 =	vbroadcast v0, $0x0  }
0xf5: {  	[tilespmem:$0x1FE70] =	vst v3;
	v3 =	vbroadcast v0, $0x7  }
0xf6: {  	[tilespmem:$0x1FE10] =	vst v2;
	v2 =	vbroadcast v0, $0x1  }
0xf7: {  	[tilespmem:$0x1FE80] =	vst v3;
	v3 =	vbroadcast v0, $0x8  }
0xf8: {  	[tilespmem:$0x1FE20] =	vst v2;
	v2 =	vbroadcast v0, $0x2  }
0xf9: {  	[tilespmem:$0x1FE90] =	vst v3;
	v3 =	vbroadcast v0, $0x9  }
0xfa: {  	[tilespmem:$0x1FE30] =	vst v2;
	v2 =	vbroadcast v0, $0x3  }
0xfb: {  	[tilespmem:$0x1FEA0] =	vst v3;
	v3 =	vbroadcast v0, $0xA  }
0xfc: {  	[tilespmem:$0x1FE40] =	vst v2;
	v2 =	vbroadcast v0, $0x4  }
0xfd: {  	[tilespmem:$0x1FEB0] =	vst v3;
	v3 =	vbroadcast v0, $0xB  }
0xfe: {  	[tilespmem:$0x1FE50] =	vst v2;
	v2 =	vbroadcast v0, $0x5  }
0xff: {  	[tilespmem:$0x1FEC0] =	vst v3;
	v3 =	vbroadcast v0, $0xC  }
0x100: {  	[tilespmem:$0x1FE60] =	vst v2;
	v2 =	vld [tilespmem:$0x5E0]  }
0x101: {  	[tilespmem:$0x1FED0] =	vst v3;
	v3 =	vbroadcast v0, $0xD;
	_ =	sdelay $0x1  }
0x102: {  	[tilespmem:$0x1FEE0] =	vst v3;
	v3 =	vbroadcast v0, $0xE;
	v0 =	vbroadcast v0, $0xF  }
0x103: {  	[tilespmem:$0x1F3E0] =	vst v5  }
0x104: {  	[tilespmem:$0x1FF00] =	vst v0;
	v0 =	vbroadcast v2, $0x0  }
0x105: {  	[tilespmem:$0x1FEF0] =	vst v3;
	v3 =	vbroadcast v2, $0x6  }
0x106: {  	[tilespmem:$0x1FF10] =	vst v0;
	v0 =	vbroadcast v2, $0x1  }
0x107: {  	v5 =	vld [tilespmem:$0x5F0];
	[tilespmem:$0x1FF70] =	vst v3;
	v3 =	vbroadcast v2, $0x7  }
0x108: {  	[tilespmem:$0x1FF20] =	vst v0;
	v0 =	vbroadcast v2, $0x2  }
0x109: {  	[tilespmem:$0x1FF80] =	vst v3;
	v3 =	vbroadcast v2, $0x8  }
0x10a: {  	[tilespmem:$0x1FF30] =	vst v0;
	v0 =	vbroadcast v2, $0x3  }
0x10b: {  	[tilespmem:$0x1FF90] =	vst v3;
	v3 =	vbroadcast v2, $0x9  }
0x10c: {  	v53 =	vbroadcast v5, $0x0;
	[tilespmem:$0x1FF40] =	vst v0;
	v0 =	vbroadcast v2, $0x4  }
0x10d: {  	v54 =	vbroadcast v5, $0x1;
	[tilespmem:$0x1FFA0] =	vst v3;
	v3 =	vbroadcast v2, $0xA  }
0x10e: {  	v55 =	vbroadcast v5, $0x2;
	[tilespmem:$0x1FF50] =	vst v0;
	v0 =	vbroadcast v2, $0x5  }
0x10f: {  	v56 =	vbroadcast v5, $0x3;
	[tilespmem:$0x1FFB0] =	vst v3;
	v3 =	vbroadcast v2, $0xB  }
0x110: {  	v57 =	vbroadcast v5, $0x4;
	v58 =	vbroadcast v5, $0x5;
	[tilespmem:$0x1FF60] =	vst v0  }
0x111: {  	v59 =	vbroadcast v5, $0x6;
	v0 =	vld [tilespmem:$0x570];
	[tilespmem:$0x1FFC0] =	vst v3;
	v3 =	vbroadcast v2, $0xC  }
0x112: {  	v60 =	vbroadcast v5, $0x7;
	v61 =	vbroadcast v5, $0x8  }
0x113: {  	v62 =	vbroadcast v5, $0x9;
	[tilespmem:$0x1FFD0] =	vst v3;
	v3 =	vbroadcast v2, $0xD  }
0x114: {  	v63 =	vbroadcast v5, $0xA;
	v4 =	vbroadcast v5, $0xE  }
0x115: {  	v36 =	vbroadcast v2, $0xF;
	[tilespmem:$0x1FFE0] =	vst v3;
	v3 =	vbroadcast v2, $0xE  }
0x116: {  	v2 =	vbroadcast v5, $0xC;
	v37 =	vbroadcast v0, $0x0  }
0x117: {  	v38 =	vbroadcast v0, $0x1;
	v39 =	vbroadcast v0, $0x2  }
0x118: {  	v40 =	vbroadcast v0, $0x3;
	v41 =	vbroadcast v0, $0x4  }
0x119: {  	v42 =	vbroadcast v0, $0x5;
	v43 =	vbroadcast v0, $0x6  }
0x11a: {  	v44 =	vbroadcast v0, $0x7;
	v45 =	vbroadcast v0, $0x8  }
0x11b: {  	v46 =	vbroadcast v0, $0x9;
	v47 =	vbroadcast v0, $0xA  }
0x11c: {  	v48 =	vbroadcast v0, $0xB;
	v49 =	vbroadcast v0, $0xC  }
0x11d: {  	v50 =	vbroadcast v0, $0xD;
	v51 =	vbroadcast v0, $0xE  }
0x11e: {  	v52 =	vbroadcast v0, $0xF;
	v0 =	vbroadcast v5, $0xB  }
0x11f: {  	s22 =	simm.s32 $0x10;
	[tilespmem:$0x1FFF0] =	vst v3;
	v3 =	vbroadcast v5, $0xD;
	v5 =	vbroadcast v5, $0xF  }
.LBB2_2:
0x120: {  	s23 =	sadd.s32 $0xFFFFFFF0, s22  }
0x121: {  	v14 =	vld [tilespmem:$0x1F210];
	v7 =	vor.u32 s23, v6  }
0x122: {  	v15 =	vld [tilespmem:$0x1F220]  }
0x123: {  	v17 =	vld [tilespmem:$0x1F230];
	v6 =	vlaneseq.u32  }
0x124: {  	v18 =	vld [tilespmem:$0x1F240];
	v6 =	vor.u32 s22, v6  }
0x125: {  	v19 =	vld [tilespmem:$0x1F250]  }
0x126: {  	v11 =	vld.idx.msk [tilespmem:v7+s2+$0x0], $0xffff  }
0x127: {  	v10 =	vld.idx.msk [tilespmem:v7+s12+$0x0], $0xffff  }
0x128: {  	v20 =	vld [tilespmem:$0x1F260]  }
0x129: {  	v8 =	vld.idx.msk [tilespmem:v6+s2+$0x0], $0xffff  }
0x12a: {  	v9 =	vld.idx.msk [tilespmem:v6+s12+$0x0], $0xffff;
	_ =	sdelay $0x1  }
0x12b: {  	v12 =	vsub.f32 v11, v14;
	v13 =	vsub.f32 v10, v15  }
0x12c: {  	v26 =	vsub.f32 v11, v17;
	v16 =	vsub.f32 v10, v18  }
0x12d: {  	v21 =	vld [tilespmem:$0x1F270];
	v30 =	vsub.f32 v11, v19;
	v31 =	vsub.f32 v10, v20  }
0x12e: {  	v24 =	vsub.f32 v8, v14;
	v25 =	vsub.f32 v9, v15  }
0x12f: {  	v17 =	vsub.f32 v8, v17;
	v18 =	vsub.f32 v9, v18;
	v12 =	vmul.f32 v12, v12  }
0x130: {  	v34 =	vsub.f32 v8, v19;
	v13 =	vmul.f32 v13, v13;
	v15 =	vmul.f32 v26, v26  }
0x131: {  	v22 =	vld [tilespmem:$0x1F280];
	v23 =	vsub.f32 v9, v20;
	v16 =	vmul.f32 v16, v16;
	v32 =	vmul.f32 v30, v30  }
0x132: {  	v33 =	vmul.f32 v31, v31;
	v26 =	vsub.f32 v11, v21;
	v14 =	vmul.f32 v25, v25  }
0x133: {  	v31 =	vsub.f32 v8, v21;
	v28 =	vmul.f32 v17, v17;
	v29 =	vmul.f32 v18, v18  }
0x134: {  	v25 =	vmul.f32 v23, v23;
	v12 =	vadd.f32 v13, v12;
	v13 =	vmul.f32 v24, v24  }
0x135: {  	v27 =	vadd.f32 v16, v15;
	v16 =	vadd.f32 v33, v32;
	v24 =	vmul.f32 v34, v34  }
0x136: {  	v32 =	vsub.f32 v9, v22;
	vm0 =	vlt.f32 v12, $+Inf;
	v13 =	vadd.f32 v14, v13  }
0x137: {  	v34 =	vld [tilespmem:$0x1F290];
	v15 =	vadd.f32 v29, v28;
	v29 =	vmul.f32 v26, v26;
	v12 =	vnsel vm0, $0x7F800000, v12  }
0x138: {  	v17 =	vadd.f32 v25, v24;
	v24 =	vld [tilespmem:$0x1F2A0];
	vm10 =	vlt.f32 v13, $+Inf;
	vm11 =	vlt.f32 v27, v12  }
0x139: {  	v33 =	vmul.f32 v32, v32;
	v13 =	vnsel vm10, $0x7F800000, v13;
	v12 =	vsel vm11, v27, v12  }
0x13a: {  	v35 =	vsel vm11, $0x1, v1;
	v27 =	vsub.f32 v10, v22;
	vm12 =	vlt.f32 v15, v13  }
0x13b: {  	vm13 =	vlt.f32 v16, v12;
	v13 =	vsel vm12, v15, v13;
	v28 =	vsel vm12, $0x1, v1  }
0x13c: {  	v30 =	vmul.f32 v27, v27;
	v12 =	vsel vm13, v16, v12;
	v14 =	vsel vm13, $0x2, v35  }
0x13d: {  	v16 =	vmul.f32 v31, v31;
	v35 =	vsub.f32 v11, v34;
	v25 =	vsub.f32 v10, v24  }
0x13e: {  	v27 =	vsub.f32 v8, v34;
	v31 =	vld [tilespmem:$0x1F2B0];
	vm14 =	vlt.f32 v17, v13;
	v18 =	vadd.f32 v30, v29  }
0x13f: {  	v23 =	vld [tilespmem:$0x1F2E0];
	v13 =	vsel vm14, v17, v13;
	v15 =	vsel vm14, $0x2, v28;
	v16 =	vadd.f32 v33, v16  }
0x140: {  	v26 =	vmul.f32 v35, v35;
	v17 =	vmul.f32 v25, v25;
	v28 =	vsub.f32 v9, v24;
	v33 =	vld [tilespmem:$0x1F2C0]  }
0x141: {  	v29 =	vmul.f32 v27, v27;
	vm15 =	vlt.f32 v18, v12;
	vm4 =	vlt.f32 v16, v13  }
0x142: {  	v27 =	vld [tilespmem:$0x1F2D0];
	v17 =	vadd.f32 v17, v26;
	v30 =	vmul.f32 v28, v28;
	v12 =	vsel vm15, v18, v12  }
0x143: {  	v14 =	vsel vm15, $0x3, v14;
	v13 =	vsel vm4, v16, v13;
	v32 =	vsub.f32 v11, v31  }
0x144: {  	v15 =	vsel vm4, $0x3, v15;
	v24 =	vsub.f32 v8, v31;
	v18 =	vadd.f32 v30, v29  }
0x145: {  	vm5 =	vlt.f32 v17, v12;
	v29 =	vsub.f32 v10, v23;
	v34 =	vsub.f32 v10, v33  }
0x146: {  	v16 =	vmul.f32 v32, v32;
	v12 =	vsel vm5, v17, v12;
	v25 =	vsub.f32 v9, v33  }
0x147: {  	v14 =	vsel vm5, $0x4, v14;
	v26 =	vmul.f32 v24, v24;
	v28 =	vsub.f32 v11, v27  }
0x148: {  	v32 =	vsub.f32 v8, v27;
	v35 =	vmul.f32 v34, v34;
	v17 =	vmul.f32 v25, v25  }
0x149: {  	v33 =	vsub.f32 v9, v23;
	vm6 =	vlt.f32 v18, v13;
	v31 =	vmul.f32 v29, v29;
	v25 =	vld [tilespmem:$0x1F300]  }
0x14a: {  	v30 =	vmul.f32 v28, v28;
	v16 =	vadd.f32 v35, v16;
	v17 =	vadd.f32 v17, v26;
	v35 =	vld [tilespmem:$0x1F2F0]  }
0x14b: {  	v13 =	vsel vm6, v18, v13;
	v15 =	vsel vm6, $0x4, v15;
	v34 =	vmul.f32 v33, v33  }
0x14c: {  	v18 =	vadd.f32 v31, v30;
	vm7 =	vlt.f32 v16, v12;
	vm8 =	vlt.f32 v17, v13  }
0x14d: {  	v12 =	vsel vm7, v16, v12;
	v14 =	vsel vm7, $0x5, v14;
	v16 =	vmul.f32 v32, v32  }
0x14e: {  	v13 =	vsel vm8, v17, v13;
	v15 =	vsel vm8, $0x5, v15;
	v26 =	vsub.f32 v10, v25;
	v32 =	vld [tilespmem:$0x1F310]  }
0x14f: {  	v29 =	vsub.f32 v9, v25;
	vm9 =	vlt.f32 v18, v12;
	v24 =	vsub.f32 v11, v35  }
0x150: {  	v16 =	vadd.f32 v34, v16;
	v17 =	vmul.f32 v26, v26;
	v28 =	vsub.f32 v8, v35;
	v34 =	vld [tilespmem:$0x1F320]  }
0x151: {  	v12 =	vsel vm9, v18, v12;
	v14 =	vsel vm9, $0x6, v14;
	v31 =	vmul.f32 v29, v29  }
0x152: {  	v27 =	vmul.f32 v24, v24;
	vm10 =	vlt.f32 v16, v13;
	v30 =	vmul.f32 v28, v28  }
0x153: {  	v28 =	vld [tilespmem:$0x1F330];
	v13 =	vsel vm10, v16, v13;
	v33 =	vsub.f32 v11, v32;
	v25 =	vsub.f32 v8, v32  }
0x154: {  	v15 =	vsel vm10, $0x6, v15;
	v17 =	vadd.f32 v17, v27;
	v18 =	vadd.f32 v31, v30;
	v30 =	vld [tilespmem:$0x1F340]  }
0x155: {  	v35 =	vsub.f32 v10, v34;
	v16 =	vmul.f32 v33, v33;
	v26 =	vsub.f32 v9, v34  }
0x156: {  	v27 =	vmul.f32 v25, v25;
	v25 =	vld [tilespmem:$0x1F350];
	vm11 =	vlt.f32 v17, v12;
	vm12 =	vlt.f32 v18, v13  }
0x157: {  	v24 =	vmul.f32 v35, v35;
	v12 =	vsel vm11, v17, v12;
	v14 =	vsel vm11, $0x7, v14  }
0x158: {  	v17 =	vmul.f32 v26, v26;
	v29 =	vsub.f32 v11, v28;
	v34 =	vsub.f32 v8, v28  }
0x159: {  	v13 =	vsel vm12, v18, v13;
	v16 =	vadd.f32 v24, v16;
	v31 =	vsub.f32 v10, v30  }
0x15a: {  	v15 =	vsel vm12, $0x7, v15;
	v17 =	vadd.f32 v17, v27;
	v35 =	vsub.f32 v9, v30;
	v27 =	vld [tilespmem:$0x1F360]  }
0x15b: {  	v32 =	vmul.f32 v29, v29;
	v26 =	vsub.f32 v11, v25;
	v30 =	vsub.f32 v8, v25  }
0x15c: {  	vm13 =	vlt.f32 v16, v12;
	v33 =	vmul.f32 v31, v31;
	vm14 =	vlt.f32 v17, v13  }
0x15d: {  	v24 =	vmul.f32 v35, v35;
	v12 =	vsel vm13, v16, v12;
	v14 =	vsel vm13, $0x8, v14  }
0x15e: {  	v16 =	vmul.f32 v34, v34;
	v13 =	vsel vm14, v17, v13;
	v34 =	vld [tilespmem:$0x1F370];
	v18 =	vadd.f32 v33, v32  }
0x15f: {  	v15 =	vsel vm14, $0x8, v15;
	v32 =	vmul.f32 v30, v30;
	v30 =	vld [tilespmem:$0x1F390];
	v28 =	vsub.f32 v10, v27  }
0x160: {  	v16 =	vadd.f32 v24, v16;
	v31 =	vsub.f32 v9, v27;
	v24 =	vld [tilespmem:$0x1F380];
	vm15 =	vlt.f32 v18, v12  }
0x161: {  	v29 =	vmul.f32 v26, v26;
	v17 =	vmul.f32 v28, v28;
	v12 =	vsel vm15, v18, v12  }
0x162: {  	v14 =	vsel vm15, $0x9, v14;
	vm4 =	vlt.f32 v16, v13;
	v33 =	vmul.f32 v31, v31  }
0x163: {  	v13 =	vsel vm4, v16, v13;
	v35 =	vsub.f32 v11, v34;
	v27 =	vsub.f32 v8, v34  }
0x164: {  	v15 =	vsel vm4, $0x9, v15;
	v17 =	vadd.f32 v17, v29;
	v18 =	vadd.f32 v33, v32;
	v32 =	vld [tilespmem:$0x1F3A0]  }
0x165: {  	v31 =	vsub.f32 v11, v30;
	v25 =	vsub.f32 v10, v24;
	v16 =	vmul.f32 v35, v35  }
0x166: {  	v28 =	vsub.f32 v9, v24;
	v29 =	vmul.f32 v27, v27;
	v24 =	vsub.f32 v8, v30;
	v27 =	vld [tilespmem:$0x1F3B0]  }
0x167: {  	vm5 =	vlt.f32 v17, v12;
	vm6 =	vlt.f32 v18, v13;
	v26 =	vmul.f32 v25, v25  }
0x168: {  	v34 =	vmul.f32 v31, v31;
	v12 =	vsel vm5, v17, v12;
	v17 =	vmul.f32 v28, v28  }
0x169: {  	v14 =	vsel vm5, $0xA, v14;
	v16 =	vadd.f32 v26, v16;
	v33 =	vsub.f32 v10, v32  }
0x16a: {  	v13 =	vsel vm6, v18, v13;
	v17 =	vadd.f32 v17, v29;
	v25 =	vsub.f32 v9, v32;
	v29 =	vld [tilespmem:$0x1F3C0]  }
0x16b: {  	v15 =	vsel vm6, $0xA, v15;
	v28 =	vsub.f32 v11, v27;
	v32 =	vsub.f32 v8, v27  }
0x16c: {  	vm7 =	vlt.f32 v16, v12;
	v35 =	vmul.f32 v33, v33;
	vm8 =	vlt.f32 v17, v13  }
0x16d: {  	v26 =	vmul.f32 v25, v25;
	v12 =	vsel vm7, v16, v12;
	v14 =	vsel vm7, $0xB, v14  }
0x16e: {  	v16 =	vmul.f32 v24, v24;
	v13 =	vsel vm8, v17, v13;
	v24 =	vld [tilespmem:$0x1F3D0];
	v18 =	vadd.f32 v35, v34  }
0x16f: {  	v15 =	vsel vm8, $0xB, v15;
	v34 =	vmul.f32 v32, v32;
	v32 =	vld [tilespmem:$0x1F3F0];
	v30 =	vsub.f32 v10, v29  }
0x170: {  	v16 =	vadd.f32 v26, v16;
	v33 =	vsub.f32 v9, v29;
	v26 =	vld [tilespmem:$0x1F3E0];
	vm9 =	vlt.f32 v18, v12  }
0x171: {  	v31 =	vmul.f32 v28, v28;
	v17 =	vmul.f32 v30, v30;
	v12 =	vsel vm9, v18, v12  }
0x172: {  	v14 =	vsel vm9, $0xC, v14;
	vm10 =	vlt.f32 v16, v13;
	v35 =	vmul.f32 v33, v33  }
0x173: {  	v13 =	vsel vm10, v16, v13;
	v25 =	vsub.f32 v11, v24;
	v29 =	vsub.f32 v8, v24  }
0x174: {  	v15 =	vsel vm10, $0xC, v15;
	v17 =	vadd.f32 v17, v31;
	v18 =	vadd.f32 v35, v34;
	v34 =	vld [tilespmem:$0x1F400]  }
0x175: {  	v33 =	vsub.f32 v11, v32;
	v27 =	vsub.f32 v10, v26;
	v16 =	vmul.f32 v25, v25  }
0x176: {  	v30 =	vsub.f32 v9, v26;
	v31 =	vmul.f32 v29, v29;
	v26 =	vsub.f32 v8, v32;
	v29 =	vld [tilespmem:$0x1F410]  }
0x177: {  	vm11 =	vlt.f32 v17, v12;
	vm12 =	vlt.f32 v18, v13;
	v28 =	vmul.f32 v27, v27  }
0x178: {  	v24 =	vmul.f32 v33, v33;
	v12 =	vsel vm11, v17, v12;
	v17 =	vmul.f32 v30, v30  }
0x179: {  	v14 =	vsel vm11, $0xD, v14;
	v16 =	vadd.f32 v28, v16;
	v35 =	vsub.f32 v10, v34  }
0x17a: {  	v13 =	vsel vm12, v18, v13;
	v17 =	vadd.f32 v17, v31;
	v27 =	vsub.f32 v9, v34;
	v31 =	vld [tilespmem:$0x1F420]  }
0x17b: {  	v15 =	vsel vm12, $0xD, v15;
	v30 =	vsub.f32 v11, v29;
	v34 =	vsub.f32 v8, v29  }
0x17c: {  	vm13 =	vlt.f32 v16, v12;
	v25 =	vmul.f32 v35, v35;
	vm14 =	vlt.f32 v17, v13  }
0x17d: {  	v28 =	vmul.f32 v27, v27;
	v12 =	vsel vm13, v16, v12;
	v14 =	vsel vm13, $0xE, v14  }
0x17e: {  	v16 =	vmul.f32 v26, v26;
	v13 =	vsel vm14, v17, v13;
	v26 =	vld [tilespmem:$0x1F430];
	v18 =	vadd.f32 v25, v24  }
0x17f: {  	v15 =	vsel vm14, $0xE, v15;
	v24 =	vmul.f32 v34, v34;
	v34 =	vld [tilespmem:$0x1F450];
	v32 =	vsub.f32 v10, v31  }
0x180: {  	v16 =	vadd.f32 v28, v16;
	v35 =	vsub.f32 v9, v31;
	v28 =	vld [tilespmem:$0x1F440];
	vm15 =	vlt.f32 v18, v12  }
0x181: {  	v33 =	vmul.f32 v30, v30;
	v17 =	vmul.f32 v32, v32;
	v12 =	vsel vm15, v18, v12  }
0x182: {  	v14 =	vsel vm15, $0xF, v14;
	vm4 =	vlt.f32 v16, v13;
	v25 =	vmul.f32 v35, v35  }
0x183: {  	v13 =	vsel vm4, v16, v13;
	v27 =	vsub.f32 v11, v26;
	v31 =	vsub.f32 v8, v26  }
0x184: {  	v15 =	vsel vm4, $0xF, v15;
	v17 =	vadd.f32 v17, v33;
	v18 =	vadd.f32 v25, v24;
	v24 =	vld [tilespmem:$0x1F460]  }
0x185: {  	v35 =	vsub.f32 v11, v34;
	v29 =	vsub.f32 v10, v28;
	v16 =	vmul.f32 v27, v27  }
0x186: {  	v32 =	vsub.f32 v9, v28;
	v33 =	vmul.f32 v31, v31;
	v28 =	vsub.f32 v8, v34;
	v31 =	vld [tilespmem:$0x1F470]  }
0x187: {  	vm5 =	vlt.f32 v17, v12;
	vm6 =	vlt.f32 v18, v13;
	v30 =	vmul.f32 v29, v29  }
0x188: {  	v26 =	vmul.f32 v35, v35;
	v12 =	vsel vm5, v17, v12;
	v17 =	vmul.f32 v32, v32  }
0x189: {  	v14 =	vsel vm5, $0x10, v14;
	v16 =	vadd.f32 v30, v16;
	v25 =	vsub.f32 v10, v24  }
0x18a: {  	v13 =	vsel vm6, v18, v13;
	v17 =	vadd.f32 v17, v33;
	v29 =	vsub.f32 v9, v24;
	v33 =	vld [tilespmem:$0x1F480]  }
0x18b: {  	v15 =	vsel vm6, $0x10, v15;
	v32 =	vsub.f32 v11, v31;
	v24 =	vsub.f32 v8, v31  }
0x18c: {  	vm7 =	vlt.f32 v16, v12;
	v27 =	vmul.f32 v25, v25;
	vm8 =	vlt.f32 v17, v13  }
0x18d: {  	v30 =	vmul.f32 v29, v29;
	v12 =	vsel vm7, v16, v12;
	v14 =	vsel vm7, $0x11, v14  }
0x18e: {  	v16 =	vmul.f32 v28, v28;
	v13 =	vsel vm8, v17, v13;
	v28 =	vld [tilespmem:$0x1F490];
	v18 =	vadd.f32 v27, v26  }
0x18f: {  	v15 =	vsel vm8, $0x11, v15;
	v26 =	vmul.f32 v24, v24;
	v24 =	vld [tilespmem:$0x1F4B0];
	v34 =	vsub.f32 v10, v33  }
0x190: {  	v16 =	vadd.f32 v30, v16;
	v25 =	vsub.f32 v9, v33;
	v30 =	vld [tilespmem:$0x1F4A0];
	vm9 =	vlt.f32 v18, v12  }
0x191: {  	v35 =	vmul.f32 v32, v32;
	v17 =	vmul.f32 v34, v34;
	v12 =	vsel vm9, v18, v12  }
0x192: {  	v14 =	vsel vm9, $0x12, v14;
	vm10 =	vlt.f32 v16, v13;
	v27 =	vmul.f32 v25, v25  }
0x193: {  	v13 =	vsel vm10, v16, v13;
	v29 =	vsub.f32 v11, v28;
	v33 =	vsub.f32 v8, v28  }
0x194: {  	v15 =	vsel vm10, $0x12, v15;
	v17 =	vadd.f32 v17, v35;
	v18 =	vadd.f32 v27, v26;
	v26 =	vld [tilespmem:$0x1F4C0]  }
0x195: {  	v25 =	vsub.f32 v11, v24;
	v31 =	vsub.f32 v10, v30;
	v16 =	vmul.f32 v29, v29  }
0x196: {  	v34 =	vsub.f32 v9, v30;
	v35 =	vmul.f32 v33, v33;
	v30 =	vsub.f32 v8, v24;
	v33 =	vld [tilespmem:$0x1F4D0]  }
0x197: {  	vm11 =	vlt.f32 v17, v12;
	vm12 =	vlt.f32 v18, v13;
	v32 =	vmul.f32 v31, v31  }
0x198: {  	v28 =	vmul.f32 v25, v25;
	v12 =	vsel vm11, v17, v12;
	v17 =	vmul.f32 v34, v34  }
0x199: {  	v14 =	vsel vm11, $0x13, v14;
	v16 =	vadd.f32 v32, v16;
	v27 =	vsub.f32 v10, v26  }
0x19a: {  	v13 =	vsel vm12, v18, v13;
	v17 =	vadd.f32 v17, v35;
	v31 =	vsub.f32 v9, v26;
	v35 =	vld [tilespmem:$0x1F4E0]  }
0x19b: {  	v15 =	vsel vm12, $0x13, v15;
	v34 =	vsub.f32 v11, v33;
	v26 =	vsub.f32 v8, v33  }
0x19c: {  	vm13 =	vlt.f32 v16, v12;
	v29 =	vmul.f32 v27, v27;
	vm14 =	vlt.f32 v17, v13  }
0x19d: {  	v32 =	vmul.f32 v31, v31;
	v12 =	vsel vm13, v16, v12;
	v16 =	vmul.f32 v30, v30  }
0x19e: {  	v14 =	vsel vm13, $0x14, v14;
	v13 =	vsel vm14, v17, v13;
	v30 =	vld [tilespmem:$0x1F4F0];
	v18 =	vadd.f32 v29, v28  }
0x19f: {  	v15 =	vsel vm14, $0x14, v15;
	v24 =	vsub.f32 v10, v35;
	v16 =	vadd.f32 v32, v16;
	v32 =	vld [tilespmem:$0x1F500]  }
0x1a0: {  	v25 =	vmul.f32 v34, v34;
	v27 =	vsub.f32 v9, v35;
	vm15 =	vlt.f32 v18, v12  }
0x1a1: {  	v28 =	vmul.f32 v26, v26;
	v17 =	vmul.f32 v24, v24;
	v12 =	vsel vm15, v18, v12  }
0x1a2: {  	v14 =	vsel vm15, $0x15, v14;
	vm4 =	vlt.f32 v16, v13;
	v29 =	vmul.f32 v27, v27  }
0x1a3: {  	v27 =	vld [tilespmem:$0x1F520];
	v13 =	vsel vm4, v16, v13;
	v31 =	vsub.f32 v11, v30;
	v35 =	vsub.f32 v8, v30  }
0x1a4: {  	v15 =	vsel vm4, $0x15, v15;
	v17 =	vadd.f32 v17, v25;
	v25 =	vld [tilespmem:$0x1F510];
	v33 =	vsub.f32 v10, v32  }
0x1a5: {  	v18 =	vadd.f32 v29, v28;
	v16 =	vmul.f32 v31, v31;
	v23 =	vsub.f32 v9, v32  }
0x1a6: {  	v24 =	vmul.f32 v35, v35;
	vm5 =	vlt.f32 v17, v12;
	v34 =	vmul.f32 v33, v33  }
0x1a7: {  	vm6 =	vlt.f32 v18, v13;
	v12 =	vsel vm5, v17, v12;
	v17 =	vmul.f32 v23, v23  }
0x1a8: {  	v14 =	vsel vm5, $0x16, v14;
	v28 =	vsub.f32 v10, v27;
	v16 =	vadd.f32 v34, v16;
	v34 =	vld [tilespmem:$0x1F530]  }
0x1a9: {  	v13 =	vsel vm6, v18, v13;
	v26 =	vsub.f32 v11, v25;
	v17 =	vadd.f32 v17, v24;
	v24 =	vld [tilespmem:$0x1F540]  }
0x1aa: {  	v15 =	vsel vm6, $0x16, v15;
	v32 =	vsub.f32 v9, v27;
	v30 =	vmul.f32 v28, v28  }
0x1ab: {  	v31 =	vsub.f32 v8, v25;
	vm7 =	vlt.f32 v16, v12;
	v29 =	vmul.f32 v26, v26  }
0x1ac: {  	v33 =	vmul.f32 v32, v32;
	vm8 =	vlt.f32 v17, v13;
	v12 =	vsel vm7, v16, v12  }
0x1ad: {  	v14 =	vsel vm7, $0x17, v14;
	v16 =	vmul.f32 v31, v31;
	v18 =	vadd.f32 v30, v29  }
0x1ae: {  	v13 =	vsel vm8, v17, v13;
	v31 =	vld [tilespmem:$0x1F550];
	v35 =	vsub.f32 v11, v34;
	v25 =	vsub.f32 v10, v24  }
0x1af: {  	v15 =	vsel vm8, $0x17, v15;
	v16 =	vadd.f32 v33, v16;
	v27 =	vsub.f32 v8, v34  }
0x1b0: {  	v28 =	vsub.f32 v9, v24;
	v33 =	vld [tilespmem:$0x1F560];
	vm9 =	vlt.f32 v18, v12;
	v26 =	vmul.f32 v35, v35  }
0x1b1: {  	v17 =	vmul.f32 v25, v25;
	v12 =	vsel vm9, v18, v12;
	v14 =	vsel vm9, $0x18, v14  }
0x1b2: {  	vm10 =	vlt.f32 v16, v13;
	v29 =	vmul.f32 v27, v27;
	v30 =	vmul.f32 v28, v28  }
0x1b3: {  	v27 =	vld [tilespmem:$0x1F570];
	v13 =	vsel vm10, v16, v13;
	v32 =	vsub.f32 v11, v31;
	v24 =	vsub.f32 v8, v31  }
0x1b4: {  	v15 =	vsel vm10, $0x18, v15;
	v17 =	vadd.f32 v17, v26;
	v18 =	vadd.f32 v30, v29;
	v29 =	vld [tilespmem:$0x1F580]  }
0x1b5: {  	v34 =	vsub.f32 v10, v33;
	v16 =	vmul.f32 v32, v32;
	v25 =	vsub.f32 v9, v33  }
0x1b6: {  	v26 =	vmul.f32 v24, v24;
	v24 =	vld [tilespmem:$0x1F590];
	vm11 =	vlt.f32 v17, v12;
	vm12 =	vlt.f32 v18, v13  }
0x1b7: {  	v35 =	vmul.f32 v34, v34;
	v12 =	vsel vm11, v17, v12;
	v14 =	vsel vm11, $0x19, v14  }
0x1b8: {  	v17 =	vmul.f32 v25, v25;
	v28 =	vsub.f32 v11, v27;
	v33 =	vsub.f32 v8, v27  }
0x1b9: {  	v13 =	vsel vm12, v18, v13;
	v16 =	vadd.f32 v35, v16;
	v30 =	vsub.f32 v10, v29  }
0x1ba: {  	v17 =	vadd.f32 v17, v26;
	v31 =	vmul.f32 v28, v28;
	v34 =	vsub.f32 v9, v29;
	v26 =	vld [tilespmem:$0x1F5A0]  }
0x1bb: {  	v25 =	vsub.f32 v11, v24;
	vm13 =	vlt.f32 v16, v12;
	v32 =	vmul.f32 v30, v30  }
0x1bc: {  	v35 =	vmul.f32 v34, v34;
	v12 =	vsel vm13, v16, v12;
	v16 =	vmul.f32 v33, v33  }
0x1bd: {  	v15 =	vsel vm12, $0x19, v15;
	v30 =	vsub.f32 v8, v24;
	v28 =	vmul.f32 v25, v25;
	v25 =	vld [tilespmem:$0x1F5C0]  }
0x1be: {  	vm14 =	vlt.f32 v17, v13;
	v18 =	vadd.f32 v32, v31;
	v16 =	vadd.f32 v35, v16;
	v35 =	vld [tilespmem:$0x1F5B0]  }
0x1bf: {  	v14 =	vsel vm13, $0x1A, v14;
	v13 =	vsel vm14, v17, v13;
	v31 =	vsub.f32 v9, v26  }
0x1c0: {  	v15 =	vsel vm14, $0x1A, v15;
	v27 =	vsub.f32 v10, v26;
	vm1 =	vlt.f32 v18, v12  }
0x1c1: {  	v33 =	vmul.f32 v30, v30;
	v12 =	vsel vm1, v18, v12;
	v34 =	vmul.f32 v31, v31  }
0x1c2: {  	v29 =	vmul.f32 v27, v27;
	v14 =	vsel vm1, $0x1B, v14;
	v26 =	vsub.f32 v10, v25  }
0x1c3: {  	vm15 =	vlt.f32 v16, v13;
	v17 =	vadd.f32 v34, v33;
	v33 =	vld [tilespmem:$0x1F5D0];
	v24 =	vsub.f32 v11, v35  }
0x1c4: {  	v13 =	vsel vm15, v16, v13;
	v22 =	vsub.f32 v9, v25;
	v21 =	vsub.f32 v8, v35;
	v35 =	vld [tilespmem:$0x1F5F0]  }
0x1c5: {  	v32 =	vadd.f32 v29, v28;
	v28 =	vmul.f32 v26, v26;
	v27 =	vmul.f32 v24, v24  }
0x1c6: {  	v15 =	vsel vm15, $0x1B, v15;
	v30 =	vmul.f32 v22, v22;
	v29 =	vmul.f32 v21, v21  }
0x1c7: {  	vm4 =	vlt.f32 v32, v12;
	vm5 =	vlt.f32 v17, v13;
	v31 =	vadd.f32 v28, v27  }
0x1c8: {  	v12 =	vsel vm4, v32, v12;
	v14 =	vsel vm4, $0x1C, v14;
	v32 =	vadd.f32 v30, v29  }
0x1c9: {  	v34 =	vsub.f32 v11, v33;
	v29 =	vld [tilespmem:$0x1F5E0];
	v24 =	vsub.f32 v10, v35;
	vm6 =	vlt.f32 v31, v12  }
0x1ca: {  	v20 =	vsub.f32 v8, v33;
	v21 =	vsub.f32 v9, v35;
	v12 =	vsel vm6, v31, v12;
	v31 =	vld [tilespmem:$0x1F600]  }
0x1cb: {  	v13 =	vsel vm5, v17, v13;
	v25 =	vmul.f32 v34, v34;
	v26 =	vmul.f32 v24, v24  }
0x1cc: {  	v15 =	vsel vm5, $0x1C, v15;
	v27 =	vmul.f32 v20, v20;
	v28 =	vmul.f32 v21, v21  }
0x1cd: {  	vm7 =	vlt.f32 v32, v13;
	v14 =	vsel vm6, $0x1D, v14;
	v24 =	vld [tilespmem:$0x1F610];
	v16 =	vadd.f32 v26, v25  }
0x1ce: {  	v13 =	vsel vm7, v32, v13;
	v17 =	vadd.f32 v28, v27;
	v30 =	vsub.f32 v11, v29;
	v25 =	vld [tilespmem:$0x1F710]  }
0x1cf: {  	v15 =	vsel vm7, $0x1D, v15;
	v20 =	vsub.f32 v8, v29;
	v32 =	vsub.f32 v10, v31  }
0x1d0: {  	vm8 =	vlt.f32 v16, v12;
	v33 =	vmul.f32 v30, v30;
	vm9 =	vlt.f32 v17, v13  }
0x1d1: {  	v20 =	vmul.f32 v20, v20;
	v34 =	vsub.f32 v9, v31;
	v19 =	vmul.f32 v32, v32  }
0x1d2: {  	v12 =	vsel vm8, v16, v12;
	v35 =	vsub.f32 v11, v24;
	v29 =	vsel vm8, $0x1E, v14  }
0x1d3: {  	v18 =	vmul.f32 v34, v34;
	v28 =	vsub.f32 v10, v25;
	v30 =	vadd.f32 v19, v33  }
0x1d4: {  	v32 =	vmul.f32 v35, v35;
	v34 =	vsub.f32 v8, v24;
	v35 =	vsub.f32 v9, v25  }
0x1d5: {  	v31 =	vadd.f32 v18, v20;
	v33 =	vmul.f32 v28, v28;
	v28 =	vld [tilespmem:$0x1F620];
	vm10 =	vlt.f32 v30, v12  }
0x1d6: {  	v25 =	vmul.f32 v34, v34;
	v26 =	vmul.f32 v35, v35;
	v14 =	vsel vm10, v30, v12;
	v30 =	vld [tilespmem:$0x1F720]  }
0x1d7: {  	v13 =	vsel vm9, v17, v13;
	v24 =	vsel vm9, $0x1E, v15  }
0x1d8: {  	v17 =	vadd.f32 v33, v32;
	vm11 =	vlt.f32 v31, v13;
	v27 =	vadd.f32 v26, v25  }
0x1d9: {  	v34 =	vld [tilespmem:$0x1F630];
	v15 =	vsel vm10, $0x1F, v29;
	v12 =	vsel vm11, v31, v13;
	v13 =	vsel vm11, $0x1F, v24  }
0x1da: {  	vm12 =	vlt.f32 v17, $+Inf;
	vm2 =	vgt.f32 v17, $+Inf;
	vm13 =	vlt.f32 v27, $+Inf  }
0x1db: {  	v26 =	vld [tilespmem:$0x1F730];
	vm14 =	vgt.f32 v27, $+Inf;
	v29 =	vsub.f32 v11, v28;
	v31 =	vsub.f32 v10, v30  }
0x1dc: {  	vm0 =	vmor vm2, vm12;
	v20 =	vsub.f32 v8, v28;
	v21 =	vsub.f32 v9, v30  }
0x1dd: {  	vm15 =	vmor vm14, vm13;
	v18 =	vmul.f32 v29, v29;
	v19 =	vmul.f32 v31, v31  }
0x1de: {  	v35 =	vsub.f32 v11, v34;
	v32 =	vmul.f32 v20, v20;
	v33 =	vmul.f32 v21, v21  }
0x1df: {  	v17 =	vnsel vm0, $0x7F800000, v17;
	v31 =	vsub.f32 v8, v34;
	v34 =	vld [tilespmem:$0x1F640];
	v18 =	vadd.f32 v19, v18  }
0x1e0: {  	v22 =	vsel vm0, $0x20, v1;
	v19 =	vadd.f32 v33, v32;
	v32 =	vsub.f32 v9, v26  }
0x1e1: {  	v28 =	vsub.f32 v10, v26;
	v33 =	vmul.f32 v31, v31;
	vm4 =	vlt.f32 v18, v17  }
0x1e2: {  	v17 =	vsel vm4, v18, v17;
	v18 =	vsel vm4, $0x21, v22;
	v22 =	vmul.f32 v32, v32  }
0x1e3: {  	v16 =	vnsel vm15, $0x7F800000, v27;
	v27 =	vld [tilespmem:$0x1F740];
	v29 =	vmul.f32 v35, v35;
	v30 =	vmul.f32 v28, v28  }
0x1e4: {  	vm5 =	vlt.f32 v19, v16;
	v35 =	vsub.f32 v11, v34;
	v21 =	vadd.f32 v22, v33  }
0x1e5: {  	v24 =	vsel vm15, $0x20, v1;
	v20 =	vadd.f32 v30, v29;
	v16 =	vsel vm5, v19, v16  }
0x1e6: {  	v29 =	vsel vm5, $0x21, v24;
	v30 =	vmul.f32 v35, v35;
	v35 =	vld [tilespmem:$0x1F650];
	vm7 =	vlt.f32 v21, v16  }
0x1e7: {  	v19 =	vsel vm7, $0x22, v29;
	v29 =	vld [tilespmem:$0x1F750]  }
0x1e8: {  	v28 =	vsub.f32 v10, v27;
	_ =	sdelay $0x1  }
0x1e9: {  	v31 =	vmul.f32 v28, v28  }
0x1ea: {  	v28 =	vsub.f32 v11, v35  }
0x1eb: {  	v22 =	vadd.f32 v31, v30;
	v30 =	vsub.f32 v10, v29  }
0x1ec: {  	v32 =	vsub.f32 v8, v34;
	v33 =	vsub.f32 v9, v27;
	v31 =	vmul.f32 v28, v28;
	v28 =	vld [tilespmem:$0x1F660]  }
0x1ed: {  	vm6 =	vlt.f32 v20, v17;
	v16 =	vsel vm7, v21, v16;
	v21 =	vmul.f32 v30, v30;
	v30 =	vld [tilespmem:$0x1F760]  }
0x1ee: {  	v17 =	vsel vm6, v20, v17;
	v20 =	vmul.f32 v32, v32;
	v34 =	vmul.f32 v33, v33  }
0x1ef: {  	v32 =	vsub.f32 v8, v35;
	v33 =	vsub.f32 v9, v29  }
0x1f0: {  	vm8 =	vlt.f32 v22, v17;
	v20 =	vadd.f32 v34, v20  }
0x1f1: {  	v34 =	vmul.f32 v32, v32;
	v35 =	vmul.f32 v33, v33;
	v21 =	vadd.f32 v21, v31  }
0x1f2: {  	vm9 =	vlt.f32 v20, v16;
	v29 =	vsub.f32 v11, v28;
	v31 =	vsub.f32 v10, v30  }
0x1f3: {  	v17 =	vsel vm8, v22, v17;
	v16 =	vsel vm9, v20, v16;
	v22 =	vadd.f32 v35, v34  }
0x1f4: {  	v20 =	vmul.f32 v29, v29;
	v34 =	vsub.f32 v9, v30;
	v30 =	vld [tilespmem:$0x1F670];
	v32 =	vmul.f32 v31, v31;
	_ =	sdelay $0x1  }
0x1f5: {  	v20 =	vadd.f32 v32, v20;
	v32 =	vld [tilespmem:$0x1F770];
	_ =	sdelay $0x1  }
0x1f6: {  	v33 =	vsub.f32 v8, v28  }
0x1f7: {  	vm10 =	vlt.f32 v21, v17;
	v31 =	vsub.f32 v11, v30  }
0x1f8: {  	v35 =	vmul.f32 v33, v33;
	v17 =	vsel vm10, v21, v17  }
0x1f9: {  	v21 =	vmul.f32 v34, v34;
	v34 =	vmul.f32 v31, v31;
	v31 =	vld [tilespmem:$0x1F680];
	v33 =	vsub.f32 v10, v32;
	_ =	sdelay $0x1  }
0x1fa: {  	v21 =	vadd.f32 v21, v35;
	v35 =	vmul.f32 v33, v33;
	v33 =	vld [tilespmem:$0x1F780]  }
0x1fb: {  	vm11 =	vlt.f32 v22, v16  }
0x1fc: {  	v16 =	vsel vm11, v22, v16  }
0x1fd: {  	vm12 =	vlt.f32 v20, v17;
	v29 =	vsub.f32 v9, v32;
	v32 =	vsub.f32 v11, v31  }
0x1fe: {  	v28 =	vsub.f32 v8, v30;
	vm13 =	vlt.f32 v21, v16;
	v17 =	vsel vm12, v20, v17  }
0x1ff: {  	v22 =	vadd.f32 v35, v34;
	v35 =	vmul.f32 v32, v32;
	v32 =	vld [tilespmem:$0x1F690];
	v34 =	vsub.f32 v10, v33  }
0x200: {  	v20 =	vmul.f32 v28, v28;
	v16 =	vsel vm13, v21, v16;
	v30 =	vmul.f32 v29, v29  }
0x201: {  	v28 =	vsub.f32 v8, v31;
	v29 =	vsub.f32 v9, v33;
	v21 =	vmul.f32 v34, v34;
	v34 =	vld [tilespmem:$0x1F790];
	_ =	sdelay $0x1  }
0x202: {  	v20 =	vadd.f32 v30, v20;
	v30 =	vmul.f32 v28, v28;
	v31 =	vmul.f32 v29, v29  }
0x203: {  	vm14 =	vlt.f32 v22, v17;
	v33 =	vsub.f32 v11, v32;
	v29 =	vsub.f32 v8, v32;
	v32 =	vld [tilespmem:$0x1F6A0]  }
0x204: {  	v17 =	vsel vm14, v22, v17;
	v21 =	vadd.f32 v21, v35;
	v22 =	vadd.f32 v31, v30  }
0x205: {  	v35 =	vsub.f32 v10, v34;
	v30 =	vsub.f32 v9, v34;
	v34 =	vld [tilespmem:$0x1F7A0]  }
0x206: {  	vm15 =	vlt.f32 v20, v16  }
0x207: {  	v16 =	vsel vm15, v20, v16  }
0x208: {  	v20 =	vmul.f32 v33, v33;
	v33 =	vsub.f32 v11, v32;
	v28 =	vmul.f32 v35, v35  }
0x209: {  	v18 =	vsel vm6, $0x22, v18;
	vm4 =	vlt.f32 v21, v17  }
0x20a: {  	v20 =	vadd.f32 v28, v20;
	v28 =	vmul.f32 v33, v33;
	v33 =	vld [tilespmem:$0x1F6B0];
	v35 =	vsub.f32 v10, v34  }
0x20b: {  	v31 =	vmul.f32 v29, v29;
	v17 =	vsel vm4, v21, v17;
	v21 =	vmul.f32 v30, v30  }
0x20c: {  	v18 =	vsel vm8, $0x23, v18;
	v19 =	vsel vm9, $0x23, v19;
	v29 =	vmul.f32 v35, v35;
	v35 =	vld [tilespmem:$0x1F7B0]  }
0x20d: {  	vm5 =	vlt.f32 v22, v16;
	v30 =	vsub.f32 v8, v32;
	v21 =	vadd.f32 v21, v31  }
0x20e: {  	v16 =	vsel vm5, v22, v16;
	v31 =	vsub.f32 v9, v34;
	v22 =	vadd.f32 v29, v28  }
0x20f: {  	vm6 =	vlt.f32 v20, v17;
	v34 =	vsub.f32 v11, v33;
	v29 =	vsub.f32 v8, v33;
	v33 =	vld [tilespmem:$0x1F6C0]  }
0x210: {  	vm7 =	vlt.f32 v21, v16;
	v17 =	vsel vm6, v20, v17;
	v20 =	vmul.f32 v30, v30  }
0x211: {  	v32 =	vmul.f32 v31, v31;
	v27 =	vsub.f32 v10, v35;
	v30 =	vsub.f32 v9, v35;
	v35 =	vld [tilespmem:$0x1F7C0]  }
0x212: {  	v16 =	vsel vm7, v21, v16;
	v28 =	vmul.f32 v34, v34;
	v31 =	vmul.f32 v29, v29  }
0x213: {  	v20 =	vadd.f32 v32, v20;
	v21 =	vmul.f32 v27, v27;
	v32 =	vmul.f32 v30, v30  }
0x214: {  	vm8 =	vlt.f32 v22, v17;
	v34 =	vsub.f32 v11, v33;
	v30 =	vsub.f32 v8, v33  }
0x215: {  	v17 =	vsel vm8, v22, v17;
	v33 =	vld [tilespmem:$0x1F6D0];
	v21 =	vadd.f32 v21, v28;
	v22 =	vadd.f32 v32, v31  }
0x216: {  	vm9 =	vlt.f32 v20, v16;
	v28 =	vsub.f32 v10, v35;
	v31 =	vsub.f32 v9, v35;
	v35 =	vld [tilespmem:$0x1F7D0]  }
0x217: {  	v18 =	vsel vm10, $0x24, v18;
	v16 =	vsel vm9, v20, v16  }
0x218: {  	v20 =	vmul.f32 v34, v34;
	vm10 =	vlt.f32 v21, v17;
	v29 =	vmul.f32 v28, v28  }
0x219: {  	v32 =	vmul.f32 v30, v30;
	v17 =	vsel vm10, v21, v17;
	v21 =	vmul.f32 v31, v31  }
0x21a: {  	v34 =	vsub.f32 v11, v33;
	v20 =	vadd.f32 v29, v20  }
0x21b: {  	v21 =	vadd.f32 v21, v32;
	v29 =	vsub.f32 v10, v35  }
0x21c: {  	v32 =	vsub.f32 v8, v33;
	v33 =	vsub.f32 v9, v35;
	v35 =	vld [tilespmem:$0x1F6E0]  }
0x21d: {  	v31 =	vmul.f32 v29, v29;
	v29 =	vld [tilespmem:$0x1F7E0];
	_ =	sdelay $0x2  }
0x21e: {  	v19 =	vsel vm11, $0x24, v19;
	v30 =	vmul.f32 v34, v34  }
0x21f: {  	v18 =	vsel vm12, $0x25, v18;
	vm11 =	vlt.f32 v22, v16;
	v28 =	vsub.f32 v11, v35  }
0x220: {  	v16 =	vsel vm11, v22, v16;
	v22 =	vadd.f32 v31, v30;
	v30 =	vsub.f32 v10, v29  }
0x221: {  	v19 =	vsel vm13, $0x25, v19;
	vm13 =	vlt.f32 v21, v16;
	v31 =	vmul.f32 v28, v28;
	v28 =	vld [tilespmem:$0x1F6F0]  }
0x222: {  	vm12 =	vlt.f32 v20, v17;
	v16 =	vsel vm13, v21, v16;
	v21 =	vmul.f32 v30, v30;
	v30 =	vld [tilespmem:$0x1F7F0]  }
0x223: {  	v17 =	vsel vm12, v20, v17;
	v20 =	vmul.f32 v32, v32;
	v34 =	vmul.f32 v33, v33  }
0x224: {  	v18 =	vsel vm14, $0x26, v18;
	v32 =	vsub.f32 v8, v35;
	v33 =	vsub.f32 v9, v29  }
0x225: {  	v19 =	vsel vm15, $0x26, v19;
	v20 =	vadd.f32 v34, v20;
	vm14 =	vlt.f32 v22, v17  }
0x226: {  	v34 =	vmul.f32 v32, v32;
	v35 =	vmul.f32 v33, v33;
	v21 =	vadd.f32 v21, v31  }
0x227: {  	vm15 =	vlt.f32 v20, v16;
	v29 =	vsub.f32 v11, v28;
	v31 =	vsub.f32 v10, v30  }
0x228: {  	v17 =	vsel vm14, v22, v17;
	v16 =	vsel vm15, v20, v16;
	v22 =	vadd.f32 v35, v34  }
0x229: {  	v20 =	vmul.f32 v29, v29;
	v34 =	vsub.f32 v9, v30;
	v30 =	vld [tilespmem:$0x1F700];
	v32 =	vmul.f32 v31, v31;
	_ =	sdelay $0x1  }
0x22a: {  	v20 =	vadd.f32 v32, v20;
	v32 =	vld [tilespmem:$0x1F800];
	_ =	sdelay $0x1  }
0x22b: {  	v33 =	vsub.f32 v8, v28  }
0x22c: {  	v18 =	vsel vm4, $0x27, v18;
	vm4 =	vlt.f32 v21, v17;
	v31 =	vsub.f32 v11, v30  }
0x22d: {  	v17 =	vsel vm4, v21, v17;
	v35 =	vmul.f32 v33, v33  }
0x22e: {  	v21 =	vmul.f32 v34, v34;
	v34 =	vmul.f32 v31, v31;
	v31 =	vld [tilespmem:$0x1F810];
	v33 =	vsub.f32 v10, v32;
	_ =	sdelay $0x1  }
0x22f: {  	v21 =	vadd.f32 v21, v35;
	v35 =	vmul.f32 v33, v33;
	v33 =	vld [tilespmem:$0x1F910]  }
0x230: {  	v19 =	vsel vm5, $0x27, v19;
	vm5 =	vlt.f32 v22, v16  }
0x231: {  	v18 =	vsel vm6, $0x28, v18;
	v19 =	vsel vm7, $0x28, v19;
	v16 =	vsel vm5, v22, v16  }
0x232: {  	vm6 =	vlt.f32 v20, v17;
	v29 =	vsub.f32 v9, v32;
	v32 =	vsub.f32 v11, v31  }
0x233: {  	v28 =	vsub.f32 v8, v30;
	vm7 =	vlt.f32 v21, v16;
	v17 =	vsel vm6, v20, v17  }
0x234: {  	v22 =	vadd.f32 v35, v34;
	v35 =	vmul.f32 v32, v32;
	v32 =	vld [tilespmem:$0x1F820];
	v34 =	vsub.f32 v10, v33  }
0x235: {  	v20 =	vmul.f32 v28, v28;
	v16 =	vsel vm7, v21, v16;
	v30 =	vmul.f32 v29, v29  }
0x236: {  	v28 =	vsub.f32 v8, v31;
	v29 =	vsub.f32 v9, v33;
	v21 =	vmul.f32 v34, v34;
	v34 =	vld [tilespmem:$0x1F920]  }
0x237: {  	v18 =	vsel vm8, $0x29, v18  }
0x238: {  	v20 =	vadd.f32 v30, v20;
	v30 =	vmul.f32 v28, v28;
	v31 =	vmul.f32 v29, v29  }
0x239: {  	vm8 =	vlt.f32 v22, v17;
	v33 =	vsub.f32 v11, v32;
	v29 =	vsub.f32 v8, v32;
	v32 =	vld [tilespmem:$0x1F830]  }
0x23a: {  	v17 =	vsel vm8, v22, v17;
	v21 =	vadd.f32 v21, v35;
	v22 =	vadd.f32 v31, v30  }
0x23b: {  	v35 =	vsub.f32 v10, v34;
	v30 =	vsub.f32 v9, v34;
	v34 =	vld [tilespmem:$0x1F930]  }
0x23c: {  	v19 =	vsel vm9, $0x29, v19;
	vm9 =	vlt.f32 v20, v16  }
0x23d: {  	v18 =	vsel vm10, $0x2A, v18;
	v19 =	vsel vm11, $0x2A, v19;
	v16 =	vsel vm9, v20, v16  }
0x23e: {  	v20 =	vmul.f32 v33, v33;
	v33 =	vsub.f32 v11, v32;
	v28 =	vmul.f32 v35, v35  }
0x23f: {  	v18 =	vsel vm12, $0x2B, v18;
	v19 =	vsel vm13, $0x2B, v19;
	vm10 =	vlt.f32 v21, v17  }
0x240: {  	v20 =	vadd.f32 v28, v20;
	v28 =	vmul.f32 v33, v33;
	v33 =	vld [tilespmem:$0x1F840];
	v35 =	vsub.f32 v10, v34  }
0x241: {  	v31 =	vmul.f32 v29, v29;
	v17 =	vsel vm10, v21, v17;
	v21 =	vmul.f32 v30, v30  }
0x242: {  	v18 =	vsel vm14, $0x2C, v18;
	v19 =	vsel vm15, $0x2C, v19;
	v29 =	vmul.f32 v35, v35;
	v35 =	vld [tilespmem:$0x1F940]  }
0x243: {  	vm11 =	vlt.f32 v22, v16;
	v30 =	vsub.f32 v8, v32;
	v21 =	vadd.f32 v21, v31  }
0x244: {  	v16 =	vsel vm11, v22, v16;
	v31 =	vsub.f32 v9, v34;
	v22 =	vadd.f32 v29, v28  }
0x245: {  	vm12 =	vlt.f32 v20, v17;
	v34 =	vsub.f32 v11, v33;
	v29 =	vsub.f32 v8, v33;
	v33 =	vld [tilespmem:$0x1F850]  }
0x246: {  	vm13 =	vlt.f32 v21, v16;
	v17 =	vsel vm12, v20, v17;
	v20 =	vmul.f32 v30, v30  }
0x247: {  	v32 =	vmul.f32 v31, v31;
	v27 =	vsub.f32 v10, v35;
	v30 =	vsub.f32 v9, v35;
	v35 =	vld [tilespmem:$0x1F950]  }
0x248: {  	v16 =	vsel vm13, v21, v16;
	v28 =	vmul.f32 v34, v34;
	v31 =	vmul.f32 v29, v29  }
0x249: {  	v20 =	vadd.f32 v32, v20;
	v21 =	vmul.f32 v27, v27;
	v32 =	vmul.f32 v30, v30  }
0x24a: {  	vm14 =	vlt.f32 v22, v17;
	v34 =	vsub.f32 v11, v33;
	v30 =	vsub.f32 v8, v33  }
0x24b: {  	v17 =	vsel vm14, v22, v17;
	v33 =	vld [tilespmem:$0x1F860];
	v21 =	vadd.f32 v21, v28;
	v22 =	vadd.f32 v32, v31  }
0x24c: {  	vm15 =	vlt.f32 v20, v16;
	v28 =	vsub.f32 v10, v35;
	v31 =	vsub.f32 v9, v35;
	v35 =	vld [tilespmem:$0x1F960]  }
0x24d: {  	v18 =	vsel vm4, $0x2D, v18;
	v16 =	vsel vm15, v20, v16  }
0x24e: {  	v20 =	vmul.f32 v34, v34;
	vm4 =	vlt.f32 v21, v17;
	v29 =	vmul.f32 v28, v28  }
0x24f: {  	v32 =	vmul.f32 v30, v30;
	v17 =	vsel vm4, v21, v17;
	v21 =	vmul.f32 v31, v31  }
0x250: {  	v34 =	vsub.f32 v11, v33;
	v20 =	vadd.f32 v29, v20  }
0x251: {  	v21 =	vadd.f32 v21, v32;
	v29 =	vsub.f32 v10, v35  }
0x252: {  	v32 =	vsub.f32 v8, v33;
	v33 =	vsub.f32 v9, v35;
	v35 =	vld [tilespmem:$0x1F870]  }
0x253: {  	v31 =	vmul.f32 v29, v29;
	v29 =	vld [tilespmem:$0x1F970];
	_ =	sdelay $0x2  }
0x254: {  	v19 =	vsel vm5, $0x2D, v19;
	v30 =	vmul.f32 v34, v34  }
0x255: {  	v18 =	vsel vm6, $0x2E, v18;
	vm5 =	vlt.f32 v22, v16;
	v28 =	vsub.f32 v11, v35  }
0x256: {  	v16 =	vsel vm5, v22, v16;
	v22 =	vadd.f32 v31, v30;
	v30 =	vsub.f32 v10, v29  }
0x257: {  	v19 =	vsel vm7, $0x2E, v19;
	vm7 =	vlt.f32 v21, v16;
	v31 =	vmul.f32 v28, v28;
	v28 =	vld [tilespmem:$0x1F880]  }
0x258: {  	vm6 =	vlt.f32 v20, v17;
	v16 =	vsel vm7, v21, v16;
	v21 =	vmul.f32 v30, v30;
	v30 =	vld [tilespmem:$0x1F980]  }
0x259: {  	v17 =	vsel vm6, v20, v17;
	v20 =	vmul.f32 v32, v32;
	v34 =	vmul.f32 v33, v33  }
0x25a: {  	v18 =	vsel vm8, $0x2F, v18;
	v32 =	vsub.f32 v8, v35;
	v33 =	vsub.f32 v9, v29  }
0x25b: {  	v19 =	vsel vm9, $0x2F, v19;
	v20 =	vadd.f32 v34, v20;
	vm8 =	vlt.f32 v22, v17  }
0x25c: {  	v34 =	vmul.f32 v32, v32;
	v35 =	vmul.f32 v33, v33;
	v21 =	vadd.f32 v21, v31  }
0x25d: {  	vm9 =	vlt.f32 v20, v16;
	v29 =	vsub.f32 v11, v28;
	v31 =	vsub.f32 v10, v30  }
0x25e: {  	v17 =	vsel vm8, v22, v17;
	v16 =	vsel vm9, v20, v16;
	v22 =	vadd.f32 v35, v34  }
0x25f: {  	v20 =	vmul.f32 v29, v29;
	v34 =	vsub.f32 v9, v30;
	v30 =	vld [tilespmem:$0x1F890];
	v32 =	vmul.f32 v31, v31;
	_ =	sdelay $0x1  }
0x260: {  	v20 =	vadd.f32 v32, v20;
	v32 =	vld [tilespmem:$0x1F990];
	_ =	sdelay $0x1  }
0x261: {  	v33 =	vsub.f32 v8, v28  }
0x262: {  	v18 =	vsel vm10, $0x30, v18;
	vm10 =	vlt.f32 v21, v17;
	v31 =	vsub.f32 v11, v30  }
0x263: {  	v17 =	vsel vm10, v21, v17;
	v35 =	vmul.f32 v33, v33  }
0x264: {  	v21 =	vmul.f32 v34, v34;
	v34 =	vmul.f32 v31, v31;
	v31 =	vld [tilespmem:$0x1F8A0];
	v33 =	vsub.f32 v10, v32;
	_ =	sdelay $0x1  }
0x265: {  	v21 =	vadd.f32 v21, v35;
	v35 =	vmul.f32 v33, v33;
	v33 =	vld [tilespmem:$0x1F9A0]  }
0x266: {  	v19 =	vsel vm11, $0x30, v19;
	vm11 =	vlt.f32 v22, v16  }
0x267: {  	v18 =	vsel vm12, $0x31, v18;
	v19 =	vsel vm13, $0x31, v19;
	v16 =	vsel vm11, v22, v16  }
0x268: {  	vm12 =	vlt.f32 v20, v17;
	v29 =	vsub.f32 v9, v32;
	v32 =	vsub.f32 v11, v31  }
0x269: {  	v28 =	vsub.f32 v8, v30;
	vm13 =	vlt.f32 v21, v16;
	v17 =	vsel vm12, v20, v17  }
0x26a: {  	v22 =	vadd.f32 v35, v34;
	v35 =	vmul.f32 v32, v32;
	v32 =	vld [tilespmem:$0x1F8B0];
	v34 =	vsub.f32 v10, v33  }
0x26b: {  	v20 =	vmul.f32 v28, v28;
	v16 =	vsel vm13, v21, v16;
	v30 =	vmul.f32 v29, v29  }
0x26c: {  	v28 =	vsub.f32 v8, v31;
	v29 =	vsub.f32 v9, v33;
	v21 =	vmul.f32 v34, v34;
	v34 =	vld [tilespmem:$0x1F9B0]  }
0x26d: {  	v18 =	vsel vm14, $0x32, v18  }
0x26e: {  	v20 =	vadd.f32 v30, v20;
	v30 =	vmul.f32 v28, v28;
	v31 =	vmul.f32 v29, v29  }
0x26f: {  	vm14 =	vlt.f32 v22, v17;
	v33 =	vsub.f32 v11, v32;
	v29 =	vsub.f32 v8, v32  }
0x270: {  	v17 =	vsel vm14, v22, v17;
	v32 =	vld [tilespmem:$0x1F8C0];
	v21 =	vadd.f32 v21, v35;
	v22 =	vadd.f32 v31, v30  }
0x271: {  	v35 =	vsub.f32 v10, v34;
	v30 =	vsub.f32 v9, v34;
	v34 =	vld [tilespmem:$0x1F9C0];
	_ =	sdelay $0x1  }
0x272: {  	v19 =	vsel vm15, $0x32, v19;
	vm15 =	vlt.f32 v20, v16  }
0x273: {  	v18 =	vsel vm4, $0x33, v18;
	v16 =	vsel vm15, v20, v16  }
0x274: {  	v20 =	vmul.f32 v33, v33;
	v33 =	vsub.f32 v11, v32;
	v28 =	vmul.f32 v35, v35  }
0x275: {  	v19 =	vsel vm5, $0x33, v19;
	v31 =	vmul.f32 v29, v29;
	v35 =	vsub.f32 v10, v34  }
0x276: {  	vm4 =	vlt.f32 v21, v17;
	v20 =	vadd.f32 v28, v20;
	v28 =	vmul.f32 v33, v33;
	v33 =	vld [tilespmem:$0x1F8D0]  }
0x277: {  	v17 =	vsel vm4, v21, v17;
	v21 =	vmul.f32 v30, v30;
	v29 =	vmul.f32 v35, v35;
	v35 =	vld [tilespmem:$0x1F9D0]  }
0x278: {  	v18 =	vsel vm6, $0x34, v18;
	vm5 =	vlt.f32 v22, v16;
	v30 =	vsub.f32 v8, v32  }
0x279: {  	v21 =	vadd.f32 v21, v31;
	v31 =	vsub.f32 v9, v34;
	vm6 =	vlt.f32 v20, v17  }
0x27a: {  	v16 =	vsel vm5, v22, v16;
	v17 =	vsel vm6, v20, v17  }
0x27b: {  	v20 =	vmul.f32 v30, v30;
	v32 =	vmul.f32 v31, v31;
	v22 =	vadd.f32 v29, v28  }
0x27c: {  	v19 =	vsel vm7, $0x34, v19;
	v34 =	vsub.f32 v11, v33;
	v28 =	vsub.f32 v10, v35  }
0x27d: {  	vm7 =	vlt.f32 v21, v16;
	v20 =	vadd.f32 v32, v20;
	v32 =	vsub.f32 v9, v35;
	v35 =	vld [tilespmem:$0x1F8E0]  }
0x27e: {  	v16 =	vsel vm7, v21, v16;
	v29 =	vmul.f32 v34, v34;
	v30 =	vmul.f32 v28, v28  }
0x27f: {  	v19 =	vsel vm9, $0x35, v19;
	vm9 =	vlt.f32 v20, v16  }
0x280: {  	v18 =	vsel vm8, $0x35, v18;
	v16 =	vsel vm9, v20, v16;
	v20 =	vadd.f32 v30, v29;
	v29 =	vld [tilespmem:$0x1F9E0]  }
0x281: {  	v18 =	vsel vm10, $0x36, v18;
	v19 =	vsel vm11, $0x36, v19  }
0x282: {  	v18 =	vsel vm12, $0x37, v18;
	v31 =	vsub.f32 v8, v33;
	v28 =	vsub.f32 v11, v35  }
0x283: {  	v19 =	vsel vm13, $0x37, v19;
	v18 =	vsel vm14, $0x38, v18  }
0x284: {  	v18 =	vsel vm4, $0x39, v18;
	v33 =	vmul.f32 v31, v31;
	v31 =	vmul.f32 v28, v28;
	v28 =	vld [tilespmem:$0x1F8F0]  }
0x285: {  	v19 =	vsel vm15, $0x38, v19;
	v18 =	vsel vm6, $0x3A, v18;
	v30 =	vsub.f32 v10, v29  }
0x286: {  	vm8 =	vlt.f32 v22, v17;
	v34 =	vmul.f32 v32, v32;
	v25 =	vsub.f32 v8, v35  }
0x287: {  	v17 =	vsel vm8, v22, v17;
	v26 =	vsub.f32 v9, v29;
	v32 =	vmul.f32 v30, v30;
	v30 =	vld [tilespmem:$0x1F9F0]  }
0x288: {  	v21 =	vadd.f32 v34, v33;
	vm10 =	vlt.f32 v20, v17;
	v33 =	vmul.f32 v25, v25  }
0x289: {  	v34 =	vmul.f32 v26, v26;
	v29 =	vsub.f32 v11, v28;
	v24 =	vsub.f32 v8, v28;
	v28 =	vld [tilespmem:$0x1F900]  }
0x28a: {  	v18 =	vsel vm8, $0x3B, v18;
	vm11 =	vlt.f32 v21, v16;
	v17 =	vsel vm10, v20, v17  }
0x28b: {  	v16 =	vsel vm11, v21, v16;
	v35 =	vadd.f32 v32, v31;
	v21 =	vadd.f32 v34, v33  }
0x28c: {  	v18 =	vsel vm10, $0x3C, v18;
	v31 =	vsub.f32 v10, v30;
	v25 =	vsub.f32 v9, v30;
	v30 =	vld [tilespmem:$0x1FA00]  }
0x28d: {  	v32 =	vmul.f32 v29, v29;
	v34 =	vmul.f32 v24, v24;
	vm12 =	vlt.f32 v35, v17  }
0x28e: {  	v29 =	vsub.f32 v11, v28;
	v24 =	vsub.f32 v8, v28;
	v28 =	vld [tilespmem:$0x1FA10];
	v33 =	vmul.f32 v31, v31  }
0x28f: {  	vm13 =	vlt.f32 v21, v16;
	v17 =	vsel vm12, v35, v17;
	v35 =	vmul.f32 v25, v25  }
0x290: {  	v18 =	vsel vm12, $0x3D, v18;
	v20 =	vadd.f32 v33, v32;
	v32 =	vmul.f32 v29, v29;
	v29 =	vld [tilespmem:$0x1FB10]  }
0x291: {  	v16 =	vsel vm13, v21, v16;
	v21 =	vadd.f32 v35, v34;
	v31 =	vsub.f32 v10, v30  }
0x292: {  	v24 =	vmul.f32 v24, v24;
	v33 =	vsub.f32 v9, v30;
	vm14 =	vlt.f32 v20, v17  }
0x293: {  	vm15 =	vlt.f32 v21, v16;
	v34 =	vsub.f32 v11, v28;
	v23 =	vmul.f32 v31, v31  }
0x294: {  	v22 =	vmul.f32 v33, v33;
	v27 =	vsel vm14, $0x3E, v18;
	v33 =	vsub.f32 v8, v28  }
0x295: {  	v31 =	vmul.f32 v34, v34;
	v35 =	vsub.f32 v10, v29;
	v34 =	vsub.f32 v9, v29  }
0x296: {  	v16 =	vsel vm15, v21, v16;
	v30 =	vadd.f32 v22, v24;
	v28 =	vmul.f32 v33, v33  }
0x297: {  	v18 =	vadd.f32 v23, v32;
	v32 =	vmul.f32 v35, v35;
	v29 =	vmul.f32 v34, v34  }
0x298: {  	v19 =	vsel vm5, $0x39, v19;
	v33 =	vld [tilespmem:$0x1FB20];
	vm5 =	vlt.f32 v30, v16  }
0x299: {  	v16 =	vsel vm5, v30, v16;
	v21 =	vadd.f32 v32, v31;
	v30 =	vadd.f32 v29, v28;
	v31 =	vld [tilespmem:$0x1FA20]  }
0x29a: {  	v19 =	vsel vm7, $0x3A, v19  }
0x29b: {  	v19 =	vsel vm9, $0x3B, v19;
	vm8 =	vlt.f32 v30, $+Inf;
	vm9 =	vgt.f32 v30, $+Inf  }
0x29c: {  	v19 =	vsel vm11, $0x3C, v19;
	v29 =	vld [tilespmem:$0x1FA30];
	vm10 =	vmor vm9, vm8  }
0x29d: {  	v19 =	vsel vm13, $0x3D, v19;
	v17 =	vsel vm14, v20, v17;
	v20 =	vnsel vm10, $0x7F800000, v30;
	v30 =	vld [tilespmem:$0x1FB30]  }
0x29e: {  	vm4 =	vlt.f32 v18, v17;
	v34 =	vsub.f32 v10, v33;
	v32 =	vsub.f32 v11, v31  }
0x29f: {  	v35 =	vsel vm15, $0x3E, v19;
	v18 =	vsel vm4, v18, v17;
	v25 =	vsub.f32 v9, v33  }
0x2a0: {  	v23 =	vmul.f32 v34, v34;
	v24 =	vsub.f32 v8, v31;
	v22 =	vmul.f32 v32, v32  }
0x2a1: {  	v17 =	vsel vm5, $0x3F, v35;
	v35 =	vmul.f32 v25, v25;
	v33 =	vsub.f32 v11, v29  }
0x2a2: {  	v22 =	vadd.f32 v23, v22;
	v23 =	vmul.f32 v24, v24;
	v34 =	vsub.f32 v10, v30;
	_ =	sdelay $0x1  }
0x2a3: {  	v23 =	vadd.f32 v35, v23;
	v35 =	vmul.f32 v33, v33;
	v31 =	vmul.f32 v34, v34  }
0x2a4: {  	v33 =	vsub.f32 v9, v30;
	v30 =	vld [tilespmem:$0x1FA40]  }
0x2a5: {  	vm6 =	vlt.f32 v21, $+Inf;
	vm7 =	vgt.f32 v21, $+Inf;
	v24 =	vadd.f32 v31, v35;
	v31 =	vld [tilespmem:$0x1FB40]  }
0x2a6: {  	vm0 =	vmor vm7, vm6  }
0x2a7: {  	v21 =	vnsel vm0, $0x7F800000, v21;
	v32 =	vsub.f32 v8, v29  }
0x2a8: {  	v26 =	vsel vm0, $0x40, v1;
	vm11 =	vlt.f32 v22, v21  }
0x2a9: {  	v34 =	vmul.f32 v32, v32;
	v21 =	vsel vm11, v22, v21;
	v22 =	vsel vm11, $0x41, v26  }
0x2aa: {  	v26 =	vmul.f32 v33, v33;
	v35 =	vsub.f32 v11, v30;
	v32 =	vsub.f32 v10, v31;
	_ =	sdelay $0x1  }
0x2ab: {  	v25 =	vadd.f32 v26, v34;
	v33 =	vmul.f32 v35, v35;
	v34 =	vmul.f32 v32, v32;
	_ =	sdelay $0x1  }
0x2ac: {  	v26 =	vadd.f32 v34, v33;
	v33 =	vld [tilespmem:$0x1FA50]  }
0x2ad: {  	v35 =	vsub.f32 v8, v30  }
0x2ae: {  	vm13 =	vlt.f32 v24, v21  }
0x2af: {  	v21 =	vsel vm13, v24, v21;
	v24 =	vmul.f32 v35, v35;
	v35 =	vld [tilespmem:$0x1FB50]  }
0x2b0: {  	v32 =	vsub.f32 v9, v31  }
0x2b1: {  	vm12 =	vlt.f32 v23, v20;
	v34 =	vsub.f32 v11, v33;
	v33 =	vsub.f32 v8, v33  }
0x2b2: {  	v19 =	vsel vm4, $0x3F, v27;
	v29 =	vld [tilespmem:$0x1FA60];
	v20 =	vsel vm12, v23, v20;
	vm15 =	vlt.f32 v26, v21  }
0x2b3: {  	v27 =	vmul.f32 v32, v32;
	v21 =	vsel vm15, v26, v21;
	v26 =	vmul.f32 v33, v33;
	v33 =	vld [tilespmem:$0x1FB60]  }
0x2b4: {  	vm14 =	vlt.f32 v25, v20;
	v31 =	vsub.f32 v10, v35  }
0x2b5: {  	v20 =	vsel vm14, v25, v20;
	v24 =	vadd.f32 v27, v24  }
0x2b6: {  	v25 =	vmul.f32 v31, v31;
	v31 =	vld [tilespmem:$0x1FB70];
	v32 =	vmul.f32 v34, v34;
	v34 =	vsub.f32 v9, v35  }
0x2b7: {  	v30 =	vld [tilespmem:$0x1FA70];
	vm4 =	vlt.f32 v24, v20;
	v35 =	vsub.f32 v11, v29  }
0x2b8: {  	v25 =	vadd.f32 v25, v32;
	v27 =	vmul.f32 v34, v34;
	v34 =	vsub.f32 v10, v33  }
0x2b9: {  	v20 =	vsel vm4, v24, v20;
	v24 =	vmul.f32 v35, v35;
	v32 =	vsub.f32 v8, v29  }
0x2ba: {  	vm5 =	vlt.f32 v25, v21;
	v33 =	vsub.f32 v9, v33;
	v35 =	vmul.f32 v34, v34  }
0x2bb: {  	v21 =	vsel vm5, v25, v21;
	v34 =	vmul.f32 v32, v32;
	v32 =	vsub.f32 v10, v31  }
0x2bc: {  	v25 =	vmul.f32 v33, v33;
	v24 =	vadd.f32 v35, v24;
	v35 =	vsub.f32 v11, v30  }
0x2bd: {  	v26 =	vadd.f32 v27, v26  }
0x2be: {  	v25 =	vadd.f32 v25, v34;
	v34 =	vmul.f32 v32, v32;
	v33 =	vmul.f32 v35, v35  }
0x2bf: {  	vm6 =	vlt.f32 v26, v20  }
0x2c0: {  	v20 =	vsel vm6, v26, v20;
	v26 =	vadd.f32 v34, v33;
	v33 =	vld [tilespmem:$0x1FA80]  }
0x2c1: {  	v35 =	vsub.f32 v8, v30  }
0x2c2: {  	vm7 =	vlt.f32 v24, v21  }
0x2c3: {  	v21 =	vsel vm7, v24, v21;
	v24 =	vmul.f32 v35, v35;
	v35 =	vld [tilespmem:$0x1FB80]  }
0x2c4: {  	v32 =	vsub.f32 v9, v31  }
0x2c5: {  	v34 =	vsub.f32 v11, v33;
	v33 =	vsub.f32 v8, v33  }
0x2c6: {  	v29 =	vld [tilespmem:$0x1FA90];
	vm9 =	vlt.f32 v26, v21  }
0x2c7: {  	v27 =	vmul.f32 v32, v32;
	v21 =	vsel vm9, v26, v21;
	v26 =	vmul.f32 v33, v33;
	v33 =	vld [tilespmem:$0x1FB90]  }
0x2c8: {  	vm8 =	vlt.f32 v25, v20;
	v31 =	vsub.f32 v10, v35  }
0x2c9: {  	v20 =	vsel vm8, v25, v20;
	v24 =	vadd.f32 v27, v24  }
0x2ca: {  	v32 =	vmul.f32 v34, v34;
	v25 =	vmul.f32 v31, v31;
	v34 =	vsub.f32 v9, v35;
	v31 =	vld [tilespmem:$0x1FBA0]  }
0x2cb: {  	v28 =	vsel vm10, $0x40, v1;
	v30 =	vld [tilespmem:$0x1FAA0];
	vm10 =	vlt.f32 v24, v20;
	v35 =	vsub.f32 v11, v29  }
0x2cc: {  	v25 =	vadd.f32 v25, v32;
	v27 =	vmul.f32 v34, v34;
	v34 =	vsub.f32 v10, v33  }
0x2cd: {  	v20 =	vsel vm10, v24, v20;
	v24 =	vmul.f32 v35, v35;
	v32 =	vsub.f32 v8, v29  }
0x2ce: {  	vm11 =	vlt.f32 v25, v21;
	v33 =	vsub.f32 v9, v33;
	v35 =	vmul.f32 v34, v34  }
0x2cf: {  	v21 =	vsel vm11, v25, v21;
	v34 =	vmul.f32 v32, v32;
	v32 =	vsub.f32 v10, v31  }
0x2d0: {  	v25 =	vmul.f32 v33, v33;
	v24 =	vadd.f32 v35, v24;
	v35 =	vsub.f32 v11, v30  }
0x2d1: {  	v26 =	vadd.f32 v27, v26  }
0x2d2: {  	v25 =	vadd.f32 v25, v34;
	v34 =	vmul.f32 v32, v32;
	v33 =	vmul.f32 v35, v35  }
0x2d3: {  	v23 =	vsel vm12, $0x41, v28;
	vm12 =	vlt.f32 v26, v20  }
0x2d4: {  	v20 =	vsel vm12, v26, v20;
	v26 =	vadd.f32 v34, v33;
	v33 =	vld [tilespmem:$0x1FAB0]  }
0x2d5: {  	v35 =	vsub.f32 v8, v30  }
0x2d6: {  	v22 =	vsel vm13, $0x42, v22;
	vm13 =	vlt.f32 v24, v21  }
0x2d7: {  	v21 =	vsel vm13, v24, v21;
	v24 =	vmul.f32 v35, v35;
	v35 =	vld [tilespmem:$0x1FBB0]  }
0x2d8: {  	v32 =	vsub.f32 v9, v31  }
0x2d9: {  	v34 =	vsub.f32 v11, v33;
	v33 =	vsub.f32 v8, v33  }
0x2da: {  	v22 =	vsel vm15, $0x43, v22;
	v29 =	vld [tilespmem:$0x1FAC0];
	vm15 =	vlt.f32 v26, v21  }
0x2db: {  	v27 =	vmul.f32 v32, v32;
	v21 =	vsel vm15, v26, v21;
	v26 =	vmul.f32 v33, v33;
	v33 =	vld [tilespmem:$0x1FBC0]  }
0x2dc: {  	v23 =	vsel vm14, $0x42, v23;
	vm14 =	vlt.f32 v25, v20;
	v31 =	vsub.f32 v10, v35  }
0x2dd: {  	v23 =	vsel vm4, $0x43, v23;
	v20 =	vsel vm14, v25, v20;
	v24 =	vadd.f32 v27, v24  }
0x2de: {  	v32 =	vmul.f32 v34, v34;
	v25 =	vmul.f32 v31, v31;
	v34 =	vsub.f32 v9, v35;
	v31 =	vld [tilespmem:$0x1FBD0]  }
0x2df: {  	v22 =	vsel vm5, $0x44, v22;
	v30 =	vld [tilespmem:$0x1FAD0];
	vm4 =	vlt.f32 v24, v20;
	v35 =	vsub.f32 v11, v29  }
0x2e0: {  	v25 =	vadd.f32 v25, v32;
	v27 =	vmul.f32 v34, v34;
	v34 =	vsub.f32 v10, v33  }
0x2e1: {  	v20 =	vsel vm4, v24, v20;
	v24 =	vmul.f32 v35, v35;
	v32 =	vsub.f32 v8, v29  }
0x2e2: {  	vm5 =	vlt.f32 v25, v21;
	v33 =	vsub.f32 v9, v33;
	v35 =	vmul.f32 v34, v34  }
0x2e3: {  	v21 =	vsel vm5, v25, v21;
	v34 =	vmul.f32 v32, v32;
	v32 =	vsub.f32 v10, v31  }
0x2e4: {  	v25 =	vmul.f32 v33, v33;
	v24 =	vadd.f32 v35, v24;
	v35 =	vsub.f32 v11, v30  }
0x2e5: {  	v26 =	vadd.f32 v27, v26  }
0x2e6: {  	v25 =	vadd.f32 v25, v34;
	v34 =	vmul.f32 v32, v32;
	v33 =	vmul.f32 v35, v35  }
0x2e7: {  	v23 =	vsel vm6, $0x44, v23;
	vm6 =	vlt.f32 v26, v20  }
0x2e8: {  	v20 =	vsel vm6, v26, v20;
	v26 =	vadd.f32 v34, v33;
	v33 =	vld [tilespmem:$0x1FAE0]  }
0x2e9: {  	v35 =	vsub.f32 v8, v30  }
0x2ea: {  	v22 =	vsel vm7, $0x45, v22;
	vm7 =	vlt.f32 v24, v21  }
0x2eb: {  	v21 =	vsel vm7, v24, v21;
	v24 =	vmul.f32 v35, v35;
	v35 =	vld [tilespmem:$0x1FBE0]  }
0x2ec: {  	v32 =	vsub.f32 v9, v31  }
0x2ed: {  	v34 =	vsub.f32 v11, v33;
	v33 =	vsub.f32 v8, v33  }
0x2ee: {  	v22 =	vsel vm9, $0x46, v22;
	v29 =	vld [tilespmem:$0x1FAF0];
	vm9 =	vlt.f32 v26, v21  }
0x2ef: {  	v27 =	vmul.f32 v32, v32;
	v21 =	vsel vm9, v26, v21;
	v26 =	vmul.f32 v33, v33;
	v33 =	vld [tilespmem:$0x1FBF0]  }
0x2f0: {  	v23 =	vsel vm8, $0x45, v23;
	vm8 =	vlt.f32 v25, v20;
	v31 =	vsub.f32 v10, v35  }
0x2f1: {  	v23 =	vsel vm10, $0x46, v23;
	v20 =	vsel vm8, v25, v20;
	v24 =	vadd.f32 v27, v24  }
0x2f2: {  	v32 =	vmul.f32 v34, v34;
	v25 =	vmul.f32 v31, v31;
	v34 =	vsub.f32 v9, v35;
	v31 =	vld [tilespmem:$0x1FC00]  }
0x2f3: {  	v22 =	vsel vm11, $0x47, v22;
	v30 =	vld [tilespmem:$0x1FB00];
	vm10 =	vlt.f32 v24, v20;
	v35 =	vsub.f32 v11, v29  }
0x2f4: {  	v25 =	vadd.f32 v25, v32;
	v27 =	vmul.f32 v34, v34;
	v34 =	vsub.f32 v10, v33  }
0x2f5: {  	v20 =	vsel vm10, v24, v20;
	v24 =	vmul.f32 v35, v35;
	v32 =	vsub.f32 v8, v29  }
0x2f6: {  	vm11 =	vlt.f32 v25, v21;
	v33 =	vsub.f32 v9, v33;
	v35 =	vmul.f32 v34, v34  }
0x2f7: {  	v21 =	vsel vm11, v25, v21;
	v34 =	vmul.f32 v32, v32;
	v32 =	vsub.f32 v10, v31  }
0x2f8: {  	v25 =	vmul.f32 v33, v33;
	v24 =	vadd.f32 v35, v24;
	v35 =	vsub.f32 v11, v30  }
0x2f9: {  	v26 =	vadd.f32 v27, v26  }
0x2fa: {  	v25 =	vadd.f32 v25, v34;
	v34 =	vmul.f32 v32, v32;
	v33 =	vmul.f32 v35, v35  }
0x2fb: {  	v23 =	vsel vm12, $0x47, v23;
	vm12 =	vlt.f32 v26, v20  }
0x2fc: {  	v20 =	vsel vm12, v26, v20;
	v26 =	vadd.f32 v34, v33;
	v33 =	vld [tilespmem:$0x1FC10]  }
0x2fd: {  	v35 =	vsub.f32 v8, v30  }
0x2fe: {  	v22 =	vsel vm13, $0x48, v22;
	vm13 =	vlt.f32 v24, v21  }
0x2ff: {  	v21 =	vsel vm13, v24, v21;
	v24 =	vmul.f32 v35, v35;
	v35 =	vld [tilespmem:$0x1FD10]  }
0x300: {  	v32 =	vsub.f32 v9, v31  }
0x301: {  	v34 =	vsub.f32 v11, v33;
	v33 =	vsub.f32 v8, v33  }
0x302: {  	v22 =	vsel vm15, $0x49, v22;
	v29 =	vld [tilespmem:$0x1FC20];
	vm15 =	vlt.f32 v26, v21  }
0x303: {  	v27 =	vmul.f32 v32, v32;
	v21 =	vsel vm15, v26, v21;
	v26 =	vmul.f32 v33, v33;
	v33 =	vld [tilespmem:$0x1FD20]  }
0x304: {  	v23 =	vsel vm14, $0x48, v23;
	vm14 =	vlt.f32 v25, v20;
	v31 =	vsub.f32 v10, v35  }
0x305: {  	v23 =	vsel vm4, $0x49, v23;
	v20 =	vsel vm14, v25, v20;
	v24 =	vadd.f32 v27, v24  }
0x306: {  	v32 =	vmul.f32 v34, v34;
	v25 =	vmul.f32 v31, v31;
	v34 =	vsub.f32 v9, v35;
	v31 =	vld [tilespmem:$0x1FD30]  }
0x307: {  	v22 =	vsel vm5, $0x4A, v22;
	v30 =	vld [tilespmem:$0x1FC30];
	vm4 =	vlt.f32 v24, v20;
	v35 =	vsub.f32 v11, v29  }
0x308: {  	v25 =	vadd.f32 v25, v32;
	v27 =	vmul.f32 v34, v34;
	v34 =	vsub.f32 v10, v33  }
0x309: {  	v20 =	vsel vm4, v24, v20;
	v24 =	vmul.f32 v35, v35;
	v32 =	vsub.f32 v8, v29  }
0x30a: {  	vm5 =	vlt.f32 v25, v21;
	v33 =	vsub.f32 v9, v33;
	v35 =	vmul.f32 v34, v34  }
0x30b: {  	v21 =	vsel vm5, v25, v21;
	v34 =	vmul.f32 v32, v32;
	v32 =	vsub.f32 v10, v31  }
0x30c: {  	v25 =	vmul.f32 v33, v33;
	v24 =	vadd.f32 v35, v24;
	v35 =	vsub.f32 v11, v30  }
0x30d: {  	v26 =	vadd.f32 v27, v26  }
0x30e: {  	v25 =	vadd.f32 v25, v34;
	v34 =	vmul.f32 v32, v32;
	v33 =	vmul.f32 v35, v35  }
0x30f: {  	v23 =	vsel vm6, $0x4A, v23;
	vm6 =	vlt.f32 v26, v20  }
0x310: {  	v20 =	vsel vm6, v26, v20;
	v26 =	vadd.f32 v34, v33;
	v33 =	vld [tilespmem:$0x1FC40]  }
0x311: {  	v35 =	vsub.f32 v8, v30  }
0x312: {  	v22 =	vsel vm7, $0x4B, v22;
	vm7 =	vlt.f32 v24, v21  }
0x313: {  	v21 =	vsel vm7, v24, v21;
	v24 =	vmul.f32 v35, v35;
	v35 =	vld [tilespmem:$0x1FD40]  }
0x314: {  	v32 =	vsub.f32 v9, v31  }
0x315: {  	v34 =	vsub.f32 v11, v33;
	v33 =	vsub.f32 v8, v33  }
0x316: {  	v23 =	vsel vm8, $0x4B, v23;
	v22 =	vsel vm9, $0x4C, v22;
	v29 =	vld [tilespmem:$0x1FC50];
	vm9 =	vlt.f32 v26, v21  }
0x317: {  	v27 =	vmul.f32 v32, v32;
	v21 =	vsel vm9, v26, v21;
	v26 =	vmul.f32 v33, v33;
	v33 =	vld [tilespmem:$0x1FD50]  }
0x318: {  	v23 =	vsel vm10, $0x4C, v23;
	vm8 =	vlt.f32 v25, v20;
	v31 =	vsub.f32 v10, v35  }
0x319: {  	v22 =	vsel vm11, $0x4D, v22;
	v20 =	vsel vm8, v25, v20;
	v24 =	vadd.f32 v27, v24  }
0x31a: {  	v32 =	vmul.f32 v34, v34;
	v25 =	vmul.f32 v31, v31;
	v34 =	vsub.f32 v9, v35  }
0x31b: {  	v23 =	vsel vm12, $0x4D, v23;
	vm10 =	vlt.f32 v24, v20;
	v35 =	vsub.f32 v11, v29;
	v31 =	vld [tilespmem:$0x1FD60]  }
0x31c: {  	v30 =	vld [tilespmem:$0x1FC60];
	v25 =	vadd.f32 v25, v32;
	v27 =	vmul.f32 v34, v34;
	v34 =	vsub.f32 v10, v33  }
0x31d: {  	v20 =	vsel vm10, v24, v20;
	v24 =	vmul.f32 v35, v35;
	v32 =	vsub.f32 v8, v29  }
0x31e: {  	vm11 =	vlt.f32 v25, v21;
	v33 =	vsub.f32 v9, v33;
	v35 =	vmul.f32 v34, v34  }
0x31f: {  	v26 =	vadd.f32 v27, v26;
	v21 =	vsel vm11, v25, v21;
	v34 =	vmul.f32 v32, v32  }
0x320: {  	v29 =	vld [tilespmem:$0x1FC70];
	v25 =	vmul.f32 v33, v33;
	v33 =	vsub.f32 v10, v31;
	v24 =	vadd.f32 v35, v24  }
0x321: {  	v22 =	vsel vm13, $0x4E, v22;
	v32 =	vsub.f32 v8, v30;
	v35 =	vsub.f32 v11, v30;
	v30 =	vld [tilespmem:$0x1FD70]  }
0x322: {  	vm12 =	vlt.f32 v26, v20;
	v25 =	vadd.f32 v25, v34;
	vm13 =	vlt.f32 v24, v21  }
0x323: {  	v34 =	vmul.f32 v35, v35;
	v35 =	vmul.f32 v33, v33;
	v33 =	vsub.f32 v9, v31  }
0x324: {  	v20 =	vsel vm12, v26, v20;
	v21 =	vsel vm13, v24, v21  }
0x325: {  	v24 =	vmul.f32 v32, v32;
	v26 =	vadd.f32 v35, v34;
	v34 =	vmul.f32 v33, v33  }
0x326: {  	v35 =	vsub.f32 v11, v29;
	v32 =	vsub.f32 v10, v30  }
0x327: {  	v23 =	vsel vm14, $0x4E, v23;
	vm14 =	vlt.f32 v25, v20;
	v24 =	vadd.f32 v34, v24  }
0x328: {  	v20 =	vsel vm14, v25, v20;
	v33 =	vmul.f32 v35, v35;
	v34 =	vmul.f32 v32, v32  }
0x329: {  	v23 =	vsel vm4, $0x4F, v23;
	v35 =	vsub.f32 v8, v29;
	v29 =	vld [tilespmem:$0x1FC80];
	vm4 =	vlt.f32 v24, v20  }
0x32a: {  	v20 =	vsel vm4, v24, v20;
	v24 =	vadd.f32 v34, v33;
	v34 =	vld [tilespmem:$0x1FD80];
	_ =	sdelay $0x2  }
0x32b: {  	v22 =	vsel vm15, $0x4F, v22;
	vm15 =	vlt.f32 v26, v21;
	v32 =	vsub.f32 v9, v30  }
0x32c: {  	v22 =	vsel vm5, $0x50, v22;
	v21 =	vsel vm15, v26, v21;
	v25 =	vmul.f32 v35, v35  }
0x32d: {  	v26 =	vmul.f32 v32, v32;
	v33 =	vsub.f32 v11, v29;
	v35 =	vsub.f32 v10, v34  }
0x32e: {  	v23 =	vsel vm6, $0x50, v23;
	v29 =	vsub.f32 v8, v29;
	v30 =	vsub.f32 v9, v34  }
0x32f: {  	v25 =	vadd.f32 v26, v25;
	v32 =	vmul.f32 v33, v33;
	v33 =	vmul.f32 v35, v35  }
0x330: {  	vm5 =	vlt.f32 v24, v21;
	v34 =	vmul.f32 v29, v29;
	v35 =	vmul.f32 v30, v30  }
0x331: {  	v21 =	vsel vm5, v24, v21;
	vm6 =	vlt.f32 v25, v20;
	v24 =	vadd.f32 v33, v32;
	v32 =	vld [tilespmem:$0x1FC90]  }
0x332: {  	v20 =	vsel vm6, v25, v20;
	v25 =	vadd.f32 v35, v34;
	v34 =	vld [tilespmem:$0x1FD90];
	_ =	sdelay $0x1  }
0x333: {  	v23 =	vsel vm8, $0x51, v23  }
0x334: {  	v23 =	vsel vm10, $0x52, v23  }
0x335: {  	v22 =	vsel vm7, $0x51, v22;
	v23 =	vsel vm12, $0x53, v23  }
0x336: {  	v23 =	vsel vm14, $0x54, v23;
	v33 =	vsub.f32 v11, v32;
	v35 =	vsub.f32 v10, v34  }
0x337: {  	v23 =	vsel vm4, $0x55, v23;
	v28 =	vsub.f32 v8, v32;
	v29 =	vsub.f32 v9, v34  }
0x338: {  	v23 =	vsel vm6, $0x56, v23;
	v32 =	vmul.f32 v33, v33;
	v33 =	vmul.f32 v35, v35  }
0x339: {  	vm7 =	vlt.f32 v24, v21;
	v34 =	vmul.f32 v28, v28;
	v35 =	vmul.f32 v29, v29  }
0x33a: {  	vm8 =	vlt.f32 v25, v20;
	v21 =	vsel vm7, v24, v21;
	v24 =	vadd.f32 v33, v32;
	v32 =	vld [tilespmem:$0x1FCA0]  }
0x33b: {  	v25 =	vsel vm8, v25, v20;
	v20 =	vsel vm8, $0x57, v23;
	v23 =	vadd.f32 v35, v34;
	v34 =	vld [tilespmem:$0x1FDA0];
	_ =	sdelay $0x3  }
0x33c: {  	v33 =	vsub.f32 v11, v32  }
0x33d: {  	v31 =	vld [tilespmem:$0x1FCB0];
	v28 =	vsub.f32 v8, v32;
	v32 =	vsub.f32 v9, v34;
	_ =	sdelay $0x1  }
0x33e: {  	v26 =	vmul.f32 v32, v32;
	v32 =	vld [tilespmem:$0x1FDB0];
	_ =	sdelay $0x1  }
0x33f: {  	v35 =	vsub.f32 v10, v34  }
0x340: {  	v22 =	vsel vm9, $0x52, v22;
	v29 =	vsub.f32 v11, v31;
	vm9 =	vlt.f32 v24, v21  }
0x341: {  	v21 =	vsel vm9, v24, v21;
	v24 =	vmul.f32 v33, v33;
	v27 =	vmul.f32 v35, v35  }
0x342: {  	v30 =	vld [tilespmem:$0x1FCC0];
	vm0 =	vlt.f32 v23, v25;
	v28 =	vmul.f32 v28, v28;
	v33 =	vsub.f32 v10, v32  }
0x343: {  	v23 =	vsel vm0, v23, v25;
	v35 =	vsub.f32 v8, v31;
	v31 =	vld [tilespmem:$0x1FDC0];
	v24 =	vadd.f32 v27, v24  }
0x344: {  	v25 =	vadd.f32 v26, v28;
	v26 =	vmul.f32 v29, v29;
	v34 =	vmul.f32 v33, v33  }
0x345: {  	vm10 =	vlt.f32 v24, v21;
	v33 =	vsub.f32 v9, v32  }
0x346: {  	v21 =	vsel vm10, v24, v21;
	v24 =	vadd.f32 v34, v26  }
0x347: {  	v22 =	vsel vm11, $0x53, v22;
	v26 =	vmul.f32 v35, v35;
	v34 =	vmul.f32 v33, v33  }
0x348: {  	v35 =	vsub.f32 v11, v30;
	v33 =	vsub.f32 v10, v31;
	vm11 =	vlt.f32 v24, v21  }
0x349: {  	vm1 =	vlt.f32 v25, v23;
	v21 =	vsel vm11, v24, v21;
	v24 =	vadd.f32 v34, v26  }
0x34a: {  	v23 =	vsel vm1, v25, v23;
	v34 =	vmul.f32 v35, v35;
	v35 =	vmul.f32 v33, v33  }
0x34b: {  	v29 =	vld [tilespmem:$0x1FCD0];
	vm2 =	vlt.f32 v24, v23  }
0x34c: {  	v23 =	vsel vm2, v24, v23;
	v24 =	vadd.f32 v35, v34;
	v35 =	vld [tilespmem:$0x1FDD0];
	_ =	sdelay $0x2  }
0x34d: {  	v33 =	vsub.f32 v9, v31  }
0x34e: {  	v32 =	vsub.f32 v8, v30  }
0x34f: {  	v26 =	vmul.f32 v33, v33;
	v34 =	vsub.f32 v11, v29;
	v33 =	vsub.f32 v10, v35  }
0x350: {  	v25 =	vmul.f32 v32, v32;
	v29 =	vsub.f32 v8, v29;
	v30 =	vsub.f32 v9, v35  }
0x351: {  	v34 =	vmul.f32 v34, v34;
	v35 =	vmul.f32 v33, v33  }
0x352: {  	v32 =	vmul.f32 v29, v29;
	v33 =	vmul.f32 v30, v30  }
0x353: {  	v25 =	vadd.f32 v26, v25;
	vm3 =	vlt.f32 v24, v21;
	v26 =	vadd.f32 v35, v34;
	v34 =	vld [tilespmem:$0x1FCE0]  }
0x354: {  	v21 =	vsel vm3, v24, v21;
	v24 =	vadd.f32 v33, v32;
	v32 =	vld [tilespmem:$0x1FDE0];
	_ =	sdelay $0x1  }
0x355: {  	v22 =	vsel vm13, $0x54, v22  }
0x356: {  	v22 =	vsel vm15, $0x55, v22  }
0x357: {  	v22 =	vsel vm5, $0x56, v22  }
0x358: {  	v22 =	vsel vm7, $0x57, v22;
	v35 =	vsub.f32 v11, v34;
	v33 =	vsub.f32 v10, v32  }
0x359: {  	v22 =	vsel vm9, $0x58, v22;
	v28 =	vsub.f32 v8, v34;
	v34 =	vsub.f32 v9, v32;
	v32 =	vld [tilespmem:$0x1FDF0]  }
0x35a: {  	v22 =	vsel vm10, $0x59, v22  }
0x35b: {  	v22 =	vsel vm11, $0x5A, v22;
	v31 =	vld [tilespmem:$0x1FCF0]  }
0x35c: {  	v22 =	vsel vm3, $0x5B, v22;
	vm3 =	vlt.f32 v25, v23  }
0x35d: {  	v23 =	vsel vm3, v25, v23;
	vm5 =	vlt.f32 v26, v21  }
0x35e: {  	vm4 =	vlt.f32 v24, v23;
	v25 =	vmul.f32 v35, v35;
	v35 =	vsub.f32 v10, v32  }
0x35f: {  	v21 =	vsel vm5, v26, v21;
	v27 =	vmul.f32 v33, v33;
	v28 =	vmul.f32 v28, v28  }
0x360: {  	v26 =	vmul.f32 v34, v34;
	v34 =	vmul.f32 v35, v35;
	v35 =	vsub.f32 v8, v31  }
0x361: {  	v23 =	vsel vm4, v24, v23  }
0x362: {  	v24 =	vadd.f32 v27, v25;
	v25 =	vadd.f32 v26, v28;
	v26 =	vmul.f32 v35, v35;
	v35 =	vld [tilespmem:$0x1FE00]  }
0x363: {  	v29 =	vsub.f32 v11, v31;
	_ =	sdelay $0x1  }
0x364: {  	v33 =	vmul.f32 v29, v29;
	v32 =	vsub.f32 v9, v32;
	vm6 =	vlt.f32 v24, v21  }
0x365: {  	v21 =	vsel vm6, v24, v21  }
0x366: {  	v27 =	vmul.f32 v32, v32;
	v24 =	vadd.f32 v34, v33;
	v33 =	vld [tilespmem:$0x1FD00];
	v32 =	vsub.f32 v10, v35  }
0x367: {  	v22 =	vsel vm5, $0x5C, v22;
	vm5 =	vlt.f32 v25, v23;
	v31 =	vld [tilespmem:$0x1FE10]  }
0x368: {  	v23 =	vsel vm5, v25, v23;
	v25 =	vmul.f32 v32, v32;
	v32 =	vld [tilespmem:$0x1FF10];
	_ =	sdelay $0x2  }
0x369: {  	vm12 =	vlt.f32 v24, v21;
	v26 =	vadd.f32 v27, v26;
	v34 =	vsub.f32 v11, v33  }
0x36a: {  	v21 =	vsel vm12, v24, v21;
	v28 =	vsub.f32 v8, v33;
	v29 =	vsub.f32 v9, v35  }
0x36b: {  	v24 =	vsub.f32 v11, v31;
	v27 =	vmul.f32 v34, v34;
	v30 =	vsub.f32 v10, v32  }
0x36c: {  	v33 =	vmul.f32 v28, v28;
	v34 =	vmul.f32 v29, v29  }
0x36d: {  	v24 =	vmul.f32 v24, v24;
	v25 =	vadd.f32 v25, v27;
	v30 =	vmul.f32 v30, v30  }
0x36e: {  	v27 =	vadd.f32 v34, v33;
	v33 =	vsub.f32 v8, v31;
	v31 =	vld [tilespmem:$0x1FF20]  }
0x36f: {  	v24 =	vadd.f32 v30, v24;
	v30 =	vld [tilespmem:$0x1FE20]  }
0x370: {  	v22 =	vsel vm6, $0x5D, v22;
	vm6 =	vlt.f32 v26, v23  }
0x371: {  	v35 =	vsel vm12, $0x5E, v22;
	vm8 =	vlt.f32 v25, v21;
	v34 =	vsub.f32 v9, v32  }
0x372: {  	v26 =	vsel vm6, v26, v23;
	v22 =	vsel vm8, v25, v21;
	v23 =	vsel vm8, $0x5F, v35  }
0x373: {  	v25 =	vmul.f32 v33, v33;
	v35 =	vmul.f32 v34, v34;
	v34 =	vsub.f32 v10, v31  }
0x374: {  	vm7 =	vlt.f32 v27, v26;
	v33 =	vsub.f32 v11, v30  }
0x375: {  	v25 =	vadd.f32 v35, v25;
	v35 =	vmul.f32 v34, v34;
	v34 =	vsub.f32 v9, v31  }
0x376: {  	v21 =	vsel vm7, v27, v26;
	v26 =	vmul.f32 v33, v33;
	v33 =	vsub.f32 v8, v30  }
0x377: {  	v28 =	vmul.f32 v34, v34;
	v34 =	vld [tilespmem:$0x1FF30]  }
0x378: {  	v27 =	vmul.f32 v33, v33;
	v33 =	vld [tilespmem:$0x1FE30];
	_ =	sdelay $0x3  }
0x379: {  	v31 =	vsub.f32 v10, v34  }
0x37a: {  	v26 =	vadd.f32 v35, v26;
	v30 =	vsub.f32 v11, v33  }
0x37b: {  	v27 =	vadd.f32 v28, v27;
	v35 =	vsub.f32 v8, v33  }
0x37c: {  	v33 =	vsub.f32 v9, v34;
	v28 =	vmul.f32 v30, v30;
	v30 =	vmul.f32 v31, v31  }
0x37d: {  	vm13 =	vlt.f32 v24, $+Inf  }
0x37e: {  	vm9 =	vgt.f32 v24, $+Inf;
	v28 =	vadd.f32 v30, v28;
	v30 =	vmul.f32 v33, v33;
	v33 =	vld [tilespmem:$0x1FE40]  }
0x37f: {  	vm8 =	vmor vm9, vm13;
	v34 =	vld [tilespmem:$0x1FF40]  }
0x380: {  	vm14 =	vlt.f32 v25, $+Inf;
	vm15 =	vgt.f32 v25, $+Inf;
	v24 =	vnsel vm8, $0x7F800000, v24  }
0x381: {  	v29 =	vsel vm8, $0x60, v1;
	vm8 =	vmor vm15, vm14;
	vm12 =	vlt.f32 v26, v24  }
0x382: {  	v25 =	vnsel vm8, $0x7F800000, v25;
	v32 =	vsel vm8, $0x60, v1;
	v24 =	vsel vm12, v26, v24  }
0x383: {  	vm13 =	vlt.f32 v27, v25;
	v26 =	vmul.f32 v35, v35;
	v31 =	vsub.f32 v11, v33  }
0x384: {  	v25 =	vsel vm13, v27, v25;
	v27 =	vsel vm13, $0x61, v32;
	v32 =	vsub.f32 v10, v34  }
0x385: {  	vm14 =	vlt.f32 v28, v24;
	v26 =	vadd.f32 v30, v26;
	v30 =	vmul.f32 v31, v31  }
0x386: {  	v31 =	vmul.f32 v32, v32;
	v32 =	vsub.f32 v8, v33;
	v33 =	vsub.f32 v9, v34;
	v34 =	vld [tilespmem:$0x1FF50]  }
0x387: {  	v29 =	vsel vm12, $0x61, v29;
	v24 =	vsel vm14, v28, v24  }
0x388: {  	v28 =	vsel vm14, $0x62, v29;
	v29 =	vadd.f32 v31, v30;
	v31 =	vmul.f32 v33, v33;
	v33 =	vld [tilespmem:$0x1FE50];
	_ =	sdelay $0x1  }
0x389: {  	vm15 =	vlt.f32 v26, v25  }
0x38a: {  	v30 =	vmul.f32 v32, v32;
	v32 =	vsub.f32 v10, v34;
	v34 =	vsub.f32 v9, v34  }
0x38b: {  	v35 =	vld [tilespmem:$0x1FF60];
	v25 =	vsel vm15, v26, v25;
	vm12 =	vlt.f32 v29, v24  }
0x38c: {  	v24 =	vsel vm12, v29, v24;
	v26 =	vsub.f32 v11, v33;
	v29 =	vmul.f32 v34, v34;
	v34 =	vld [tilespmem:$0x1FE60]  }
0x38d: {  	v30 =	vadd.f32 v31, v30  }
0x38e: {  	v31 =	vmul.f32 v32, v32;
	v32 =	vsub.f32 v8, v33;
	v26 =	vmul.f32 v26, v26;
	_ =	sdelay $0x1  }
0x38f: {  	v33 =	vsub.f32 v10, v35;
	v26 =	vadd.f32 v31, v26;
	v31 =	vmul.f32 v32, v32  }
0x390: {  	v32 =	vsub.f32 v11, v34  }
0x391: {  	vm14 =	vlt.f32 v26, v24;
	v29 =	vadd.f32 v29, v31;
	v31 =	vmul.f32 v33, v33;
	v33 =	vld [tilespmem:$0x1FE70]  }
0x392: {  	vm13 =	vlt.f32 v30, v25;
	v24 =	vsel vm14, v26, v24;
	v26 =	vsub.f32 v8, v34;
	v34 =	vld [tilespmem:$0x1FF70]  }
0x393: {  	v25 =	vsel vm13, v30, v25;
	v30 =	vmul.f32 v32, v32  }
0x394: {  	v32 =	vsub.f32 v9, v35  }
0x395: {  	v30 =	vadd.f32 v31, v30  }
0x396: {  	v26 =	vmul.f32 v26, v26;
	v31 =	vmul.f32 v32, v32;
	v32 =	vsub.f32 v11, v33  }
0x397: {  	v27 =	vsel vm15, $0x62, v27;
	vm15 =	vlt.f32 v29, v25;
	v35 =	vsub.f32 v10, v34  }
0x398: {  	v25 =	vsel vm15, v29, v25;
	v26 =	vadd.f32 v31, v26;
	v31 =	vmul.f32 v32, v32  }
0x399: {  	v32 =	vsub.f32 v8, v33;
	v33 =	vsub.f32 v9, v34;
	v34 =	vld [tilespmem:$0x1FF80];
	v29 =	vmul.f32 v35, v35;
	_ =	sdelay $0x1  }
0x39a: {  	v29 =	vadd.f32 v29, v31;
	v31 =	vmul.f32 v33, v33;
	v33 =	vld [tilespmem:$0x1FE80]  }
0x39b: {  	v28 =	vsel vm12, $0x63, v28;
	vm12 =	vlt.f32 v30, v24  }
0x39c: {  	v27 =	vsel vm13, $0x63, v27;
	v24 =	vsel vm12, v30, v24;
	vm13 =	vlt.f32 v26, v25  }
0x39d: {  	v30 =	vmul.f32 v32, v32;
	v32 =	vsub.f32 v10, v34;
	v34 =	vsub.f32 v9, v34  }
0x39e: {  	v28 =	vsel vm14, $0x64, v28;
	v25 =	vsel vm13, v26, v25;
	v35 =	vld [tilespmem:$0x1FF90];
	vm14 =	vlt.f32 v29, v24  }
0x39f: {  	v24 =	vsel vm14, v29, v24;
	v29 =	vmul.f32 v34, v34;
	v34 =	vld [tilespmem:$0x1FE90];
	v26 =	vsub.f32 v11, v33  }
0x3a0: {  	v30 =	vadd.f32 v31, v30  }
0x3a1: {  	v31 =	vmul.f32 v32, v32;
	v32 =	vsub.f32 v8, v33;
	v26 =	vmul.f32 v26, v26;
	_ =	sdelay $0x1  }
0x3a2: {  	v33 =	vsub.f32 v10, v35;
	v26 =	vadd.f32 v31, v26;
	v31 =	vmul.f32 v32, v32  }
0x3a3: {  	v27 =	vsel vm15, $0x64, v27;
	v28 =	vsel vm12, $0x65, v28;
	v32 =	vsub.f32 v11, v34  }
0x3a4: {  	vm12 =	vlt.f32 v26, v24;
	v29 =	vadd.f32 v29, v31;
	v31 =	vmul.f32 v33, v33;
	v33 =	vld [tilespmem:$0x1FEA0]  }
0x3a5: {  	vm15 =	vlt.f32 v30, v25;
	v24 =	vsel vm12, v26, v24;
	v26 =	vsub.f32 v8, v34;
	v34 =	vld [tilespmem:$0x1FFA0]  }
0x3a6: {  	v25 =	vsel vm15, v30, v25;
	v30 =	vmul.f32 v32, v32  }
0x3a7: {  	v32 =	vsub.f32 v9, v35  }
0x3a8: {  	v30 =	vadd.f32 v31, v30  }
0x3a9: {  	v31 =	vmul.f32 v32, v32;
	v26 =	vmul.f32 v26, v26;
	v32 =	vsub.f32 v11, v33  }
0x3aa: {  	v27 =	vsel vm13, $0x65, v27;
	vm13 =	vlt.f32 v29, v25;
	v35 =	vsub.f32 v10, v34  }
0x3ab: {  	v25 =	vsel vm13, v29, v25;
	v26 =	vadd.f32 v31, v26;
	v31 =	vmul.f32 v32, v32  }
0x3ac: {  	v32 =	vsub.f32 v8, v33;
	v33 =	vsub.f32 v9, v34;
	v34 =	vld [tilespmem:$0x1FFB0];
	v29 =	vmul.f32 v35, v35;
	_ =	sdelay $0x1  }
0x3ad: {  	v29 =	vadd.f32 v29, v31;
	v31 =	vmul.f32 v33, v33;
	v33 =	vld [tilespmem:$0x1FEB0]  }
0x3ae: {  	v28 =	vsel vm14, $0x66, v28;
	vm14 =	vlt.f32 v30, v24  }
0x3af: {  	v27 =	vsel vm15, $0x66, v27;
	v24 =	vsel vm14, v30, v24;
	vm15 =	vlt.f32 v26, v25  }
0x3b0: {  	v30 =	vmul.f32 v32, v32;
	v32 =	vsub.f32 v10, v34;
	v34 =	vsub.f32 v9, v34  }
0x3b1: {  	v28 =	vsel vm12, $0x67, v28;
	v25 =	vsel vm15, v26, v25;
	v35 =	vld [tilespmem:$0x1FFC0];
	vm12 =	vlt.f32 v29, v24  }
0x3b2: {  	v24 =	vsel vm12, v29, v24;
	v29 =	vmul.f32 v34, v34;
	v34 =	vld [tilespmem:$0x1FEC0];
	v26 =	vsub.f32 v11, v33  }
0x3b3: {  	v30 =	vadd.f32 v31, v30  }
0x3b4: {  	v31 =	vmul.f32 v32, v32;
	v32 =	vsub.f32 v8, v33;
	v26 =	vmul.f32 v26, v26;
	_ =	sdelay $0x1  }
0x3b5: {  	v33 =	vsub.f32 v10, v35;
	v26 =	vadd.f32 v31, v26;
	v31 =	vmul.f32 v32, v32  }
0x3b6: {  	v27 =	vsel vm13, $0x67, v27;
	v28 =	vsel vm14, $0x68, v28;
	v32 =	vsub.f32 v11, v34  }
0x3b7: {  	vm14 =	vlt.f32 v26, v24;
	v29 =	vadd.f32 v29, v31;
	v31 =	vmul.f32 v33, v33;
	v33 =	vld [tilespmem:$0x1FED0]  }
0x3b8: {  	vm13 =	vlt.f32 v30, v25;
	v24 =	vsel vm14, v26, v24;
	v26 =	vsub.f32 v8, v34;
	v34 =	vld [tilespmem:$0x1FFD0]  }
0x3b9: {  	v25 =	vsel vm13, v30, v25;
	v30 =	vmul.f32 v32, v32  }
0x3ba: {  	v32 =	vsub.f32 v9, v35  }
0x3bb: {  	v30 =	vadd.f32 v31, v30  }
0x3bc: {  	v31 =	vmul.f32 v32, v32;
	v26 =	vmul.f32 v26, v26;
	v32 =	vsub.f32 v11, v33  }
0x3bd: {  	v27 =	vsel vm15, $0x68, v27;
	vm15 =	vlt.f32 v29, v25;
	v35 =	vsub.f32 v10, v34  }
0x3be: {  	v25 =	vsel vm15, v29, v25;
	v26 =	vadd.f32 v31, v26;
	v31 =	vmul.f32 v32, v32  }
0x3bf: {  	v32 =	vsub.f32 v8, v33;
	v33 =	vsub.f32 v9, v34;
	v29 =	vmul.f32 v35, v35  }
0x3c0: {  	v34 =	vld [tilespmem:$0x1FFE0]  }
0x3c1: {  	v29 =	vadd.f32 v29, v31;
	v31 =	vmul.f32 v33, v33;
	v33 =	vld [tilespmem:$0x1FEE0];
	_ =	sdelay $0x1  }
0x3c2: {  	v28 =	vsel vm12, $0x69, v28;
	vm12 =	vlt.f32 v30, v24  }
0x3c3: {  	v24 =	vsel vm12, v30, v24;
	v30 =	vmul.f32 v32, v32  }
0x3c4: {  	v27 =	vsel vm13, $0x69, v27;
	vm13 =	vlt.f32 v26, v25;
	v32 =	vsub.f32 v10, v34  }
0x3c5: {  	v25 =	vsel vm13, v26, v25;
	v35 =	vld [tilespmem:$0x1FFF0];
	v30 =	vadd.f32 v31, v30;
	v26 =	vsub.f32 v11, v33  }
0x3c6: {  	v31 =	vmul.f32 v32, v32;
	v32 =	vsub.f32 v8, v33;
	v33 =	vsub.f32 v9, v34;
	v34 =	vld [tilespmem:$0x1FEF0]  }
0x3c7: {  	v28 =	vsel vm14, $0x6A, v28;
	v27 =	vsel vm15, $0x6A, v27  }
0x3c8: {  	v28 =	vsel vm12, $0x6B, v28;
	vm14 =	vlt.f32 v29, v24;
	v26 =	vmul.f32 v26, v26  }
0x3c9: {  	v27 =	vsel vm13, $0x6B, v27;
	v24 =	vsel vm14, v29, v24;
	v29 =	vmul.f32 v33, v33  }
0x3ca: {  	v33 =	vsub.f32 v10, v35;
	v26 =	vadd.f32 v31, v26;
	v31 =	vmul.f32 v32, v32  }
0x3cb: {  	v28 =	vsel vm14, $0x6C, v28;
	vm15 =	vlt.f32 v30, v25;
	v32 =	vsub.f32 v11, v34  }
0x3cc: {  	v25 =	vsel vm15, v30, v25;
	v29 =	vadd.f32 v29, v31;
	v31 =	vmul.f32 v33, v33;
	v33 =	vld [tilespmem:$0x1FF00]  }
0x3cd: {  	v27 =	vsel vm15, $0x6C, v27;
	vm12 =	vlt.f32 v26, v24;
	v30 =	vmul.f32 v32, v32  }
0x3ce: {  	v24 =	vsel vm12, v26, v24;
	v26 =	vsub.f32 v8, v34;
	v32 =	vsub.f32 v9, v35  }
0x3cf: {  	v34 =	vsub.f32 v9, v53;
	vm13 =	vlt.f32 v29, v25;
	v30 =	vadd.f32 v31, v30  }
0x3d0: {  	v25 =	vsel vm13, v29, v25;
	v26 =	vmul.f32 v26, v26;
	v29 =	vmul.f32 v32, v32  }
0x3d1: {  	v28 =	vsel vm12, $0x6D, v28;
	v32 =	vsub.f32 v10, v36;
	v31 =	vsub.f32 v11, v33  }
0x3d2: {  	v35 =	vsub.f32 v11, v38;
	vm14 =	vlt.f32 v30, v24;
	v26 =	vadd.f32 v29, v26  }
0x3d3: {  	v24 =	vsel vm14, v30, v24;
	v30 =	vmul.f32 v32, v32;
	v29 =	vmul.f32 v31, v31  }
0x3d4: {  	v32 =	vsub.f32 v9, v36;
	v31 =	vsub.f32 v8, v33;
	vm15 =	vlt.f32 v26, v25  }
0x3d5: {  	v27 =	vsel vm13, $0x6D, v27;
	v25 =	vsel vm15, v26, v25;
	v26 =	vadd.f32 v30, v29  }
0x3d6: {  	v29 =	vmul.f32 v31, v31;
	v30 =	vmul.f32 v32, v32;
	v31 =	vsub.f32 v11, v37  }
0x3d7: {  	v28 =	vsel vm14, $0x6E, v28;
	v33 =	vsub.f32 v8, v37;
	v32 =	vsub.f32 v10, v53  }
0x3d8: {  	v27 =	vsel vm15, $0x6E, v27;
	v29 =	vadd.f32 v30, v29;
	v30 =	vmul.f32 v31, v31  }
0x3d9: {  	v31 =	vmul.f32 v32, v32;
	vm12 =	vlt.f32 v26, v24;
	v32 =	vmul.f32 v33, v33  }
0x3da: {  	v33 =	vmul.f32 v34, v34;
	v24 =	vsel vm12, v26, v24;
	v28 =	vsel vm12, $0x6F, v28  }
0x3db: {  	v26 =	vmul.f32 v35, v35;
	v35 =	vsub.f32 v8, v38;
	vm13 =	vlt.f32 v29, v25  }
0x3dc: {  	v34 =	vadd.f32 v31, v30;
	v31 =	vsub.f32 v11, v39;
	v25 =	vsel vm13, v29, v25  }
0x3dd: {  	v29 =	vadd.f32 v33, v32;
	v33 =	vsub.f32 v10, v54;
	v27 =	vsel vm13, $0x6F, v27  }
0x3de: {  	v30 =	vmul.f32 v35, v35;
	v32 =	vsub.f32 v10, v55;
	vm14 =	vlt.f32 v34, v24  }
0x3df: {  	v24 =	vsel vm14, v34, v24;
	v34 =	vmul.f32 v33, v33;
	v33 =	vsub.f32 v9, v54  }
0x3e0: {  	v35 =	vsub.f32 v11, v42;
	vm15 =	vlt.f32 v29, v25;
	v28 =	vsel vm14, $0x70, v28  }
0x3e1: {  	v25 =	vsel vm15, v29, v25;
	v26 =	vadd.f32 v34, v26;
	v29 =	vmul.f32 v33, v33  }
0x3e2: {  	v27 =	vsel vm15, $0x70, v27;
	v33 =	vsub.f32 v8, v39;
	v34 =	vsub.f32 v9, v55  }
0x3e3: {  	vm12 =	vlt.f32 v26, v24;
	v29 =	vadd.f32 v29, v30;
	v30 =	vmul.f32 v31, v31  }
0x3e4: {  	v31 =	vmul.f32 v32, v32;
	v32 =	vmul.f32 v34, v34;
	v34 =	vsub.f32 v10, v57  }
0x3e5: {  	v24 =	vsel vm12, v26, v24;
	v26 =	vmul.f32 v33, v33;
	v28 =	vsel vm12, $0x71, v28  }
0x3e6: {  	v33 =	vsub.f32 v11, v41;
	vm13 =	vlt.f32 v29, v25;
	v30 =	vadd.f32 v31, v30  }
0x3e7: {  	v31 =	vsub.f32 v10, v56;
	v25 =	vsel vm13, v29, v25;
	v27 =	vsel vm13, $0x71, v27  }
0x3e8: {  	v26 =	vadd.f32 v32, v26;
	v29 =	vsub.f32 v11, v40;
	vm14 =	vlt.f32 v30, v24  }
0x3e9: {  	v32 =	vsub.f32 v9, v56;
	v31 =	vmul.f32 v31, v31;
	v24 =	vsel vm14, v30, v24  }
0x3ea: {  	v30 =	vsub.f32 v8, v40;
	vm15 =	vlt.f32 v26, v25;
	v29 =	vmul.f32 v29, v29  }
0x3eb: {  	v32 =	vmul.f32 v32, v32;
	v28 =	vsel vm14, $0x72, v28;
	v25 =	vsel vm15, v26, v25  }
0x3ec: {  	v26 =	vmul.f32 v34, v34;
	v30 =	vmul.f32 v30, v30;
	v29 =	vadd.f32 v31, v29  }
0x3ed: {  	v27 =	vsel vm15, $0x72, v27;
	v34 =	vsub.f32 v9, v59;
	v31 =	vmul.f32 v33, v33  }
0x3ee: {  	v30 =	vadd.f32 v32, v30;
	v32 =	vsub.f32 v8, v41;
	vm12 =	vlt.f32 v29, v24  }
0x3ef: {  	v33 =	vsub.f32 v9, v57;
	v26 =	vadd.f32 v26, v31;
	v24 =	vsel vm12, v29, v24  }
0x3f0: {  	v28 =	vsel vm12, $0x73, v28;
	vm13 =	vlt.f32 v30, v25;
	v31 =	vmul.f32 v32, v32  }
0x3f1: {  	v32 =	vmul.f32 v33, v33;
	vm14 =	vlt.f32 v26, v24;
	v33 =	vsub.f32 v10, v58  }
0x3f2: {  	v25 =	vsel vm13, v30, v25;
	v27 =	vsel vm13, $0x73, v27;
	v24 =	vsel vm14, v26, v24  }
0x3f3: {  	v30 =	vmul.f32 v35, v35;
	v29 =	vadd.f32 v32, v31;
	v26 =	vmul.f32 v33, v33  }
0x3f4: {  	v28 =	vsel vm14, $0x74, v28;
	v31 =	vsub.f32 v8, v42;
	v32 =	vsub.f32 v9, v58  }
0x3f5: {  	v33 =	vsub.f32 v11, v43;
	vm15 =	vlt.f32 v29, v25;
	v26 =	vadd.f32 v26, v30  }
0x3f6: {  	v25 =	vsel vm15, v29, v25;
	v29 =	vmul.f32 v31, v31;
	v31 =	vsub.f32 v10, v59  }
0x3f7: {  	v35 =	vsub.f32 v10, v60;
	v30 =	vmul.f32 v32, v32;
	v32 =	vmul.f32 v33, v33  }
0x3f8: {  	v33 =	vsub.f32 v8, v43;
	vm8 =	vlt.f32 v26, v24;
	v31 =	vmul.f32 v31, v31  }
0x3f9: {  	v27 =	vsel vm15, $0x74, v27;
	v29 =	vadd.f32 v30, v29;
	v24 =	vsel vm8, v26, v24  }
0x3fa: {  	v28 =	vsel vm8, $0x75, v28;
	v30 =	vadd.f32 v31, v32;
	v31 =	vmul.f32 v33, v33  }
0x3fb: {  	v32 =	vmul.f32 v34, v34;
	vm11 =	vlt.f32 v29, v25;
	v34 =	vsub.f32 v11, v44  }
0x3fc: {  	v33 =	vsub.f32 v11, v45;
	v25 =	vsel vm11, v29, v25;
	v29 =	vmul.f32 v35, v35  }
0x3fd: {  	v35 =	vsub.f32 v8, v46;
	v27 =	vsel vm11, $0x75, v27;
	v26 =	vadd.f32 v32, v31  }
0x3fe: {  	vm12 =	vlt.f32 v30, v24;
	v31 =	vsub.f32 v8, v44;
	v32 =	vsub.f32 v9, v60  }
0x3ff: {  	v24 =	vsel vm12, v30, v24;
	v30 =	vmul.f32 v34, v34;
	vm10 =	vlt.f32 v26, v25  }
0x400: {  	v25 =	vsel vm10, v26, v25;
	v26 =	vmul.f32 v31, v31;
	v31 =	vsub.f32 v10, v61  }
0x401: {  	v34 =	vsub.f32 v9, v61;
	v29 =	vadd.f32 v29, v30;
	v30 =	vmul.f32 v32, v32  }
0x402: {  	v28 =	vsel vm12, $0x76, v28;
	v32 =	vmul.f32 v33, v33;
	v31 =	vmul.f32 v31, v31  }
0x403: {  	v33 =	vsub.f32 v8, v45;
	vm14 =	vlt.f32 v29, v24;
	v26 =	vadd.f32 v30, v26  }
0x404: {  	v24 =	vsel vm14, v29, v24;
	v29 =	vsub.f32 v9, v62;
	v30 =	vadd.f32 v31, v32  }
0x405: {  	v31 =	vmul.f32 v33, v33;
	v32 =	vmul.f32 v34, v34;
	vm8 =	vlt.f32 v26, v25  }
0x406: {  	v33 =	vsub.f32 v11, v46;
	v34 =	vsub.f32 v10, v62;
	v25 =	vsel vm8, v26, v25  }
0x407: {  	v29 =	vmul.f32 v29, v29;
	v26 =	vadd.f32 v32, v31;
	vm13 =	vlt.f32 v30, v24  }
0x408: {  	v33 =	vmul.f32 v33, v33;
	v34 =	vmul.f32 v34, v34;
	v31 =	vsub.f32 v11, v47  }
0x409: {  	v32 =	vsub.f32 v10, v63;
	v24 =	vsel vm13, v30, v24;
	v30 =	vmul.f32 v35, v35  }
0x40a: {  	v35 =	vsub.f32 v11, v51;
	vm9 =	vlt.f32 v26, v25;
	v31 =	vmul.f32 v31, v31  }
0x40b: {  	v32 =	vmul.f32 v32, v32;
	v25 =	vsel vm9, v26, v25;
	v26 =	vadd.f32 v34, v33  }
0x40c: {  	v28 =	vsel vm14, $0x77, v28;
	v33 =	vsub.f32 v8, v47;
	v34 =	vsub.f32 v9, v63  }
0x40d: {  	v28 =	vsel vm13, $0x78, v28;
	v29 =	vadd.f32 v29, v30;
	v31 =	vadd.f32 v32, v31  }
0x40e: {  	vm15 =	vlt.f32 v26, v24;
	v30 =	vmul.f32 v33, v33;
	v33 =	vmul.f32 v34, v34  }
0x40f: {  	v34 =	vsub.f32 v10, v0;
	vm11 =	vlt.f32 v29, v25;
	v24 =	vsel vm15, v26, v24  }
0x410: {  	v26 =	vsub.f32 v11, v48;
	v25 =	vsel vm11, v29, v25;
	v29 =	vsub.f32 v8, v48  }
0x411: {  	v28 =	vsel vm15, $0x79, v28;
	v30 =	vadd.f32 v33, v30;
	v32 =	vmul.f32 v34, v34  }
0x412: {  	vm14 =	vlt.f32 v31, v24;
	v33 =	vsub.f32 v8, v50;
	v34 =	vsub.f32 v9, v3  }
0x413: {  	v26 =	vmul.f32 v26, v26;
	v24 =	vsel vm14, v31, v24;
	v31 =	vsub.f32 v9, v0  }
0x414: {  	v29 =	vmul.f32 v29, v29;
	v28 =	vsel vm14, $0x7A, v28;
	vm14 =	vlt.f32 v18, v14  }
0x415: {  	vm12 =	vlt.f32 v30, v25;
	v14 =	vsel vm14, v18, v14;
	v15 =	vsel vm14, v19, v15  }
0x416: {  	v19 =	vmul.f32 v33, v33;
	v33 =	vsel vm10, $0x76, v27;
	v26 =	vadd.f32 v32, v26  }
0x417: {  	v25 =	vsel vm12, v30, v25;
	v30 =	vsub.f32 v11, v49;
	vm14 =	vlt.f32 v22, v14  }
0x418: {  	v32 =	vsub.f32 v10, v2;
	v31 =	vmul.f32 v31, v31;
	v14 =	vsel vm14, v22, v14  }
0x419: {  	v15 =	vsel vm14, v23, v15;
	v22 =	vmul.f32 v35, v35;
	v30 =	vmul.f32 v30, v30  }
0x41a: {  	v32 =	vmul.f32 v32, v32;
	vm13 =	vlt.f32 v26, v24;
	v29 =	vadd.f32 v31, v29  }
0x41b: {  	v35 =	vsub.f32 v8, v51;
	v31 =	vsub.f32 v9, v2;
	v24 =	vsel vm13, v26, v24  }
0x41c: {  	v26 =	vsel vm13, $0x7B, v28;
	v28 =	vadd.f32 v32, v30;
	vm13 =	vlt.f32 v29, v25  }
0x41d: {  	v30 =	vsub.f32 v8, v49;
	v32 =	vsub.f32 v10, v3;
	v31 =	vmul.f32 v31, v31  }
0x41e: {  	v8 =	vsub.f32 v8, v52;
	v25 =	vsel vm13, v29, v25;
	v29 =	vsub.f32 v11, v50  }
0x41f: {  	v11 =	vsub.f32 v11, v52;
	v30 =	vmul.f32 v30, v30;
	v32 =	vmul.f32 v32, v32  }
0x420: {  	vm15 =	vlt.f32 v28, v24;
	v8 =	vmul.f32 v8, v8;
	v29 =	vmul.f32 v29, v29  }
0x421: {  	v24 =	vsel vm15, v28, v24;
	v26 =	vsel vm15, $0x7C, v26;
	v28 =	vadd.f32 v31, v30  }
0x422: {  	v11 =	vmul.f32 v11, v11;
	v18 =	vadd.f32 v32, v29;
	v32 =	vsub.f32 v10, v4  }
0x423: {  	v29 =	vmul.f32 v34, v34;
	v10 =	vsub.f32 v10, v5;
	vm14 =	vlt.f32 v28, v25  }
0x424: {  	v25 =	vsel vm14, v28, v25;
	v23 =	vmul.f32 v32, v32;
	vm15 =	vlt.f32 v18, v24  }
0x425: {  	v19 =	vadd.f32 v29, v19;
	v10 =	vmul.f32 v10, v10;
	v18 =	vsel vm15, v18, v24  }
0x426: {  	v34 =	vsel vm15, $0x7D, v26;
	vm15 =	vlt.f32 v16, v12;
	v22 =	vadd.f32 v23, v22  }
0x427: {  	v28 =	vsel vm0, $0x58, v20;
	v29 =	vsel vm8, $0x77, v33;
	v12 =	vsel vm15, v16, v12  }
0x428: {  	v13 =	vsel vm15, v17, v13;
	v10 =	vadd.f32 v10, v11;
	vm15 =	vlt.f32 v22, v18  }
0x429: {  	v26 =	vsub.f32 v9, v4;
	v9 =	vsub.f32 v9, v5;
	v18 =	vsel vm15, v22, v18  }
0x42a: {  	v30 =	vsel vm1, $0x59, v28;
	v27 =	vsel vm15, $0x7E, v34;
	vm15 =	vlt.f32 v10, v18  }
0x42b: {  	v16 =	vmul.f32 v35, v35;
	v9 =	vmul.f32 v9, v9;
	v10 =	vsel vm15, v10, v18  }
0x42c: {  	v17 =	vmul.f32 v26, v26;
	v11 =	vsel vm15, $0x7F, v27;
	vm15 =	vlt.f32 v10, v14  }
0x42d: {  	v8 =	vadd.f32 v9, v8;
	v9 =	vsel vm2, $0x5A, v30;
	v11 =	vsel vm15, v11, v15  }
0x42e: {  	v31 =	vsel vm9, $0x78, v29;
	vm10 =	vlt.f32 v19, v25;
	v9 =	vsel vm3, $0x5B, v9  }
0x42f: {  	v16 =	vadd.f32 v17, v16;
	v9 =	vsel vm4, $0x5C, v9;
	v15 =	vsel vm11, $0x79, v31  }
0x430: {  	v19 =	vsel vm10, v19, v25;
	v9 =	vsel vm5, $0x5D, v9;
	v15 =	vsel vm12, $0x7A, v15  }
0x431: {  	vm11 =	vlt.f32 v16, v19;
	v9 =	vsel vm6, $0x5E, v9;
	v15 =	vsel vm13, $0x7B, v15  }
0x432: {  	v16 =	vsel vm11, v16, v19;
	v9 =	vsel vm7, $0x5F, v9;
	v15 =	vsel vm14, $0x7C, v15;
	v32 =	vld.idx.msk [tilespmem:v11+s15+$0x0], $0xffff  }
0x433: {  	vm12 =	vlt.f32 v8, v16;
	vm13 =	vlt.f32 v21, v12;
	v15 =	vsel vm10, $0x7D, v15  }
0x434: {  	v8 =	vsel vm12, v8, v16;
	v12 =	vsel vm13, v21, v12;
	v15 =	vsel vm11, $0x7E, v15  }
0x435: {  	v9 =	vsel vm13, v9, v13;
	vm14 =	vlt.f32 v8, v12;
	v33 =	vsel vm12, $0x7F, v15  }
0x436: {  	v9 =	vsel vm14, v33, v9  }
0x437: {  	v34 =	vtrunc.f32 v32  }
0x438: {  	v10 =	vsel vm15, v10, v14;
	[tilespmem:v7+s17+$0x0] =	vst.idx.msk $0xffff, v11;
	v35 =	vcvt.f32.s32 v34  }
0x439: {  	[tilespmem:v7+s18+$0x0] =	vst.idx.msk $0xffff, v10  }
0x43a: {  	[tilespmem:v7+s19+$0x0] =	vst.idx.msk $0xffff, v35  }
0x43b: {  	v7 =	vld.idx.msk [tilespmem:v9+s15+$0x0], $0xffff;
	_ =	sdelay $0x2  }
0x43c: {  	p0 =	sne.s32 s22, $0x270  }
.Ltmp0:
0x43d: {  	_ = 	snop;
	(pc) =	sbr.rel @p0 .LBB2_2-.Ltmp0, $4  }
0x43e: {  	v7 =	vtrunc.f32 v7  }
0x43f: {  	v8 =	vsel vm14, v8, v12;
	[tilespmem:v6+s17+$0x0] =	vst.idx.msk $0xffff, v9;
	v7 =	vcvt.f32.s32 v7  }
0x440: {  	[tilespmem:v6+s18+$0x0] =	vst.idx.msk $0xffff, v8  }
0x441: {  	s22 =	sadd.s32 $0x20, s22;
	[tilespmem:v6+s19+$0x0] =	vst.idx.msk $0xffff, v7;
	v6 =	vlaneseq.u32  }
0x442: {  	[hbm4b:s8+s2] =	stream.linear.scatter [tilespmem:s17], [sflag:$0x2], $0x280, $0x38;
	[tilespmem:$0xE00] =	vst v63  }
0x443: {  	_ =	swait.ge [sflag:s20], $0x280  }
0x444: {  	[sflag:s20] =	ssyncset.done $0x0  }
0x445: {  	[sflag:s20] =	ssyncadd.s32 $0xFFFFFD80  }
0x446: {  	[hbm4b:s9+s2] =	stream.linear.scatter [tilespmem:s18], [sflag:$0x2], $0x280, $0x38;
	[tilespmem:$0xE00] =	vst v63  }
0x447: {  	s21 =	sadd.s32 $0x1, s21;
	_ =	swait.ge [sflag:s20], $0x280  }
0x448: {  	p0 =	sne.s32 s21, s11;
	[sflag:s20] =	ssyncset.done $0x0  }
.Ltmp1:
0x449: {  	[sflag:s20] =	ssyncadd.s32 $0xFFFFFD80;
	(pc) =	sbr.rel @p0 .LBB2_1-.Ltmp1, $4  }
0x44a: {  	[hbm4b:s10+s2] =	stream.linear.scatter [tilespmem:s19], [sflag:$0x2], $0x280, $0x38;
	[tilespmem:$0xE00] =	vst v63  }
0x44b: {  	_ =	swait.ge [sflag:s20], $0x280  }
0x44c: {  	[sflag:s20] =	ssyncset.done $0x0  }
0x44d: {  	[sflag:s20] =	ssyncadd.s32 $0xFFFFFD80  }
0x44e: {  	_ =	sfence.sel $0x180000  }
0x44f: {  	[bflag:$0x0] =	sbarrier.arrive $0xFFFF  }
0x450: {  	p0 =	sne.s32 s0, $0x0;
	_ =	strace $0x90000047  }
0x451: {  	s0 =	sadd.s32 @!p0 $0x100000, s1;
	[bflag:$0x2] =	sbarrier.arrive $0xFFFF  }
0x452: {  	[sflag:s0] =	ssyncadd.tile.s32 @!p0 $0x1;
	_ =	shalt  }
.Lfunc_end2:
_tile_overlayer_lowered:
.L_overlay_start_2:
0x453: {  	(tag) =	ssettag $0x2  }
0x454: {  	s0 =	rddreg [dreg:$0x0];
	s2 =	stileid.u32  }
0x455: {  	s1 =	rddreg [dreg:$0x1];
	p0 =	sne.s32 s2, $0x0  }
0x456: {  	s3 =	rddreg [dreg:$0x2];
	[bflag:$0x3] =	sbarrier.arrive $0xFFFF;
	s2 =	simm.s32 @!p0 $0x1C02  }
0x457: {  	[timem:s3], [sflag:s2] =	dma.local @!p0 [hbm:s0], s1  }
0x458: {  	s0 =	simm.s32 @!p0 $0x2  }
0x459: {  	_ =	swait.ge @!p0 [sflag:s0], s1  }
0x45a: {  	s1 =	ssub.s32 @!p0 $0x0, s1;
	[sflag:s0] =	ssyncset.done @!p0 $0x0  }
0x45b: {  	[sflag:s0] =	ssyncadd.s32 @!p0 s1  }
0x45c: {  	[bflag:$0x3] =	sbarrier.arrive $0xFFFF  }
0x45d: {  	_ =	shalt  }

</sc_bundles>
